<compile_context>
chip_gen: v7x
topology: tpu7x:2x2x1
jax: 0.10.2.dev20260603
libtpu: 0.0.44.dev20260713+nightly
codegen_flags: <defaults>
</compile_context>

<pallas_src>
import dataclasses
import functools

import jax
import jax.numpy as jnp
from jax import lax
from jax.experimental import pallas as pl
from jax.experimental.pallas import tpu as pltpu
from jax.experimental.pallas import tpu_sc as plsc

NC = 2
NS = 16
NW = NC * NS
CH = 128


def _stripes(N):
  sp = (N // NS) // 8 * 8
  rem = N - NS * sp
  assert sp > 0 and rem % 8 == 0 and rem <= CH
  return sp, rem


def _zero_divisor(stripe):
  zb = min(stripe, CH)
  while stripe % zb or zb % 8:
    zb -= 1
  return zb


def _make_edge_sums(N, H, nrows, nf, tail, sp, rem, zb):
  npairs = (nf - 2) // 2 if nf % 2 == 0 else (nf - 1) // 2
  mesh = plsc.VectorSubcoreMesh(core_axis_name="c", subcore_axis_name="s")

  scratch = [
      pltpu.VMEM((nrows, CH), jnp.int32),
      pltpu.VMEM((CH, H), jnp.float32),
      pltpu.VMEM((CH, H), jnp.float32),
      pltpu.VMEM((1, CH), jnp.int32),
      pltpu.VMEM((1, CH), jnp.int32),
      pltpu.VMEM((CH,), jnp.int32),
      pltpu.VMEM((CH,), jnp.int32),
      pltpu.VMEM_SHARED((N, H), jnp.float32),
      pltpu.SemaphoreType.DMA,
      pltpu.SemaphoreType.DMA,
      pltpu.SemaphoreType.DMA,
      pltpu.SemaphoreType.DMA,
  ]
  if tail:
    scratch += [
        pltpu.VMEM((tail,), jnp.int32),
        pltpu.VMEM((tail,), jnp.int32),
        pltpu.VMEM((tail, H), jnp.float32),
    ]

  @functools.partial(
      pl.kernel,
      out_type=jax.ShapeDtypeStruct((NC, N, H), jnp.float32),
      mesh=mesh,
      scratch_types=scratch,
  )
  def k(h_hbm, src_hbm, dst_hbm, out_hbm, src_v, buf_a, buf_b, d_a, d_b,
        di_a, di_b, acc, sem_a, sem_b, sem_da, sem_db, *tails):
    cid = lax.axis_index("c")
    sid = lax.axis_index("s")
    wid = cid * NS + sid

    pltpu.sync_copy(src_hbm.at[wid], src_v)

    @pl.loop(0, zb)
    def _(r):
      @pl.loop(0, H, step=16)
      def _(c0):
        buf_a[r, pl.ds(c0, 16)] = jnp.zeros((16,), jnp.float32)

    @pl.loop(0, sp, step=zb)
    def _(r0):
      pltpu.sync_copy(buf_a.at[pl.ds(0, zb)], acc.at[pl.ds(sid * sp + r0, zb)])

    if rem:
      @pl.when(sid == NS - 1)
      def _():
        pltpu.sync_copy(buf_a.at[pl.ds(0, rem)], acc.at[pl.ds(NS * sp, rem)])

    plsc.subcore_barrier()

    def start(g, buf, d, sem_g, sem_d):
      pltpu.async_copy(h_hbm.at[src_v.at[g]], buf, sem_g)
      pltpu.async_copy(dst_hbm.at[wid, g], d, sem_d)

    def finish(g, buf, d, di, sem_g, sem_d):
      pltpu.make_async_copy(h_hbm.at[src_v.at[g]], buf, sem_g).wait()
      pltpu.make_async_copy(dst_hbm.at[wid, g], d, sem_d).wait()
      for t in range(0, CH, 16):
        di[pl.ds(t, 16)] = d[0, pl.ds(t, 16)]
      pltpu.sync_copy(buf, acc.at[di], add=True)

    start(0, buf_a, d_a, sem_a, sem_da)

    @pl.loop(0, npairs)
    def _(p):
      g = 2 * p
      start(g + 1, buf_b, d_b, sem_b, sem_db)
      finish(g, buf_a, d_a, di_a, sem_a, sem_da)
      start(g + 2, buf_a, d_a, sem_a, sem_da)
      finish(g + 1, buf_b, d_b, di_b, sem_b, sem_db)

    if nf % 2 == 0:
      start(nf - 1, buf_b, d_b, sem_b, sem_db)
      finish(nf - 2, buf_a, d_a, di_a, sem_a, sem_da)
      finish(nf - 1, buf_b, d_b, di_b, sem_b, sem_db)
    else:
      finish(nf - 1, buf_a, d_a, di_a, sem_a, sem_da)

    if tail:
      st, dt, rows_t = tails
      pltpu.sync_copy(dst_hbm.at[wid, nf], d_a)
      for t in range(0, tail, 16):
        st[pl.ds(t, 16)] = src_v[nf, pl.ds(t, 16)]
        dt[pl.ds(t, 16)] = d_a[0, pl.ds(t, 16)]
      pltpu.async_copy(h_hbm.at[st], rows_t, sem_a).wait()
      pltpu.sync_copy(rows_t, acc.at[dt], add=True)

    plsc.subcore_barrier()
    pltpu.sync_copy(acc.at[pl.ds(sid * sp, sp)],
                    out_hbm.at[cid, pl.ds(sid * sp, sp)])
    if rem:
      @pl.when(sid == NS - 1)
      def _():
        pltpu.sync_copy(acc.at[pl.ds(NS * sp, rem)],
                        out_hbm.at[cid, pl.ds(NS * sp, rem)])

  return k


def _edge_counts(dst_flat, N, epw, nf, tail):
  cp = pltpu.CompilerParams()
  if "needs_layout_passes" in pltpu.CompilerParams.__dataclass_fields__:
    cp = dataclasses.replace(cp, needs_layout_passes=False)

  mesh = plsc.VectorSubcoreMesh(core_axis_name="c", subcore_axis_name="s")

  scratch = [
      pltpu.VMEM((CH,), jnp.int32),
      pltpu.VMEM((N,), jnp.float32),
  ]
  if tail:
    scratch += [pltpu.VMEM((tail,), jnp.int32)]

  @functools.partial(
      pl.kernel,
      out_type=jax.ShapeDtypeStruct((NW * N,), jnp.float32),
      mesh=mesh,
      scratch_types=scratch,
      compiler_params=cp,
  )
  def k(dst_hbm, out_hbm, d, hist, *tails):
    cid = lax.axis_index("c")
    sid = lax.axis_index("s")
    wid = cid * NS + sid
    ebase = wid * epw

    @pl.loop(0, N, step=16)
    def _(t):
      hist[pl.ds(t, 16)] = jnp.zeros((16,), jnp.float32)

    ones16 = jnp.ones((16,), jnp.float32)

    @pl.loop(0, nf)
    def _(g):
      pltpu.sync_copy(dst_hbm.at[pl.ds(ebase + g * CH, CH)], d)
      for t in range(0, CH, 16):
        plsc.addupdate_scatter(hist, [d[pl.ds(t, 16)]], ones16)

    if tail:
      (dt,) = tails
      pltpu.sync_copy(dst_hbm.at[pl.ds(ebase + nf * CH, tail)], dt)
      for t in range(0, tail, 16):
        plsc.addupdate_scatter(hist, [dt[pl.ds(t, 16)]], ones16)

    pltpu.sync_copy(hist, out_hbm.at[pl.ds(wid * N, N)])

  return k(dst_flat)


_DOT = (((1,), (1,)), ((), ()))


def _encoder(x, W, b):
  M, F = x.shape
  H = W.shape[0]
  bm = 1000

  def body(x_ref, w_ref, b_ref, o_ref):
    o_ref[...] = jnp.maximum(
        lax.dot_general(x_ref[...], w_ref[...], _DOT,
                        preferred_element_type=jnp.float32) + b_ref[...], 0.0)

  return pl.pallas_call(
      body,
      grid=(M // bm,),
      in_specs=[pl.BlockSpec((bm, F), lambda i: (i, 0)),
                pl.BlockSpec((H, F), lambda i: (0, 0)),
                pl.BlockSpec((1, H), lambda i: (0, 0))],
      out_specs=pl.BlockSpec((bm, H), lambda i: (i, 0)),
      out_shape=jax.ShapeDtypeStruct((M, H), jnp.float32),
  )(x, W, b.reshape(1, H))


def _sage_layer(sums, cnts, h, Wl_i, bl_i, Wr_i):
  N, H = h.shape
  bm = 1000

  def body(pa, pb, c_ref, h_ref, wl, wr, b_ref, o_ref):
    cnt = jnp.sum(c_ref[...], axis=1, keepdims=True)
    inv = 1.0 / jnp.maximum(cnt, 1.0)
    mean = (pa[...][0] + pb[...][0]) * inv
    acc = lax.dot_general(mean, wl[...], _DOT,
                          preferred_element_type=jnp.float32)
    acc = acc + lax.dot_general(h_ref[...], wr[...], _DOT,
                                preferred_element_type=jnp.float32)
    o_ref[...] = jnp.maximum(acc + b_ref[...], 0.0)

  return pl.pallas_call(
      body,
      grid=(N // bm,),
      in_specs=[
          pl.BlockSpec((1, bm, H), lambda i: (0, i, 0)),
          pl.BlockSpec((1, bm, H), lambda i: (1, i, 0)),
          pl.BlockSpec((bm, NW), lambda i: (i, 0)),
          pl.BlockSpec((bm, H), lambda i: (i, 0)),
          pl.BlockSpec((H, H), lambda i: (0, 0)),
          pl.BlockSpec((H, H), lambda i: (0, 0)),
          pl.BlockSpec((1, H), lambda i: (0, 0)),
      ],
      out_specs=pl.BlockSpec((bm, H), lambda i: (i, 0)),
      out_shape=jax.ShapeDtypeStruct((N, H), jnp.float32),
  )(sums, sums, cnts, h, Wl_i, Wr_i, bl_i.reshape(1, H))


def _sage_layer_dec(sums, cnts, h, Wl_i, bl_i, Wr_i, W_dec, b_dec):
  N, H = h.shape
  C = W_dec.shape[0]
  bm = 1000

  def body(pa, pb, c_ref, h_ref, wl, wr, b_ref, wd, bd, o_ref):
    cnt = jnp.sum(c_ref[...], axis=1, keepdims=True)
    inv = 1.0 / jnp.maximum(cnt, 1.0)
    mean = (pa[...][0] + pb[...][0]) * inv
    acc = lax.dot_general(mean, wl[...], _DOT,
                          preferred_element_type=jnp.float32)
    acc = acc + lax.dot_general(h_ref[...], wr[...], _DOT,
                                preferred_element_type=jnp.float32)
    hn = jnp.maximum(acc + b_ref[...], 0.0)
    o_ref[...] = lax.dot_general(hn, wd[...], _DOT,
                                 preferred_element_type=jnp.float32) + bd[...]

  return pl.pallas_call(
      body,
      grid=(N // bm,),
      in_specs=[
          pl.BlockSpec((1, bm, H), lambda i: (0, i, 0)),
          pl.BlockSpec((1, bm, H), lambda i: (1, i, 0)),
          pl.BlockSpec((bm, NW), lambda i: (i, 0)),
          pl.BlockSpec((bm, H), lambda i: (i, 0)),
          pl.BlockSpec((H, H), lambda i: (0, 0)),
          pl.BlockSpec((H, H), lambda i: (0, 0)),
          pl.BlockSpec((1, H), lambda i: (0, 0)),
          pl.BlockSpec((C, H), lambda i: (0, 0)),
          pl.BlockSpec((1, C), lambda i: (0, 0)),
      ],
      out_specs=pl.BlockSpec((bm, C), lambda i: (i, 0)),
      out_shape=jax.ShapeDtypeStruct((N, C), jnp.float32),
  )(sums, sums, cnts, h, Wl_i, Wr_i, bl_i.reshape(1, H),
    W_dec, b_dec.reshape(1, C))


def kernel(x, edge_index, W_enc, b_enc, Wl, bl, Wr, W_dec, b_dec):
  E = edge_index.shape[1]
  N, H = x.shape[0], W_enc.shape[0]
  assert E % NW == 0
  epw = E // NW
  nf, tail = divmod(epw, CH)
  assert tail % 16 == 0
  nrows = nf + (1 if tail else 0)
  ei = edge_index.reshape(2, NW, epw)
  padn = nrows * CH - epw
  if padn:
    ei = jnp.pad(ei, ((0, 0), (0, 0), (0, padn)))
  ei = ei.reshape(2, NW, nrows, CH)
  src3 = ei[0]
  dst4 = ei[1].reshape(NW, nrows, 1, CH)

  sp, rem = _stripes(N)
  zb = _zero_divisor(sp)
  sums_k = _make_edge_sums(N, H, nrows, nf, tail, sp, rem, zb)

  cnt_flat = _edge_counts(edge_index[1], N, epw, nf, tail)
  cnts = cnt_flat.reshape(NW, N).T
  h = _encoder(x, W_enc, b_enc)
  L = Wl.shape[0]
  for i in range(L - 1):
    sums = sums_k(h, src3, dst4)
    h = _sage_layer(sums, cnts, h, Wl[i], bl[i], Wr[i])
  sums = sums_k(h, src3, dst4)
  return _sage_layer_dec(sums, cnts, h, Wl[L - 1], bl[L - 1], Wr[L - 1],
                         W_dec, b_dec)

# --- scband reference (transcript-rebuilt; emitter-appended) ---
"""Pipeline reference for scband-vanilla-gnn-5858335391843 (READ-ONLY COPY).

The authoritative reference and input builder live on the scoring server;
editing this copy changes nothing except your own understanding.
"""

import jax, jax.numpy as jnp
import numpy as np

N = 10000
E = 320000
F_IN = 128
H = 128
C = 40
L = 3


def setup_inputs(seed: int = 0) -> dict:
    key = jax.random.key(seed)
    ks = jax.random.split(key, 12)
    inp = {}
    inp["x"] = jax.random.normal(ks[0], (N, F_IN), dtype=jnp.float32)
    inp["edge_index"] = jax.random.randint(ks[1], (2, E), 0, N, dtype=jnp.int32)
    s_in = 1.0 / np.sqrt(F_IN)
    s_h = 1.0 / np.sqrt(H)
    # encoder Linear(nfeat, nhid)
    inp["W_enc"] = jax.random.uniform(ks[2], (H, F_IN), jnp.float32, -s_in, s_in)
    inp["b_enc"] = jax.random.uniform(ks[3], (H,), jnp.float32, -s_in, s_in)
    # per-layer SAGEConv params: lin_l (neighbors, with bias), lin_r (root, no bias)
    inp["Wl"] = jax.random.uniform(ks[4], (L, H, H), jnp.float32, -s_h, s_h)
    inp["bl"] = jax.random.uniform(ks[5], (L, H), jnp.float32, -s_h, s_h)
    inp["Wr"] = jax.random.uniform(ks[6], (L, H, H), jnp.float32, -s_h, s_h)
    # decoder Linear(nhid, nclass)
    inp["W_dec"] = jax.random.uniform(ks[7], (C, H), jnp.float32, -s_h, s_h)
    inp["b_dec"] = jax.random.uniform(ks[8], (C,), jnp.float32, -s_h, s_h)
    return inp


def reference(x, edge_index, W_enc, b_enc, Wl, bl, Wr, W_dec, b_dec):
    src = edge_index[0]
    dst = edge_index[1]
    # encoder + relu (dropout p=0.0, eval mode -> identity)
    h = jax.nn.relu(x @ W_enc.T + b_enc)
    for i in range(L):
        # SAGEConv with mean aggregation over incoming edges (src -> dst)
        msgs = h[src]
        sums = jax.ops.segment_sum(msgs, dst, num_segments=N)
        cnt = jax.ops.segment_sum(jnp.ones((E,), h.dtype), dst, num_segments=N)
        mean = sums / jnp.clip(cnt, 1.0)[:, None]
        h = jax.nn.relu(mean @ Wl[i].T + bl[i] + h @ Wr[i].T)
    return h @ W_dec.T + b_dec

if __name__ == "__main__":
    import jax
    _d = setup_inputs()
    print(jax.jit(kernel)(*tuple(_d.values())))

</pallas_src>

<mosaic_0001>
#map = affine_map<(d0, d1) -> (0, 0)>
#map1 = affine_map<(d0, d1) -> (0, 0, 0)>
#map2 = affine_map<(d0, d1) -> (0, 0, 0, 0)>
module attributes {stable_mosaic.version = 14 : i64} {
  func.func @k(%arg0: i32, %arg1: i32, %arg2: memref<10000x128xf32, #tpu.memory_space<hbm>>, %arg3: memref<32x79x128xi32, #tpu.memory_space<hbm>>, %arg4: memref<32x79x1x128xi32, #tpu.memory_space<hbm>>, %arg5: memref<2x10000x128xf32, #tpu.memory_space<hbm>>, %arg6: memref<79x128xi32, #tpu.memory_space<vmem>>, %arg7: memref<128x128xf32, #tpu.memory_space<vmem>>, %arg8: memref<128x128xf32, #tpu.memory_space<vmem>>, %arg9: memref<1x128xi32, #tpu.memory_space<vmem>>, %arg10: memref<1x128xi32, #tpu.memory_space<vmem>>, %arg11: memref<128xi32, #tpu.memory_space<vmem>>, %arg12: memref<128xi32, #tpu.memory_space<vmem>>, %arg13: memref<10000x128xf32, #tpu.memory_space<vmem_shared>>, %arg14: memref<!tpu.dma_semaphore, #tpu.memory_space<semaphore_mem>>, %arg15: memref<!tpu.dma_semaphore, #tpu.memory_space<semaphore_mem>>, %arg16: memref<!tpu.dma_semaphore, #tpu.memory_space<semaphore_mem>>, %arg17: memref<!tpu.dma_semaphore, #tpu.memory_space<semaphore_mem>>, %arg18: memref<16xi32, #tpu.memory_space<vmem>>, %arg19: memref<16xi32, #tpu.memory_space<vmem>>, %arg20: memref<16x128xf32, #tpu.memory_space<vmem>>) attributes {dimension_semantics = [#tpu.dimension_semantics<core_parallel>, #tpu.dimension_semantics<subcore_parallel>], iteration_bounds = array<i64: 2, 16>, scalar_prefetch = 0 : i64, scratch_operands = 15 : i64, tpu.core_type = #tpu.core_type<sc_vector_subcore>, window_params = [{transform_indices = #map}, {transform_indices = #map1}, {transform_indices = #map2}, {transform_indices = #map1}]} {
    %mul3A = arith.constant 16 : i32
    %mul3A_0 = arith.muli %arg0, %mul3A : i32
    %add3A = arith.addi %mul3A_0, %arg1 : i32
    "tpu.region"() ({
      %run_scoped3A_255 = tpu.sem_alloc : memref<!tpu.dma_semaphore, #tpu.memory_space<semaphore_mem>>
      %dma_start3A_256 = arith.constant 0 : i32
      %dma_start3A_257 = arith.constant 0 : i32
      %dma_start3A_258 = tpu.memref_slice %arg3[%add3A, %dma_start3A_256, %dma_start3A_257] : memref<32x79x128xi32, #tpu.memory_space<hbm>> -> memref<1x79x128xi32, #tpu.memory_space<hbm>>
      %dma_start3A_259 = tpu.memref_squeeze %dma_start3A_258 : memref<1x79x128xi32, #tpu.memory_space<hbm>> -> memref<79x128xi32, #tpu.memory_space<hbm>>
      %dma_start3A_260 = arith.constant 0 : i32
      %dma_start3A_261 = arith.constant 0 : i32
      %dma_start3A_262 = tpu.memref_slice %arg3[%add3A, %dma_start3A_260, %dma_start3A_261] : memref<32x79x128xi32, #tpu.memory_space<hbm>> -> memref<1x79x128xi32, #tpu.memory_space<hbm>>
      %dma_start3A_263 = tpu.memref_squeeze %dma_start3A_262 : memref<1x79x128xi32, #tpu.memory_space<hbm>> -> memref<79x128xi32, #tpu.memory_space<hbm>>
      tpu.enqueue_dma source(%dma_start3A_263 : memref<79x128xi32, #tpu.memory_space<hbm>>) target(%arg6 : memref<79x128xi32, #tpu.memory_space<vmem>>) target_semaphore(%run_scoped3A_255 : memref<!tpu.dma_semaphore, #tpu.memory_space<semaphore_mem>>)
      %dma_wait3A_264 = arith.constant 0 : i32
      %dma_wait3A_265 = arith.constant 0 : i32
      %dma_wait3A_266 = tpu.memref_slice %arg3[%add3A, %dma_wait3A_264, %dma_wait3A_265] : memref<32x79x128xi32, #tpu.memory_space<hbm>> -> memref<1x79x128xi32, #tpu.memory_space<hbm>>
      %dma_wait3A_267 = tpu.memref_squeeze %dma_wait3A_266 : memref<1x79x128xi32, #tpu.memory_space<hbm>> -> memref<79x128xi32, #tpu.memory_space<hbm>>
      %dma_wait3A_268 = arith.constant 0 : i32
      %dma_wait3A_269 = arith.constant 0 : i32
      %dma_wait3A_270 = tpu.memref_slice %arg3[%add3A, %dma_wait3A_268, %dma_wait3A_269] : memref<32x79x128xi32, #tpu.memory_space<hbm>> -> memref<1x79x128xi32, #tpu.memory_space<hbm>>
      %dma_wait3A_271 = tpu.memref_squeeze %dma_wait3A_270 : memref<1x79x128xi32, #tpu.memory_space<hbm>> -> memref<79x128xi32, #tpu.memory_space<hbm>>
      tpu.wait_dma2 semaphore(%run_scoped3A_255 : memref<!tpu.dma_semaphore, #tpu.memory_space<semaphore_mem>>) src(%dma_wait3A_271 : memref<79x128xi32, #tpu.memory_space<hbm>>) dst(%arg6 : memref<79x128xi32, #tpu.memory_space<vmem>>)
      tpu.yield
    }) : () -> ()
    %scan3A = arith.constant 0 : i32
    %scan3A_1 = arith.constant 104 : i32
    %scan3A_2 = arith.addi %scan3A, %scan3A_1 : i32
    %scan3A_3 = arith.constant 1 : i32
    scf.for %scan3A_255 = %scan3A to %scan3A_2 step %scan3A_3  : i32 {
      %mul3A_256 = arith.constant 1 : i32
      %mul3A_257 = arith.muli %scan3A_255, %mul3A_256 : i32
      %add3A_258 = arith.constant 0 : i32
      %add3A_259 = arith.addi %add3A_258, %mul3A_257 : i32
      %scan3A_260 = arith.constant 0 : i32
      %scan3A_261 = arith.constant 8 : i32
      %scan3A_262 = arith.addi %scan3A_260, %scan3A_261 : i32
      %scan3A_263 = arith.constant 1 : i32
      scf.for %scan3A_265 = %scan3A_260 to %scan3A_262 step %scan3A_263  : i32 {
        %mul3A_266 = arith.constant 16 : i32
        %mul3A_267 = arith.muli %scan3A_265, %mul3A_266 : i32
        %add3A_268 = arith.constant 0 : i32
        %add3A_269 = arith.addi %add3A_268, %mul3A_267 : i32
        %broadcast_in_dim3A = arith.constant 0.000000e+00 : f32
        %broadcast_in_dim3A_270 = vector.broadcast %broadcast_in_dim3A : f32 to vector<16xf32>
        %swap3A_271 = arith.index_cast %add3A_259 : i32 to index
        %swap3A_272 = arith.index_cast %add3A_269 : i32 to index
        %swap3A_273 = tpu.vector_load %arg7[%swap3A_271, %swap3A_272] {strides = array<i32>} : memref<128x128xf32, #tpu.memory_space<vmem>>, vector<1x16xf32>,
        %swap3A_274 = vector.shape_cast %swap3A_273 : vector<1x16xf32> to vector<16xf32>
        %swap3A_275 = vector.shape_cast %broadcast_in_dim3A_270 : vector<16xf32> to vector<1x16xf32>
        tpu.vector_store %arg7[%swap3A_271, %swap3A_272], %swap3A_275 {strides = array<i32>} : memref<128x128xf32, #tpu.memory_space<vmem>>, vector<1x16xf32>,
      }
      %scan3A_264 = arith.constant 8 : i32
    }
    %scan3A_4 = arith.constant 104 : i32
    %scan3A_5 = arith.constant 0 : i32
    %scan3A_6 = arith.constant 6 : i32
    %scan3A_7 = arith.addi %scan3A_5, %scan3A_6 : i32
    %scan3A_8 = arith.constant 1 : i32
    scf.for %scan3A_255 = %scan3A_5 to %scan3A_7 step %scan3A_8  : i32 {
      %mul3A_256 = arith.constant 104 : i32
      %mul3A_257 = arith.muli %scan3A_255, %mul3A_256 : i32
      %add3A_258 = arith.constant 0 : i32
      %add3A_259 = arith.addi %add3A_258, %mul3A_257 : i32
      %mul3A_260 = arith.constant 624 : i32
      %mul3A_261 = arith.muli %arg1, %mul3A_260 : i32
      %add3A_262 = arith.addi %mul3A_261, %add3A_259 : i32
      "tpu.region"() ({
        %run_scoped3A_263 = tpu.sem_alloc : memref<!tpu.dma_semaphore, #tpu.memory_space<semaphore_mem>>
        %dma_start3A_264 = arith.constant 0 : i32
        %dma_start3A_265 = arith.constant 0 : i32
        %dma_start3A_266 = tpu.memref_slice %arg7[%dma_start3A_264, %dma_start3A_265] : memref<128x128xf32, #tpu.memory_space<vmem>> -> memref<104x128xf32, #tpu.memory_space<vmem>>
        %dma_start3A_267 = arith.constant 0 : i32
        %dma_start3A_268 = tpu.memref_slice %arg13[%add3A_262, %dma_start3A_267] : memref<10000x128xf32, #tpu.memory_space<vmem_shared>> -> memref<104x128xf32, #tpu.memory_space<vmem_shared>>
        %dma_start3A_269 = arith.constant 0 : i32
        %dma_start3A_270 = tpu.memref_slice %arg13[%add3A_262, %dma_start3A_269] : memref<10000x128xf32, #tpu.memory_space<vmem_shared>> -> memref<104x128xf32, #tpu.memory_space<vmem_shared>>
        %dma_start3A_271 = arith.constant 0 : i32
        %dma_start3A_272 = arith.constant 0 : i32
        %dma_start3A_273 = tpu.memref_slice %arg7[%dma_start3A_271, %dma_start3A_272] : memref<128x128xf32, #tpu.memory_space<vmem>> -> memref<104x128xf32, #tpu.memory_space<vmem>>
        tpu.enqueue_dma source(%dma_start3A_273 : memref<104x128xf32, #tpu.memory_space<vmem>>) target(%dma_start3A_270 : memref<104x128xf32, #tpu.memory_space<vmem_shared>>) target_semaphore(%run_scoped3A_263 : memref<!tpu.dma_semaphore, #tpu.memory_space<semaphore_mem>>)
        %dma_wait3A_274 = arith.constant 0 : i32
        %dma_wait3A_275 = arith.constant 0 : i32
        %dma_wait3A_276 = tpu.memref_slice %arg7[%dma_wait3A_274, %dma_wait3A_275] : memref<128x128xf32, #tpu.memory_space<vmem>> -> memref<104x128xf32, #tpu.memory_space<vmem>>
        %dma_wait3A_277 = arith.constant 0 : i32
        %dma_wait3A_278 = tpu.memref_slice %arg13[%add3A_262, %dma_wait3A_277] : memref<10000x128xf32, #tpu.memory_space<vmem_shared>> -> memref<104x128xf32, #tpu.memory_space<vmem_shared>>
        %dma_wait3A_279 = arith.constant 0 : i32
        %dma_wait3A_280 = tpu.memref_slice %arg13[%add3A_262, %dma_wait3A_279] : memref<10000x128xf32, #tpu.memory_space<vmem_shared>> -> memref<104x128xf32, #tpu.memory_space<vmem_shared>>
        %dma_wait3A_281 = arith.constant 0 : i32
        %dma_wait3A_282 = arith.constant 0 : i32
        %dma_wait3A_283 = tpu.memref_slice %arg7[%dma_wait3A_281, %dma_wait3A_282] : memref<128x128xf32, #tpu.memory_space<vmem>> -> memref<104x128xf32, #tpu.memory_space<vmem>>
        tpu.wait_dma2 semaphore(%run_scoped3A_263 : memref<!tpu.dma_semaphore, #tpu.memory_space<semaphore_mem>>) src(%dma_wait3A_283 : memref<104x128xf32, #tpu.memory_space<vmem>>) dst(%dma_wait3A_280 : memref<104x128xf32, #tpu.memory_space<vmem_shared>>)
        tpu.yield
      }) : () -> ()
    }
    %scan3A_9 = arith.constant 6 : i32
    %eq3A = arith.constant 15 : i32
    %eq3A_10 = arith.cmpi eq, %arg1, %eq3A : i32
    %convert_element_type3A = arith.extui %eq3A_10 : i1 to i32
    %cond3A = arith.constant 0 : i32
    %cond3A_11 = arith.cmpi ne, %convert_element_type3A, %cond3A : i32
    scf.if %cond3A_11 {
      "tpu.region"() ({
        %run_scoped3A_255 = tpu.sem_alloc : memref<!tpu.dma_semaphore, #tpu.memory_space<semaphore_mem>>
        %dma_start3A_256 = arith.constant 0 : i32
        %dma_start3A_257 = arith.constant 0 : i32
        %dma_start3A_258 = tpu.memref_slice %arg7[%dma_start3A_256, %dma_start3A_257] : memref<128x128xf32, #tpu.memory_space<vmem>> -> memref<16x128xf32, #tpu.memory_space<vmem>>
        %dma_start3A_259 = arith.constant 9984 : i32
        %dma_start3A_260 = arith.constant 0 : i32
        %dma_start3A_261 = tpu.memref_slice %arg13[%dma_start3A_259, %dma_start3A_260] : memref<10000x128xf32, #tpu.memory_space<vmem_shared>> -> memref<16x128xf32, #tpu.memory_space<vmem_shared>>
        %dma_start3A_262 = arith.constant 9984 : i32
        %dma_start3A_263 = arith.constant 0 : i32
        %dma_start3A_264 = tpu.memref_slice %arg13[%dma_start3A_262, %dma_start3A_263] : memref<10000x128xf32, #tpu.memory_space<vmem_shared>> -> memref<16x128xf32, #tpu.memory_space<vmem_shared>>
        %dma_start3A_265 = arith.constant 0 : i32
        %dma_start3A_266 = arith.constant 0 : i32
        %dma_start3A_267 = tpu.memref_slice %arg7[%dma_start3A_265, %dma_start3A_266] : memref<128x128xf32, #tpu.memory_space<vmem>> -> memref<16x128xf32, #tpu.memory_space<vmem>>
        tpu.enqueue_dma source(%dma_start3A_267 : memref<16x128xf32, #tpu.memory_space<vmem>>) target(%dma_start3A_264 : memref<16x128xf32, #tpu.memory_space<vmem_shared>>) target_semaphore(%run_scoped3A_255 : memref<!tpu.dma_semaphore, #tpu.memory_space<semaphore_mem>>)
        %dma_wait3A_268 = arith.constant 0 : i32
        %dma_wait3A_269 = arith.constant 0 : i32
        %dma_wait3A_270 = tpu.memref_slice %arg7[%dma_wait3A_268, %dma_wait3A_269] : memref<128x128xf32, #tpu.memory_space<vmem>> -> memref<16x128xf32, #tpu.memory_space<vmem>>
        %dma_wait3A_271 = arith.constant 9984 : i32
        %dma_wait3A_272 = arith.constant 0 : i32
        %dma_wait3A_273 = tpu.memref_slice %arg13[%dma_wait3A_271, %dma_wait3A_272] : memref<10000x128xf32, #tpu.memory_space<vmem_shared>> -> memref<16x128xf32, #tpu.memory_space<vmem_shared>>
        %dma_wait3A_274 = arith.constant 9984 : i32
        %dma_wait3A_275 = arith.constant 0 : i32
        %dma_wait3A_276 = tpu.memref_slice %arg13[%dma_wait3A_274, %dma_wait3A_275] : memref<10000x128xf32, #tpu.memory_space<vmem_shared>> -> memref<16x128xf32, #tpu.memory_space<vmem_shared>>
        %dma_wait3A_277 = arith.constant 0 : i32
        %dma_wait3A_278 = arith.constant 0 : i32
        %dma_wait3A_279 = tpu.memref_slice %arg7[%dma_wait3A_277, %dma_wait3A_278] : memref<128x128xf32, #tpu.memory_space<vmem>> -> memref<16x128xf32, #tpu.memory_space<vmem>>
        tpu.wait_dma2 semaphore(%run_scoped3A_255 : memref<!tpu.dma_semaphore, #tpu.memory_space<semaphore_mem>>) src(%dma_wait3A_279 : memref<16x128xf32, #tpu.memory_space<vmem>>) dst(%dma_wait3A_276 : memref<16x128xf32, #tpu.memory_space<vmem_shared>>)
        tpu.yield
      }) : () -> ()
    } else {
    }
    %barrier3A = arith.constant 0 : index
    tpu.barrier barrier_id(%barrier3A)
    %dma_start3A = arith.constant 0 : i32
    %dma_start3A_12 = arith.constant 0 : i32
    %dma_start3A_13 = tpu.memref_slice %arg6[%dma_start3A, %dma_start3A_12] : memref<79x128xi32, #tpu.memory_space<vmem>> -> memref<1x128xi32, #tpu.memory_space<vmem>>
    %dma_start3A_14 = tpu.memref_squeeze %dma_start3A_13 : memref<1x128xi32, #tpu.memory_space<vmem>> -> memref<128xi32, #tpu.memory_space<vmem>>
    %dma_start3A_15 = arith.constant 0 : i32
    %dma_start3A_16 = arith.constant 0 : i32
    %dma_start3A_17 = tpu.memref_slice %arg2[%dma_start3A_15, %dma_start3A_16] : memref<10000x128xf32, #tpu.memory_space<hbm>> -> memref<10000x128xf32, #tpu.memory_space<hbm>>
    tpu.enqueue_indirect_dma source(%dma_start3A_17 : memref<10000x128xf32, #tpu.memory_space<hbm>>) target(%arg7 : memref<128x128xf32, #tpu.memory_space<vmem>>) offsets(%dma_start3A_14 : memref<128xi32, #tpu.memory_space<vmem>>) semaphore(%arg14 : memref<!tpu.dma_semaphore, #tpu.memory_space<semaphore_mem>>)
    %dma_start3A_18 = arith.constant 0 : i32
    %dma_start3A_19 = arith.constant 0 : i32
    %dma_start3A_20 = arith.constant 0 : i32
    %dma_start3A_21 = tpu.memref_slice %arg4[%add3A, %dma_start3A_18, %dma_start3A_19, %dma_start3A_20] : memref<32x79x1x128xi32, #tpu.memory_space<hbm>> -> memref<1x1x1x128xi32, #tpu.memory_space<hbm>>
    %dma_start3A_22 = tpu.memref_squeeze %dma_start3A_21 : memref<1x1x1x128xi32, #tpu.memory_space<hbm>> -> memref<1x128xi32, #tpu.memory_space<hbm>>
    %dma_start3A_23 = arith.constant 0 : i32
    %dma_start3A_24 = arith.constant 0 : i32
    %dma_start3A_25 = tpu.memref_slice %arg4[%add3A, %dma_start3A_18, %dma_start3A_23, %dma_start3A_24] : memref<32x79x1x128xi32, #tpu.memory_space<hbm>> -> memref<1x1x1x128xi32, #tpu.memory_space<hbm>>
    %dma_start3A_26 = tpu.memref_squeeze %dma_start3A_25 : memref<1x1x1x128xi32, #tpu.memory_space<hbm>> -> memref<1x128xi32, #tpu.memory_space<hbm>>
    tpu.enqueue_dma source(%dma_start3A_26 : memref<1x128xi32, #tpu.memory_space<hbm>>) target(%arg9 : memref<1x128xi32, #tpu.memory_space<vmem>>) target_semaphore(%arg16 : memref<!tpu.dma_semaphore, #tpu.memory_space<semaphore_mem>>)
    %scan3A_27 = arith.constant 0 : i32
    %scan3A_28 = arith.constant 38 : i32
    %scan3A_29 = arith.addi %scan3A_27, %scan3A_28 : i32
    %scan3A_30 = arith.constant 1 : i32
    scf.for %scan3A_255 = %scan3A_27 to %scan3A_29 step %scan3A_30  : i32 {
      %mul3A_256 = arith.constant 1 : i32
      %mul3A_257 = arith.muli %scan3A_255, %mul3A_256 : i32
      %add3A_258 = arith.constant 0 : i32
      %add3A_259 = arith.addi %add3A_258, %mul3A_257 : i32
      %mul3A_260 = arith.constant 2 : i32
      %mul3A_261 = arith.muli %mul3A_260, %add3A_259 : i32
      %add3A_262 = arith.constant 1 : i32
      %add3A_263 = arith.addi %mul3A_261, %add3A_262 : i32
      %dma_start3A_264 = arith.constant 0 : i32
      %dma_start3A_265 = tpu.memref_slice %arg6[%add3A_263, %dma_start3A_264] : memref<79x128xi32, #tpu.memory_space<vmem>> -> memref<1x128xi32, #tpu.memory_space<vmem>>
      %dma_start3A_266 = tpu.memref_squeeze %dma_start3A_265 : memref<1x128xi32, #tpu.memory_space<vmem>> -> memref<128xi32, #tpu.memory_space<vmem>>
      %dma_start3A_267 = arith.constant 0 : i32
      %dma_start3A_268 = arith.constant 0 : i32
      %dma_start3A_269 = tpu.memref_slice %arg2[%dma_start3A_267, %dma_start3A_268] : memref<10000x128xf32, #tpu.memory_space<hbm>> -> memref<10000x128xf32, #tpu.memory_space<hbm>>
      tpu.enqueue_indirect_dma source(%dma_start3A_269 : memref<10000x128xf32, #tpu.memory_space<hbm>>) target(%arg8 : memref<128x128xf32, #tpu.memory_space<vmem>>) offsets(%dma_start3A_266 : memref<128xi32, #tpu.memory_space<vmem>>) semaphore(%arg15 : memref<!tpu.dma_semaphore, #tpu.memory_space<semaphore_mem>>)
      %dma_start3A_270 = arith.constant 0 : i32
      %dma_start3A_271 = arith.constant 0 : i32
      %dma_start3A_272 = tpu.memref_slice %arg4[%add3A, %add3A_263, %dma_start3A_270, %dma_start3A_271] : memref<32x79x1x128xi32, #tpu.memory_space<hbm>> -> memref<1x1x1x128xi32, #tpu.memory_space<hbm>>
      %dma_start3A_273 = tpu.memref_squeeze %dma_start3A_272 : memref<1x1x1x128xi32, #tpu.memory_space<hbm>> -> memref<1x128xi32, #tpu.memory_space<hbm>>
      %dma_start3A_274 = arith.constant 0 : i32
      %dma_start3A_275 = arith.constant 0 : i32
      %dma_start3A_276 = tpu.memref_slice %arg4[%add3A, %add3A_263, %dma_start3A_274, %dma_start3A_275] : memref<32x79x1x128xi32, #tpu.memory_space<hbm>> -> memref<1x1x1x128xi32, #tpu.memory_space<hbm>>
      %dma_start3A_277 = tpu.memref_squeeze %dma_start3A_276 : memref<1x1x1x128xi32, #tpu.memory_space<hbm>> -> memref<1x128xi32, #tpu.memory_space<hbm>>
      tpu.enqueue_dma source(%dma_start3A_277 : memref<1x128xi32, #tpu.memory_space<hbm>>) target(%arg10 : memref<1x128xi32, #tpu.memory_space<vmem>>) target_semaphore(%arg17 : memref<!tpu.dma_semaphore, #tpu.memory_space<semaphore_mem>>)
      %dma_wait3A_278 = arith.constant 0 : i32
      %dma_wait3A_279 = tpu.memref_slice %arg6[%mul3A_261, %dma_wait3A_278] : memref<79x128xi32, #tpu.memory_space<vmem>> -> memref<1x128xi32, #tpu.memory_space<vmem>>
      %dma_wait3A_280 = tpu.memref_squeeze %dma_wait3A_279 : memref<1x128xi32, #tpu.memory_space<vmem>> -> memref<128xi32, #tpu.memory_space<vmem>>
      %dma_wait3A_281 = arith.constant 0 : i32
      %dma_wait3A_282 = arith.constant 0 : i32
      %dma_wait3A_283 = tpu.memref_slice %arg2[%dma_wait3A_281, %dma_wait3A_282] : memref<10000x128xf32, #tpu.memory_space<hbm>> -> memref<10000x128xf32, #tpu.memory_space<hbm>>
      tpu.wait_indirect_dma semaphore(%arg14 : memref<!tpu.dma_semaphore, #tpu.memory_space<semaphore_mem>>) src(%dma_wait3A_283 : memref<10000x128xf32, #tpu.memory_space<hbm>>) dst(%arg7 : memref<128x128xf32, #tpu.memory_space<vmem>>)
      %dma_wait3A_284 = arith.constant 0 : i32
      %dma_wait3A_285 = arith.constant 0 : i32
      %dma_wait3A_286 = tpu.memref_slice %arg4[%add3A, %mul3A_261, %dma_wait3A_284, %dma_wait3A_285] : memref<32x79x1x128xi32, #tpu.memory_space<hbm>> -> memref<1x1x1x128xi32, #tpu.memory_space<hbm>>
      %dma_wait3A_287 = tpu.memref_squeeze %dma_wait3A_286 : memref<1x1x1x128xi32, #tpu.memory_space<hbm>> -> memref<1x128xi32, #tpu.memory_space<hbm>>
      %dma_wait3A_288 = arith.constant 0 : i32
      %dma_wait3A_289 = arith.constant 0 : i32
      %dma_wait3A_290 = tpu.memref_slice %arg4[%add3A, %mul3A_261, %dma_wait3A_288, %dma_wait3A_289] : memref<32x79x1x128xi32, #tpu.memory_space<hbm>> -> memref<1x1x1x128xi32, #tpu.memory_space<hbm>>
      %dma_wait3A_291 = tpu.memref_squeeze %dma_wait3A_290 : memref<1x1x1x128xi32, #tpu.memory_space<hbm>> -> memref<1x128xi32, #tpu.memory_space<hbm>>
      tpu.wait_dma2 semaphore(%arg16 : memref<!tpu.dma_semaphore, #tpu.memory_space<semaphore_mem>>) src(%dma_wait3A_291 : memref<1x128xi32, #tpu.memory_space<hbm>>) dst(%arg9 : memref<1x128xi32, #tpu.memory_space<vmem>>)
      %get3A_292 = arith.constant 0 : i32
      %get3A_293 = arith.index_cast %get3A_292 : i32 to index
      %get3A_294 = arith.constant 0 : index
      %get3A_295 = tpu.vector_load %arg9[%get3A_293, %get3A_294] {strides = array<i32>} : memref<1x128xi32, #tpu.memory_space<vmem>>, vector<1x16xi32>,
      %get3A_296 = vector.shape_cast %get3A_295 : vector<1x16xi32> to vector<16xi32>
      %swap3A_297 = arith.constant 0 : index
      %swap3A_298 = tpu.vector_load %arg11[%swap3A_297] {strides = array<i32>} : memref<128xi32, #tpu.memory_space<vmem>>, vector<16xi32>,
      %swap3A_299 = vector.shape_cast %swap3A_298 : vector<16xi32> to vector<16xi32>
      %swap3A_300 = vector.shape_cast %get3A_296 : vector<16xi32> to vector<16xi32>
      tpu.vector_store %arg11[%swap3A_297], %swap3A_300 {strides = array<i32>} : memref<128xi32, #tpu.memory_space<vmem>>, vector<16xi32>,
      %get3A_301 = arith.constant 0 : i32
      %get3A_302 = arith.index_cast %get3A_301 : i32 to index
      %get3A_303 = arith.constant 16 : index
      %get3A_304 = tpu.vector_load %arg9[%get3A_302, %get3A_303] {strides = array<i32>} : memref<1x128xi32, #tpu.memory_space<vmem>>, vector<1x16xi32>,
      %get3A_305 = vector.shape_cast %get3A_304 : vector<1x16xi32> to vector<16xi32>
      %swap3A_306 = arith.constant 16 : index
      %swap3A_307 = tpu.vector_load %arg11[%swap3A_306] {strides = array<i32>} : memref<128xi32, #tpu.memory_space<vmem>>, vector<16xi32>,
      %swap3A_308 = vector.shape_cast %swap3A_307 : vector<16xi32> to vector<16xi32>
      %swap3A_309 = vector.shape_cast %get3A_305 : vector<16xi32> to vector<16xi32>
      tpu.vector_store %arg11[%swap3A_306], %swap3A_309 {strides = array<i32>} : memref<128xi32, #tpu.memory_space<vmem>>, vector<16xi32>,
      %get3A_310 = arith.constant 0 : i32
      %get3A_311 = arith.index_cast %get3A_310 : i32 to index
      %get3A_312 = arith.constant 32 : index
      %get3A_313 = tpu.vector_load %arg9[%get3A_311, %get3A_312] {strides = array<i32>} : memref<1x128xi32, #tpu.memory_space<vmem>>, vector<1x16xi32>,
      %get3A_314 = vector.shape_cast %get3A_313 : vector<1x16xi32> to vector<16xi32>
      %swap3A_315 = arith.constant 32 : index
      %swap3A_316 = tpu.vector_load %arg11[%swap3A_315] {strides = array<i32>} : memref<128xi32, #tpu.memory_space<vmem>>, vector<16xi32>,
      %swap3A_317 = vector.shape_cast %swap3A_316 : vector<16xi32> to vector<16xi32>
      %swap3A_318 = vector.shape_cast %get3A_314 : vector<16xi32> to vector<16xi32>
      tpu.vector_store %arg11[%swap3A_315], %swap3A_318 {strides = array<i32>} : memref<128xi32, #tpu.memory_space<vmem>>, vector<16xi32>,
      %get3A_319 = arith.constant 0 : i32
      %get3A_320 = arith.index_cast %get3A_319 : i32 to index
      %get3A_321 = arith.constant 48 : index
      %get3A_322 = tpu.vector_load %arg9[%get3A_320, %get3A_321] {strides = array<i32>} : memref<1x128xi32, #tpu.memory_space<vmem>>, vector<1x16xi32>,
      %get3A_323 = vector.shape_cast %get3A_322 : vector<1x16xi32> to vector<16xi32>
      %swap3A_324 = arith.constant 48 : index
      %swap3A_325 = tpu.vector_load %arg11[%swap3A_324] {strides = array<i32>} : memref<128xi32, #tpu.memory_space<vmem>>, vector<16xi32>,
      %swap3A_326 = vector.shape_cast %swap3A_325 : vector<16xi32> to vector<16xi32>
      %swap3A_327 = vector.shape_cast %get3A_323 : vector<16xi32> to vector<16xi32>
      tpu.vector_store %arg11[%swap3A_324], %swap3A_327 {strides = array<i32>} : memref<128xi32, #tpu.memory_space<vmem>>, vector<16xi32>,
      %get3A_328 = arith.constant 0 : i32
      %get3A_329 = arith.index_cast %get3A_328 : i32 to index
      %get3A_330 = arith.constant 64 : index
      %get3A_331 = tpu.vector_load %arg9[%get3A_329, %get3A_330] {strides = array<i32>} : memref<1x128xi32, #tpu.memory_space<vmem>>, vector<1x16xi32>,
      %get3A_332 = vector.shape_cast %get3A_331 : vector<1x16xi32> to vector<16xi32>
      %swap3A_333 = arith.constant 64 : index
      %swap3A_334 = tpu.vector_load %arg11[%swap3A_333] {strides = array<i32>} : memref<128xi32, #tpu.memory_space<vmem>>, vector<16xi32>,
      %swap3A_335 = vector.shape_cast %swap3A_334 : vector<16xi32> to vector<16xi32>
      %swap3A_336 = vector.shape_cast %get3A_332 : vector<16xi32> to vector<16xi32>
      tpu.vector_store %arg11[%swap3A_333], %swap3A_336 {strides = array<i32>} : memref<128xi32, #tpu.memory_space<vmem>>, vector<16xi32>,
      %get3A_337 = arith.constant 0 : i32
      %get3A_338 = arith.index_cast %get3A_337 : i32 to index
      %get3A_339 = arith.constant 80 : index
      %get3A_340 = tpu.vector_load %arg9[%get3A_338, %get3A_339] {strides = array<i32>} : memref<1x128xi32, #tpu.memory_space<vmem>>, vector<1x16xi32>,
      %get3A_341 = vector.shape_cast %get3A_340 : vector<1x16xi32> to vector<16xi32>
      %swap3A_342 = arith.constant 80 : index
      %swap3A_343 = tpu.vector_load %arg11[%swap3A_342] {strides = array<i32>} : memref<128xi32, #tpu.memory_space<vmem>>, vector<16xi32>,
      %swap3A_344 = vector.shape_cast %swap3A_343 : vector<16xi32> to vector<16xi32>
      %swap3A_345 = vector.shape_cast %get3A_341 : vector<16xi32> to vector<16xi32>
      tpu.vector_store %arg11[%swap3A_342], %swap3A_345 {strides = array<i32>} : memref<128xi32, #tpu.memory_space<vmem>>, vector<16xi32>,
      %get3A_346 = arith.constant 0 : i32
      %get3A_347 = arith.index_cast %get3A_346 : i32 to index
      %get3A_348 = arith.constant 96 : index
      %get3A_349 = tpu.vector_load %arg9[%get3A_347, %get3A_348] {strides = array<i32>} : memref<1x128xi32, #tpu.memory_space<vmem>>, vector<1x16xi32>,
      %get3A_350 = vector.shape_cast %get3A_349 : vector<1x16xi32> to vector<16xi32>
      %swap3A_351 = arith.constant 96 : index
      %swap3A_352 = tpu.vector_load %arg11[%swap3A_351] {strides = array<i32>} : memref<128xi32, #tpu.memory_space<vmem>>, vector<16xi32>,
      %swap3A_353 = vector.shape_cast %swap3A_352 : vector<16xi32> to vector<16xi32>
      %swap3A_354 = vector.shape_cast %get3A_350 : vector<16xi32> to vector<16xi32>
      tpu.vector_store %arg11[%swap3A_351], %swap3A_354 {strides = array<i32>} : memref<128xi32, #tpu.memory_space<vmem>>, vector<16xi32>,
      %get3A_355 = arith.constant 0 : i32
      %get3A_356 = arith.index_cast %get3A_355 : i32 to index
      %get3A_357 = arith.constant 112 : index
      %get3A_358 = tpu.vector_load %arg9[%get3A_356, %get3A_357] {strides = array<i32>} : memref<1x128xi32, #tpu.memory_space<vmem>>, vector<1x16xi32>,
      %get3A_359 = vector.shape_cast %get3A_358 : vector<1x16xi32> to vector<16xi32>
      %swap3A_360 = arith.constant 112 : index
      %swap3A_361 = tpu.vector_load %arg11[%swap3A_360] {strides = array<i32>} : memref<128xi32, #tpu.memory_space<vmem>>, vector<16xi32>,
      %swap3A_362 = vector.shape_cast %swap3A_361 : vector<16xi32> to vector<16xi32>
      %swap3A_363 = vector.shape_cast %get3A_359 : vector<16xi32> to vector<16xi32>
      tpu.vector_store %arg11[%swap3A_360], %swap3A_363 {strides = array<i32>} : memref<128xi32, #tpu.memory_space<vmem>>, vector<16xi32>,
      "tpu.region"() ({
        %run_scoped3A_468 = tpu.sem_alloc : memref<!tpu.dma_semaphore, #tpu.memory_space<semaphore_mem>>
        %dma_start3A_469 = arith.constant 0 : i32
        %dma_start3A_470 = arith.constant 0 : i32
        %dma_start3A_471 = tpu.memref_slice %arg13[%dma_start3A_469, %dma_start3A_470] : memref<10000x128xf32, #tpu.memory_space<vmem_shared>> -> memref<10000x128xf32, #tpu.memory_space<vmem_shared>>
        tpu.enqueue_indirect_dma source(%arg7 : memref<128x128xf32, #tpu.memory_space<vmem>>) target(%dma_start3A_471 : memref<10000x128xf32, #tpu.memory_space<vmem_shared>>) offsets(%arg11 : memref<128xi32, #tpu.memory_space<vmem>>) semaphore(%run_scoped3A_468 : memref<!tpu.dma_semaphore, #tpu.memory_space<semaphore_mem>>) {add = true}
        %dma_wait3A_472 = arith.constant 0 : i32
        %dma_wait3A_473 = arith.constant 0 : i32
        %dma_wait3A_474 = tpu.memref_slice %arg13[%dma_wait3A_472, %dma_wait3A_473] : memref<10000x128xf32, #tpu.memory_space<vmem_shared>> -> memref<10000x128xf32, #tpu.memory_space<vmem_shared>>
        tpu.wait_indirect_dma semaphore(%run_scoped3A_468 : memref<!tpu.dma_semaphore, #tpu.memory_space<semaphore_mem>>) src(%arg7 : memref<128x128xf32, #tpu.memory_space<vmem>>) dst(%dma_wait3A_474 : memref<10000x128xf32, #tpu.memory_space<vmem_shared>>)
        tpu.yield
      }) : () -> ()
      %add3A_364 = arith.constant 2 : i32
      %add3A_365 = arith.addi %mul3A_261, %add3A_364 : i32
      %dma_start3A_366 = arith.constant 0 : i32
      %dma_start3A_367 = tpu.memref_slice %arg6[%add3A_365, %dma_start3A_366] : memref<79x128xi32, #tpu.memory_space<vmem>> -> memref<1x128xi32, #tpu.memory_space<vmem>>
      %dma_start3A_368 = tpu.memref_squeeze %dma_start3A_367 : memref<1x128xi32, #tpu.memory_space<vmem>> -> memref<128xi32, #tpu.memory_space<vmem>>
      %dma_start3A_369 = arith.constant 0 : i32
      %dma_start3A_370 = arith.constant 0 : i32
      %dma_start3A_371 = tpu.memref_slice %arg2[%dma_start3A_369, %dma_start3A_370] : memref<10000x128xf32, #tpu.memory_space<hbm>> -> memref<10000x128xf32, #tpu.memory_space<hbm>>
      tpu.enqueue_indirect_dma source(%dma_start3A_371 : memref<10000x128xf32, #tpu.memory_space<hbm>>) target(%arg7 : memref<128x128xf32, #tpu.memory_space<vmem>>) offsets(%dma_start3A_368 : memref<128xi32, #tpu.memory_space<vmem>>) semaphore(%arg14 : memref<!tpu.dma_semaphore, #tpu.memory_space<semaphore_mem>>)
      %dma_start3A_372 = arith.constant 0 : i32
      %dma_start3A_373 = arith.constant 0 : i32
      %dma_start3A_374 = tpu.memref_slice %arg4[%add3A, %add3A_365, %dma_start3A_372, %dma_start3A_373] : memref<32x79x1x128xi32, #tpu.memory_space<hbm>> -> memref<1x1x1x128xi32, #tpu.memory_space<hbm>>
      %dma_start3A_375 = tpu.memref_squeeze %dma_start3A_374 : memref<1x1x1x128xi32, #tpu.memory_space<hbm>> -> memref<1x128xi32, #tpu.memory_space<hbm>>
      %dma_start3A_376 = arith.constant 0 : i32
      %dma_start3A_377 = arith.constant 0 : i32
      %dma_start3A_378 = tpu.memref_slice %arg4[%add3A, %add3A_365, %dma_start3A_376, %dma_start3A_377] : memref<32x79x1x128xi32, #tpu.memory_space<hbm>> -> memref<1x1x1x128xi32, #tpu.memory_space<hbm>>
      %dma_start3A_379 = tpu.memref_squeeze %dma_start3A_378 : memref<1x1x1x128xi32, #tpu.memory_space<hbm>> -> memref<1x128xi32, #tpu.memory_space<hbm>>
      tpu.enqueue_dma source(%dma_start3A_379 : memref<1x128xi32, #tpu.memory_space<hbm>>) target(%arg9 : memref<1x128xi32, #tpu.memory_space<vmem>>) target_semaphore(%arg16 : memref<!tpu.dma_semaphore, #tpu.memory_space<semaphore_mem>>)
      %add3A_380 = arith.constant 1 : i32
      %add3A_381 = arith.addi %mul3A_261, %add3A_380 : i32
      %dma_wait3A_382 = arith.constant 0 : i32
      %dma_wait3A_383 = tpu.memref_slice %arg6[%add3A_381, %dma_wait3A_382] : memref<79x128xi32, #tpu.memory_space<vmem>> -> memref<1x128xi32, #tpu.memory_space<vmem>>
      %dma_wait3A_384 = tpu.memref_squeeze %dma_wait3A_383 : memref<1x128xi32, #tpu.memory_space<vmem>> -> memref<128xi32, #tpu.memory_space<vmem>>
      %dma_wait3A_385 = arith.constant 0 : i32
      %dma_wait3A_386 = arith.constant 0 : i32
      %dma_wait3A_387 = tpu.memref_slice %arg2[%dma_wait3A_385, %dma_wait3A_386] : memref<10000x128xf32, #tpu.memory_space<hbm>> -> memref<10000x128xf32, #tpu.memory_space<hbm>>
      tpu.wait_indirect_dma semaphore(%arg15 : memref<!tpu.dma_semaphore, #tpu.memory_space<semaphore_mem>>) src(%dma_wait3A_387 : memref<10000x128xf32, #tpu.memory_space<hbm>>) dst(%arg8 : memref<128x128xf32, #tpu.memory_space<vmem>>)
      %dma_wait3A_388 = arith.constant 0 : i32
      %dma_wait3A_389 = arith.constant 0 : i32
      %dma_wait3A_390 = tpu.memref_slice %arg4[%add3A, %add3A_381, %dma_wait3A_388, %dma_wait3A_389] : memref<32x79x1x128xi32, #tpu.memory_space<hbm>> -> memref<1x1x1x128xi32, #tpu.memory_space<hbm>>
      %dma_wait3A_391 = tpu.memref_squeeze %dma_wait3A_390 : memref<1x1x1x128xi32, #tpu.memory_space<hbm>> -> memref<1x128xi32, #tpu.memory_space<hbm>>
      %dma_wait3A_392 = arith.constant 0 : i32
      %dma_wait3A_393 = arith.constant 0 : i32
      %dma_wait3A_394 = tpu.memref_slice %arg4[%add3A, %add3A_381, %dma_wait3A_392, %dma_wait3A_393] : memref<32x79x1x128xi32, #tpu.memory_space<hbm>> -> memref<1x1x1x128xi32, #tpu.memory_space<hbm>>
      %dma_wait3A_395 = tpu.memref_squeeze %dma_wait3A_394 : memref<1x1x1x128xi32, #tpu.memory_space<hbm>> -> memref<1x128xi32, #tpu.memory_space<hbm>>
      tpu.wait_dma2 semaphore(%arg17 : memref<!tpu.dma_semaphore, #tpu.memory_space<semaphore_mem>>) src(%dma_wait3A_395 : memref<1x128xi32, #tpu.memory_space<hbm>>) dst(%arg10 : memref<1x128xi32, #tpu.memory_space<vmem>>)
      %get3A_396 = arith.constant 0 : i32
      %get3A_397 = arith.index_cast %get3A_396 : i32 to index
      %get3A_398 = arith.constant 0 : index
      %get3A_399 = tpu.vector_load %arg10[%get3A_397, %get3A_398] {strides = array<i32>} : memref<1x128xi32, #tpu.memory_space<vmem>>, vector<1x16xi32>,
      %get3A_400 = vector.shape_cast %get3A_399 : vector<1x16xi32> to vector<16xi32>
      %swap3A_401 = arith.constant 0 : index
      %swap3A_402 = tpu.vector_load %arg12[%swap3A_401] {strides = array<i32>} : memref<128xi32, #tpu.memory_space<vmem>>, vector<16xi32>,
      %swap3A_403 = vector.shape_cast %swap3A_402 : vector<16xi32> to vector<16xi32>
      %swap3A_404 = vector.shape_cast %get3A_400 : vector<16xi32> to vector<16xi32>
      tpu.vector_store %arg12[%swap3A_401], %swap3A_404 {strides = array<i32>} : memref<128xi32, #tpu.memory_space<vmem>>, vector<16xi32>,
      %get3A_405 = arith.constant 0 : i32
      %get3A_406 = arith.index_cast %get3A_405 : i32 to index
      %get3A_407 = arith.constant 16 : index
      %get3A_408 = tpu.vector_load %arg10[%get3A_406, %get3A_407] {strides = array<i32>} : memref<1x128xi32, #tpu.memory_space<vmem>>, vector<1x16xi32>,
      %get3A_409 = vector.shape_cast %get3A_408 : vector<1x16xi32> to vector<16xi32>
      %swap3A_410 = arith.constant 16 : index
      %swap3A_411 = tpu.vector_load %arg12[%swap3A_410] {strides = array<i32>} : memref<128xi32, #tpu.memory_space<vmem>>, vector<16xi32>,
      %swap3A_412 = vector.shape_cast %swap3A_411 : vector<16xi32> to vector<16xi32>
      %swap3A_413 = vector.shape_cast %get3A_409 : vector<16xi32> to vector<16xi32>
      tpu.vector_store %arg12[%swap3A_410], %swap3A_413 {strides = array<i32>} : memref<128xi32, #tpu.memory_space<vmem>>, vector<16xi32>,
      %get3A_414 = arith.constant 0 : i32
      %get3A_415 = arith.index_cast %get3A_414 : i32 to index
      %get3A_416 = arith.constant 32 : index
      %get3A_417 = tpu.vector_load %arg10[%get3A_415, %get3A_416] {strides = array<i32>} : memref<1x128xi32, #tpu.memory_space<vmem>>, vector<1x16xi32>,
      %get3A_418 = vector.shape_cast %get3A_417 : vector<1x16xi32> to vector<16xi32>
      %swap3A_419 = arith.constant 32 : index
      %swap3A_420 = tpu.vector_load %arg12[%swap3A_419] {strides = array<i32>} : memref<128xi32, #tpu.memory_space<vmem>>, vector<16xi32>,
      %swap3A_421 = vector.shape_cast %swap3A_420 : vector<16xi32> to vector<16xi32>
      %swap3A_422 = vector.shape_cast %get3A_418 : vector<16xi32> to vector<16xi32>
      tpu.vector_store %arg12[%swap3A_419], %swap3A_422 {strides = array<i32>} : memref<128xi32, #tpu.memory_space<vmem>>, vector<16xi32>,
      %get3A_423 = arith.constant 0 : i32
      %get3A_424 = arith.index_cast %get3A_423 : i32 to index
      %get3A_425 = arith.constant 48 : index
      %get3A_426 = tpu.vector_load %arg10[%get3A_424, %get3A_425] {strides = array<i32>} : memref<1x128xi32, #tpu.memory_space<vmem>>, vector<1x16xi32>,
      %get3A_427 = vector.shape_cast %get3A_426 : vector<1x16xi32> to vector<16xi32>
      %swap3A_428 = arith.constant 48 : index
      %swap3A_429 = tpu.vector_load %arg12[%swap3A_428] {strides = array<i32>} : memref<128xi32, #tpu.memory_space<vmem>>, vector<16xi32>,
      %swap3A_430 = vector.shape_cast %swap3A_429 : vector<16xi32> to vector<16xi32>
      %swap3A_431 = vector.shape_cast %get3A_427 : vector<16xi32> to vector<16xi32>
      tpu.vector_store %arg12[%swap3A_428], %swap3A_431 {strides = array<i32>} : memref<128xi32, #tpu.memory_space<vmem>>, vector<16xi32>,
      %get3A_432 = arith.constant 0 : i32
      %get3A_433 = arith.index_cast %get3A_432 : i32 to index
      %get3A_434 = arith.constant 64 : index
      %get3A_435 = tpu.vector_load %arg10[%get3A_433, %get3A_434] {strides = array<i32>} : memref<1x128xi32, #tpu.memory_space<vmem>>, vector<1x16xi32>,
      %get3A_436 = vector.shape_cast %get3A_435 : vector<1x16xi32> to vector<16xi32>
      %swap3A_437 = arith.constant 64 : index
      %swap3A_438 = tpu.vector_load %arg12[%swap3A_437] {strides = array<i32>} : memref<128xi32, #tpu.memory_space<vmem>>, vector<16xi32>,
      %swap3A_439 = vector.shape_cast %swap3A_438 : vector<16xi32> to vector<16xi32>
      %swap3A_440 = vector.shape_cast %get3A_436 : vector<16xi32> to vector<16xi32>
      tpu.vector_store %arg12[%swap3A_437], %swap3A_440 {strides = array<i32>} : memref<128xi32, #tpu.memory_space<vmem>>, vector<16xi32>,
      %get3A_441 = arith.constant 0 : i32
      %get3A_442 = arith.index_cast %get3A_441 : i32 to index
      %get3A_443 = arith.constant 80 : index
      %get3A_444 = tpu.vector_load %arg10[%get3A_442, %get3A_443] {strides = array<i32>} : memref<1x128xi32, #tpu.memory_space<vmem>>, vector<1x16xi32>,
      %get3A_445 = vector.shape_cast %get3A_444 : vector<1x16xi32> to vector<16xi32>
      %swap3A_446 = arith.constant 80 : index
      %swap3A_447 = tpu.vector_load %arg12[%swap3A_446] {strides = array<i32>} : memref<128xi32, #tpu.memory_space<vmem>>, vector<16xi32>,
      %swap3A_448 = vector.shape_cast %swap3A_447 : vector<16xi32> to vector<16xi32>
      %swap3A_449 = vector.shape_cast %get3A_445 : vector<16xi32> to vector<16xi32>
      tpu.vector_store %arg12[%swap3A_446], %swap3A_449 {strides = array<i32>} : memref<128xi32, #tpu.memory_space<vmem>>, vector<16xi32>,
      %get3A_450 = arith.constant 0 : i32
      %get3A_451 = arith.index_cast %get3A_450 : i32 to index
      %get3A_452 = arith.constant 96 : index
      %get3A_453 = tpu.vector_load %arg10[%get3A_451, %get3A_452] {strides = array<i32>} : memref<1x128xi32, #tpu.memory_space<vmem>>, vector<1x16xi32>,
      %get3A_454 = vector.shape_cast %get3A_453 : vector<1x16xi32> to vector<16xi32>
      %swap3A_455 = arith.constant 96 : index
      %swap3A_456 = tpu.vector_load %arg12[%swap3A_455] {strides = array<i32>} : memref<128xi32, #tpu.memory_space<vmem>>, vector<16xi32>,
      %swap3A_457 = vector.shape_cast %swap3A_456 : vector<16xi32> to vector<16xi32>
      %swap3A_458 = vector.shape_cast %get3A_454 : vector<16xi32> to vector<16xi32>
      tpu.vector_store %arg12[%swap3A_455], %swap3A_458 {strides = array<i32>} : memref<128xi32, #tpu.memory_space<vmem>>, vector<16xi32>,
      %get3A_459 = arith.constant 0 : i32
      %get3A_460 = arith.index_cast %get3A_459 : i32 to index
      %get3A_461 = arith.constant 112 : index
      %get3A_462 = tpu.vector_load %arg10[%get3A_460, %get3A_461] {strides = array<i32>} : memref<1x128xi32, #tpu.memory_space<vmem>>, vector<1x16xi32>,
      %get3A_463 = vector.shape_cast %get3A_462 : vector<1x16xi32> to vector<16xi32>
      %swap3A_464 = arith.constant 112 : index
      %swap3A_465 = tpu.vector_load %arg12[%swap3A_464] {strides = array<i32>} : memref<128xi32, #tpu.memory_space<vmem>>, vector<16xi32>,
      %swap3A_466 = vector.shape_cast %swap3A_465 : vector<16xi32> to vector<16xi32>
      %swap3A_467 = vector.shape_cast %get3A_463 : vector<16xi32> to vector<16xi32>
      tpu.vector_store %arg12[%swap3A_464], %swap3A_467 {strides = array<i32>} : memref<128xi32, #tpu.memory_space<vmem>>, vector<16xi32>,
      "tpu.region"() ({
        %run_scoped3A_468 = tpu.sem_alloc : memref<!tpu.dma_semaphore, #tpu.memory_space<semaphore_mem>>
        %dma_start3A_469 = arith.constant 0 : i32
        %dma_start3A_470 = arith.constant 0 : i32
        %dma_start3A_471 = tpu.memref_slice %arg13[%dma_start3A_469, %dma_start3A_470] : memref<10000x128xf32, #tpu.memory_space<vmem_shared>> -> memref<10000x128xf32, #tpu.memory_space<vmem_shared>>
        tpu.enqueue_indirect_dma source(%arg8 : memref<128x128xf32, #tpu.memory_space<vmem>>) target(%dma_start3A_471 : memref<10000x128xf32, #tpu.memory_space<vmem_shared>>) offsets(%arg12 : memref<128xi32, #tpu.memory_space<vmem>>) semaphore(%run_scoped3A_468 : memref<!tpu.dma_semaphore, #tpu.memory_space<semaphore_mem>>) {add = true}
        %dma_wait3A_472 = arith.constant 0 : i32
        %dma_wait3A_473 = arith.constant 0 : i32
        %dma_wait3A_474 = tpu.memref_slice %arg13[%dma_wait3A_472, %dma_wait3A_473] : memref<10000x128xf32, #tpu.memory_space<vmem_shared>> -> memref<10000x128xf32, #tpu.memory_space<vmem_shared>>
        tpu.wait_indirect_dma semaphore(%run_scoped3A_468 : memref<!tpu.dma_semaphore, #tpu.memory_space<semaphore_mem>>) src(%arg8 : memref<128x128xf32, #tpu.memory_space<vmem>>) dst(%dma_wait3A_474 : memref<10000x128xf32, #tpu.memory_space<vmem_shared>>)
        tpu.yield
      }) : () -> ()
    }
    %scan3A_31 = arith.constant 38 : i32
    %dma_start3A_32 = arith.constant 77 : i32
    %dma_start3A_33 = arith.constant 0 : i32
    %dma_start3A_34 = tpu.memref_slice %arg6[%dma_start3A_32, %dma_start3A_33] : memref<79x128xi32, #tpu.memory_space<vmem>> -> memref<1x128xi32, #tpu.memory_space<vmem>>
    %dma_start3A_35 = tpu.memref_squeeze %dma_start3A_34 : memref<1x128xi32, #tpu.memory_space<vmem>> -> memref<128xi32, #tpu.memory_space<vmem>>
    %dma_start3A_36 = arith.constant 0 : i32
    %dma_start3A_37 = arith.constant 0 : i32
    %dma_start3A_38 = tpu.memref_slice %arg2[%dma_start3A_36, %dma_start3A_37] : memref<10000x128xf32, #tpu.memory_space<hbm>> -> memref<10000x128xf32, #tpu.memory_space<hbm>>
    tpu.enqueue_indirect_dma source(%dma_start3A_38 : memref<10000x128xf32, #tpu.memory_space<hbm>>) target(%arg8 : memref<128x128xf32, #tpu.memory_space<vmem>>) offsets(%dma_start3A_35 : memref<128xi32, #tpu.memory_space<vmem>>) semaphore(%arg15 : memref<!tpu.dma_semaphore, #tpu.memory_space<semaphore_mem>>)
    %dma_start3A_39 = arith.constant 77 : i32
    %dma_start3A_40 = arith.constant 0 : i32
    %dma_start3A_41 = arith.constant 0 : i32
    %dma_start3A_42 = tpu.memref_slice %arg4[%add3A, %dma_start3A_39, %dma_start3A_40, %dma_start3A_41] : memref<32x79x1x128xi32, #tpu.memory_space<hbm>> -> memref<1x1x1x128xi32, #tpu.memory_space<hbm>>
    %dma_start3A_43 = tpu.memref_squeeze %dma_start3A_42 : memref<1x1x1x128xi32, #tpu.memory_space<hbm>> -> memref<1x128xi32, #tpu.memory_space<hbm>>
    %dma_start3A_44 = arith.constant 0 : i32
    %dma_start3A_45 = arith.constant 0 : i32
    %dma_start3A_46 = tpu.memref_slice %arg4[%add3A, %dma_start3A_39, %dma_start3A_44, %dma_start3A_45] : memref<32x79x1x128xi32, #tpu.memory_space<hbm>> -> memref<1x1x1x128xi32, #tpu.memory_space<hbm>>
    %dma_start3A_47 = tpu.memref_squeeze %dma_start3A_46 : memref<1x1x1x128xi32, #tpu.memory_space<hbm>> -> memref<1x128xi32, #tpu.memory_space<hbm>>
    tpu.enqueue_dma source(%dma_start3A_47 : memref<1x128xi32, #tpu.memory_space<hbm>>) target(%arg10 : memref<1x128xi32, #tpu.memory_space<vmem>>) target_semaphore(%arg17 : memref<!tpu.dma_semaphore, #tpu.memory_space<semaphore_mem>>)
    %dma_wait3A = arith.constant 76 : i32
    %dma_wait3A_48 = arith.constant 0 : i32
    %dma_wait3A_49 = tpu.memref_slice %arg6[%dma_wait3A, %dma_wait3A_48] : memref<79x128xi32, #tpu.memory_space<vmem>> -> memref<1x128xi32, #tpu.memory_space<vmem>>
    %dma_wait3A_50 = tpu.memref_squeeze %dma_wait3A_49 : memref<1x128xi32, #tpu.memory_space<vmem>> -> memref<128xi32, #tpu.memory_space<vmem>>
    %dma_wait3A_51 = arith.constant 0 : i32
    %dma_wait3A_52 = arith.constant 0 : i32
    %dma_wait3A_53 = tpu.memref_slice %arg2[%dma_wait3A_51, %dma_wait3A_52] : memref<10000x128xf32, #tpu.memory_space<hbm>> -> memref<10000x128xf32, #tpu.memory_space<hbm>>
    tpu.wait_indirect_dma semaphore(%arg14 : memref<!tpu.dma_semaphore, #tpu.memory_space<semaphore_mem>>) src(%dma_wait3A_53 : memref<10000x128xf32, #tpu.memory_space<hbm>>) dst(%arg7 : memref<128x128xf32, #tpu.memory_space<vmem>>)
    %dma_wait3A_54 = arith.constant 76 : i32
    %dma_wait3A_55 = arith.constant 0 : i32
    %dma_wait3A_56 = arith.constant 0 : i32
    %dma_wait3A_57 = tpu.memref_slice %arg4[%add3A, %dma_wait3A_54, %dma_wait3A_55, %dma_wait3A_56] : memref<32x79x1x128xi32, #tpu.memory_space<hbm>> -> memref<1x1x1x128xi32, #tpu.memory_space<hbm>>
    %dma_wait3A_58 = tpu.memref_squeeze %dma_wait3A_57 : memref<1x1x1x128xi32, #tpu.memory_space<hbm>> -> memref<1x128xi32, #tpu.memory_space<hbm>>
    %dma_wait3A_59 = arith.constant 0 : i32
    %dma_wait3A_60 = arith.constant 0 : i32
    %dma_wait3A_61 = tpu.memref_slice %arg4[%add3A, %dma_wait3A_54, %dma_wait3A_59, %dma_wait3A_60] : memref<32x79x1x128xi32, #tpu.memory_space<hbm>> -> memref<1x1x1x128xi32, #tpu.memory_space<hbm>>
    %dma_wait3A_62 = tpu.memref_squeeze %dma_wait3A_61 : memref<1x1x1x128xi32, #tpu.memory_space<hbm>> -> memref<1x128xi32, #tpu.memory_space<hbm>>
    tpu.wait_dma2 semaphore(%arg16 : memref<!tpu.dma_semaphore, #tpu.memory_space<semaphore_mem>>) src(%dma_wait3A_62 : memref<1x128xi32, #tpu.memory_space<hbm>>) dst(%arg9 : memref<1x128xi32, #tpu.memory_space<vmem>>)
    %get3A = arith.constant 0 : i32
    %get3A_63 = arith.index_cast %get3A : i32 to index
    %get3A_64 = arith.constant 0 : index
    %get3A_65 = tpu.vector_load %arg9[%get3A_63, %get3A_64] {strides = array<i32>} : memref<1x128xi32, #tpu.memory_space<vmem>>, vector<1x16xi32>,
    %get3A_66 = vector.shape_cast %get3A_65 : vector<1x16xi32> to vector<16xi32>
    %swap3A = arith.constant 0 : index
    %swap3A_67 = tpu.vector_load %arg11[%swap3A] {strides = array<i32>} : memref<128xi32, #tpu.memory_space<vmem>>, vector<16xi32>,
    %swap3A_68 = vector.shape_cast %swap3A_67 : vector<16xi32> to vector<16xi32>
    %swap3A_69 = vector.shape_cast %get3A_66 : vector<16xi32> to vector<16xi32>
    tpu.vector_store %arg11[%swap3A], %swap3A_69 {strides = array<i32>} : memref<128xi32, #tpu.memory_space<vmem>>, vector<16xi32>,
    %get3A_70 = arith.constant 0 : i32
    %get3A_71 = arith.index_cast %get3A_70 : i32 to index
    %get3A_72 = arith.constant 16 : index
    %get3A_73 = tpu.vector_load %arg9[%get3A_71, %get3A_72] {strides = array<i32>} : memref<1x128xi32, #tpu.memory_space<vmem>>, vector<1x16xi32>,
    %get3A_74 = vector.shape_cast %get3A_73 : vector<1x16xi32> to vector<16xi32>
    %swap3A_75 = arith.constant 16 : index
    %swap3A_76 = tpu.vector_load %arg11[%swap3A_75] {strides = array<i32>} : memref<128xi32, #tpu.memory_space<vmem>>, vector<16xi32>,
    %swap3A_77 = vector.shape_cast %swap3A_76 : vector<16xi32> to vector<16xi32>
    %swap3A_78 = vector.shape_cast %get3A_74 : vector<16xi32> to vector<16xi32>
    tpu.vector_store %arg11[%swap3A_75], %swap3A_78 {strides = array<i32>} : memref<128xi32, #tpu.memory_space<vmem>>, vector<16xi32>,
    %get3A_79 = arith.constant 0 : i32
    %get3A_80 = arith.index_cast %get3A_79 : i32 to index
    %get3A_81 = arith.constant 32 : index
    %get3A_82 = tpu.vector_load %arg9[%get3A_80, %get3A_81] {strides = array<i32>} : memref<1x128xi32, #tpu.memory_space<vmem>>, vector<1x16xi32>,
    %get3A_83 = vector.shape_cast %get3A_82 : vector<1x16xi32> to vector<16xi32>
    %swap3A_84 = arith.constant 32 : index
    %swap3A_85 = tpu.vector_load %arg11[%swap3A_84] {strides = array<i32>} : memref<128xi32, #tpu.memory_space<vmem>>, vector<16xi32>,
    %swap3A_86 = vector.shape_cast %swap3A_85 : vector<16xi32> to vector<16xi32>
    %swap3A_87 = vector.shape_cast %get3A_83 : vector<16xi32> to vector<16xi32>
    tpu.vector_store %arg11[%swap3A_84], %swap3A_87 {strides = array<i32>} : memref<128xi32, #tpu.memory_space<vmem>>, vector<16xi32>,
    %get3A_88 = arith.constant 0 : i32
    %get3A_89 = arith.index_cast %get3A_88 : i32 to index
    %get3A_90 = arith.constant 48 : index
    %get3A_91 = tpu.vector_load %arg9[%get3A_89, %get3A_90] {strides = array<i32>} : memref<1x128xi32, #tpu.memory_space<vmem>>, vector<1x16xi32>,
    %get3A_92 = vector.shape_cast %get3A_91 : vector<1x16xi32> to vector<16xi32>
    %swap3A_93 = arith.constant 48 : index
    %swap3A_94 = tpu.vector_load %arg11[%swap3A_93] {strides = array<i32>} : memref<128xi32, #tpu.memory_space<vmem>>, vector<16xi32>,
    %swap3A_95 = vector.shape_cast %swap3A_94 : vector<16xi32> to vector<16xi32>
    %swap3A_96 = vector.shape_cast %get3A_92 : vector<16xi32> to vector<16xi32>
    tpu.vector_store %arg11[%swap3A_93], %swap3A_96 {strides = array<i32>} : memref<128xi32, #tpu.memory_space<vmem>>, vector<16xi32>,
    %get3A_97 = arith.constant 0 : i32
    %get3A_98 = arith.index_cast %get3A_97 : i32 to index
    %get3A_99 = arith.constant 64 : index
    %get3A_100 = tpu.vector_load %arg9[%get3A_98, %get3A_99] {strides = array<i32>} : memref<1x128xi32, #tpu.memory_space<vmem>>, vector<1x16xi32>,
    %get3A_101 = vector.shape_cast %get3A_100 : vector<1x16xi32> to vector<16xi32>
    %swap3A_102 = arith.constant 64 : index
    %swap3A_103 = tpu.vector_load %arg11[%swap3A_102] {strides = array<i32>} : memref<128xi32, #tpu.memory_space<vmem>>, vector<16xi32>,
    %swap3A_104 = vector.shape_cast %swap3A_103 : vector<16xi32> to vector<16xi32>
    %swap3A_105 = vector.shape_cast %get3A_101 : vector<16xi32> to vector<16xi32>
    tpu.vector_store %arg11[%swap3A_102], %swap3A_105 {strides = array<i32>} : memref<128xi32, #tpu.memory_space<vmem>>, vector<16xi32>,
    %get3A_106 = arith.constant 0 : i32
    %get3A_107 = arith.index_cast %get3A_106 : i32 to index
    %get3A_108 = arith.constant 80 : index
    %get3A_109 = tpu.vector_load %arg9[%get3A_107, %get3A_108] {strides = array<i32>} : memref<1x128xi32, #tpu.memory_space<vmem>>, vector<1x16xi32>,
    %get3A_110 = vector.shape_cast %get3A_109 : vector<1x16xi32> to vector<16xi32>
    %swap3A_111 = arith.constant 80 : index
    %swap3A_112 = tpu.vector_load %arg11[%swap3A_111] {strides = array<i32>} : memref<128xi32, #tpu.memory_space<vmem>>, vector<16xi32>,
    %swap3A_113 = vector.shape_cast %swap3A_112 : vector<16xi32> to vector<16xi32>
    %swap3A_114 = vector.shape_cast %get3A_110 : vector<16xi32> to vector<16xi32>
    tpu.vector_store %arg11[%swap3A_111], %swap3A_114 {strides = array<i32>} : memref<128xi32, #tpu.memory_space<vmem>>, vector<16xi32>,
    %get3A_115 = arith.constant 0 : i32
    %get3A_116 = arith.index_cast %get3A_115 : i32 to index
    %get3A_117 = arith.constant 96 : index
    %get3A_118 = tpu.vector_load %arg9[%get3A_116, %get3A_117] {strides = array<i32>} : memref<1x128xi32, #tpu.memory_space<vmem>>, vector<1x16xi32>,
    %get3A_119 = vector.shape_cast %get3A_118 : vector<1x16xi32> to vector<16xi32>
    %swap3A_120 = arith.constant 96 : index
    %swap3A_121 = tpu.vector_load %arg11[%swap3A_120] {strides = array<i32>} : memref<128xi32, #tpu.memory_space<vmem>>, vector<16xi32>,
    %swap3A_122 = vector.shape_cast %swap3A_121 : vector<16xi32> to vector<16xi32>
    %swap3A_123 = vector.shape_cast %get3A_119 : vector<16xi32> to vector<16xi32>
    tpu.vector_store %arg11[%swap3A_120], %swap3A_123 {strides = array<i32>} : memref<128xi32, #tpu.memory_space<vmem>>, vector<16xi32>,
    %get3A_124 = arith.constant 0 : i32
    %get3A_125 = arith.index_cast %get3A_124 : i32 to index
    %get3A_126 = arith.constant 112 : index
    %get3A_127 = tpu.vector_load %arg9[%get3A_125, %get3A_126] {strides = array<i32>} : memref<1x128xi32, #tpu.memory_space<vmem>>, vector<1x16xi32>,
    %get3A_128 = vector.shape_cast %get3A_127 : vector<1x16xi32> to vector<16xi32>
    %swap3A_129 = arith.constant 112 : index
    %swap3A_130 = tpu.vector_load %arg11[%swap3A_129] {strides = array<i32>} : memref<128xi32, #tpu.memory_space<vmem>>, vector<16xi32>,
    %swap3A_131 = vector.shape_cast %swap3A_130 : vector<16xi32> to vector<16xi32>
    %swap3A_132 = vector.shape_cast %get3A_128 : vector<16xi32> to vector<16xi32>
    tpu.vector_store %arg11[%swap3A_129], %swap3A_132 {strides = array<i32>} : memref<128xi32, #tpu.memory_space<vmem>>, vector<16xi32>,
    "tpu.region"() ({
      %run_scoped3A_255 = tpu.sem_alloc : memref<!tpu.dma_semaphore, #tpu.memory_space<semaphore_mem>>
      %dma_start3A_256 = arith.constant 0 : i32
      %dma_start3A_257 = arith.constant 0 : i32
      %dma_start3A_258 = tpu.memref_slice %arg13[%dma_start3A_256, %dma_start3A_257] : memref<10000x128xf32, #tpu.memory_space<vmem_shared>> -> memref<10000x128xf32, #tpu.memory_space<vmem_shared>>
      tpu.enqueue_indirect_dma source(%arg7 : memref<128x128xf32, #tpu.memory_space<vmem>>) target(%dma_start3A_258 : memref<10000x128xf32, #tpu.memory_space<vmem_shared>>) offsets(%arg11 : memref<128xi32, #tpu.memory_space<vmem>>) semaphore(%run_scoped3A_255 : memref<!tpu.dma_semaphore, #tpu.memory_space<semaphore_mem>>) {add = true}
      %dma_wait3A_259 = arith.constant 0 : i32
      %dma_wait3A_260 = arith.constant 0 : i32
      %dma_wait3A_261 = tpu.memref_slice %arg13[%dma_wait3A_259, %dma_wait3A_260] : memref<10000x128xf32, #tpu.memory_space<vmem_shared>> -> memref<10000x128xf32, #tpu.memory_space<vmem_shared>>
      tpu.wait_indirect_dma semaphore(%run_scoped3A_255 : memref<!tpu.dma_semaphore, #tpu.memory_space<semaphore_mem>>) src(%arg7 : memref<128x128xf32, #tpu.memory_space<vmem>>) dst(%dma_wait3A_261 : memref<10000x128xf32, #tpu.memory_space<vmem_shared>>)
      tpu.yield
    }) : () -> ()
    %dma_wait3A_133 = arith.constant 77 : i32
    %dma_wait3A_134 = arith.constant 0 : i32
    %dma_wait3A_135 = tpu.memref_slice %arg6[%dma_wait3A_133, %dma_wait3A_134] : memref<79x128xi32, #tpu.memory_space<vmem>> -> memref<1x128xi32, #tpu.memory_space<vmem>>
    %dma_wait3A_136 = tpu.memref_squeeze %dma_wait3A_135 : memref<1x128xi32, #tpu.memory_space<vmem>> -> memref<128xi32, #tpu.memory_space<vmem>>
    %dma_wait3A_137 = arith.constant 0 : i32
    %dma_wait3A_138 = arith.constant 0 : i32
    %dma_wait3A_139 = tpu.memref_slice %arg2[%dma_wait3A_137, %dma_wait3A_138] : memref<10000x128xf32, #tpu.memory_space<hbm>> -> memref<10000x128xf32, #tpu.memory_space<hbm>>
    tpu.wait_indirect_dma semaphore(%arg15 : memref<!tpu.dma_semaphore, #tpu.memory_space<semaphore_mem>>) src(%dma_wait3A_139 : memref<10000x128xf32, #tpu.memory_space<hbm>>) dst(%arg8 : memref<128x128xf32, #tpu.memory_space<vmem>>)
    %dma_wait3A_140 = arith.constant 77 : i32
    %dma_wait3A_141 = arith.constant 0 : i32
    %dma_wait3A_142 = arith.constant 0 : i32
    %dma_wait3A_143 = tpu.memref_slice %arg4[%add3A, %dma_wait3A_140, %dma_wait3A_141, %dma_wait3A_142] : memref<32x79x1x128xi32, #tpu.memory_space<hbm>> -> memref<1x1x1x128xi32, #tpu.memory_space<hbm>>
    %dma_wait3A_144 = tpu.memref_squeeze %dma_wait3A_143 : memref<1x1x1x128xi32, #tpu.memory_space<hbm>> -> memref<1x128xi32, #tpu.memory_space<hbm>>
    %dma_wait3A_145 = arith.constant 0 : i32
    %dma_wait3A_146 = arith.constant 0 : i32
    %dma_wait3A_147 = tpu.memref_slice %arg4[%add3A, %dma_wait3A_140, %dma_wait3A_145, %dma_wait3A_146] : memref<32x79x1x128xi32, #tpu.memory_space<hbm>> -> memref<1x1x1x128xi32, #tpu.memory_space<hbm>>
    %dma_wait3A_148 = tpu.memref_squeeze %dma_wait3A_147 : memref<1x1x1x128xi32, #tpu.memory_space<hbm>> -> memref<1x128xi32, #tpu.memory_space<hbm>>
    tpu.wait_dma2 semaphore(%arg17 : memref<!tpu.dma_semaphore, #tpu.memory_space<semaphore_mem>>) src(%dma_wait3A_148 : memref<1x128xi32, #tpu.memory_space<hbm>>) dst(%arg10 : memref<1x128xi32, #tpu.memory_space<vmem>>)
    %get3A_149 = arith.constant 0 : i32
    %get3A_150 = arith.index_cast %get3A_149 : i32 to index
    %get3A_151 = arith.constant 0 : index
    %get3A_152 = tpu.vector_load %arg10[%get3A_150, %get3A_151] {strides = array<i32>} : memref<1x128xi32, #tpu.memory_space<vmem>>, vector<1x16xi32>,
    %get3A_153 = vector.shape_cast %get3A_152 : vector<1x16xi32> to vector<16xi32>
    %swap3A_154 = arith.constant 0 : index
    %swap3A_155 = tpu.vector_load %arg12[%swap3A_154] {strides = array<i32>} : memref<128xi32, #tpu.memory_space<vmem>>, vector<16xi32>,
    %swap3A_156 = vector.shape_cast %swap3A_155 : vector<16xi32> to vector<16xi32>
    %swap3A_157 = vector.shape_cast %get3A_153 : vector<16xi32> to vector<16xi32>
    tpu.vector_store %arg12[%swap3A_154], %swap3A_157 {strides = array<i32>} : memref<128xi32, #tpu.memory_space<vmem>>, vector<16xi32>,
    %get3A_158 = arith.constant 0 : i32
    %get3A_159 = arith.index_cast %get3A_158 : i32 to index
    %get3A_160 = arith.constant 16 : index
    %get3A_161 = tpu.vector_load %arg10[%get3A_159, %get3A_160] {strides = array<i32>} : memref<1x128xi32, #tpu.memory_space<vmem>>, vector<1x16xi32>,
    %get3A_162 = vector.shape_cast %get3A_161 : vector<1x16xi32> to vector<16xi32>
    %swap3A_163 = arith.constant 16 : index
    %swap3A_164 = tpu.vector_load %arg12[%swap3A_163] {strides = array<i32>} : memref<128xi32, #tpu.memory_space<vmem>>, vector<16xi32>,
    %swap3A_165 = vector.shape_cast %swap3A_164 : vector<16xi32> to vector<16xi32>
    %swap3A_166 = vector.shape_cast %get3A_162 : vector<16xi32> to vector<16xi32>
    tpu.vector_store %arg12[%swap3A_163], %swap3A_166 {strides = array<i32>} : memref<128xi32, #tpu.memory_space<vmem>>, vector<16xi32>,
    %get3A_167 = arith.constant 0 : i32
    %get3A_168 = arith.index_cast %get3A_167 : i32 to index
    %get3A_169 = arith.constant 32 : index
    %get3A_170 = tpu.vector_load %arg10[%get3A_168, %get3A_169] {strides = array<i32>} : memref<1x128xi32, #tpu.memory_space<vmem>>, vector<1x16xi32>,
    %get3A_171 = vector.shape_cast %get3A_170 : vector<1x16xi32> to vector<16xi32>
    %swap3A_172 = arith.constant 32 : index
    %swap3A_173 = tpu.vector_load %arg12[%swap3A_172] {strides = array<i32>} : memref<128xi32, #tpu.memory_space<vmem>>, vector<16xi32>,
    %swap3A_174 = vector.shape_cast %swap3A_173 : vector<16xi32> to vector<16xi32>
    %swap3A_175 = vector.shape_cast %get3A_171 : vector<16xi32> to vector<16xi32>
    tpu.vector_store %arg12[%swap3A_172], %swap3A_175 {strides = array<i32>} : memref<128xi32, #tpu.memory_space<vmem>>, vector<16xi32>,
    %get3A_176 = arith.constant 0 : i32
    %get3A_177 = arith.index_cast %get3A_176 : i32 to index
    %get3A_178 = arith.constant 48 : index
    %get3A_179 = tpu.vector_load %arg10[%get3A_177, %get3A_178] {strides = array<i32>} : memref<1x128xi32, #tpu.memory_space<vmem>>, vector<1x16xi32>,
    %get3A_180 = vector.shape_cast %get3A_179 : vector<1x16xi32> to vector<16xi32>
    %swap3A_181 = arith.constant 48 : index
    %swap3A_182 = tpu.vector_load %arg12[%swap3A_181] {strides = array<i32>} : memref<128xi32, #tpu.memory_space<vmem>>, vector<16xi32>,
    %swap3A_183 = vector.shape_cast %swap3A_182 : vector<16xi32> to vector<16xi32>
    %swap3A_184 = vector.shape_cast %get3A_180 : vector<16xi32> to vector<16xi32>
    tpu.vector_store %arg12[%swap3A_181], %swap3A_184 {strides = array<i32>} : memref<128xi32, #tpu.memory_space<vmem>>, vector<16xi32>,
    %get3A_185 = arith.constant 0 : i32
    %get3A_186 = arith.index_cast %get3A_185 : i32 to index
    %get3A_187 = arith.constant 64 : index
    %get3A_188 = tpu.vector_load %arg10[%get3A_186, %get3A_187] {strides = array<i32>} : memref<1x128xi32, #tpu.memory_space<vmem>>, vector<1x16xi32>,
    %get3A_189 = vector.shape_cast %get3A_188 : vector<1x16xi32> to vector<16xi32>
    %swap3A_190 = arith.constant 64 : index
    %swap3A_191 = tpu.vector_load %arg12[%swap3A_190] {strides = array<i32>} : memref<128xi32, #tpu.memory_space<vmem>>, vector<16xi32>,
    %swap3A_192 = vector.shape_cast %swap3A_191 : vector<16xi32> to vector<16xi32>
    %swap3A_193 = vector.shape_cast %get3A_189 : vector<16xi32> to vector<16xi32>
    tpu.vector_store %arg12[%swap3A_190], %swap3A_193 {strides = array<i32>} : memref<128xi32, #tpu.memory_space<vmem>>, vector<16xi32>,
    %get3A_194 = arith.constant 0 : i32
    %get3A_195 = arith.index_cast %get3A_194 : i32 to index
    %get3A_196 = arith.constant 80 : index
    %get3A_197 = tpu.vector_load %arg10[%get3A_195, %get3A_196] {strides = array<i32>} : memref<1x128xi32, #tpu.memory_space<vmem>>, vector<1x16xi32>,
    %get3A_198 = vector.shape_cast %get3A_197 : vector<1x16xi32> to vector<16xi32>
    %swap3A_199 = arith.constant 80 : index
    %swap3A_200 = tpu.vector_load %arg12[%swap3A_199] {strides = array<i32>} : memref<128xi32, #tpu.memory_space<vmem>>, vector<16xi32>,
    %swap3A_201 = vector.shape_cast %swap3A_200 : vector<16xi32> to vector<16xi32>
    %swap3A_202 = vector.shape_cast %get3A_198 : vector<16xi32> to vector<16xi32>
    tpu.vector_store %arg12[%swap3A_199], %swap3A_202 {strides = array<i32>} : memref<128xi32, #tpu.memory_space<vmem>>, vector<16xi32>,
    %get3A_203 = arith.constant 0 : i32
    %get3A_204 = arith.index_cast %get3A_203 : i32 to index
    %get3A_205 = arith.constant 96 : index
    %get3A_206 = tpu.vector_load %arg10[%get3A_204, %get3A_205] {strides = array<i32>} : memref<1x128xi32, #tpu.memory_space<vmem>>, vector<1x16xi32>,
    %get3A_207 = vector.shape_cast %get3A_206 : vector<1x16xi32> to vector<16xi32>
    %swap3A_208 = arith.constant 96 : index
    %swap3A_209 = tpu.vector_load %arg12[%swap3A_208] {strides = array<i32>} : memref<128xi32, #tpu.memory_space<vmem>>, vector<16xi32>,
    %swap3A_210 = vector.shape_cast %swap3A_209 : vector<16xi32> to vector<16xi32>
    %swap3A_211 = vector.shape_cast %get3A_207 : vector<16xi32> to vector<16xi32>
    tpu.vector_store %arg12[%swap3A_208], %swap3A_211 {strides = array<i32>} : memref<128xi32, #tpu.memory_space<vmem>>, vector<16xi32>,
    %get3A_212 = arith.constant 0 : i32
    %get3A_213 = arith.index_cast %get3A_212 : i32 to index
    %get3A_214 = arith.constant 112 : index
    %get3A_215 = tpu.vector_load %arg10[%get3A_213, %get3A_214] {strides = array<i32>} : memref<1x128xi32, #tpu.memory_space<vmem>>, vector<1x16xi32>,
    %get3A_216 = vector.shape_cast %get3A_215 : vector<1x16xi32> to vector<16xi32>
    %swap3A_217 = arith.constant 112 : index
    %swap3A_218 = tpu.vector_load %arg12[%swap3A_217] {strides = array<i32>} : memref<128xi32, #tpu.memory_space<vmem>>, vector<16xi32>,
    %swap3A_219 = vector.shape_cast %swap3A_218 : vector<16xi32> to vector<16xi32>
    %swap3A_220 = vector.shape_cast %get3A_216 : vector<16xi32> to vector<16xi32>
    tpu.vector_store %arg12[%swap3A_217], %swap3A_220 {strides = array<i32>} : memref<128xi32, #tpu.memory_space<vmem>>, vector<16xi32>,
    "tpu.region"() ({
      %run_scoped3A_255 = tpu.sem_alloc : memref<!tpu.dma_semaphore, #tpu.memory_space<semaphore_mem>>
      %dma_start3A_256 = arith.constant 0 : i32
      %dma_start3A_257 = arith.constant 0 : i32
      %dma_start3A_258 = tpu.memref_slice %arg13[%dma_start3A_256, %dma_start3A_257] : memref<10000x128xf32, #tpu.memory_space<vmem_shared>> -> memref<10000x128xf32, #tpu.memory_space<vmem_shared>>
      tpu.enqueue_indirect_dma source(%arg8 : memref<128x128xf32, #tpu.memory_space<vmem>>) target(%dma_start3A_258 : memref<10000x128xf32, #tpu.memory_space<vmem_shared>>) offsets(%arg12 : memref<128xi32, #tpu.memory_space<vmem>>) semaphore(%run_scoped3A_255 : memref<!tpu.dma_semaphore, #tpu.memory_space<semaphore_mem>>) {add = true}
      %dma_wait3A_259 = arith.constant 0 : i32
      %dma_wait3A_260 = arith.constant 0 : i32
      %dma_wait3A_261 = tpu.memref_slice %arg13[%dma_wait3A_259, %dma_wait3A_260] : memref<10000x128xf32, #tpu.memory_space<vmem_shared>> -> memref<10000x128xf32, #tpu.memory_space<vmem_shared>>
      tpu.wait_indirect_dma semaphore(%run_scoped3A_255 : memref<!tpu.dma_semaphore, #tpu.memory_space<semaphore_mem>>) src(%arg8 : memref<128x128xf32, #tpu.memory_space<vmem>>) dst(%dma_wait3A_261 : memref<10000x128xf32, #tpu.memory_space<vmem_shared>>)
      tpu.yield
    }) : () -> ()
    %run_scoped3A = arith.constant 78 : i32
    "tpu.region"() ({
      %run_scoped3A_255 = tpu.sem_alloc : memref<!tpu.dma_semaphore, #tpu.memory_space<semaphore_mem>>
      %dma_start3A_256 = arith.constant 0 : i32
      %dma_start3A_257 = arith.constant 0 : i32
      %dma_start3A_258 = tpu.memref_slice %arg4[%add3A, %run_scoped3A, %dma_start3A_256, %dma_start3A_257] : memref<32x79x1x128xi32, #tpu.memory_space<hbm>> -> memref<1x1x1x128xi32, #tpu.memory_space<hbm>>
      %dma_start3A_259 = tpu.memref_squeeze %dma_start3A_258 : memref<1x1x1x128xi32, #tpu.memory_space<hbm>> -> memref<1x128xi32, #tpu.memory_space<hbm>>
      %dma_start3A_260 = arith.constant 0 : i32
      %dma_start3A_261 = arith.constant 0 : i32
      %dma_start3A_262 = tpu.memref_slice %arg4[%add3A, %run_scoped3A, %dma_start3A_260, %dma_start3A_261] : memref<32x79x1x128xi32, #tpu.memory_space<hbm>> -> memref<1x1x1x128xi32, #tpu.memory_space<hbm>>
      %dma_start3A_263 = tpu.memref_squeeze %dma_start3A_262 : memref<1x1x1x128xi32, #tpu.memory_space<hbm>> -> memref<1x128xi32, #tpu.memory_space<hbm>>
      tpu.enqueue_dma source(%dma_start3A_263 : memref<1x128xi32, #tpu.memory_space<hbm>>) target(%arg9 : memref<1x128xi32, #tpu.memory_space<vmem>>) target_semaphore(%run_scoped3A_255 : memref<!tpu.dma_semaphore, #tpu.memory_space<semaphore_mem>>)
      %dma_wait3A_264 = arith.constant 0 : i32
      %dma_wait3A_265 = arith.constant 0 : i32
      %dma_wait3A_266 = tpu.memref_slice %arg4[%add3A, %run_scoped3A, %dma_wait3A_264, %dma_wait3A_265] : memref<32x79x1x128xi32, #tpu.memory_space<hbm>> -> memref<1x1x1x128xi32, #tpu.memory_space<hbm>>
      %dma_wait3A_267 = tpu.memref_squeeze %dma_wait3A_266 : memref<1x1x1x128xi32, #tpu.memory_space<hbm>> -> memref<1x128xi32, #tpu.memory_space<hbm>>
      %dma_wait3A_268 = arith.constant 0 : i32
      %dma_wait3A_269 = arith.constant 0 : i32
      %dma_wait3A_270 = tpu.memref_slice %arg4[%add3A, %run_scoped3A, %dma_wait3A_268, %dma_wait3A_269] : memref<32x79x1x128xi32, #tpu.memory_space<hbm>> -> memref<1x1x1x128xi32, #tpu.memory_space<hbm>>
      %dma_wait3A_271 = tpu.memref_squeeze %dma_wait3A_270 : memref<1x1x1x128xi32, #tpu.memory_space<hbm>> -> memref<1x128xi32, #tpu.memory_space<hbm>>
      tpu.wait_dma2 semaphore(%run_scoped3A_255 : memref<!tpu.dma_semaphore, #tpu.memory_space<semaphore_mem>>) src(%dma_wait3A_271 : memref<1x128xi32, #tpu.memory_space<hbm>>) dst(%arg9 : memref<1x128xi32, #tpu.memory_space<vmem>>)
      tpu.yield
    }) : () -> ()
    %get3A_221 = arith.constant 78 : i32
    %get3A_222 = arith.index_cast %get3A_221 : i32 to index
    %get3A_223 = arith.constant 0 : index
    %get3A_224 = tpu.vector_load %arg6[%get3A_222, %get3A_223] {strides = array<i32>} : memref<79x128xi32, #tpu.memory_space<vmem>>, vector<1x16xi32>,
    %get3A_225 = vector.shape_cast %get3A_224 : vector<1x16xi32> to vector<16xi32>
    %swap3A_226 = arith.constant 0 : index
    %swap3A_227 = tpu.vector_load %arg18[%swap3A_226] {strides = array<i32>} : memref<16xi32, #tpu.memory_space<vmem>>, vector<16xi32>,
    %swap3A_228 = vector.shape_cast %swap3A_227 : vector<16xi32> to vector<16xi32>
    %swap3A_229 = vector.shape_cast %get3A_225 : vector<16xi32> to vector<16xi32>
    tpu.vector_store %arg18[%swap3A_226], %swap3A_229 {strides = array<i32>} : memref<16xi32, #tpu.memory_space<vmem>>, vector<16xi32>,
    %get3A_230 = arith.constant 0 : i32
    %get3A_231 = arith.index_cast %get3A_230 : i32 to index
    %get3A_232 = arith.constant 0 : index
    %get3A_233 = tpu.vector_load %arg9[%get3A_231, %get3A_232] {strides = array<i32>} : memref<1x128xi32, #tpu.memory_space<vmem>>, vector<1x16xi32>,
    %get3A_234 = vector.shape_cast %get3A_233 : vector<1x16xi32> to vector<16xi32>
    %swap3A_235 = arith.constant 0 : index
    %swap3A_236 = tpu.vector_load %arg19[%swap3A_235] {strides = array<i32>} : memref<16xi32, #tpu.memory_space<vmem>>, vector<16xi32>,
    %swap3A_237 = vector.shape_cast %swap3A_236 : vector<16xi32> to vector<16xi32>
    %swap3A_238 = vector.shape_cast %get3A_234 : vector<16xi32> to vector<16xi32>
    tpu.vector_store %arg19[%swap3A_235], %swap3A_238 {strides = array<i32>} : memref<16xi32, #tpu.memory_space<vmem>>, vector<16xi32>,
    %dma_start3A_239 = arith.constant 0 : i32
    %dma_start3A_240 = arith.constant 0 : i32
    %dma_start3A_241 = tpu.memref_slice %arg2[%dma_start3A_239, %dma_start3A_240] : memref<10000x128xf32, #tpu.memory_space<hbm>> -> memref<10000x128xf32, #tpu.memory_space<hbm>>
    tpu.enqueue_indirect_dma source(%dma_start3A_241 : memref<10000x128xf32, #tpu.memory_space<hbm>>) target(%arg20 : memref<16x128xf32, #tpu.memory_space<vmem>>) offsets(%arg18 : memref<16xi32, #tpu.memory_space<vmem>>) semaphore(%arg14 : memref<!tpu.dma_semaphore, #tpu.memory_space<semaphore_mem>>)
    %dma_wait3A_242 = arith.constant 0 : i32
    %dma_wait3A_243 = arith.constant 0 : i32
    %dma_wait3A_244 = tpu.memref_slice %arg2[%dma_wait3A_242, %dma_wait3A_243] : memref<10000x128xf32, #tpu.memory_space<hbm>> -> memref<10000x128xf32, #tpu.memory_space<hbm>>
    tpu.wait_indirect_dma semaphore(%arg14 : memref<!tpu.dma_semaphore, #tpu.memory_space<semaphore_mem>>) src(%dma_wait3A_244 : memref<10000x128xf32, #tpu.memory_space<hbm>>) dst(%arg20 : memref<16x128xf32, #tpu.memory_space<vmem>>)
    "tpu.region"() ({
      %run_scoped3A_255 = tpu.sem_alloc : memref<!tpu.dma_semaphore, #tpu.memory_space<semaphore_mem>>
      %dma_start3A_256 = arith.constant 0 : i32
      %dma_start3A_257 = arith.constant 0 : i32
      %dma_start3A_258 = tpu.memref_slice %arg13[%dma_start3A_256, %dma_start3A_257] : memref<10000x128xf32, #tpu.memory_space<vmem_shared>> -> memref<10000x128xf32, #tpu.memory_space<vmem_shared>>
      tpu.enqueue_indirect_dma source(%arg20 : memref<16x128xf32, #tpu.memory_space<vmem>>) target(%dma_start3A_258 : memref<10000x128xf32, #tpu.memory_space<vmem_shared>>) offsets(%arg19 : memref<16xi32, #tpu.memory_space<vmem>>) semaphore(%run_scoped3A_255 : memref<!tpu.dma_semaphore, #tpu.memory_space<semaphore_mem>>) {add = true}
      %dma_wait3A_259 = arith.constant 0 : i32
      %dma_wait3A_260 = arith.constant 0 : i32
      %dma_wait3A_261 = tpu.memref_slice %arg13[%dma_wait3A_259, %dma_wait3A_260] : memref<10000x128xf32, #tpu.memory_space<vmem_shared>> -> memref<10000x128xf32, #tpu.memory_space<vmem_shared>>
      tpu.wait_indirect_dma semaphore(%run_scoped3A_255 : memref<!tpu.dma_semaphore, #tpu.memory_space<semaphore_mem>>) src(%arg20 : memref<16x128xf32, #tpu.memory_space<vmem>>) dst(%dma_wait3A_261 : memref<10000x128xf32, #tpu.memory_space<vmem_shared>>)
      tpu.yield
    }) : () -> ()
    %barrier3A_245 = arith.constant 0 : index
    tpu.barrier barrier_id(%barrier3A_245)
    %mul3A_246 = arith.constant 624 : i32
    %mul3A_247 = arith.muli %arg1, %mul3A_246 : i32
    %mul3A_248 = arith.constant 624 : i32
    %mul3A_249 = arith.muli %arg1, %mul3A_248 : i32
    "tpu.region"() ({
      %run_scoped3A_255 = tpu.sem_alloc : memref<!tpu.dma_semaphore, #tpu.memory_space<semaphore_mem>>
      %dma_start3A_256 = arith.constant 0 : i32
      %dma_start3A_257 = tpu.memref_slice %arg5[%arg0, %mul3A_249, %dma_start3A_256] : memref<2x10000x128xf32, #tpu.memory_space<hbm>> -> memref<1x624x128xf32, #tpu.memory_space<hbm>>
      %dma_start3A_258 = tpu.memref_squeeze %dma_start3A_257 : memref<1x624x128xf32, #tpu.memory_space<hbm>> -> memref<624x128xf32, #tpu.memory_space<hbm>>
      %dma_start3A_259 = arith.constant 0 : i32
      %dma_start3A_260 = tpu.memref_slice %arg13[%mul3A_247, %dma_start3A_259] : memref<10000x128xf32, #tpu.memory_space<vmem_shared>> -> memref<624x128xf32, #tpu.memory_space<vmem_shared>>
      tpu.enqueue_dma source(%dma_start3A_260 : memref<624x128xf32, #tpu.memory_space<vmem_shared>>) target(%dma_start3A_258 : memref<624x128xf32, #tpu.memory_space<hbm>>) target_semaphore(%run_scoped3A_255 : memref<!tpu.dma_semaphore, #tpu.memory_space<semaphore_mem>>)
      %dma_wait3A_261 = arith.constant 0 : i32
      %dma_wait3A_262 = tpu.memref_slice %arg5[%arg0, %mul3A_249, %dma_wait3A_261] : memref<2x10000x128xf32, #tpu.memory_space<hbm>> -> memref<1x624x128xf32, #tpu.memory_space<hbm>>
      %dma_wait3A_263 = tpu.memref_squeeze %dma_wait3A_262 : memref<1x624x128xf32, #tpu.memory_space<hbm>> -> memref<624x128xf32, #tpu.memory_space<hbm>>
      %dma_wait3A_264 = arith.constant 0 : i32
      %dma_wait3A_265 = tpu.memref_slice %arg13[%mul3A_247, %dma_wait3A_264] : memref<10000x128xf32, #tpu.memory_space<vmem_shared>> -> memref<624x128xf32, #tpu.memory_space<vmem_shared>>
      tpu.wait_dma2 semaphore(%run_scoped3A_255 : memref<!tpu.dma_semaphore, #tpu.memory_space<semaphore_mem>>) src(%dma_wait3A_265 : memref<624x128xf32, #tpu.memory_space<vmem_shared>>) dst(%dma_wait3A_263 : memref<624x128xf32, #tpu.memory_space<hbm>>)
      tpu.yield
    }) : () -> ()
    %eq3A_250 = arith.constant 15 : i32
    %eq3A_251 = arith.cmpi eq, %arg1, %eq3A_250 : i32
    %convert_element_type3A_252 = arith.extui %eq3A_251 : i1 to i32
    %cond3A_253 = arith.constant 0 : i32
    %cond3A_254 = arith.cmpi ne, %convert_element_type3A_252, %cond3A_253 : i32
    scf.if %cond3A_254 {
      "tpu.region"() ({
        %run_scoped3A_255 = tpu.sem_alloc : memref<!tpu.dma_semaphore, #tpu.memory_space<semaphore_mem>>
        %dma_start3A_256 = arith.constant 9984 : i32
        %dma_start3A_257 = arith.constant 0 : i32
        %dma_start3A_258 = tpu.memref_slice %arg5[%arg0, %dma_start3A_256, %dma_start3A_257] : memref<2x10000x128xf32, #tpu.memory_space<hbm>> -> memref<1x16x128xf32, #tpu.memory_space<hbm>>
        %dma_start3A_259 = tpu.memref_squeeze %dma_start3A_258 : memref<1x16x128xf32, #tpu.memory_space<hbm>> -> memref<16x128xf32, #tpu.memory_space<hbm>>
        %dma_start3A_260 = arith.constant 9984 : i32
        %dma_start3A_261 = arith.constant 0 : i32
        %dma_start3A_262 = tpu.memref_slice %arg13[%dma_start3A_260, %dma_start3A_261] : memref<10000x128xf32, #tpu.memory_space<vmem_shared>> -> memref<16x128xf32, #tpu.memory_space<vmem_shared>>
        tpu.enqueue_dma source(%dma_start3A_262 : memref<16x128xf32, #tpu.memory_space<vmem_shared>>) target(%dma_start3A_259 : memref<16x128xf32, #tpu.memory_space<hbm>>) target_semaphore(%run_scoped3A_255 : memref<!tpu.dma_semaphore, #tpu.memory_space<semaphore_mem>>)
        %dma_wait3A_263 = arith.constant 9984 : i32
        %dma_wait3A_264 = arith.constant 0 : i32
        %dma_wait3A_265 = tpu.memref_slice %arg5[%arg0, %dma_wait3A_263, %dma_wait3A_264] : memref<2x10000x128xf32, #tpu.memory_space<hbm>> -> memref<1x16x128xf32, #tpu.memory_space<hbm>>
        %dma_wait3A_266 = tpu.memref_squeeze %dma_wait3A_265 : memref<1x16x128xf32, #tpu.memory_space<hbm>> -> memref<16x128xf32, #tpu.memory_space<hbm>>
        %dma_wait3A_267 = arith.constant 9984 : i32
        %dma_wait3A_268 = arith.constant 0 : i32
        %dma_wait3A_269 = tpu.memref_slice %arg13[%dma_wait3A_267, %dma_wait3A_268] : memref<10000x128xf32, #tpu.memory_space<vmem_shared>> -> memref<16x128xf32, #tpu.memory_space<vmem_shared>>
        tpu.wait_dma2 semaphore(%run_scoped3A_255 : memref<!tpu.dma_semaphore, #tpu.memory_space<semaphore_mem>>) src(%dma_wait3A_269 : memref<16x128xf32, #tpu.memory_space<vmem_shared>>) dst(%dma_wait3A_266 : memref<16x128xf32, #tpu.memory_space<hbm>>)
        tpu.yield
      }) : () -> ()
    } else {
    }
    return
  }
}

#map = affine_map<(d0, d1) -> (0, 0)>
#map1 = affine_map<(d0, d1) -> (0, 0, 0)>
#map2 = affine_map<(d0, d1) -> (0, 0, 0, 0)>
module attributes {stable_mosaic.version = 14 : i64} {
  func.func @k(%arg0: i32, %arg1: i32, %arg2: memref<10000x128xf32, #tpu.memory_space<hbm>>, %arg3: memref<32x79x128xi32, #tpu.memory_space<hbm>>, %arg4: memref<32x79x1x128xi32, #tpu.memory_space<hbm>>, %arg5: memref<2x10000x128xf32, #tpu.memory_space<hbm>>, %arg6: memref<79x128xi32, #tpu.memory_space<vmem>>, %arg7: memref<128x128xf32, #tpu.memory_space<vmem>>, %arg8: memref<128x128xf32, #tpu.memory_space<vmem>>, %arg9: memref<1x128xi32, #tpu.memory_space<vmem>>, %arg10: memref<1x128xi32, #tpu.memory_space<vmem>>, %arg11: memref<128xi32, #tpu.memory_space<vmem>>, %arg12: memref<128xi32, #tpu.memory_space<vmem>>, %arg13: memref<10000x128xf32, #tpu.memory_space<vmem_shared>>, %arg14: memref<!tpu.dma_semaphore, #tpu.memory_space<semaphore_mem>>, %arg15: memref<!tpu.dma_semaphore, #tpu.memory_space<semaphore_mem>>, %arg16: memref<!tpu.dma_semaphore, #tpu.memory_space<semaphore_mem>>, %arg17: memref<!tpu.dma_semaphore, #tpu.memory_space<semaphore_mem>>, %arg18: memref<16xi32, #tpu.memory_space<vmem>>, %arg19: memref<16xi32, #tpu.memory_space<vmem>>, %arg20: memref<16x128xf32, #tpu.memory_space<vmem>>) attributes {dimension_semantics = [#tpu.dimension_semantics<core_parallel>, #tpu.dimension_semantics<subcore_parallel>], iteration_bounds = array<i64: 2, 16>, scalar_prefetch = 0 : i64, scratch_operands = 15 : i64, tpu.core_type = #tpu.core_type<sc_vector_subcore>, window_params = [{transform_indices = #map}, {transform_indices = #map1}, {transform_indices = #map2}, {transform_indices = #map1}]} {
    %mul3A = arith.constant 16 : i32
    %mul3A_0 = arith.muli %arg0, %mul3A : i32
    %add3A = arith.addi %mul3A_0, %arg1 : i32
    "tpu.region"() ({
      %run_scoped3A_255 = tpu.sem_alloc : memref<!tpu.dma_semaphore, #tpu.memory_space<semaphore_mem>>
      %dma_start3A_256 = arith.constant 0 : i32
      %dma_start3A_257 = arith.constant 0 : i32
      %dma_start3A_258 = tpu.memref_slice %arg3[%add3A, %dma_start3A_256, %dma_start3A_257] : memref<32x79x128xi32, #tpu.memory_space<hbm>> -> memref<1x79x128xi32, #tpu.memory_space<hbm>>
      %dma_start3A_259 = tpu.memref_squeeze %dma_start3A_258 : memref<1x79x128xi32, #tpu.memory_space<hbm>> -> memref<79x128xi32, #tpu.memory_space<hbm>>
      %dma_start3A_260 = arith.constant 0 : i32
      %dma_start3A_261 = arith.constant 0 : i32
      %dma_start3A_262 = tpu.memref_slice %arg3[%add3A, %dma_start3A_260, %dma_start3A_261] : memref<32x79x128xi32, #tpu.memory_space<hbm>> -> memref<1x79x128xi32, #tpu.memory_space<hbm>>
      %dma_start3A_263 = tpu.memref_squeeze %dma_start3A_262 : memref<1x79x128xi32, #tpu.memory_space<hbm>> -> memref<79x128xi32, #tpu.memory_space<hbm>>
      tpu.enqueue_dma source(%dma_start3A_263 : memref<79x128xi32, #tpu.memory_space<hbm>>) target(%arg6 : memref<79x128xi32, #tpu.memory_space<vmem>>) target_semaphore(%run_scoped3A_255 : memref<!tpu.dma_semaphore, #tpu.memory_space<semaphore_mem>>)
      %dma_wait3A_264 = arith.constant 0 : i32
      %dma_wait3A_265 = arith.constant 0 : i32
      %dma_wait3A_266 = tpu.memref_slice %arg3[%add3A, %dma_wait3A_264, %dma_wait3A_265] : memref<32x79x128xi32, #tpu.memory_space<hbm>> -> memref<1x79x128xi32, #tpu.memory_space<hbm>>
      %dma_wait3A_267 = tpu.memref_squeeze %dma_wait3A_266 : memref<1x79x128xi32, #tpu.memory_space<hbm>> -> memref<79x128xi32, #tpu.memory_space<hbm>>
      %dma_wait3A_268 = arith.constant 0 : i32
      %dma_wait3A_269 = arith.constant 0 : i32
      %dma_wait3A_270 = tpu.memref_slice %arg3[%add3A, %dma_wait3A_268, %dma_wait3A_269] : memref<32x79x128xi32, #tpu.memory_space<hbm>> -> memref<1x79x128xi32, #tpu.memory_space<hbm>>
      %dma_wait3A_271 = tpu.memref_squeeze %dma_wait3A_270 : memref<1x79x128xi32, #tpu.memory_space<hbm>> -> memref<79x128xi32, #tpu.memory_space<hbm>>
      tpu.wait_dma2 semaphore(%run_scoped3A_255 : memref<!tpu.dma_semaphore, #tpu.memory_space<semaphore_mem>>) src(%dma_wait3A_271 : memref<79x128xi32, #tpu.memory_space<hbm>>) dst(%arg6 : memref<79x128xi32, #tpu.memory_space<vmem>>)
      tpu.yield
    }) : () -> ()
    %scan3A = arith.constant 0 : i32
    %scan3A_1 = arith.constant 104 : i32
    %scan3A_2 = arith.addi %scan3A, %scan3A_1 : i32
    %scan3A_3 = arith.constant 1 : i32
    scf.for %scan3A_255 = %scan3A to %scan3A_2 step %scan3A_3  : i32 {
      %mul3A_256 = arith.constant 1 : i32
      %mul3A_257 = arith.muli %scan3A_255, %mul3A_256 : i32
      %add3A_258 = arith.constant 0 : i32
      %add3A_259 = arith.addi %add3A_258, %mul3A_257 : i32
      %scan3A_260 = arith.constant 0 : i32
      %scan3A_261 = arith.constant 8 : i32
      %scan3A_262 = arith.addi %scan3A_260, %scan3A_261 : i32
      %scan3A_263 = arith.constant 1 : i32
      scf.for %scan3A_265 = %scan3A_260 to %scan3A_262 step %scan3A_263  : i32 {
        %mul3A_266 = arith.constant 16 : i32
        %mul3A_267 = arith.muli %scan3A_265, %mul3A_266 : i32
        %add3A_268 = arith.constant 0 : i32
        %add3A_269 = arith.addi %add3A_268, %mul3A_267 : i32
        %broadcast_in_dim3A = arith.constant 0.000000e+00 : f32
        %broadcast_in_dim3A_270 = vector.broadcast %broadcast_in_dim3A : f32 to vector<16xf32>
        %swap3A_271 = arith.index_cast %add3A_259 : i32 to index
        %swap3A_272 = arith.index_cast %add3A_269 : i32 to index
        %swap3A_273 = tpu.vector_load %arg7[%swap3A_271, %swap3A_272] {strides = array<i32>} : memref<128x128xf32, #tpu.memory_space<vmem>>, vector<1x16xf32>,
        %swap3A_274 = vector.shape_cast %swap3A_273 : vector<1x16xf32> to vector<16xf32>
        %swap3A_275 = vector.shape_cast %broadcast_in_dim3A_270 : vector<16xf32> to vector<1x16xf32>
        tpu.vector_store %arg7[%swap3A_271, %swap3A_272], %swap3A_275 {strides = array<i32>} : memref<128x128xf32, #tpu.memory_space<vmem>>, vector<1x16xf32>,
      }
      %scan3A_264 = arith.constant 8 : i32
    }
    %scan3A_4 = arith.constant 104 : i32
    %scan3A_5 = arith.constant 0 : i32
    %scan3A_6 = arith.constant 6 : i32
    %scan3A_7 = arith.addi %scan3A_5, %scan3A_6 : i32
    %scan3A_8 = arith.constant 1 : i32
    scf.for %scan3A_255 = %scan3A_5 to %scan3A_7 step %scan3A_8  : i32 {
      %mul3A_256 = arith.constant 104 : i32
      %mul3A_257 = arith.muli %scan3A_255, %mul3A_256 : i32
      %add3A_258 = arith.constant 0 : i32
      %add3A_259 = arith.addi %add3A_258, %mul3A_257 : i32
      %mul3A_260 = arith.constant 624 : i32
      %mul3A_261 = arith.muli %arg1, %mul3A_260 : i32
      %add3A_262 = arith.addi %mul3A_261, %add3A_259 : i32
      "tpu.region"() ({
        %run_scoped3A_263 = tpu.sem_alloc : memref<!tpu.dma_semaphore, #tpu.memory_space<semaphore_mem>>
        %dma_start3A_264 = arith.constant 0 : i32
        %dma_start3A_265 = arith.constant 0 : i32
        %dma_start3A_266 = tpu.memref_slice %arg7[%dma_start3A_264, %dma_start3A_265] : memref<128x128xf32, #tpu.memory_space<vmem>> -> memref<104x128xf32, #tpu.memory_space<vmem>>
        %dma_start3A_267 = arith.constant 0 : i32
        %dma_start3A_268 = tpu.memref_slice %arg13[%add3A_262, %dma_start3A_267] : memref<10000x128xf32, #tpu.memory_space<vmem_shared>> -> memref<104x128xf32, #tpu.memory_space<vmem_shared>>
        %dma_start3A_269 = arith.constant 0 : i32
        %dma_start3A_270 = tpu.memref_slice %arg13[%add3A_262, %dma_start3A_269] : memref<10000x128xf32, #tpu.memory_space<vmem_shared>> -> memref<104x128xf32, #tpu.memory_space<vmem_shared>>
        %dma_start3A_271 = arith.constant 0 : i32
        %dma_start3A_272 = arith.constant 0 : i32
        %dma_start3A_273 = tpu.memref_slice %arg7[%dma_start3A_271, %dma_start3A_272] : memref<128x128xf32, #tpu.memory_space<vmem>> -> memref<104x128xf32, #tpu.memory_space<vmem>>
        tpu.enqueue_dma source(%dma_start3A_273 : memref<104x128xf32, #tpu.memory_space<vmem>>) target(%dma_start3A_270 : memref<104x128xf32, #tpu.memory_space<vmem_shared>>) target_semaphore(%run_scoped3A_263 : memref<!tpu.dma_semaphore, #tpu.memory_space<semaphore_mem>>)
        %dma_wait3A_274 = arith.constant 0 : i32
        %dma_wait3A_275 = arith.constant 0 : i32
        %dma_wait3A_276 = tpu.memref_slice %arg7[%dma_wait3A_274, %dma_wait3A_275] : memref<128x128xf32, #tpu.memory_space<vmem>> -> memref<104x128xf32, #tpu.memory_space<vmem>>
        %dma_wait3A_277 = arith.constant 0 : i32
        %dma_wait3A_278 = tpu.memref_slice %arg13[%add3A_262, %dma_wait3A_277] : memref<10000x128xf32, #tpu.memory_space<vmem_shared>> -> memref<104x128xf32, #tpu.memory_space<vmem_shared>>
        %dma_wait3A_279 = arith.constant 0 : i32
        %dma_wait3A_280 = tpu.memref_slice %arg13[%add3A_262, %dma_wait3A_279] : memref<10000x128xf32, #tpu.memory_space<vmem_shared>> -> memref<104x128xf32, #tpu.memory_space<vmem_shared>>
        %dma_wait3A_281 = arith.constant 0 : i32
        %dma_wait3A_282 = arith.constant 0 : i32
        %dma_wait3A_283 = tpu.memref_slice %arg7[%dma_wait3A_281, %dma_wait3A_282] : memref<128x128xf32, #tpu.memory_space<vmem>> -> memref<104x128xf32, #tpu.memory_space<vmem>>
        tpu.wait_dma2 semaphore(%run_scoped3A_263 : memref<!tpu.dma_semaphore, #tpu.memory_space<semaphore_mem>>) src(%dma_wait3A_283 : memref<104x128xf32, #tpu.memory_space<vmem>>) dst(%dma_wait3A_280 : memref<104x128xf32, #tpu.memory_space<vmem_shared>>)
        tpu.yield
      }) : () -> ()
    }
    %scan3A_9 = arith.constant 6 : i32
    %eq3A = arith.constant 15 : i32
    %eq3A_10 = arith.cmpi eq, %arg1, %eq3A : i32
    %convert_element_type3A = arith.extui %eq3A_10 : i1 to i32
    %cond3A = arith.constant 0 : i32
    %cond3A_11 = arith.cmpi ne, %convert_element_type3A, %cond3A : i32
    scf.if %cond3A_11 {
      "tpu.region"() ({
        %run_scoped3A_255 = tpu.sem_alloc : memref<!tpu.dma_semaphore, #tpu.memory_space<semaphore_mem>>
        %dma_start3A_256 = arith.constant 0 : i32
        %dma_start3A_257 = arith.constant 0 : i32
        %dma_start3A_258 = tpu.memref_slice %arg7[%dma_start3A_256, %dma_start3A_257] : memref<128x128xf32, #tpu.memory_space<vmem>> -> memref<16x128xf32, #tpu.memory_space<vmem>>
        %dma_start3A_259 = arith.constant 9984 : i32
        %dma_start3A_260 = arith.constant 0 : i32
        %dma_start3A_261 = tpu.memref_slice %arg13[%dma_start3A_259, %dma_start3A_260] : memref<10000x128xf32, #tpu.memory_space<vmem_shared>> -> memref<16x128xf32, #tpu.memory_space<vmem_shared>>
        %dma_start3A_262 = arith.constant 9984 : i32
        %dma_start3A_263 = arith.constant 0 : i32
        %dma_start3A_264 = tpu.memref_slice %arg13[%dma_start3A_262, %dma_start3A_263] : memref<10000x128xf32, #tpu.memory_space<vmem_shared>> -> memref<16x128xf32, #tpu.memory_space<vmem_shared>>
        %dma_start3A_265 = arith.constant 0 : i32
        %dma_start3A_266 = arith.constant 0 : i32
        %dma_start3A_267 = tpu.memref_slice %arg7[%dma_start3A_265, %dma_start3A_266] : memref<128x128xf32, #tpu.memory_space<vmem>> -> memref<16x128xf32, #tpu.memory_space<vmem>>
        tpu.enqueue_dma source(%dma_start3A_267 : memref<16x128xf32, #tpu.memory_space<vmem>>) target(%dma_start3A_264 : memref<16x128xf32, #tpu.memory_space<vmem_shared>>) target_semaphore(%run_scoped3A_255 : memref<!tpu.dma_semaphore, #tpu.memory_space<semaphore_mem>>)
        %dma_wait3A_268 = arith.constant 0 : i32
        %dma_wait3A_269 = arith.constant 0 : i32
        %dma_wait3A_270 = tpu.memref_slice %arg7[%dma_wait3A_268, %dma_wait3A_269] : memref<128x128xf32, #tpu.memory_space<vmem>> -> memref<16x128xf32, #tpu.memory_space<vmem>>
        %dma_wait3A_271 = arith.constant 9984 : i32
        %dma_wait3A_272 = arith.constant 0 : i32
        %dma_wait3A_273 = tpu.memref_slice %arg13[%dma_wait3A_271, %dma_wait3A_272] : memref<10000x128xf32, #tpu.memory_space<vmem_shared>> -> memref<16x128xf32, #tpu.memory_space<vmem_shared>>
        %dma_wait3A_274 = arith.constant 9984 : i32
        %dma_wait3A_275 = arith.constant 0 : i32
        %dma_wait3A_276 = tpu.memref_slice %arg13[%dma_wait3A_274, %dma_wait3A_275] : memref<10000x128xf32, #tpu.memory_space<vmem_shared>> -> memref<16x128xf32, #tpu.memory_space<vmem_shared>>
        %dma_wait3A_277 = arith.constant 0 : i32
        %dma_wait3A_278 = arith.constant 0 : i32
        %dma_wait3A_279 = tpu.memref_slice %arg7[%dma_wait3A_277, %dma_wait3A_278] : memref<128x128xf32, #tpu.memory_space<vmem>> -> memref<16x128xf32, #tpu.memory_space<vmem>>
        tpu.wait_dma2 semaphore(%run_scoped3A_255 : memref<!tpu.dma_semaphore, #tpu.memory_space<semaphore_mem>>) src(%dma_wait3A_279 : memref<16x128xf32, #tpu.memory_space<vmem>>) dst(%dma_wait3A_276 : memref<16x128xf32, #tpu.memory_space<vmem_shared>>)
        tpu.yield
      }) : () -> ()
    } else {
    }
    %barrier3A = arith.constant 0 : index
    tpu.barrier barrier_id(%barrier3A)
    %dma_start3A = arith.constant 0 : i32
    %dma_start3A_12 = arith.constant 0 : i32
    %dma_start3A_13 = tpu.memref_slice %arg6[%dma_start3A, %dma_start3A_12] : memref<79x128xi32, #tpu.memory_space<vmem>> -> memref<1x128xi32, #tpu.memory_space<vmem>>
    %dma_start3A_14 = tpu.memref_squeeze %dma_start3A_13 : memref<1x128xi32, #tpu.memory_space<vmem>> -> memref<128xi32, #tpu.memory_space<vmem>>
    %dma_start3A_15 = arith.constant 0 : i32
    %dma_start3A_16 = arith.constant 0 : i32
    %dma_start3A_17 = tpu.memref_slice %arg2[%dma_start3A_15, %dma_start3A_16] : memref<10000x128xf32, #tpu.memory_space<hbm>> -> memref<10000x128xf32, #tpu.memory_space<hbm>>
    tpu.enqueue_indirect_dma source(%dma_start3A_17 : memref<10000x128xf32, #tpu.memory_space<hbm>>) target(%arg7 : memref<128x128xf32, #tpu.memory_space<vmem>>) offsets(%dma_start3A_14 : memref<128xi32, #tpu.memory_space<vmem>>) semaphore(%arg14 : memref<!tpu.dma_semaphore, #tpu.memory_space<semaphore_mem>>)
    %dma_start3A_18 = arith.constant 0 : i32
    %dma_start3A_19 = arith.constant 0 : i32
    %dma_start3A_20 = arith.constant 0 : i32
    %dma_start3A_21 = tpu.memref_slice %arg4[%add3A, %dma_start3A_18, %dma_start3A_19, %dma_start3A_20] : memref<32x79x1x128xi32, #tpu.memory_space<hbm>> -> memref<1x1x1x128xi32, #tpu.memory_space<hbm>>
    %dma_start3A_22 = tpu.memref_squeeze %dma_start3A_21 : memref<1x1x1x128xi32, #tpu.memory_space<hbm>> -> memref<1x128xi32, #tpu.memory_space<hbm>>
    %dma_start3A_23 = arith.constant 0 : i32
    %dma_start3A_24 = arith.constant 0 : i32
    %dma_start3A_25 = tpu.memref_slice %arg4[%add3A, %dma_start3A_18, %dma_start3A_23, %dma_start3A_24] : memref<32x79x1x128xi32, #tpu.memory_space<hbm>> -> memref<1x1x1x128xi32, #tpu.memory_space<hbm>>
    %dma_start3A_26 = tpu.memref_squeeze %dma_start3A_25 : memref<1x1x1x128xi32, #tpu.memory_space<hbm>> -> memref<1x128xi32, #tpu.memory_space<hbm>>
    tpu.enqueue_dma source(%dma_start3A_26 : memref<1x128xi32, #tpu.memory_space<hbm>>) target(%arg9 : memref<1x128xi32, #tpu.memory_space<vmem>>) target_semaphore(%arg16 : memref<!tpu.dma_semaphore, #tpu.memory_space<semaphore_mem>>)
    %scan3A_27 = arith.constant 0 : i32
    %scan3A_28 = arith.constant 38 : i32
    %scan3A_29 = arith.addi %scan3A_27, %scan3A_28 : i32
    %scan3A_30 = arith.constant 1 : i32
    scf.for %scan3A_255 = %scan3A_27 to %scan3A_29 step %scan3A_30  : i32 {
      %mul3A_256 = arith.constant 1 : i32
      %mul3A_257 = arith.muli %scan3A_255, %mul3A_256 : i32
      %add3A_258 = arith.constant 0 : i32
      %add3A_259 = arith.addi %add3A_258, %mul3A_257 : i32
      %mul3A_260 = arith.constant 2 : i32
      %mul3A_261 = arith.muli %mul3A_260, %add3A_259 : i32
      %add3A_262 = arith.constant 1 : i32
      %add3A_263 = arith.addi %mul3A_261, %add3A_262 : i32
      %dma_start3A_264 = arith.constant 0 : i32
      %dma_start3A_265 = tpu.memref_slice %arg6[%add3A_263, %dma_start3A_264] : memref<79x128xi32, #tpu.memory_space<vmem>> -> memref<1x128xi32, #tpu.memory_space<vmem>>
      %dma_start3A_266 = tpu.memref_squeeze %dma_start3A_265 : memref<1x128xi32, #tpu.memory_space<vmem>> -> memref<128xi32, #tpu.memory_space<vmem>>
      %dma_start3A_267 = arith.constant 0 : i32
      %dma_start3A_268 = arith.constant 0 : i32
      %dma_start3A_269 = tpu.memref_slice %arg2[%dma_start3A_267, %dma_start3A_268] : memref<10000x128xf32, #tpu.memory_space<hbm>> -> memref<10000x128xf32, #tpu.memory_space<hbm>>
      tpu.enqueue_indirect_dma source(%dma_start3A_269 : memref<10000x128xf32, #tpu.memory_space<hbm>>) target(%arg8 : memref<128x128xf32, #tpu.memory_space<vmem>>) offsets(%dma_start3A_266 : memref<128xi32, #tpu.memory_space<vmem>>) semaphore(%arg15 : memref<!tpu.dma_semaphore, #tpu.memory_space<semaphore_mem>>)
      %dma_start3A_270 = arith.constant 0 : i32
      %dma_start3A_271 = arith.constant 0 : i32
      %dma_start3A_272 = tpu.memref_slice %arg4[%add3A, %add3A_263, %dma_start3A_270, %dma_start3A_271] : memref<32x79x1x128xi32, #tpu.memory_space<hbm>> -> memref<1x1x1x128xi32, #tpu.memory_space<hbm>>
      %dma_start3A_273 = tpu.memref_squeeze %dma_start3A_272 : memref<1x1x1x128xi32, #tpu.memory_space<hbm>> -> memref<1x128xi32, #tpu.memory_space<hbm>>
      %dma_start3A_274 = arith.constant 0 : i32
      %dma_start3A_275 = arith.constant 0 : i32
      %dma_start3A_276 = tpu.memref_slice %arg4[%add3A, %add3A_263, %dma_start3A_274, %dma_start3A_275] : memref<32x79x1x128xi32, #tpu.memory_space<hbm>> -> memref<1x1x1x128xi32, #tpu.memory_space<hbm>>
      %dma_start3A_277 = tpu.memref_squeeze %dma_start3A_276 : memref<1x1x1x128xi32, #tpu.memory_space<hbm>> -> memref<1x128xi32, #tpu.memory_space<hbm>>
      tpu.enqueue_dma source(%dma_start3A_277 : memref<1x128xi32, #tpu.memory_space<hbm>>) target(%arg10 : memref<1x128xi32, #tpu.memory_space<vmem>>) target_semaphore(%arg17 : memref<!tpu.dma_semaphore, #tpu.memory_space<semaphore_mem>>)
      %dma_wait3A_278 = arith.constant 0 : i32
      %dma_wait3A_279 = tpu.memref_slice %arg6[%mul3A_261, %dma_wait3A_278] : memref<79x128xi32, #tpu.memory_space<vmem>> -> memref<1x128xi32, #tpu.memory_space<vmem>>
      %dma_wait3A_280 = tpu.memref_squeeze %dma_wait3A_279 : memref<1x128xi32, #tpu.memory_space<vmem>> -> memref<128xi32, #tpu.memory_space<vmem>>
      %dma_wait3A_281 = arith.constant 0 : i32
      %dma_wait3A_282 = arith.constant 0 : i32
      %dma_wait3A_283 = tpu.memref_slice %arg2[%dma_wait3A_281, %dma_wait3A_282] : memref<10000x128xf32, #tpu.memory_space<hbm>> -> memref<10000x128xf32, #tpu.memory_space<hbm>>
      tpu.wait_indirect_dma semaphore(%arg14 : memref<!tpu.dma_semaphore, #tpu.memory_space<semaphore_mem>>) src(%dma_wait3A_283 : memref<10000x128xf32, #tpu.memory_space<hbm>>) dst(%arg7 : memref<128x128xf32, #tpu.memory_space<vmem>>)
      %dma_wait3A_284 = arith.constant 0 : i32
      %dma_wait3A_285 = arith.constant 0 : i32
      %dma_wait3A_286 = tpu.memref_slice %arg4[%add3A, %mul3A_261, %dma_wait3A_284, %dma_wait3A_285] : memref<32x79x1x128xi32, #tpu.memory_space<hbm>> -> memref<1x1x1x128xi32, #tpu.memory_space<hbm>>
      %dma_wait3A_287 = tpu.memref_squeeze %dma_wait3A_286 : memref<1x1x1x128xi32, #tpu.memory_space<hbm>> -> memref<1x128xi32, #tpu.memory_space<hbm>>
      %dma_wait3A_288 = arith.constant 0 : i32
      %dma_wait3A_289 = arith.constant 0 : i32
      %dma_wait3A_290 = tpu.memref_slice %arg4[%add3A, %mul3A_261, %dma_wait3A_288, %dma_wait3A_289] : memref<32x79x1x128xi32, #tpu.memory_space<hbm>> -> memref<1x1x1x128xi32, #tpu.memory_space<hbm>>
      %dma_wait3A_291 = tpu.memref_squeeze %dma_wait3A_290 : memref<1x1x1x128xi32, #tpu.memory_space<hbm>> -> memref<1x128xi32, #tpu.memory_space<hbm>>
      tpu.wait_dma2 semaphore(%arg16 : memref<!tpu.dma_semaphore, #tpu.memory_space<semaphore_mem>>) src(%dma_wait3A_291 : memref<1x128xi32, #tpu.memory_space<hbm>>) dst(%arg9 : memref<1x128xi32, #tpu.memory_space<vmem>>)
      %get3A_292 = arith.constant 0 : i32
      %get3A_293 = arith.index_cast %get3A_292 : i32 to index
      %get3A_294 = arith.constant 0 : index
      %get3A_295 = tpu.vector_load %arg9[%get3A_293, %get3A_294] {strides = array<i32>} : memref<1x128xi32, #tpu.memory_space<vmem>>, vector<1x16xi32>,
      %get3A_296 = vector.shape_cast %get3A_295 : vector<1x16xi32> to vector<16xi32>
      %swap3A_297 = arith.constant 0 : index
      %swap3A_298 = tpu.vector_load %arg11[%swap3A_297] {strides = array<i32>} : memref<128xi32, #tpu.memory_space<vmem>>, vector<16xi32>,
      %swap3A_299 = vector.shape_cast %swap3A_298 : vector<16xi32> to vector<16xi32>
      %swap3A_300 = vector.shape_cast %get3A_296 : vector<16xi32> to vector<16xi32>
      tpu.vector_store %arg11[%swap3A_297], %swap3A_300 {strides = array<i32>} : memref<128xi32, #tpu.memory_space<vmem>>, vector<16xi32>,
      %get3A_301 = arith.constant 0 : i32
      %get3A_302 = arith.index_cast %get3A_301 : i32 to index
      %get3A_303 = arith.constant 16 : index
      %get3A_304 = tpu.vector_load %arg9[%get3A_302, %get3A_303] {strides = array<i32>} : memref<1x128xi32, #tpu.memory_space<vmem>>, vector<1x16xi32>,
      %get3A_305 = vector.shape_cast %get3A_304 : vector<1x16xi32> to vector<16xi32>
      %swap3A_306 = arith.constant 16 : index
      %swap3A_307 = tpu.vector_load %arg11[%swap3A_306] {strides = array<i32>} : memref<128xi32, #tpu.memory_space<vmem>>, vector<16xi32>,
      %swap3A_308 = vector.shape_cast %swap3A_307 : vector<16xi32> to vector<16xi32>
      %swap3A_309 = vector.shape_cast %get3A_305 : vector<16xi32> to vector<16xi32>
      tpu.vector_store %arg11[%swap3A_306], %swap3A_309 {strides = array<i32>} : memref<128xi32, #tpu.memory_space<vmem>>, vector<16xi32>,
      %get3A_310 = arith.constant 0 : i32
      %get3A_311 = arith.index_cast %get3A_310 : i32 to index
      %get3A_312 = arith.constant 32 : index
      %get3A_313 = tpu.vector_load %arg9[%get3A_311, %get3A_312] {strides = array<i32>} : memref<1x128xi32, #tpu.memory_space<vmem>>, vector<1x16xi32>,
      %get3A_314 = vector.shape_cast %get3A_313 : vector<1x16xi32> to vector<16xi32>
      %swap3A_315 = arith.constant 32 : index
      %swap3A_316 = tpu.vector_load %arg11[%swap3A_315] {strides = array<i32>} : memref<128xi32, #tpu.memory_space<vmem>>, vector<16xi32>,
      %swap3A_317 = vector.shape_cast %swap3A_316 : vector<16xi32> to vector<16xi32>
      %swap3A_318 = vector.shape_cast %get3A_314 : vector<16xi32> to vector<16xi32>
      tpu.vector_store %arg11[%swap3A_315], %swap3A_318 {strides = array<i32>} : memref<128xi32, #tpu.memory_space<vmem>>, vector<16xi32>,
      %get3A_319 = arith.constant 0 : i32
      %get3A_320 = arith.index_cast %get3A_319 : i32 to index
      %get3A_321 = arith.constant 48 : index
      %get3A_322 = tpu.vector_load %arg9[%get3A_320, %get3A_321] {strides = array<i32>} : memref<1x128xi32, #tpu.memory_space<vmem>>, vector<1x16xi32>,
      %get3A_323 = vector.shape_cast %get3A_322 : vector<1x16xi32> to vector<16xi32>
      %swap3A_324 = arith.constant 48 : index
      %swap3A_325 = tpu.vector_load %arg11[%swap3A_324] {strides = array<i32>} : memref<128xi32, #tpu.memory_space<vmem>>, vector<16xi32>,
      %swap3A_326 = vector.shape_cast %swap3A_325 : vector<16xi32> to vector<16xi32>
      %swap3A_327 = vector.shape_cast %get3A_323 : vector<16xi32> to vector<16xi32>
      tpu.vector_store %arg11[%swap3A_324], %swap3A_327 {strides = array<i32>} : memref<128xi32, #tpu.memory_space<vmem>>, vector<16xi32>,
      %get3A_328 = arith.constant 0 : i32
      %get3A_329 = arith.index_cast %get3A_328 : i32 to index
      %get3A_330 = arith.constant 64 : index
      %get3A_331 = tpu.vector_load %arg9[%get3A_329, %get3A_330] {strides = array<i32>} : memref<1x128xi32, #tpu.memory_space<vmem>>, vector<1x16xi32>,
      %get3A_332 = vector.shape_cast %get3A_331 : vector<1x16xi32> to vector<16xi32>
      %swap3A_333 = arith.constant 64 : index
      %swap3A_334 = tpu.vector_load %arg11[%swap3A_333] {strides = array<i32>} : memref<128xi32, #tpu.memory_space<vmem>>, vector<16xi32>,
      %swap3A_335 = vector.shape_cast %swap3A_334 : vector<16xi32> to vector<16xi32>
      %swap3A_336 = vector.shape_cast %get3A_332 : vector<16xi32> to vector<16xi32>
      tpu.vector_store %arg11[%swap3A_333], %swap3A_336 {strides = array<i32>} : memref<128xi32, #tpu.memory_space<vmem>>, vector<16xi32>,
      %get3A_337 = arith.constant 0 : i32
      %get3A_338 = arith.index_cast %get3A_337 : i32 to index
      %get3A_339 = arith.constant 80 : index
      %get3A_340 = tpu.vector_load %arg9[%get3A_338, %get3A_339] {strides = array<i32>} : memref<1x128xi32, #tpu.memory_space<vmem>>, vector<1x16xi32>,
      %get3A_341 = vector.shape_cast %get3A_340 : vector<1x16xi32> to vector<16xi32>
      %swap3A_342 = arith.constant 80 : index
      %swap3A_343 = tpu.vector_load %arg11[%swap3A_342] {strides = array<i32>} : memref<128xi32, #tpu.memory_space<vmem>>, vector<16xi32>,
      %swap3A_344 = vector.shape_cast %swap3A_343 : vector<16xi32> to vector<16xi32>
      %swap3A_345 = vector.shape_cast %get3A_341 : vector<16xi32> to vector<16xi32>
      tpu.vector_store %arg11[%swap3A_342], %swap3A_345 {strides = array<i32>} : memref<128xi32, #tpu.memory_space<vmem>>, vector<16xi32>,
      %get3A_346 = arith.constant 0 : i32
      %get3A_347 = arith.index_cast %get3A_346 : i32 to index
      %get3A_348 = arith.constant 96 : index
      %get3A_349 = tpu.vector_load %arg9[%get3A_347, %get3A_348] {strides = array<i32>} : memref<1x128xi32, #tpu.memory_space<vmem>>, vector<1x16xi32>,
      %get3A_350 = vector.shape_cast %get3A_349 : vector<1x16xi32> to vector<16xi32>
      %swap3A_351 = arith.constant 96 : index
      %swap3A_352 = tpu.vector_load %arg11[%swap3A_351] {strides = array<i32>} : memref<128xi32, #tpu.memory_space<vmem>>, vector<16xi32>,
      %swap3A_353 = vector.shape_cast %swap3A_352 : vector<16xi32> to vector<16xi32>
      %swap3A_354 = vector.shape_cast %get3A_350 : vector<16xi32> to vector<16xi32>
      tpu.vector_store %arg11[%swap3A_351], %swap3A_354 {strides = array<i32>} : memref<128xi32, #tpu.memory_space<vmem>>, vector<16xi32>,
      %get3A_355 = arith.constant 0 : i32
      %get3A_356 = arith.index_cast %get3A_355 : i32 to index
      %get3A_357 = arith.constant 112 : index
      %get3A_358 = tpu.vector_load %arg9[%get3A_356, %get3A_357] {strides = array<i32>} : memref<1x128xi32, #tpu.memory_space<vmem>>, vector<1x16xi32>,
      %get3A_359 = vector.shape_cast %get3A_358 : vector<1x16xi32> to vector<16xi32>
      %swap3A_360 = arith.constant 112 : index
      %swap3A_361 = tpu.vector_load %arg11[%swap3A_360] {strides = array<i32>} : memref<128xi32, #tpu.memory_space<vmem>>, vector<16xi32>,
      %swap3A_362 = vector.shape_cast %swap3A_361 : vector<16xi32> to vector<16xi32>
      %swap3A_363 = vector.shape_cast %get3A_359 : vector<16xi32> to vector<16xi32>
      tpu.vector_store %arg11[%swap3A_360], %swap3A_363 {strides = array<i32>} : memref<128xi32, #tpu.memory_space<vmem>>, vector<16xi32>,
      "tpu.region"() ({
        %run_scoped3A_468 = tpu.sem_alloc : memref<!tpu.dma_semaphore, #tpu.memory_space<semaphore_mem>>
        %dma_start3A_469 = arith.constant 0 : i32
        %dma_start3A_470 = arith.constant 0 : i32
        %dma_start3A_471 = tpu.memref_slice %arg13[%dma_start3A_469, %dma_start3A_470] : memref<10000x128xf32, #tpu.memory_space<vmem_shared>> -> memref<10000x128xf32, #tpu.memory_space<vmem_shared>>
        tpu.enqueue_indirect_dma source(%arg7 : memref<128x128xf32, #tpu.memory_space<vmem>>) target(%dma_start3A_471 : memref<10000x128xf32, #tpu.memory_space<vmem_shared>>) offsets(%arg11 : memref<128xi32, #tpu.memory_space<vmem>>) semaphore(%run_scoped3A_468 : memref<!tpu.dma_semaphore, #tpu.memory_space<semaphore_mem>>) {add = true}
        %dma_wait3A_472 = arith.constant 0 : i32
        %dma_wait3A_473 = arith.constant 0 : i32
        %dma_wait3A_474 = tpu.memref_slice %arg13[%dma_wait3A_472, %dma_wait3A_473] : memref<10000x128xf32, #tpu.memory_space<vmem_shared>> -> memref<10000x128xf32, #tpu.memory_space<vmem_shared>>
        tpu.wait_indirect_dma semaphore(%run_scoped3A_468 : memref<!tpu.dma_semaphore, #tpu.memory_space<semaphore_mem>>) src(%arg7 : memref<128x128xf32, #tpu.memory_space<vmem>>) dst(%dma_wait3A_474 : memref<10000x128xf32, #tpu.memory_space<vmem_shared>>)
        tpu.yield
      }) : () -> ()
      %add3A_364 = arith.constant 2 : i32
      %add3A_365 = arith.addi %mul3A_261, %add3A_364 : i32
      %dma_start3A_366 = arith.constant 0 : i32
      %dma_start3A_367 = tpu.memref_slice %arg6[%add3A_365, %dma_start3A_366] : memref<79x128xi32, #tpu.memory_space<vmem>> -> memref<1x128xi32, #tpu.memory_space<vmem>>
      %dma_start3A_368 = tpu.memref_squeeze %dma_start3A_367 : memref<1x128xi32, #tpu.memory_space<vmem>> -> memref<128xi32, #tpu.memory_space<vmem>>
      %dma_start3A_369 = arith.constant 0 : i32
      %dma_start3A_370 = arith.constant 0 : i32
      %dma_start3A_371 = tpu.memref_slice %arg2[%dma_start3A_369, %dma_start3A_370] : memref<10000x128xf32, #tpu.memory_space<hbm>> -> memref<10000x128xf32, #tpu.memory_space<hbm>>
      tpu.enqueue_indirect_dma source(%dma_start3A_371 : memref<10000x128xf32, #tpu.memory_space<hbm>>) target(%arg7 : memref<128x128xf32, #tpu.memory_space<vmem>>) offsets(%dma_start3A_368 : memref<128xi32, #tpu.memory_space<vmem>>) semaphore(%arg14 : memref<!tpu.dma_semaphore, #tpu.memory_space<semaphore_mem>>)
      %dma_start3A_372 = arith.constant 0 : i32
      %dma_start3A_373 = arith.constant 0 : i32
      %dma_start3A_374 = tpu.memref_slice %arg4[%add3A, %add3A_365, %dma_start3A_372, %dma_start3A_373] : memref<32x79x1x128xi32, #tpu.memory_space<hbm>> -> memref<1x1x1x128xi32, #tpu.memory_space<hbm>>
      %dma_start3A_375 = tpu.memref_squeeze %dma_start3A_374 : memref<1x1x1x128xi32, #tpu.memory_space<hbm>> -> memref<1x128xi32, #tpu.memory_space<hbm>>
      %dma_start3A_376 = arith.constant 0 : i32
      %dma_start3A_377 = arith.constant 0 : i32
      %dma_start3A_378 = tpu.memref_slice %arg4[%add3A, %add3A_365, %dma_start3A_376, %dma_start3A_377] : memref<32x79x1x128xi32, #tpu.memory_space<hbm>> -> memref<1x1x1x128xi32, #tpu.memory_space<hbm>>
      %dma_start3A_379 = tpu.memref_squeeze %dma_start3A_378 : memref<1x1x1x128xi32, #tpu.memory_space<hbm>> -> memref<1x128xi32, #tpu.memory_space<hbm>>
      tpu.enqueue_dma source(%dma_start3A_379 : memref<1x128xi32, #tpu.memory_space<hbm>>) target(%arg9 : memref<1x128xi32, #tpu.memory_space<vmem>>) target_semaphore(%arg16 : memref<!tpu.dma_semaphore, #tpu.memory_space<semaphore_mem>>)
      %add3A_380 = arith.constant 1 : i32
      %add3A_381 = arith.addi %mul3A_261, %add3A_380 : i32
      %dma_wait3A_382 = arith.constant 0 : i32
      %dma_wait3A_383 = tpu.memref_slice %arg6[%add3A_381, %dma_wait3A_382] : memref<79x128xi32, #tpu.memory_space<vmem>> -> memref<1x128xi32, #tpu.memory_space<vmem>>
      %dma_wait3A_384 = tpu.memref_squeeze %dma_wait3A_383 : memref<1x128xi32, #tpu.memory_space<vmem>> -> memref<128xi32, #tpu.memory_space<vmem>>
      %dma_wait3A_385 = arith.constant 0 : i32
      %dma_wait3A_386 = arith.constant 0 : i32
      %dma_wait3A_387 = tpu.memref_slice %arg2[%dma_wait3A_385, %dma_wait3A_386] : memref<10000x128xf32, #tpu.memory_space<hbm>> -> memref<10000x128xf32, #tpu.memory_space<hbm>>
      tpu.wait_indirect_dma semaphore(%arg15 : memref<!tpu.dma_semaphore, #tpu.memory_space<semaphore_mem>>) src(%dma_wait3A_387 : memref<10000x128xf32, #tpu.memory_space<hbm>>) dst(%arg8 : memref<128x128xf32, #tpu.memory_space<vmem>>)
      %dma_wait3A_388 = arith.constant 0 : i32
      %dma_wait3A_389 = arith.constant 0 : i32
      %dma_wait3A_390 = tpu.memref_slice %arg4[%add3A, %add3A_381, %dma_wait3A_388, %dma_wait3A_389] : memref<32x79x1x128xi32, #tpu.memory_space<hbm>> -> memref<1x1x1x128xi32, #tpu.memory_space<hbm>>
      %dma_wait3A_391 = tpu.memref_squeeze %dma_wait3A_390 : memref<1x1x1x128xi32, #tpu.memory_space<hbm>> -> memref<1x128xi32, #tpu.memory_space<hbm>>
      %dma_wait3A_392 = arith.constant 0 : i32
      %dma_wait3A_393 = arith.constant 0 : i32
      %dma_wait3A_394 = tpu.memref_slice %arg4[%add3A, %add3A_381, %dma_wait3A_392, %dma_wait3A_393] : memref<32x79x1x128xi32, #tpu.memory_space<hbm>> -> memref<1x1x1x128xi32, #tpu.memory_space<hbm>>
      %dma_wait3A_395 = tpu.memref_squeeze %dma_wait3A_394 : memref<1x1x1x128xi32, #tpu.memory_space<hbm>> -> memref<1x128xi32, #tpu.memory_space<hbm>>
      tpu.wait_dma2 semaphore(%arg17 : memref<!tpu.dma_semaphore, #tpu.memory_space<semaphore_mem>>) src(%dma_wait3A_395 : memref<1x128xi32, #tpu.memory_space<hbm>>) dst(%arg10 : memref<1x128xi32, #tpu.memory_space<vmem>>)
      %get3A_396 = arith.constant 0 : i32
      %get3A_397 = arith.index_cast %get3A_396 : i32 to index
      %get3A_398 = arith.constant 0 : index
      %get3A_399 = tpu.vector_load %arg10[%get3A_397, %get3A_398] {strides = array<i32>} : memref<1x128xi32, #tpu.memory_space<vmem>>, vector<1x16xi32>,
      %get3A_400 = vector.shape_cast %get3A_399 : vector<1x16xi32> to vector<16xi32>
      %swap3A_401 = arith.constant 0 : index
      %swap3A_402 = tpu.vector_load %arg12[%swap3A_401] {strides = array<i32>} : memref<128xi32, #tpu.memory_space<vmem>>, vector<16xi32>,
      %swap3A_403 = vector.shape_cast %swap3A_402 : vector<16xi32> to vector<16xi32>
      %swap3A_404 = vector.shape_cast %get3A_400 : vector<16xi32> to vector<16xi32>
      tpu.vector_store %arg12[%swap3A_401], %swap3A_404 {strides = array<i32>} : memref<128xi32, #tpu.memory_space<vmem>>, vector<16xi32>,
      %get3A_405 = arith.constant 0 : i32
      %get3A_406 = arith.index_cast %get3A_405 : i32 to index
      %get3A_407 = arith.constant 16 : index
      %get3A_408 = tpu.vector_load %arg10[%get3A_406, %get3A_407] {strides = array<i32>} : memref<1x128xi32, #tpu.memory_space<vmem>>, vector<1x16xi32>,
      %get3A_409 = vector.shape_cast %get3A_408 : vector<1x16xi32> to vector<16xi32>
      %swap3A_410 = arith.constant 16 : index
      %swap3A_411 = tpu.vector_load %arg12[%swap3A_410] {strides = array<i32>} : memref<128xi32, #tpu.memory_space<vmem>>, vector<16xi32>,
      %swap3A_412 = vector.shape_cast %swap3A_411 : vector<16xi32> to vector<16xi32>
      %swap3A_413 = vector.shape_cast %get3A_409 : vector<16xi32> to vector<16xi32>
      tpu.vector_store %arg12[%swap3A_410], %swap3A_413 {strides = array<i32>} : memref<128xi32, #tpu.memory_space<vmem>>, vector<16xi32>,
      %get3A_414 = arith.constant 0 : i32
      %get3A_415 = arith.index_cast %get3A_414 : i32 to index
      %get3A_416 = arith.constant 32 : index
      %get3A_417 = tpu.vector_load %arg10[%get3A_415, %get3A_416] {strides = array<i32>} : memref<1x128xi32, #tpu.memory_space<vmem>>, vector<1x16xi32>,
      %get3A_418 = vector.shape_cast %get3A_417 : vector<1x16xi32> to vector<16xi32>
      %swap3A_419 = arith.constant 32 : index
      %swap3A_420 = tpu.vector_load %arg12[%swap3A_419] {strides = array<i32>} : memref<128xi32, #tpu.memory_space<vmem>>, vector<16xi32>,
      %swap3A_421 = vector.shape_cast %swap3A_420 : vector<16xi32> to vector<16xi32>
      %swap3A_422 = vector.shape_cast %get3A_418 : vector<16xi32> to vector<16xi32>
      tpu.vector_store %arg12[%swap3A_419], %swap3A_422 {strides = array<i32>} : memref<128xi32, #tpu.memory_space<vmem>>, vector<16xi32>,
      %get3A_423 = arith.constant 0 : i32
      %get3A_424 = arith.index_cast %get3A_423 : i32 to index
      %get3A_425 = arith.constant 48 : index
      %get3A_426 = tpu.vector_load %arg10[%get3A_424, %get3A_425] {strides = array<i32>} : memref<1x128xi32, #tpu.memory_space<vmem>>, vector<1x16xi32>,
      %get3A_427 = vector.shape_cast %get3A_426 : vector<1x16xi32> to vector<16xi32>
      %swap3A_428 = arith.constant 48 : index
      %swap3A_429 = tpu.vector_load %arg12[%swap3A_428] {strides = array<i32>} : memref<128xi32, #tpu.memory_space<vmem>>, vector<16xi32>,
      %swap3A_430 = vector.shape_cast %swap3A_429 : vector<16xi32> to vector<16xi32>
      %swap3A_431 = vector.shape_cast %get3A_427 : vector<16xi32> to vector<16xi32>
      tpu.vector_store %arg12[%swap3A_428], %swap3A_431 {strides = array<i32>} : memref<128xi32, #tpu.memory_space<vmem>>, vector<16xi32>,
      %get3A_432 = arith.constant 0 : i32
      %get3A_433 = arith.index_cast %get3A_432 : i32 to index
      %get3A_434 = arith.constant 64 : index
      %get3A_435 = tpu.vector_load %arg10[%get3A_433, %get3A_434] {strides = array<i32>} : memref<1x128xi32, #tpu.memory_space<vmem>>, vector<1x16xi32>,
      %get3A_436 = vector.shape_cast %get3A_435 : vector<1x16xi32> to vector<16xi32>
      %swap3A_437 = arith.constant 64 : index
      %swap3A_438 = tpu.vector_load %arg12[%swap3A_437] {strides = array<i32>} : memref<128xi32, #tpu.memory_space<vmem>>, vector<16xi32>,
      %swap3A_439 = vector.shape_cast %swap3A_438 : vector<16xi32> to vector<16xi32>
      %swap3A_440 = vector.shape_cast %get3A_436 : vector<16xi32> to vector<16xi32>
      tpu.vector_store %arg12[%swap3A_437], %swap3A_440 {strides = array<i32>} : memref<128xi32, #tpu.memory_space<vmem>>, vector<16xi32>,
      %get3A_441 = arith.constant 0 : i32
      %get3A_442 = arith.index_cast %get3A_441 : i32 to index
      %get3A_443 = arith.constant 80 : index
      %get3A_444 = tpu.vector_load %arg10[%get3A_442, %get3A_443] {strides = array<i32>} : memref<1x128xi32, #tpu.memory_space<vmem>>, vector<1x16xi32>,
      %get3A_445 = vector.shape_cast %get3A_444 : vector<1x16xi32> to vector<16xi32>
      %swap3A_446 = arith.constant 80 : index
      %swap3A_447 = tpu.vector_load %arg12[%swap3A_446] {strides = array<i32>} : memref<128xi32, #tpu.memory_space<vmem>>, vector<16xi32>,
      %swap3A_448 = vector.shape_cast %swap3A_447 : vector<16xi32> to vector<16xi32>
      %swap3A_449 = vector.shape_cast %get3A_445 : vector<16xi32> to vector<16xi32>
      tpu.vector_store %arg12[%swap3A_446], %swap3A_449 {strides = array<i32>} : memref<128xi32, #tpu.memory_space<vmem>>, vector<16xi32>,
      %get3A_450 = arith.constant 0 : i32
      %get3A_451 = arith.index_cast %get3A_450 : i32 to index
      %get3A_452 = arith.constant 96 : index
      %get3A_453 = tpu.vector_load %arg10[%get3A_451, %get3A_452] {strides = array<i32>} : memref<1x128xi32, #tpu.memory_space<vmem>>, vector<1x16xi32>,
      %get3A_454 = vector.shape_cast %get3A_453 : vector<1x16xi32> to vector<16xi32>
      %swap3A_455 = arith.constant 96 : index
      %swap3A_456 = tpu.vector_load %arg12[%swap3A_455] {strides = array<i32>} : memref<128xi32, #tpu.memory_space<vmem>>, vector<16xi32>,
      %swap3A_457 = vector.shape_cast %swap3A_456 : vector<16xi32> to vector<16xi32>
      %swap3A_458 = vector.shape_cast %get3A_454 : vector<16xi32> to vector<16xi32>
      tpu.vector_store %arg12[%swap3A_455], %swap3A_458 {strides = array<i32>} : memref<128xi32, #tpu.memory_space<vmem>>, vector<16xi32>,
      %get3A_459 = arith.constant 0 : i32
      %get3A_460 = arith.index_cast %get3A_459 : i32 to index
      %get3A_461 = arith.constant 112 : index
      %get3A_462 = tpu.vector_load %arg10[%get3A_460, %get3A_461] {strides = array<i32>} : memref<1x128xi32, #tpu.memory_space<vmem>>, vector<1x16xi32>,
      %get3A_463 = vector.shape_cast %get3A_462 : vector<1x16xi32> to vector<16xi32>
      %swap3A_464 = arith.constant 112 : index
      %swap3A_465 = tpu.vector_load %arg12[%swap3A_464] {strides = array<i32>} : memref<128xi32, #tpu.memory_space<vmem>>, vector<16xi32>,
      %swap3A_466 = vector.shape_cast %swap3A_465 : vector<16xi32> to vector<16xi32>
      %swap3A_467 = vector.shape_cast %get3A_463 : vector<16xi32> to vector<16xi32>
      tpu.vector_store %arg12[%swap3A_464], %swap3A_467 {strides = array<i32>} : memref<128xi32, #tpu.memory_space<vmem>>, vector<16xi32>,
      "tpu.region"() ({
        %run_scoped3A_468 = tpu.sem_alloc : memref<!tpu.dma_semaphore, #tpu.memory_space<semaphore_mem>>
        %dma_start3A_469 = arith.constant 0 : i32
        %dma_start3A_470 = arith.constant 0 : i32
        %dma_start3A_471 = tpu.memref_slice %arg13[%dma_start3A_469, %dma_start3A_470] : memref<10000x128xf32, #tpu.memory_space<vmem_shared>> -> memref<10000x128xf32, #tpu.memory_space<vmem_shared>>
        tpu.enqueue_indirect_dma source(%arg8 : memref<128x128xf32, #tpu.memory_space<vmem>>) target(%dma_start3A_471 : memref<10000x128xf32, #tpu.memory_space<vmem_shared>>) offsets(%arg12 : memref<128xi32, #tpu.memory_space<vmem>>) semaphore(%run_scoped3A_468 : memref<!tpu.dma_semaphore, #tpu.memory_space<semaphore_mem>>) {add = true}
        %dma_wait3A_472 = arith.constant 0 : i32
        %dma_wait3A_473 = arith.constant 0 : i32
        %dma_wait3A_474 = tpu.memref_slice %arg13[%dma_wait3A_472, %dma_wait3A_473] : memref<10000x128xf32, #tpu.memory_space<vmem_shared>> -> memref<10000x128xf32, #tpu.memory_space<vmem_shared>>
        tpu.wait_indirect_dma semaphore(%run_scoped3A_468 : memref<!tpu.dma_semaphore, #tpu.memory_space<semaphore_mem>>) src(%arg8 : memref<128x128xf32, #tpu.memory_space<vmem>>) dst(%dma_wait3A_474 : memref<10000x128xf32, #tpu.memory_space<vmem_shared>>)
        tpu.yield
      }) : () -> ()
    }
    %scan3A_31 = arith.constant 38 : i32
    %dma_start3A_32 = arith.constant 77 : i32
    %dma_start3A_33 = arith.constant 0 : i32
    %dma_start3A_34 = tpu.memref_slice %arg6[%dma_start3A_32, %dma_start3A_33] : memref<79x128xi32, #tpu.memory_space<vmem>> -> memref<1x128xi32, #tpu.memory_space<vmem>>
    %dma_start3A_35 = tpu.memref_squeeze %dma_start3A_34 : memref<1x128xi32, #tpu.memory_space<vmem>> -> memref<128xi32, #tpu.memory_space<vmem>>
    %dma_start3A_36 = arith.constant 0 : i32
    %dma_start3A_37 = arith.constant 0 : i32
    %dma_start3A_38 = tpu.memref_slice %arg2[%dma_start3A_36, %dma_start3A_37] : memref<10000x128xf32, #tpu.memory_space<hbm>> -> memref<10000x128xf32, #tpu.memory_space<hbm>>
    tpu.enqueue_indirect_dma source(%dma_start3A_38 : memref<10000x128xf32, #tpu.memory_space<hbm>>) target(%arg8 : memref<128x128xf32, #tpu.memory_space<vmem>>) offsets(%dma_start3A_35 : memref<128xi32, #tpu.memory_space<vmem>>) semaphore(%arg15 : memref<!tpu.dma_semaphore, #tpu.memory_space<semaphore_mem>>)
    %dma_start3A_39 = arith.constant 77 : i32
    %dma_start3A_40 = arith.constant 0 : i32
    %dma_start3A_41 = arith.constant 0 : i32
    %dma_start3A_42 = tpu.memref_slice %arg4[%add3A, %dma_start3A_39, %dma_start3A_40, %dma_start3A_41] : memref<32x79x1x128xi32, #tpu.memory_space<hbm>> -> memref<1x1x1x128xi32, #tpu.memory_space<hbm>>
    %dma_start3A_43 = tpu.memref_squeeze %dma_start3A_42 : memref<1x1x1x128xi32, #tpu.memory_space<hbm>> -> memref<1x128xi32, #tpu.memory_space<hbm>>
    %dma_start3A_44 = arith.constant 0 : i32
    %dma_start3A_45 = arith.constant 0 : i32
    %dma_start3A_46 = tpu.memref_slice %arg4[%add3A, %dma_start3A_39, %dma_start3A_44, %dma_start3A_45] : memref<32x79x1x128xi32, #tpu.memory_space<hbm>> -> memref<1x1x1x128xi32, #tpu.memory_space<hbm>>
    %dma_start3A_47 = tpu.memref_squeeze %dma_start3A_46 : memref<1x1x1x128xi32, #tpu.memory_space<hbm>> -> memref<1x128xi32, #tpu.memory_space<hbm>>
    tpu.enqueue_dma source(%dma_start3A_47 : memref<1x128xi32, #tpu.memory_space<hbm>>) target(%arg10 : memref<1x128xi32, #tpu.memory_space<vmem>>) target_semaphore(%arg17 : memref<!tpu.dma_semaphore, #tpu.memory_space<semaphore_mem>>)
    %dma_wait3A = arith.constant 76 : i32
    %dma_wait3A_48 = arith.constant 0 : i32
    %dma_wait3A_49 = tpu.memref_slice %arg6[%dma_wait3A, %dma_wait3A_48] : memref<79x128xi32, #tpu.memory_space<vmem>> -> memref<1x128xi32, #tpu.memory_space<vmem>>
    %dma_wait3A_50 = tpu.memref_squeeze %dma_wait3A_49 : memref<1x128xi32, #tpu.memory_space<vmem>> -> memref<128xi32, #tpu.memory_space<vmem>>
    %dma_wait3A_51 = arith.constant 0 : i32
    %dma_wait3A_52 = arith.constant 0 : i32
    %dma_wait3A_53 = tpu.memref_slice %arg2[%dma_wait3A_51, %dma_wait3A_52] : memref<10000x128xf32, #tpu.memory_space<hbm>> -> memref<10000x128xf32, #tpu.memory_space<hbm>>
    tpu.wait_indirect_dma semaphore(%arg14 : memref<!tpu.dma_semaphore, #tpu.memory_space<semaphore_mem>>) src(%dma_wait3A_53 : memref<10000x128xf32, #tpu.memory_space<hbm>>) dst(%arg7 : memref<128x128xf32, #tpu.memory_space<vmem>>)
    %dma_wait3A_54 = arith.constant 76 : i32
    %dma_wait3A_55 = arith.constant 0 : i32
    %dma_wait3A_56 = arith.constant 0 : i32
    %dma_wait3A_57 = tpu.memref_slice %arg4[%add3A, %dma_wait3A_54, %dma_wait3A_55, %dma_wait3A_56] : memref<32x79x1x128xi32, #tpu.memory_space<hbm>> -> memref<1x1x1x128xi32, #tpu.memory_space<hbm>>
    %dma_wait3A_58 = tpu.memref_squeeze %dma_wait3A_57 : memref<1x1x1x128xi32, #tpu.memory_space<hbm>> -> memref<1x128xi32, #tpu.memory_space<hbm>>
    %dma_wait3A_59 = arith.constant 0 : i32
    %dma_wait3A_60 = arith.constant 0 : i32
    %dma_wait3A_61 = tpu.memref_slice %arg4[%add3A, %dma_wait3A_54, %dma_wait3A_59, %dma_wait3A_60] : memref<32x79x1x128xi32, #tpu.memory_space<hbm>> -> memref<1x1x1x128xi32, #tpu.memory_space<hbm>>
    %dma_wait3A_62 = tpu.memref_squeeze %dma_wait3A_61 : memref<1x1x1x128xi32, #tpu.memory_space<hbm>> -> memref<1x128xi32, #tpu.memory_space<hbm>>
    tpu.wait_dma2 semaphore(%arg16 : memref<!tpu.dma_semaphore, #tpu.memory_space<semaphore_mem>>) src(%dma_wait3A_62 : memref<1x128xi32, #tpu.memory_space<hbm>>) dst(%arg9 : memref<1x128xi32, #tpu.memory_space<vmem>>)
    %get3A = arith.constant 0 : i32
    %get3A_63 = arith.index_cast %get3A : i32 to index
    %get3A_64 = arith.constant 0 : index
    %get3A_65 = tpu.vector_load %arg9[%get3A_63, %get3A_64] {strides = array<i32>} : memref<1x128xi32, #tpu.memory_space<vmem>>, vector<1x16xi32>,
    %get3A_66 = vector.shape_cast %get3A_65 : vector<1x16xi32> to vector<16xi32>
    %swap3A = arith.constant 0 : index
    %swap3A_67 = tpu.vector_load %arg11[%swap3A] {strides = array<i32>} : memref<128xi32, #tpu.memory_space<vmem>>, vector<16xi32>,
    %swap3A_68 = vector.shape_cast %swap3A_67 : vector<16xi32> to vector<16xi32>
    %swap3A_69 = vector.shape_cast %get3A_66 : vector<16xi32> to vector<16xi32>
    tpu.vector_store %arg11[%swap3A], %swap3A_69 {strides = array<i32>} : memref<128xi32, #tpu.memory_space<vmem>>, vector<16xi32>,
    %get3A_70 = arith.constant 0 : i32
    %get3A_71 = arith.index_cast %get3A_70 : i32 to index
    %get3A_72 = arith.constant 16 : index
    %get3A_73 = tpu.vector_load %arg9[%get3A_71, %get3A_72] {strides = array<i32>} : memref<1x128xi32, #tpu.memory_space<vmem>>, vector<1x16xi32>,
    %get3A_74 = vector.shape_cast %get3A_73 : vector<1x16xi32> to vector<16xi32>
    %swap3A_75 = arith.constant 16 : index
    %swap3A_76 = tpu.vector_load %arg11[%swap3A_75] {strides = array<i32>} : memref<128xi32, #tpu.memory_space<vmem>>, vector<16xi32>,
    %swap3A_77 = vector.shape_cast %swap3A_76 : vector<16xi32> to vector<16xi32>
    %swap3A_78 = vector.shape_cast %get3A_74 : vector<16xi32> to vector<16xi32>
    tpu.vector_store %arg11[%swap3A_75], %swap3A_78 {strides = array<i32>} : memref<128xi32, #tpu.memory_space<vmem>>, vector<16xi32>,
    %get3A_79 = arith.constant 0 : i32
    %get3A_80 = arith.index_cast %get3A_79 : i32 to index
    %get3A_81 = arith.constant 32 : index
    %get3A_82 = tpu.vector_load %arg9[%get3A_80, %get3A_81] {strides = array<i32>} : memref<1x128xi32, #tpu.memory_space<vmem>>, vector<1x16xi32>,
    %get3A_83 = vector.shape_cast %get3A_82 : vector<1x16xi32> to vector<16xi32>
    %swap3A_84 = arith.constant 32 : index
    %swap3A_85 = tpu.vector_load %arg11[%swap3A_84] {strides = array<i32>} : memref<128xi32, #tpu.memory_space<vmem>>, vector<16xi32>,
    %swap3A_86 = vector.shape_cast %swap3A_85 : vector<16xi32> to vector<16xi32>
    %swap3A_87 = vector.shape_cast %get3A_83 : vector<16xi32> to vector<16xi32>
    tpu.vector_store %arg11[%swap3A_84], %swap3A_87 {strides = array<i32>} : memref<128xi32, #tpu.memory_space<vmem>>, vector<16xi32>,
    %get3A_88 = arith.constant 0 : i32
    %get3A_89 = arith.index_cast %get3A_88 : i32 to index
    %get3A_90 = arith.constant 48 : index
    %get3A_91 = tpu.vector_load %arg9[%get3A_89, %get3A_90] {strides = array<i32>} : memref<1x128xi32, #tpu.memory_space<vmem>>, vector<1x16xi32>,
    %get3A_92 = vector.shape_cast %get3A_91 : vector<1x16xi32> to vector<16xi32>
    %swap3A_93 = arith.constant 48 : index
    %swap3A_94 = tpu.vector_load %arg11[%swap3A_93] {strides = array<i32>} : memref<128xi32, #tpu.memory_space<vmem>>, vector<16xi32>,
    %swap3A_95 = vector.shape_cast %swap3A_94 : vector<16xi32> to vector<16xi32>
    %swap3A_96 = vector.shape_cast %get3A_92 : vector<16xi32> to vector<16xi32>
    tpu.vector_store %arg11[%swap3A_93], %swap3A_96 {strides = array<i32>} : memref<128xi32, #tpu.memory_space<vmem>>, vector<16xi32>,
    %get3A_97 = arith.constant 0 : i32
    %get3A_98 = arith.index_cast %get3A_97 : i32 to index
    %get3A_99 = arith.constant 64 : index
    %get3A_100 = tpu.vector_load %arg9[%get3A_98, %get3A_99] {strides = array<i32>} : memref<1x128xi32, #tpu.memory_space<vmem>>, vector<1x16xi32>,
    %get3A_101 = vector.shape_cast %get3A_100 : vector<1x16xi32> to vector<16xi32>
    %swap3A_102 = arith.constant 64 : index
    %swap3A_103 = tpu.vector_load %arg11[%swap3A_102] {strides = array<i32>} : memref<128xi32, #tpu.memory_space<vmem>>, vector<16xi32>,
    %swap3A_104 = vector.shape_cast %swap3A_103 : vector<16xi32> to vector<16xi32>
    %swap3A_105 = vector.shape_cast %get3A_101 : vector<16xi32> to vector<16xi32>
    tpu.vector_store %arg11[%swap3A_102], %swap3A_105 {strides = array<i32>} : memref<128xi32, #tpu.memory_space<vmem>>, vector<16xi32>,
    %get3A_106 = arith.constant 0 : i32
    %get3A_107 = arith.index_cast %get3A_106 : i32 to index
    %get3A_108 = arith.constant 80 : index
    %get3A_109 = tpu.vector_load %arg9[%get3A_107, %get3A_108] {strides = array<i32>} : memref<1x128xi32, #tpu.memory_space<vmem>>, vector<1x16xi32>,
    %get3A_110 = vector.shape_cast %get3A_109 : vector<1x16xi32> to vector<16xi32>
    %swap3A_111 = arith.constant 80 : index
    %swap3A_112 = tpu.vector_load %arg11[%swap3A_111] {strides = array<i32>} : memref<128xi32, #tpu.memory_space<vmem>>, vector<16xi32>,
    %swap3A_113 = vector.shape_cast %swap3A_112 : vector<16xi32> to vector<16xi32>
    %swap3A_114 = vector.shape_cast %get3A_110 : vector<16xi32> to vector<16xi32>
    tpu.vector_store %arg11[%swap3A_111], %swap3A_114 {strides = array<i32>} : memref<128xi32, #tpu.memory_space<vmem>>, vector<16xi32>,
    %get3A_115 = arith.constant 0 : i32
    %get3A_116 = arith.index_cast %get3A_115 : i32 to index
    %get3A_117 = arith.constant 96 : index
    %get3A_118 = tpu.vector_load %arg9[%get3A_116, %get3A_117] {strides = array<i32>} : memref<1x128xi32, #tpu.memory_space<vmem>>, vector<1x16xi32>,
    %get3A_119 = vector.shape_cast %get3A_118 : vector<1x16xi32> to vector<16xi32>
    %swap3A_120 = arith.constant 96 : index
    %swap3A_121 = tpu.vector_load %arg11[%swap3A_120] {strides = array<i32>} : memref<128xi32, #tpu.memory_space<vmem>>, vector<16xi32>,
    %swap3A_122 = vector.shape_cast %swap3A_121 : vector<16xi32> to vector<16xi32>
    %swap3A_123 = vector.shape_cast %get3A_119 : vector<16xi32> to vector<16xi32>
    tpu.vector_store %arg11[%swap3A_120], %swap3A_123 {strides = array<i32>} : memref<128xi32, #tpu.memory_space<vmem>>, vector<16xi32>,
    %get3A_124 = arith.constant 0 : i32
    %get3A_125 = arith.index_cast %get3A_124 : i32 to index
    %get3A_126 = arith.constant 112 : index
    %get3A_127 = tpu.vector_load %arg9[%get3A_125, %get3A_126] {strides = array<i32>} : memref<1x128xi32, #tpu.memory_space<vmem>>, vector<1x16xi32>,
    %get3A_128 = vector.shape_cast %get3A_127 : vector<1x16xi32> to vector<16xi32>
    %swap3A_129 = arith.constant 112 : index
    %swap3A_130 = tpu.vector_load %arg11[%swap3A_129] {strides = array<i32>} : memref<128xi32, #tpu.memory_space<vmem>>, vector<16xi32>,
    %swap3A_131 = vector.shape_cast %swap3A_130 : vector<16xi32> to vector<16xi32>
    %swap3A_132 = vector.shape_cast %get3A_128 : vector<16xi32> to vector<16xi32>
    tpu.vector_store %arg11[%swap3A_129], %swap3A_132 {strides = array<i32>} : memref<128xi32, #tpu.memory_space<vmem>>, vector<16xi32>,
    "tpu.region"() ({
      %run_scoped3A_255 = tpu.sem_alloc : memref<!tpu.dma_semaphore, #tpu.memory_space<semaphore_mem>>
      %dma_start3A_256 = arith.constant 0 : i32
      %dma_start3A_257 = arith.constant 0 : i32
      %dma_start3A_258 = tpu.memref_slice %arg13[%dma_start3A_256, %dma_start3A_257] : memref<10000x128xf32, #tpu.memory_space<vmem_shared>> -> memref<10000x128xf32, #tpu.memory_space<vmem_shared>>
      tpu.enqueue_indirect_dma source(%arg7 : memref<128x128xf32, #tpu.memory_space<vmem>>) target(%dma_start3A_258 : memref<10000x128xf32, #tpu.memory_space<vmem_shared>>) offsets(%arg11 : memref<128xi32, #tpu.memory_space<vmem>>) semaphore(%run_scoped3A_255 : memref<!tpu.dma_semaphore, #tpu.memory_space<semaphore_mem>>) {add = true}
      %dma_wait3A_259 = arith.constant 0 : i32
      %dma_wait3A_260 = arith.constant 0 : i32
      %dma_wait3A_261 = tpu.memref_slice %arg13[%dma_wait3A_259, %dma_wait3A_260] : memref<10000x128xf32, #tpu.memory_space<vmem_shared>> -> memref<10000x128xf32, #tpu.memory_space<vmem_shared>>
      tpu.wait_indirect_dma semaphore(%run_scoped3A_255 : memref<!tpu.dma_semaphore, #tpu.memory_space<semaphore_mem>>) src(%arg7 : memref<128x128xf32, #tpu.memory_space<vmem>>) dst(%dma_wait3A_261 : memref<10000x128xf32, #tpu.memory_space<vmem_shared>>)
      tpu.yield
    }) : () -> ()
    %dma_wait3A_133 = arith.constant 77 : i32
    %dma_wait3A_134 = arith.constant 0 : i32
    %dma_wait3A_135 = tpu.memref_slice %arg6[%dma_wait3A_133, %dma_wait3A_134] : memref<79x128xi32, #tpu.memory_space<vmem>> -> memref<1x128xi32, #tpu.memory_space<vmem>>
    %dma_wait3A_136 = tpu.memref_squeeze %dma_wait3A_135 : memref<1x128xi32, #tpu.memory_space<vmem>> -> memref<128xi32, #tpu.memory_space<vmem>>
    %dma_wait3A_137 = arith.constant 0 : i32
    %dma_wait3A_138 = arith.constant 0 : i32
    %dma_wait3A_139 = tpu.memref_slice %arg2[%dma_wait3A_137, %dma_wait3A_138] : memref<10000x128xf32, #tpu.memory_space<hbm>> -> memref<10000x128xf32, #tpu.memory_space<hbm>>
    tpu.wait_indirect_dma semaphore(%arg15 : memref<!tpu.dma_semaphore, #tpu.memory_space<semaphore_mem>>) src(%dma_wait3A_139 : memref<10000x128xf32, #tpu.memory_space<hbm>>) dst(%arg8 : memref<128x128xf32, #tpu.memory_space<vmem>>)
    %dma_wait3A_140 = arith.constant 77 : i32
    %dma_wait3A_141 = arith.constant 0 : i32
    %dma_wait3A_142 = arith.constant 0 : i32
    %dma_wait3A_143 = tpu.memref_slice %arg4[%add3A, %dma_wait3A_140, %dma_wait3A_141, %dma_wait3A_142] : memref<32x79x1x128xi32, #tpu.memory_space<hbm>> -> memref<1x1x1x128xi32, #tpu.memory_space<hbm>>
    %dma_wait3A_144 = tpu.memref_squeeze %dma_wait3A_143 : memref<1x1x1x128xi32, #tpu.memory_space<hbm>> -> memref<1x128xi32, #tpu.memory_space<hbm>>
    %dma_wait3A_145 = arith.constant 0 : i32
    %dma_wait3A_146 = arith.constant 0 : i32
    %dma_wait3A_147 = tpu.memref_slice %arg4[%add3A, %dma_wait3A_140, %dma_wait3A_145, %dma_wait3A_146] : memref<32x79x1x128xi32, #tpu.memory_space<hbm>> -> memref<1x1x1x128xi32, #tpu.memory_space<hbm>>
    %dma_wait3A_148 = tpu.memref_squeeze %dma_wait3A_147 : memref<1x1x1x128xi32, #tpu.memory_space<hbm>> -> memref<1x128xi32, #tpu.memory_space<hbm>>
    tpu.wait_dma2 semaphore(%arg17 : memref<!tpu.dma_semaphore, #tpu.memory_space<semaphore_mem>>) src(%dma_wait3A_148 : memref<1x128xi32, #tpu.memory_space<hbm>>) dst(%arg10 : memref<1x128xi32, #tpu.memory_space<vmem>>)
    %get3A_149 = arith.constant 0 : i32
    %get3A_150 = arith.index_cast %get3A_149 : i32 to index
    %get3A_151 = arith.constant 0 : index
    %get3A_152 = tpu.vector_load %arg10[%get3A_150, %get3A_151] {strides = array<i32>} : memref<1x128xi32, #tpu.memory_space<vmem>>, vector<1x16xi32>,
    %get3A_153 = vector.shape_cast %get3A_152 : vector<1x16xi32> to vector<16xi32>
    %swap3A_154 = arith.constant 0 : index
    %swap3A_155 = tpu.vector_load %arg12[%swap3A_154] {strides = array<i32>} : memref<128xi32, #tpu.memory_space<vmem>>, vector<16xi32>,
    %swap3A_156 = vector.shape_cast %swap3A_155 : vector<16xi32> to vector<16xi32>
    %swap3A_157 = vector.shape_cast %get3A_153 : vector<16xi32> to vector<16xi32>
    tpu.vector_store %arg12[%swap3A_154], %swap3A_157 {strides = array<i32>} : memref<128xi32, #tpu.memory_space<vmem>>, vector<16xi32>,
    %get3A_158 = arith.constant 0 : i32
    %get3A_159 = arith.index_cast %get3A_158 : i32 to index
    %get3A_160 = arith.constant 16 : index
    %get3A_161 = tpu.vector_load %arg10[%get3A_159, %get3A_160] {strides = array<i32>} : memref<1x128xi32, #tpu.memory_space<vmem>>, vector<1x16xi32>,
    %get3A_162 = vector.shape_cast %get3A_161 : vector<1x16xi32> to vector<16xi32>
    %swap3A_163 = arith.constant 16 : index
    %swap3A_164 = tpu.vector_load %arg12[%swap3A_163] {strides = array<i32>} : memref<128xi32, #tpu.memory_space<vmem>>, vector<16xi32>,
    %swap3A_165 = vector.shape_cast %swap3A_164 : vector<16xi32> to vector<16xi32>
    %swap3A_166 = vector.shape_cast %get3A_162 : vector<16xi32> to vector<16xi32>
    tpu.vector_store %arg12[%swap3A_163], %swap3A_166 {strides = array<i32>} : memref<128xi32, #tpu.memory_space<vmem>>, vector<16xi32>,
    %get3A_167 = arith.constant 0 : i32
    %get3A_168 = arith.index_cast %get3A_167 : i32 to index
    %get3A_169 = arith.constant 32 : index
    %get3A_170 = tpu.vector_load %arg10[%get3A_168, %get3A_169] {strides = array<i32>} : memref<1x128xi32, #tpu.memory_space<vmem>>, vector<1x16xi32>,
    %get3A_171 = vector.shape_cast %get3A_170 : vector<1x16xi32> to vector<16xi32>
    %swap3A_172 = arith.constant 32 : index
    %swap3A_173 = tpu.vector_load %arg12[%swap3A_172] {strides = array<i32>} : memref<128xi32, #tpu.memory_space<vmem>>, vector<16xi32>,
    %swap3A_174 = vector.shape_cast %swap3A_173 : vector<16xi32> to vector<16xi32>
    %swap3A_175 = vector.shape_cast %get3A_171 : vector<16xi32> to vector<16xi32>
    tpu.vector_store %arg12[%swap3A_172], %swap3A_175 {strides = array<i32>} : memref<128xi32, #tpu.memory_space<vmem>>, vector<16xi32>,
    %get3A_176 = arith.constant 0 : i32
    %get3A_177 = arith.index_cast %get3A_176 : i32 to index
    %get3A_178 = arith.constant 48 : index
    %get3A_179 = tpu.vector_load %arg10[%get3A_177, %get3A_178] {strides = array<i32>} : memref<1x128xi32, #tpu.memory_space<vmem>>, vector<1x16xi32>,
    %get3A_180 = vector.shape_cast %get3A_179 : vector<1x16xi32> to vector<16xi32>
    %swap3A_181 = arith.constant 48 : index
    %swap3A_182 = tpu.vector_load %arg12[%swap3A_181] {strides = array<i32>} : memref<128xi32, #tpu.memory_space<vmem>>, vector<16xi32>,
    %swap3A_183 = vector.shape_cast %swap3A_182 : vector<16xi32> to vector<16xi32>
    %swap3A_184 = vector.shape_cast %get3A_180 : vector<16xi32> to vector<16xi32>
    tpu.vector_store %arg12[%swap3A_181], %swap3A_184 {strides = array<i32>} : memref<128xi32, #tpu.memory_space<vmem>>, vector<16xi32>,
    %get3A_185 = arith.constant 0 : i32
    %get3A_186 = arith.index_cast %get3A_185 : i32 to index
    %get3A_187 = arith.constant 64 : index
    %get3A_188 = tpu.vector_load %arg10[%get3A_186, %get3A_187] {strides = array<i32>} : memref<1x128xi32, #tpu.memory_space<vmem>>, vector<1x16xi32>,
    %get3A_189 = vector.shape_cast %get3A_188 : vector<1x16xi32> to vector<16xi32>
    %swap3A_190 = arith.constant 64 : index
    %swap3A_191 = tpu.vector_load %arg12[%swap3A_190] {strides = array<i32>} : memref<128xi32, #tpu.memory_space<vmem>>, vector<16xi32>,
    %swap3A_192 = vector.shape_cast %swap3A_191 : vector<16xi32> to vector<16xi32>
    %swap3A_193 = vector.shape_cast %get3A_189 : vector<16xi32> to vector<16xi32>
    tpu.vector_store %arg12[%swap3A_190], %swap3A_193 {strides = array<i32>} : memref<128xi32, #tpu.memory_space<vmem>>, vector<16xi32>,
    %get3A_194 = arith.constant 0 : i32
    %get3A_195 = arith.index_cast %get3A_194 : i32 to index
    %get3A_196 = arith.constant 80 : index
    %get3A_197 = tpu.vector_load %arg10[%get3A_195, %get3A_196] {strides = array<i32>} : memref<1x128xi32, #tpu.memory_space<vmem>>, vector<1x16xi32>,
    %get3A_198 = vector.shape_cast %get3A_197 : vector<1x16xi32> to vector<16xi32>
    %swap3A_199 = arith.constant 80 : index
    %swap3A_200 = tpu.vector_load %arg12[%swap3A_199] {strides = array<i32>} : memref<128xi32, #tpu.memory_space<vmem>>, vector<16xi32>,
    %swap3A_201 = vector.shape_cast %swap3A_200 : vector<16xi32> to vector<16xi32>
    %swap3A_202 = vector.shape_cast %get3A_198 : vector<16xi32> to vector<16xi32>
    tpu.vector_store %arg12[%swap3A_199], %swap3A_202 {strides = array<i32>} : memref<128xi32, #tpu.memory_space<vmem>>, vector<16xi32>,
    %get3A_203 = arith.constant 0 : i32
    %get3A_204 = arith.index_cast %get3A_203 : i32 to index
    %get3A_205 = arith.constant 96 : index
    %get3A_206 = tpu.vector_load %arg10[%get3A_204, %get3A_205] {strides = array<i32>} : memref<1x128xi32, #tpu.memory_space<vmem>>, vector<1x16xi32>,
    %get3A_207 = vector.shape_cast %get3A_206 : vector<1x16xi32> to vector<16xi32>
    %swap3A_208 = arith.constant 96 : index
    %swap3A_209 = tpu.vector_load %arg12[%swap3A_208] {strides = array<i32>} : memref<128xi32, #tpu.memory_space<vmem>>, vector<16xi32>,
    %swap3A_210 = vector.shape_cast %swap3A_209 : vector<16xi32> to vector<16xi32>
    %swap3A_211 = vector.shape_cast %get3A_207 : vector<16xi32> to vector<16xi32>
    tpu.vector_store %arg12[%swap3A_208], %swap3A_211 {strides = array<i32>} : memref<128xi32, #tpu.memory_space<vmem>>, vector<16xi32>,
    %get3A_212 = arith.constant 0 : i32
    %get3A_213 = arith.index_cast %get3A_212 : i32 to index
    %get3A_214 = arith.constant 112 : index
    %get3A_215 = tpu.vector_load %arg10[%get3A_213, %get3A_214] {strides = array<i32>} : memref<1x128xi32, #tpu.memory_space<vmem>>, vector<1x16xi32>,
    %get3A_216 = vector.shape_cast %get3A_215 : vector<1x16xi32> to vector<16xi32>
    %swap3A_217 = arith.constant 112 : index
    %swap3A_218 = tpu.vector_load %arg12[%swap3A_217] {strides = array<i32>} : memref<128xi32, #tpu.memory_space<vmem>>, vector<16xi32>,
    %swap3A_219 = vector.shape_cast %swap3A_218 : vector<16xi32> to vector<16xi32>
    %swap3A_220 = vector.shape_cast %get3A_216 : vector<16xi32> to vector<16xi32>
    tpu.vector_store %arg12[%swap3A_217], %swap3A_220 {strides = array<i32>} : memref<128xi32, #tpu.memory_space<vmem>>, vector<16xi32>,
    "tpu.region"() ({
      %run_scoped3A_255 = tpu.sem_alloc : memref<!tpu.dma_semaphore, #tpu.memory_space<semaphore_mem>>
      %dma_start3A_256 = arith.constant 0 : i32
      %dma_start3A_257 = arith.constant 0 : i32
      %dma_start3A_258 = tpu.memref_slice %arg13[%dma_start3A_256, %dma_start3A_257] : memref<10000x128xf32, #tpu.memory_space<vmem_shared>> -> memref<10000x128xf32, #tpu.memory_space<vmem_shared>>
      tpu.enqueue_indirect_dma source(%arg8 : memref<128x128xf32, #tpu.memory_space<vmem>>) target(%dma_start3A_258 : memref<10000x128xf32, #tpu.memory_space<vmem_shared>>) offsets(%arg12 : memref<128xi32, #tpu.memory_space<vmem>>) semaphore(%run_scoped3A_255 : memref<!tpu.dma_semaphore, #tpu.memory_space<semaphore_mem>>) {add = true}
      %dma_wait3A_259 = arith.constant 0 : i32
      %dma_wait3A_260 = arith.constant 0 : i32
      %dma_wait3A_261 = tpu.memref_slice %arg13[%dma_wait3A_259, %dma_wait3A_260] : memref<10000x128xf32, #tpu.memory_space<vmem_shared>> -> memref<10000x128xf32, #tpu.memory_space<vmem_shared>>
      tpu.wait_indirect_dma semaphore(%run_scoped3A_255 : memref<!tpu.dma_semaphore, #tpu.memory_space<semaphore_mem>>) src(%arg8 : memref<128x128xf32, #tpu.memory_space<vmem>>) dst(%dma_wait3A_261 : memref<10000x128xf32, #tpu.memory_space<vmem_shared>>)
      tpu.yield
    }) : () -> ()
    %run_scoped3A = arith.constant 78 : i32
    "tpu.region"() ({
      %run_scoped3A_255 = tpu.sem_alloc : memref<!tpu.dma_semaphore, #tpu.memory_space<semaphore_mem>>
      %dma_start3A_256 = arith.constant 0 : i32
      %dma_start3A_257 = arith.constant 0 : i32
      %dma_start3A_258 = tpu.memref_slice %arg4[%add3A, %run_scoped3A, %dma_start3A_256, %dma_start3A_257] : memref<32x79x1x128xi32, #tpu.memory_space<hbm>> -> memref<1x1x1x128xi32, #tpu.memory_space<hbm>>
      %dma_start3A_259 = tpu.memref_squeeze %dma_start3A_258 : memref<1x1x1x128xi32, #tpu.memory_space<hbm>> -> memref<1x128xi32, #tpu.memory_space<hbm>>
      %dma_start3A_260 = arith.constant 0 : i32
      %dma_start3A_261 = arith.constant 0 : i32
      %dma_start3A_262 = tpu.memref_slice %arg4[%add3A, %run_scoped3A, %dma_start3A_260, %dma_start3A_261] : memref<32x79x1x128xi32, #tpu.memory_space<hbm>> -> memref<1x1x1x128xi32, #tpu.memory_space<hbm>>
      %dma_start3A_263 = tpu.memref_squeeze %dma_start3A_262 : memref<1x1x1x128xi32, #tpu.memory_space<hbm>> -> memref<1x128xi32, #tpu.memory_space<hbm>>
      tpu.enqueue_dma source(%dma_start3A_263 : memref<1x128xi32, #tpu.memory_space<hbm>>) target(%arg9 : memref<1x128xi32, #tpu.memory_space<vmem>>) target_semaphore(%run_scoped3A_255 : memref<!tpu.dma_semaphore, #tpu.memory_space<semaphore_mem>>)
      %dma_wait3A_264 = arith.constant 0 : i32
      %dma_wait3A_265 = arith.constant 0 : i32
      %dma_wait3A_266 = tpu.memref_slice %arg4[%add3A, %run_scoped3A, %dma_wait3A_264, %dma_wait3A_265] : memref<32x79x1x128xi32, #tpu.memory_space<hbm>> -> memref<1x1x1x128xi32, #tpu.memory_space<hbm>>
      %dma_wait3A_267 = tpu.memref_squeeze %dma_wait3A_266 : memref<1x1x1x128xi32, #tpu.memory_space<hbm>> -> memref<1x128xi32, #tpu.memory_space<hbm>>
      %dma_wait3A_268 = arith.constant 0 : i32
      %dma_wait3A_269 = arith.constant 0 : i32
      %dma_wait3A_270 = tpu.memref_slice %arg4[%add3A, %run_scoped3A, %dma_wait3A_268, %dma_wait3A_269] : memref<32x79x1x128xi32, #tpu.memory_space<hbm>> -> memref<1x1x1x128xi32, #tpu.memory_space<hbm>>
      %dma_wait3A_271 = tpu.memref_squeeze %dma_wait3A_270 : memref<1x1x1x128xi32, #tpu.memory_space<hbm>> -> memref<1x128xi32, #tpu.memory_space<hbm>>
      tpu.wait_dma2 semaphore(%run_scoped3A_255 : memref<!tpu.dma_semaphore, #tpu.memory_space<semaphore_mem>>) src(%dma_wait3A_271 : memref<1x128xi32, #tpu.memory_space<hbm>>) dst(%arg9 : memref<1x128xi32, #tpu.memory_space<vmem>>)
      tpu.yield
    }) : () -> ()
    %get3A_221 = arith.constant 78 : i32
    %get3A_222 = arith.index_cast %get3A_221 : i32 to index
    %get3A_223 = arith.constant 0 : index
    %get3A_224 = tpu.vector_load %arg6[%get3A_222, %get3A_223] {strides = array<i32>} : memref<79x128xi32, #tpu.memory_space<vmem>>, vector<1x16xi32>,
    %get3A_225 = vector.shape_cast %get3A_224 : vector<1x16xi32> to vector<16xi32>
    %swap3A_226 = arith.constant 0 : index
    %swap3A_227 = tpu.vector_load %arg18[%swap3A_226] {strides = array<i32>} : memref<16xi32, #tpu.memory_space<vmem>>, vector<16xi32>,
    %swap3A_228 = vector.shape_cast %swap3A_227 : vector<16xi32> to vector<16xi32>
    %swap3A_229 = vector.shape_cast %get3A_225 : vector<16xi32> to vector<16xi32>
    tpu.vector_store %arg18[%swap3A_226], %swap3A_229 {strides = array<i32>} : memref<16xi32, #tpu.memory_space<vmem>>, vector<16xi32>,
    %get3A_230 = arith.constant 0 : i32
    %get3A_231 = arith.index_cast %get3A_230 : i32 to index
    %get3A_232 = arith.constant 0 : index
    %get3A_233 = tpu.vector_load %arg9[%get3A_231, %get3A_232] {strides = array<i32>} : memref<1x128xi32, #tpu.memory_space<vmem>>, vector<1x16xi32>,
    %get3A_234 = vector.shape_cast %get3A_233 : vector<1x16xi32> to vector<16xi32>
    %swap3A_235 = arith.constant 0 : index
    %swap3A_236 = tpu.vector_load %arg19[%swap3A_235] {strides = array<i32>} : memref<16xi32, #tpu.memory_space<vmem>>, vector<16xi32>,
    %swap3A_237 = vector.shape_cast %swap3A_236 : vector<16xi32> to vector<16xi32>
    %swap3A_238 = vector.shape_cast %get3A_234 : vector<16xi32> to vector<16xi32>
    tpu.vector_store %arg19[%swap3A_235], %swap3A_238 {strides = array<i32>} : memref<16xi32, #tpu.memory_space<vmem>>, vector<16xi32>,
    %dma_start3A_239 = arith.constant 0 : i32
    %dma_start3A_240 = arith.constant 0 : i32
    %dma_start3A_241 = tpu.memref_slice %arg2[%dma_start3A_239, %dma_start3A_240] : memref<10000x128xf32, #tpu.memory_space<hbm>> -> memref<10000x128xf32, #tpu.memory_space<hbm>>
    tpu.enqueue_indirect_dma source(%dma_start3A_241 : memref<10000x128xf32, #tpu.memory_space<hbm>>) target(%arg20 : memref<16x128xf32, #tpu.memory_space<vmem>>) offsets(%arg18 : memref<16xi32, #tpu.memory_space<vmem>>) semaphore(%arg14 : memref<!tpu.dma_semaphore, #tpu.memory_space<semaphore_mem>>)
    %dma_wait3A_242 = arith.constant 0 : i32
    %dma_wait3A_243 = arith.constant 0 : i32
    %dma_wait3A_244 = tpu.memref_slice %arg2[%dma_wait3A_242, %dma_wait3A_243] : memref<10000x128xf32, #tpu.memory_space<hbm>> -> memref<10000x128xf32, #tpu.memory_space<hbm>>
    tpu.wait_indirect_dma semaphore(%arg14 : memref<!tpu.dma_semaphore, #tpu.memory_space<semaphore_mem>>) src(%dma_wait3A_244 : memref<10000x128xf32, #tpu.memory_space<hbm>>) dst(%arg20 : memref<16x128xf32, #tpu.memory_space<vmem>>)
    "tpu.region"() ({
      %run_scoped3A_255 = tpu.sem_alloc : memref<!tpu.dma_semaphore, #tpu.memory_space<semaphore_mem>>
      %dma_start3A_256 = arith.constant 0 : i32
      %dma_start3A_257 = arith.constant 0 : i32
      %dma_start3A_258 = tpu.memref_slice %arg13[%dma_start3A_256, %dma_start3A_257] : memref<10000x128xf32, #tpu.memory_space<vmem_shared>> -> memref<10000x128xf32, #tpu.memory_space<vmem_shared>>
      tpu.enqueue_indirect_dma source(%arg20 : memref<16x128xf32, #tpu.memory_space<vmem>>) target(%dma_start3A_258 : memref<10000x128xf32, #tpu.memory_space<vmem_shared>>) offsets(%arg19 : memref<16xi32, #tpu.memory_space<vmem>>) semaphore(%run_scoped3A_255 : memref<!tpu.dma_semaphore, #tpu.memory_space<semaphore_mem>>) {add = true}
      %dma_wait3A_259 = arith.constant 0 : i32
      %dma_wait3A_260 = arith.constant 0 : i32
      %dma_wait3A_261 = tpu.memref_slice %arg13[%dma_wait3A_259, %dma_wait3A_260] : memref<10000x128xf32, #tpu.memory_space<vmem_shared>> -> memref<10000x128xf32, #tpu.memory_space<vmem_shared>>
      tpu.wait_indirect_dma semaphore(%run_scoped3A_255 : memref<!tpu.dma_semaphore, #tpu.memory_space<semaphore_mem>>) src(%arg20 : memref<16x128xf32, #tpu.memory_space<vmem>>) dst(%dma_wait3A_261 : memref<10000x128xf32, #tpu.memory_space<vmem_shared>>)
      tpu.yield
    }) : () -> ()
    %barrier3A_245 = arith.constant 0 : index
    tpu.barrier barrier_id(%barrier3A_245)
    %mul3A_246 = arith.constant 624 : i32
    %mul3A_247 = arith.muli %arg1, %mul3A_246 : i32
    %mul3A_248 = arith.constant 624 : i32
    %mul3A_249 = arith.muli %arg1, %mul3A_248 : i32
    "tpu.region"() ({
      %run_scoped3A_255 = tpu.sem_alloc : memref<!tpu.dma_semaphore, #tpu.memory_space<semaphore_mem>>
      %dma_start3A_256 = arith.constant 0 : i32
      %dma_start3A_257 = tpu.memref_slice %arg5[%arg0, %mul3A_249, %dma_start3A_256] : memref<2x10000x128xf32, #tpu.memory_space<hbm>> -> memref<1x624x128xf32, #tpu.memory_space<hbm>>
      %dma_start3A_258 = tpu.memref_squeeze %dma_start3A_257 : memref<1x624x128xf32, #tpu.memory_space<hbm>> -> memref<624x128xf32, #tpu.memory_space<hbm>>
      %dma_start3A_259 = arith.constant 0 : i32
      %dma_start3A_260 = tpu.memref_slice %arg13[%mul3A_247, %dma_start3A_259] : memref<10000x128xf32, #tpu.memory_space<vmem_shared>> -> memref<624x128xf32, #tpu.memory_space<vmem_shared>>
      tpu.enqueue_dma source(%dma_start3A_260 : memref<624x128xf32, #tpu.memory_space<vmem_shared>>) target(%dma_start3A_258 : memref<624x128xf32, #tpu.memory_space<hbm>>) target_semaphore(%run_scoped3A_255 : memref<!tpu.dma_semaphore, #tpu.memory_space<semaphore_mem>>)
      %dma_wait3A_261 = arith.constant 0 : i32
      %dma_wait3A_262 = tpu.memref_slice %arg5[%arg0, %mul3A_249, %dma_wait3A_261] : memref<2x10000x128xf32, #tpu.memory_space<hbm>> -> memref<1x624x128xf32, #tpu.memory_space<hbm>>
      %dma_wait3A_263 = tpu.memref_squeeze %dma_wait3A_262 : memref<1x624x128xf32, #tpu.memory_space<hbm>> -> memref<624x128xf32, #tpu.memory_space<hbm>>
      %dma_wait3A_264 = arith.constant 0 : i32
      %dma_wait3A_265 = tpu.memref_slice %arg13[%mul3A_247, %dma_wait3A_264] : memref<10000x128xf32, #tpu.memory_space<vmem_shared>> -> memref<624x128xf32, #tpu.memory_space<vmem_shared>>
      tpu.wait_dma2 semaphore(%run_scoped3A_255 : memref<!tpu.dma_semaphore, #tpu.memory_space<semaphore_mem>>) src(%dma_wait3A_265 : memref<624x128xf32, #tpu.memory_space<vmem_shared>>) dst(%dma_wait3A_263 : memref<624x128xf32, #tpu.memory_space<hbm>>)
      tpu.yield
    }) : () -> ()
    %eq3A_250 = arith.constant 15 : i32
    %eq3A_251 = arith.cmpi eq, %arg1, %eq3A_250 : i32
    %convert_element_type3A_252 = arith.extui %eq3A_251 : i1 to i32
    %cond3A_253 = arith.constant 0 : i32
    %cond3A_254 = arith.cmpi ne, %convert_element_type3A_252, %cond3A_253 : i32
    scf.if %cond3A_254 {
      "tpu.region"() ({
        %run_scoped3A_255 = tpu.sem_alloc : memref<!tpu.dma_semaphore, #tpu.memory_space<semaphore_mem>>
        %dma_start3A_256 = arith.constant 9984 : i32
        %dma_start3A_257 = arith.constant 0 : i32
        %dma_start3A_258 = tpu.memref_slice %arg5[%arg0, %dma_start3A_256, %dma_start3A_257] : memref<2x10000x128xf32, #tpu.memory_space<hbm>> -> memref<1x16x128xf32, #tpu.memory_space<hbm>>
        %dma_start3A_259 = tpu.memref_squeeze %dma_start3A_258 : memref<1x16x128xf32, #tpu.memory_space<hbm>> -> memref<16x128xf32, #tpu.memory_space<hbm>>
        %dma_start3A_260 = arith.constant 9984 : i32
        %dma_start3A_261 = arith.constant 0 : i32
        %dma_start3A_262 = tpu.memref_slice %arg13[%dma_start3A_260, %dma_start3A_261] : memref<10000x128xf32, #tpu.memory_space<vmem_shared>> -> memref<16x128xf32, #tpu.memory_space<vmem_shared>>
        tpu.enqueue_dma source(%dma_start3A_262 : memref<16x128xf32, #tpu.memory_space<vmem_shared>>) target(%dma_start3A_259 : memref<16x128xf32, #tpu.memory_space<hbm>>) target_semaphore(%run_scoped3A_255 : memref<!tpu.dma_semaphore, #tpu.memory_space<semaphore_mem>>)
        %dma_wait3A_263 = arith.constant 9984 : i32
        %dma_wait3A_264 = arith.constant 0 : i32
        %dma_wait3A_265 = tpu.memref_slice %arg5[%arg0, %dma_wait3A_263, %dma_wait3A_264] : memref<2x10000x128xf32, #tpu.memory_space<hbm>> -> memref<1x16x128xf32, #tpu.memory_space<hbm>>
        %dma_wait3A_266 = tpu.memref_squeeze %dma_wait3A_265 : memref<1x16x128xf32, #tpu.memory_space<hbm>> -> memref<16x128xf32, #tpu.memory_space<hbm>>
        %dma_wait3A_267 = arith.constant 9984 : i32
        %dma_wait3A_268 = arith.constant 0 : i32
        %dma_wait3A_269 = tpu.memref_slice %arg13[%dma_wait3A_267, %dma_wait3A_268] : memref<10000x128xf32, #tpu.memory_space<vmem_shared>> -> memref<16x128xf32, #tpu.memory_space<vmem_shared>>
        tpu.wait_dma2 semaphore(%run_scoped3A_255 : memref<!tpu.dma_semaphore, #tpu.memory_space<semaphore_mem>>) src(%dma_wait3A_269 : memref<16x128xf32, #tpu.memory_space<vmem_shared>>) dst(%dma_wait3A_266 : memref<16x128xf32, #tpu.memory_space<hbm>>)
        tpu.yield
      }) : () -> ()
    } else {
    }
    return
  }
}

#map = affine_map<(d0, d1) -> (0)>
module attributes {stable_mosaic.version = 14 : i64} {
  func.func @k(%arg0: i32, %arg1: i32, %arg2: memref<320000xi32, #tpu.memory_space<hbm>>, %arg3: memref<320000xf32, #tpu.memory_space<hbm>>, %arg4: memref<128xi32, #tpu.memory_space<vmem>>, %arg5: memref<10000xf32, #tpu.memory_space<vmem>>, %arg6: memref<16xi32, #tpu.memory_space<vmem>>) attributes {dimension_semantics = [#tpu.dimension_semantics<core_parallel>, #tpu.dimension_semantics<subcore_parallel>], iteration_bounds = array<i64: 2, 16>, scalar_prefetch = 0 : i64, scratch_operands = 3 : i64, tpu.core_type = #tpu.core_type<sc_vector_subcore>, window_params = [{transform_indices = #map}, {transform_indices = #map}]} {
    %mul3A = arith.constant 16 : i32
    %mul3A_0 = arith.muli %arg0, %mul3A : i32
    %add3A = arith.addi %mul3A_0, %arg1 : i32
    %mul3A_1 = arith.constant 10000 : i32
    %mul3A_2 = arith.muli %add3A, %mul3A_1 : i32
    %scan3A = arith.constant 0 : i32
    %scan3A_3 = arith.constant 625 : i32
    %scan3A_4 = arith.addi %scan3A, %scan3A_3 : i32
    %scan3A_5 = arith.constant 1 : i32
    scf.for %scan3A_18 = %scan3A to %scan3A_4 step %scan3A_5  : i32 {
      %mul3A_19 = arith.constant 16 : i32
      %mul3A_20 = arith.muli %scan3A_18, %mul3A_19 : i32
      %add3A_21 = arith.constant 0 : i32
      %add3A_22 = arith.addi %add3A_21, %mul3A_20 : i32
      %broadcast_in_dim3A_23 = arith.constant 0.000000e+00 : f32
      %broadcast_in_dim3A_24 = vector.broadcast %broadcast_in_dim3A_23 : f32 to vector<16xf32>
      %swap3A = arith.index_cast %add3A_22 : i32 to index
      %swap3A_25 = tpu.vector_load %arg5[%swap3A] {strides = array<i32>} : memref<10000xf32, #tpu.memory_space<vmem>>, vector<16xf32>,
      tpu.vector_store %arg5[%swap3A], %broadcast_in_dim3A_24 {strides = array<i32>} : memref<10000xf32, #tpu.memory_space<vmem>>, vector<16xf32>,
    }
    %scan3A_6 = arith.constant 625 : i32
    %broadcast_in_dim3A = arith.constant 1.000000e+00 : f32
    %broadcast_in_dim3A_7 = vector.broadcast %broadcast_in_dim3A : f32 to vector<16xf32>
    %scan3A_8 = arith.constant 0 : i32
    %scan3A_9 = arith.constant 78 : i32
    %scan3A_10 = arith.addi %scan3A_8, %scan3A_9 : i32
    %scan3A_11 = arith.constant 1 : i32
    scf.for %scan3A_18 = %scan3A_8 to %scan3A_10 step %scan3A_11  : i32 {
      %mul3A_19 = arith.constant 1 : i32
      %mul3A_20 = arith.muli %scan3A_18, %mul3A_19 : i32
      %add3A_21 = arith.constant 0 : i32
      %add3A_22 = arith.addi %add3A_21, %mul3A_20 : i32
      %mul3A_23 = arith.constant 128 : i32
      %mul3A_24 = arith.muli %add3A_22, %mul3A_23 : i32
      %add3A_25 = arith.addi %mul3A_2, %mul3A_24 : i32
      "tpu.region"() ({
        %run_scoped3A = tpu.sem_alloc : memref<!tpu.dma_semaphore, #tpu.memory_space<semaphore_mem>>
        %dma_start3A = tpu.memref_slice %arg2[%add3A_25] : memref<320000xi32, #tpu.memory_space<hbm>> -> memref<128xi32, #tpu.memory_space<hbm>>
        %dma_start3A_42 = tpu.memref_slice %arg2[%add3A_25] : memref<320000xi32, #tpu.memory_space<hbm>> -> memref<128xi32, #tpu.memory_space<hbm>>
        tpu.enqueue_dma source(%dma_start3A_42 : memref<128xi32, #tpu.memory_space<hbm>>) target(%arg4 : memref<128xi32, #tpu.memory_space<vmem>>) target_semaphore(%run_scoped3A : memref<!tpu.dma_semaphore, #tpu.memory_space<semaphore_mem>>)
        %dma_wait3A = tpu.memref_slice %arg2[%add3A_25] : memref<320000xi32, #tpu.memory_space<hbm>> -> memref<128xi32, #tpu.memory_space<hbm>>
        %dma_wait3A_43 = tpu.memref_slice %arg2[%add3A_25] : memref<320000xi32, #tpu.memory_space<hbm>> -> memref<128xi32, #tpu.memory_space<hbm>>
        tpu.wait_dma2 semaphore(%run_scoped3A : memref<!tpu.dma_semaphore, #tpu.memory_space<semaphore_mem>>) src(%dma_wait3A_43 : memref<128xi32, #tpu.memory_space<hbm>>) dst(%arg4 : memref<128xi32, #tpu.memory_space<vmem>>)
        tpu.yield
      }) : () -> ()
      %get3A_26 = arith.constant 0 : index
      %get3A_27 = tpu.vector_load %arg4[%get3A_26] {strides = array<i32>} : memref<128xi32, #tpu.memory_space<vmem>>, vector<16xi32>,
      tpu.vector_store_idx %arg5[%get3A_27], %broadcast_in_dim3A_7 {add = true} : memref<10000xf32, #tpu.memory_space<vmem>>[vector<16xi32>], vector<16xf32>,
      %get3A_28 = arith.constant 16 : index
      %get3A_29 = tpu.vector_load %arg4[%get3A_28] {strides = array<i32>} : memref<128xi32, #tpu.memory_space<vmem>>, vector<16xi32>,
      tpu.vector_store_idx %arg5[%get3A_29], %broadcast_in_dim3A_7 {add = true} : memref<10000xf32, #tpu.memory_space<vmem>>[vector<16xi32>], vector<16xf32>,
      %get3A_30 = arith.constant 32 : index
      %get3A_31 = tpu.vector_load %arg4[%get3A_30] {strides = array<i32>} : memref<128xi32, #tpu.memory_space<vmem>>, vector<16xi32>,
      tpu.vector_store_idx %arg5[%get3A_31], %broadcast_in_dim3A_7 {add = true} : memref<10000xf32, #tpu.memory_space<vmem>>[vector<16xi32>], vector<16xf32>,
      %get3A_32 = arith.constant 48 : index
      %get3A_33 = tpu.vector_load %arg4[%get3A_32] {strides = array<i32>} : memref<128xi32, #tpu.memory_space<vmem>>, vector<16xi32>,
      tpu.vector_store_idx %arg5[%get3A_33], %broadcast_in_dim3A_7 {add = true} : memref<10000xf32, #tpu.memory_space<vmem>>[vector<16xi32>], vector<16xf32>,
      %get3A_34 = arith.constant 64 : index
      %get3A_35 = tpu.vector_load %arg4[%get3A_34] {strides = array<i32>} : memref<128xi32, #tpu.memory_space<vmem>>, vector<16xi32>,
      tpu.vector_store_idx %arg5[%get3A_35], %broadcast_in_dim3A_7 {add = true} : memref<10000xf32, #tpu.memory_space<vmem>>[vector<16xi32>], vector<16xf32>,
      %get3A_36 = arith.constant 80 : index
      %get3A_37 = tpu.vector_load %arg4[%get3A_36] {strides = array<i32>} : memref<128xi32, #tpu.memory_space<vmem>>, vector<16xi32>,
      tpu.vector_store_idx %arg5[%get3A_37], %broadcast_in_dim3A_7 {add = true} : memref<10000xf32, #tpu.memory_space<vmem>>[vector<16xi32>], vector<16xf32>,
      %get3A_38 = arith.constant 96 : index
      %get3A_39 = tpu.vector_load %arg4[%get3A_38] {strides = array<i32>} : memref<128xi32, #tpu.memory_space<vmem>>, vector<16xi32>,
      tpu.vector_store_idx %arg5[%get3A_39], %broadcast_in_dim3A_7 {add = true} : memref<10000xf32, #tpu.memory_space<vmem>>[vector<16xi32>], vector<16xf32>,
      %get3A_40 = arith.constant 112 : index
      %get3A_41 = tpu.vector_load %arg4[%get3A_40] {strides = array<i32>} : memref<128xi32, #tpu.memory_space<vmem>>, vector<16xi32>,
      tpu.vector_store_idx %arg5[%get3A_41], %broadcast_in_dim3A_7 {add = true} : memref<10000xf32, #tpu.memory_space<vmem>>[vector<16xi32>], vector<16xf32>,
    }
    %scan3A_12 = arith.constant 78 : i32
    %add3A_13 = arith.constant 9984 : i32
    %add3A_14 = arith.addi %mul3A_2, %add3A_13 : i32
    "tpu.region"() ({
      %run_scoped3A = tpu.sem_alloc : memref<!tpu.dma_semaphore, #tpu.memory_space<semaphore_mem>>
      %dma_start3A = tpu.memref_slice %arg2[%add3A_14] : memref<320000xi32, #tpu.memory_space<hbm>> -> memref<16xi32, #tpu.memory_space<hbm>>
      %dma_start3A_18 = tpu.memref_slice %arg2[%add3A_14] : memref<320000xi32, #tpu.memory_space<hbm>> -> memref<16xi32, #tpu.memory_space<hbm>>
      tpu.enqueue_dma source(%dma_start3A_18 : memref<16xi32, #tpu.memory_space<hbm>>) target(%arg6 : memref<16xi32, #tpu.memory_space<vmem>>) target_semaphore(%run_scoped3A : memref<!tpu.dma_semaphore, #tpu.memory_space<semaphore_mem>>)
      %dma_wait3A = tpu.memref_slice %arg2[%add3A_14] : memref<320000xi32, #tpu.memory_space<hbm>> -> memref<16xi32, #tpu.memory_space<hbm>>
      %dma_wait3A_19 = tpu.memref_slice %arg2[%add3A_14] : memref<320000xi32, #tpu.memory_space<hbm>> -> memref<16xi32, #tpu.memory_space<hbm>>
      tpu.wait_dma2 semaphore(%run_scoped3A : memref<!tpu.dma_semaphore, #tpu.memory_space<semaphore_mem>>) src(%dma_wait3A_19 : memref<16xi32, #tpu.memory_space<hbm>>) dst(%arg6 : memref<16xi32, #tpu.memory_space<vmem>>)
      tpu.yield
    }) : () -> ()
    %get3A = arith.constant 0 : index
    %get3A_15 = tpu.vector_load %arg6[%get3A] {strides = array<i32>} : memref<16xi32, #tpu.memory_space<vmem>>, vector<16xi32>,
    tpu.vector_store_idx %arg5[%get3A_15], %broadcast_in_dim3A_7 {add = true} : memref<10000xf32, #tpu.memory_space<vmem>>[vector<16xi32>], vector<16xf32>,
    %mul3A_16 = arith.constant 10000 : i32
    %mul3A_17 = arith.muli %add3A, %mul3A_16 : i32
    "tpu.region"() ({
      %run_scoped3A = tpu.sem_alloc : memref<!tpu.dma_semaphore, #tpu.memory_space<semaphore_mem>>
      %dma_start3A = tpu.memref_slice %arg3[%mul3A_17] : memref<320000xf32, #tpu.memory_space<hbm>> -> memref<10000xf32, #tpu.memory_space<hbm>>
      %dma_start3A_18 = tpu.memref_slice %arg3[%mul3A_17] : memref<320000xf32, #tpu.memory_space<hbm>> -> memref<10000xf32, #tpu.memory_space<hbm>>
      tpu.enqueue_dma source(%arg5 : memref<10000xf32, #tpu.memory_space<vmem>>) target(%dma_start3A_18 : memref<10000xf32, #tpu.memory_space<hbm>>) target_semaphore(%run_scoped3A : memref<!tpu.dma_semaphore, #tpu.memory_space<semaphore_mem>>)
      %dma_wait3A = tpu.memref_slice %arg3[%mul3A_17] : memref<320000xf32, #tpu.memory_space<hbm>> -> memref<10000xf32, #tpu.memory_space<hbm>>
      %dma_wait3A_19 = tpu.memref_slice %arg3[%mul3A_17] : memref<320000xf32, #tpu.memory_space<hbm>> -> memref<10000xf32, #tpu.memory_space<hbm>>
      tpu.wait_dma2 semaphore(%run_scoped3A : memref<!tpu.dma_semaphore, #tpu.memory_space<semaphore_mem>>) src(%arg5 : memref<10000xf32, #tpu.memory_space<vmem>>) dst(%dma_wait3A_19 : memref<10000xf32, #tpu.memory_space<hbm>>)
      tpu.yield
    }) : () -> ()
    return
  }
}

#map = affine_map<(d0, d1) -> (0, 0)>
#map1 = affine_map<(d0, d1) -> (0, 0, 0)>
#map2 = affine_map<(d0, d1) -> (0, 0, 0, 0)>
module attributes {stable_mosaic.version = 14 : i64} {
  func.func @k(%arg0: i32, %arg1: i32, %arg2: memref<10000x128xf32, #tpu.memory_space<hbm>>, %arg3: memref<32x79x128xi32, #tpu.memory_space<hbm>>, %arg4: memref<32x79x1x128xi32, #tpu.memory_space<hbm>>, %arg5: memref<2x10000x128xf32, #tpu.memory_space<hbm>>, %arg6: memref<79x128xi32, #tpu.memory_space<vmem>>, %arg7: memref<128x128xf32, #tpu.memory_space<vmem>>, %arg8: memref<128x128xf32, #tpu.memory_space<vmem>>, %arg9: memref<1x128xi32, #tpu.memory_space<vmem>>, %arg10: memref<1x128xi32, #tpu.memory_space<vmem>>, %arg11: memref<128xi32, #tpu.memory_space<vmem>>, %arg12: memref<128xi32, #tpu.memory_space<vmem>>, %arg13: memref<10000x128xf32, #tpu.memory_space<vmem_shared>>, %arg14: memref<!tpu.dma_semaphore, #tpu.memory_space<semaphore_mem>>, %arg15: memref<!tpu.dma_semaphore, #tpu.memory_space<semaphore_mem>>, %arg16: memref<!tpu.dma_semaphore, #tpu.memory_space<semaphore_mem>>, %arg17: memref<!tpu.dma_semaphore, #tpu.memory_space<semaphore_mem>>, %arg18: memref<16xi32, #tpu.memory_space<vmem>>, %arg19: memref<16xi32, #tpu.memory_space<vmem>>, %arg20: memref<16x128xf32, #tpu.memory_space<vmem>>) attributes {dimension_semantics = [#tpu.dimension_semantics<core_parallel>, #tpu.dimension_semantics<subcore_parallel>], iteration_bounds = array<i64: 2, 16>, scalar_prefetch = 0 : i64, scratch_operands = 15 : i64, tpu.core_type = #tpu.core_type<sc_vector_subcore>, window_params = [{transform_indices = #map}, {transform_indices = #map1}, {transform_indices = #map2}, {transform_indices = #map1}]} {
    %mul3A = arith.constant 16 : i32
    %mul3A_0 = arith.muli %arg0, %mul3A : i32
    %add3A = arith.addi %mul3A_0, %arg1 : i32
    "tpu.region"() ({
      %run_scoped3A_255 = tpu.sem_alloc : memref<!tpu.dma_semaphore, #tpu.memory_space<semaphore_mem>>
      %dma_start3A_256 = arith.constant 0 : i32
      %dma_start3A_257 = arith.constant 0 : i32
      %dma_start3A_258 = tpu.memref_slice %arg3[%add3A, %dma_start3A_256, %dma_start3A_257] : memref<32x79x128xi32, #tpu.memory_space<hbm>> -> memref<1x79x128xi32, #tpu.memory_space<hbm>>
      %dma_start3A_259 = tpu.memref_squeeze %dma_start3A_258 : memref<1x79x128xi32, #tpu.memory_space<hbm>> -> memref<79x128xi32, #tpu.memory_space<hbm>>
      %dma_start3A_260 = arith.constant 0 : i32
      %dma_start3A_261 = arith.constant 0 : i32
      %dma_start3A_262 = tpu.memref_slice %arg3[%add3A, %dma_start3A_260, %dma_start3A_261] : memref<32x79x128xi32, #tpu.memory_space<hbm>> -> memref<1x79x128xi32, #tpu.memory_space<hbm>>
      %dma_start3A_263 = tpu.memref_squeeze %dma_start3A_262 : memref<1x79x128xi32, #tpu.memory_space<hbm>> -> memref<79x128xi32, #tpu.memory_space<hbm>>
      tpu.enqueue_dma source(%dma_start3A_263 : memref<79x128xi32, #tpu.memory_space<hbm>>) target(%arg6 : memref<79x128xi32, #tpu.memory_space<vmem>>) target_semaphore(%run_scoped3A_255 : memref<!tpu.dma_semaphore, #tpu.memory_space<semaphore_mem>>)
      %dma_wait3A_264 = arith.constant 0 : i32
      %dma_wait3A_265 = arith.constant 0 : i32
      %dma_wait3A_266 = tpu.memref_slice %arg3[%add3A, %dma_wait3A_264, %dma_wait3A_265] : memref<32x79x128xi32, #tpu.memory_space<hbm>> -> memref<1x79x128xi32, #tpu.memory_space<hbm>>
      %dma_wait3A_267 = tpu.memref_squeeze %dma_wait3A_266 : memref<1x79x128xi32, #tpu.memory_space<hbm>> -> memref<79x128xi32, #tpu.memory_space<hbm>>
      %dma_wait3A_268 = arith.constant 0 : i32
      %dma_wait3A_269 = arith.constant 0 : i32
      %dma_wait3A_270 = tpu.memref_slice %arg3[%add3A, %dma_wait3A_268, %dma_wait3A_269] : memref<32x79x128xi32, #tpu.memory_space<hbm>> -> memref<1x79x128xi32, #tpu.memory_space<hbm>>
      %dma_wait3A_271 = tpu.memref_squeeze %dma_wait3A_270 : memref<1x79x128xi32, #tpu.memory_space<hbm>> -> memref<79x128xi32, #tpu.memory_space<hbm>>
      tpu.wait_dma2 semaphore(%run_scoped3A_255 : memref<!tpu.dma_semaphore, #tpu.memory_space<semaphore_mem>>) src(%dma_wait3A_271 : memref<79x128xi32, #tpu.memory_space<hbm>>) dst(%arg6 : memref<79x128xi32, #tpu.memory_space<vmem>>)
      tpu.yield
    }) : () -> ()
    %scan3A = arith.constant 0 : i32
    %scan3A_1 = arith.constant 104 : i32
    %scan3A_2 = arith.addi %scan3A, %scan3A_1 : i32
    %scan3A_3 = arith.constant 1 : i32
    scf.for %scan3A_255 = %scan3A to %scan3A_2 step %scan3A_3  : i32 {
      %mul3A_256 = arith.constant 1 : i32
      %mul3A_257 = arith.muli %scan3A_255, %mul3A_256 : i32
      %add3A_258 = arith.constant 0 : i32
      %add3A_259 = arith.addi %add3A_258, %mul3A_257 : i32
      %scan3A_260 = arith.constant 0 : i32
      %scan3A_261 = arith.constant 8 : i32
      %scan3A_262 = arith.addi %scan3A_260, %scan3A_261 : i32
      %scan3A_263 = arith.constant 1 : i32
      scf.for %scan3A_265 = %scan3A_260 to %scan3A_262 step %scan3A_263  : i32 {
        %mul3A_266 = arith.constant 16 : i32
        %mul3A_267 = arith.muli %scan3A_265, %mul3A_266 : i32
        %add3A_268 = arith.constant 0 : i32
        %add3A_269 = arith.addi %add3A_268, %mul3A_267 : i32
        %broadcast_in_dim3A = arith.constant 0.000000e+00 : f32
        %broadcast_in_dim3A_270 = vector.broadcast %broadcast_in_dim3A : f32 to vector<16xf32>
        %swap3A_271 = arith.index_cast %add3A_259 : i32 to index
        %swap3A_272 = arith.index_cast %add3A_269 : i32 to index
        %swap3A_273 = tpu.vector_load %arg7[%swap3A_271, %swap3A_272] {strides = array<i32>} : memref<128x128xf32, #tpu.memory_space<vmem>>, vector<1x16xf32>,
        %swap3A_274 = vector.shape_cast %swap3A_273 : vector<1x16xf32> to vector<16xf32>
        %swap3A_275 = vector.shape_cast %broadcast_in_dim3A_270 : vector<16xf32> to vector<1x16xf32>
        tpu.vector_store %arg7[%swap3A_271, %swap3A_272], %swap3A_275 {strides = array<i32>} : memref<128x128xf32, #tpu.memory_space<vmem>>, vector<1x16xf32>,
      }
      %scan3A_264 = arith.constant 8 : i32
    }
    %scan3A_4 = arith.constant 104 : i32
    %scan3A_5 = arith.constant 0 : i32
    %scan3A_6 = arith.constant 6 : i32
    %scan3A_7 = arith.addi %scan3A_5, %scan3A_6 : i32
    %scan3A_8 = arith.constant 1 : i32
    scf.for %scan3A_255 = %scan3A_5 to %scan3A_7 step %scan3A_8  : i32 {
      %mul3A_256 = arith.constant 104 : i32
      %mul3A_257 = arith.muli %scan3A_255, %mul3A_256 : i32
      %add3A_258 = arith.constant 0 : i32
      %add3A_259 = arith.addi %add3A_258, %mul3A_257 : i32
      %mul3A_260 = arith.constant 624 : i32
      %mul3A_261 = arith.muli %arg1, %mul3A_260 : i32
      %add3A_262 = arith.addi %mul3A_261, %add3A_259 : i32
      "tpu.region"() ({
        %run_scoped3A_263 = tpu.sem_alloc : memref<!tpu.dma_semaphore, #tpu.memory_space<semaphore_mem>>
        %dma_start3A_264 = arith.constant 0 : i32
        %dma_start3A_265 = arith.constant 0 : i32
        %dma_start3A_266 = tpu.memref_slice %arg7[%dma_start3A_264, %dma_start3A_265] : memref<128x128xf32, #tpu.memory_space<vmem>> -> memref<104x128xf32, #tpu.memory_space<vmem>>
        %dma_start3A_267 = arith.constant 0 : i32
        %dma_start3A_268 = tpu.memref_slice %arg13[%add3A_262, %dma_start3A_267] : memref<10000x128xf32, #tpu.memory_space<vmem_shared>> -> memref<104x128xf32, #tpu.memory_space<vmem_shared>>
        %dma_start3A_269 = arith.constant 0 : i32
        %dma_start3A_270 = tpu.memref_slice %arg13[%add3A_262, %dma_start3A_269] : memref<10000x128xf32, #tpu.memory_space<vmem_shared>> -> memref<104x128xf32, #tpu.memory_space<vmem_shared>>
        %dma_start3A_271 = arith.constant 0 : i32
        %dma_start3A_272 = arith.constant 0 : i32
        %dma_start3A_273 = tpu.memref_slice %arg7[%dma_start3A_271, %dma_start3A_272] : memref<128x128xf32, #tpu.memory_space<vmem>> -> memref<104x128xf32, #tpu.memory_space<vmem>>
        tpu.enqueue_dma source(%dma_start3A_273 : memref<104x128xf32, #tpu.memory_space<vmem>>) target(%dma_start3A_270 : memref<104x128xf32, #tpu.memory_space<vmem_shared>>) target_semaphore(%run_scoped3A_263 : memref<!tpu.dma_semaphore, #tpu.memory_space<semaphore_mem>>)
        %dma_wait3A_274 = arith.constant 0 : i32
        %dma_wait3A_275 = arith.constant 0 : i32
        %dma_wait3A_276 = tpu.memref_slice %arg7[%dma_wait3A_274, %dma_wait3A_275] : memref<128x128xf32, #tpu.memory_space<vmem>> -> memref<104x128xf32, #tpu.memory_space<vmem>>
        %dma_wait3A_277 = arith.constant 0 : i32
        %dma_wait3A_278 = tpu.memref_slice %arg13[%add3A_262, %dma_wait3A_277] : memref<10000x128xf32, #tpu.memory_space<vmem_shared>> -> memref<104x128xf32, #tpu.memory_space<vmem_shared>>
        %dma_wait3A_279 = arith.constant 0 : i32
        %dma_wait3A_280 = tpu.memref_slice %arg13[%add3A_262, %dma_wait3A_279] : memref<10000x128xf32, #tpu.memory_space<vmem_shared>> -> memref<104x128xf32, #tpu.memory_space<vmem_shared>>
        %dma_wait3A_281 = arith.constant 0 : i32
        %dma_wait3A_282 = arith.constant 0 : i32
        %dma_wait3A_283 = tpu.memref_slice %arg7[%dma_wait3A_281, %dma_wait3A_282] : memref<128x128xf32, #tpu.memory_space<vmem>> -> memref<104x128xf32, #tpu.memory_space<vmem>>
        tpu.wait_dma2 semaphore(%run_scoped3A_263 : memref<!tpu.dma_semaphore, #tpu.memory_space<semaphore_mem>>) src(%dma_wait3A_283 : memref<104x128xf32, #tpu.memory_space<vmem>>) dst(%dma_wait3A_280 : memref<104x128xf32, #tpu.memory_space<vmem_shared>>)
        tpu.yield
      }) : () -> ()
    }
    %scan3A_9 = arith.constant 6 : i32
    %eq3A = arith.constant 15 : i32
    %eq3A_10 = arith.cmpi eq, %arg1, %eq3A : i32
    %convert_element_type3A = arith.extui %eq3A_10 : i1 to i32
    %cond3A = arith.constant 0 : i32
    %cond3A_11 = arith.cmpi ne, %convert_element_type3A, %cond3A : i32
    scf.if %cond3A_11 {
      "tpu.region"() ({
        %run_scoped3A_255 = tpu.sem_alloc : memref<!tpu.dma_semaphore, #tpu.memory_space<semaphore_mem>>
        %dma_start3A_256 = arith.constant 0 : i32
        %dma_start3A_257 = arith.constant 0 : i32
        %dma_start3A_258 = tpu.memref_slice %arg7[%dma_start3A_256, %dma_start3A_257] : memref<128x128xf32, #tpu.memory_space<vmem>> -> memref<16x128xf32, #tpu.memory_space<vmem>>
        %dma_start3A_259 = arith.constant 9984 : i32
        %dma_start3A_260 = arith.constant 0 : i32
        %dma_start3A_261 = tpu.memref_slice %arg13[%dma_start3A_259, %dma_start3A_260] : memref<10000x128xf32, #tpu.memory_space<vmem_shared>> -> memref<16x128xf32, #tpu.memory_space<vmem_shared>>
        %dma_start3A_262 = arith.constant 9984 : i32
        %dma_start3A_263 = arith.constant 0 : i32
        %dma_start3A_264 = tpu.memref_slice %arg13[%dma_start3A_262, %dma_start3A_263] : memref<10000x128xf32, #tpu.memory_space<vmem_shared>> -> memref<16x128xf32, #tpu.memory_space<vmem_shared>>
        %dma_start3A_265 = arith.constant 0 : i32
        %dma_start3A_266 = arith.constant 0 : i32
        %dma_start3A_267 = tpu.memref_slice %arg7[%dma_start3A_265, %dma_start3A_266] : memref<128x128xf32, #tpu.memory_space<vmem>> -> memref<16x128xf32, #tpu.memory_space<vmem>>
        tpu.enqueue_dma source(%dma_start3A_267 : memref<16x128xf32, #tpu.memory_space<vmem>>) target(%dma_start3A_264 : memref<16x128xf32, #tpu.memory_space<vmem_shared>>) target_semaphore(%run_scoped3A_255 : memref<!tpu.dma_semaphore, #tpu.memory_space<semaphore_mem>>)
        %dma_wait3A_268 = arith.constant 0 : i32
        %dma_wait3A_269 = arith.constant 0 : i32
        %dma_wait3A_270 = tpu.memref_slice %arg7[%dma_wait3A_268, %dma_wait3A_269] : memref<128x128xf32, #tpu.memory_space<vmem>> -> memref<16x128xf32, #tpu.memory_space<vmem>>
        %dma_wait3A_271 = arith.constant 9984 : i32
        %dma_wait3A_272 = arith.constant 0 : i32
        %dma_wait3A_273 = tpu.memref_slice %arg13[%dma_wait3A_271, %dma_wait3A_272] : memref<10000x128xf32, #tpu.memory_space<vmem_shared>> -> memref<16x128xf32, #tpu.memory_space<vmem_shared>>
        %dma_wait3A_274 = arith.constant 9984 : i32
        %dma_wait3A_275 = arith.constant 0 : i32
        %dma_wait3A_276 = tpu.memref_slice %arg13[%dma_wait3A_274, %dma_wait3A_275] : memref<10000x128xf32, #tpu.memory_space<vmem_shared>> -> memref<16x128xf32, #tpu.memory_space<vmem_shared>>
        %dma_wait3A_277 = arith.constant 0 : i32
        %dma_wait3A_278 = arith.constant 0 : i32
        %dma_wait3A_279 = tpu.memref_slice %arg7[%dma_wait3A_277, %dma_wait3A_278] : memref<128x128xf32, #tpu.memory_space<vmem>> -> memref<16x128xf32, #tpu.memory_space<vmem>>
        tpu.wait_dma2 semaphore(%run_scoped3A_255 : memref<!tpu.dma_semaphore, #tpu.memory_space<semaphore_mem>>) src(%dma_wait3A_279 : memref<16x128xf32, #tpu.memory_space<vmem>>) dst(%dma_wait3A_276 : memref<16x128xf32, #tpu.memory_space<vmem_shared>>)
        tpu.yield
      }) : () -> ()
    } else {
    }
    %barrier3A = arith.constant 0 : index
    tpu.barrier barrier_id(%barrier3A)
    %dma_start3A = arith.constant 0 : i32
    %dma_start3A_12 = arith.constant 0 : i32
    %dma_start3A_13 = tpu.memref_slice %arg6[%dma_start3A, %dma_start3A_12] : memref<79x128xi32, #tpu.memory_space<vmem>> -> memref<1x128xi32, #tpu.memory_space<vmem>>
    %dma_start3A_14 = tpu.memref_squeeze %dma_start3A_13 : memref<1x128xi32, #tpu.memory_space<vmem>> -> memref<128xi32, #tpu.memory_space<vmem>>
    %dma_start3A_15 = arith.constant 0 : i32
    %dma_start3A_16 = arith.constant 0 : i32
    %dma_start3A_17 = tpu.memref_slice %arg2[%dma_start3A_15, %dma_start3A_16] : memref<10000x128xf32, #tpu.memory_space<hbm>> -> memref<10000x128xf32, #tpu.memory_space<hbm>>
    tpu.enqueue_indirect_dma source(%dma_start3A_17 : memref<10000x128xf32, #tpu.memory_space<hbm>>) target(%arg7 : memref<128x128xf32, #tpu.memory_space<vmem>>) offsets(%dma_start3A_14 : memref<128xi32, #tpu.memory_space<vmem>>) semaphore(%arg14 : memref<!tpu.dma_semaphore, #tpu.memory_space<semaphore_mem>>)
    %dma_start3A_18 = arith.constant 0 : i32
    %dma_start3A_19 = arith.constant 0 : i32
    %dma_start3A_20 = arith.constant 0 : i32
    %dma_start3A_21 = tpu.memref_slice %arg4[%add3A, %dma_start3A_18, %dma_start3A_19, %dma_start3A_20] : memref<32x79x1x128xi32, #tpu.memory_space<hbm>> -> memref<1x1x1x128xi32, #tpu.memory_space<hbm>>
    %dma_start3A_22 = tpu.memref_squeeze %dma_start3A_21 : memref<1x1x1x128xi32, #tpu.memory_space<hbm>> -> memref<1x128xi32, #tpu.memory_space<hbm>>
    %dma_start3A_23 = arith.constant 0 : i32
    %dma_start3A_24 = arith.constant 0 : i32
    %dma_start3A_25 = tpu.memref_slice %arg4[%add3A, %dma_start3A_18, %dma_start3A_23, %dma_start3A_24] : memref<32x79x1x128xi32, #tpu.memory_space<hbm>> -> memref<1x1x1x128xi32, #tpu.memory_space<hbm>>
    %dma_start3A_26 = tpu.memref_squeeze %dma_start3A_25 : memref<1x1x1x128xi32, #tpu.memory_space<hbm>> -> memref<1x128xi32, #tpu.memory_space<hbm>>
    tpu.enqueue_dma source(%dma_start3A_26 : memref<1x128xi32, #tpu.memory_space<hbm>>) target(%arg9 : memref<1x128xi32, #tpu.memory_space<vmem>>) target_semaphore(%arg16 : memref<!tpu.dma_semaphore, #tpu.memory_space<semaphore_mem>>)
    %scan3A_27 = arith.constant 0 : i32
    %scan3A_28 = arith.constant 38 : i32
    %scan3A_29 = arith.addi %scan3A_27, %scan3A_28 : i32
    %scan3A_30 = arith.constant 1 : i32
    scf.for %scan3A_255 = %scan3A_27 to %scan3A_29 step %scan3A_30  : i32 {
      %mul3A_256 = arith.constant 1 : i32
      %mul3A_257 = arith.muli %scan3A_255, %mul3A_256 : i32
      %add3A_258 = arith.constant 0 : i32
      %add3A_259 = arith.addi %add3A_258, %mul3A_257 : i32
      %mul3A_260 = arith.constant 2 : i32
      %mul3A_261 = arith.muli %mul3A_260, %add3A_259 : i32
      %add3A_262 = arith.constant 1 : i32
      %add3A_263 = arith.addi %mul3A_261, %add3A_262 : i32
      %dma_start3A_264 = arith.constant 0 : i32
      %dma_start3A_265 = tpu.memref_slice %arg6[%add3A_263, %dma_start3A_264] : memref<79x128xi32, #tpu.memory_space<vmem>> -> memref<1x128xi32, #tpu.memory_space<vmem>>
      %dma_start3A_266 = tpu.memref_squeeze %dma_start3A_265 : memref<1x128xi32, #tpu.memory_space<vmem>> -> memref<128xi32, #tpu.memory_space<vmem>>
      %dma_start3A_267 = arith.constant 0 : i32
      %dma_start3A_268 = arith.constant 0 : i32
      %dma_start3A_269 = tpu.memref_slice %arg2[%dma_start3A_267, %dma_start3A_268] : memref<10000x128xf32, #tpu.memory_space<hbm>> -> memref<10000x128xf32, #tpu.memory_space<hbm>>
      tpu.enqueue_indirect_dma source(%dma_start3A_269 : memref<10000x128xf32, #tpu.memory_space<hbm>>) target(%arg8 : memref<128x128xf32, #tpu.memory_space<vmem>>) offsets(%dma_start3A_266 : memref<128xi32, #tpu.memory_space<vmem>>) semaphore(%arg15 : memref<!tpu.dma_semaphore, #tpu.memory_space<semaphore_mem>>)
      %dma_start3A_270 = arith.constant 0 : i32
      %dma_start3A_271 = arith.constant 0 : i32
      %dma_start3A_272 = tpu.memref_slice %arg4[%add3A, %add3A_263, %dma_start3A_270, %dma_start3A_271] : memref<32x79x1x128xi32, #tpu.memory_space<hbm>> -> memref<1x1x1x128xi32, #tpu.memory_space<hbm>>
      %dma_start3A_273 = tpu.memref_squeeze %dma_start3A_272 : memref<1x1x1x128xi32, #tpu.memory_space<hbm>> -> memref<1x128xi32, #tpu.memory_space<hbm>>
      %dma_start3A_274 = arith.constant 0 : i32
      %dma_start3A_275 = arith.constant 0 : i32
      %dma_start3A_276 = tpu.memref_slice %arg4[%add3A, %add3A_263, %dma_start3A_274, %dma_start3A_275] : memref<32x79x1x128xi32, #tpu.memory_space<hbm>> -> memref<1x1x1x128xi32, #tpu.memory_space<hbm>>
      %dma_start3A_277 = tpu.memref_squeeze %dma_start3A_276 : memref<1x1x1x128xi32, #tpu.memory_space<hbm>> -> memref<1x128xi32, #tpu.memory_space<hbm>>
      tpu.enqueue_dma source(%dma_start3A_277 : memref<1x128xi32, #tpu.memory_space<hbm>>) target(%arg10 : memref<1x128xi32, #tpu.memory_space<vmem>>) target_semaphore(%arg17 : memref<!tpu.dma_semaphore, #tpu.memory_space<semaphore_mem>>)
      %dma_wait3A_278 = arith.constant 0 : i32
      %dma_wait3A_279 = tpu.memref_slice %arg6[%mul3A_261, %dma_wait3A_278] : memref<79x128xi32, #tpu.memory_space<vmem>> -> memref<1x128xi32, #tpu.memory_space<vmem>>
      %dma_wait3A_280 = tpu.memref_squeeze %dma_wait3A_279 : memref<1x128xi32, #tpu.memory_space<vmem>> -> memref<128xi32, #tpu.memory_space<vmem>>
      %dma_wait3A_281 = arith.constant 0 : i32
      %dma_wait3A_282 = arith.constant 0 : i32
      %dma_wait3A_283 = tpu.memref_slice %arg2[%dma_wait3A_281, %dma_wait3A_282] : memref<10000x128xf32, #tpu.memory_space<hbm>> -> memref<10000x128xf32, #tpu.memory_space<hbm>>
      tpu.wait_indirect_dma semaphore(%arg14 : memref<!tpu.dma_semaphore, #tpu.memory_space<semaphore_mem>>) src(%dma_wait3A_283 : memref<10000x128xf32, #tpu.memory_space<hbm>>) dst(%arg7 : memref<128x128xf32, #tpu.memory_space<vmem>>)
      %dma_wait3A_284 = arith.constant 0 : i32
      %dma_wait3A_285 = arith.constant 0 : i32
      %dma_wait3A_286 = tpu.memref_slice %arg4[%add3A, %mul3A_261, %dma_wait3A_284, %dma_wait3A_285] : memref<32x79x1x128xi32, #tpu.memory_space<hbm>> -> memref<1x1x1x128xi32, #tpu.memory_space<hbm>>
      %dma_wait3A_287 = tpu.memref_squeeze %dma_wait3A_286 : memref<1x1x1x128xi32, #tpu.memory_space<hbm>> -> memref<1x128xi32, #tpu.memory_space<hbm>>
      %dma_wait3A_288 = arith.constant 0 : i32
      %dma_wait3A_289 = arith.constant 0 : i32
      %dma_wait3A_290 = tpu.memref_slice %arg4[%add3A, %mul3A_261, %dma_wait3A_288, %dma_wait3A_289] : memref<32x79x1x128xi32, #tpu.memory_space<hbm>> -> memref<1x1x1x128xi32, #tpu.memory_space<hbm>>
      %dma_wait3A_291 = tpu.memref_squeeze %dma_wait3A_290 : memref<1x1x1x128xi32, #tpu.memory_space<hbm>> -> memref<1x128xi32, #tpu.memory_space<hbm>>
      tpu.wait_dma2 semaphore(%arg16 : memref<!tpu.dma_semaphore, #tpu.memory_space<semaphore_mem>>) src(%dma_wait3A_291 : memref<1x128xi32, #tpu.memory_space<hbm>>) dst(%arg9 : memref<1x128xi32, #tpu.memory_space<vmem>>)
      %get3A_292 = arith.constant 0 : i32
      %get3A_293 = arith.index_cast %get3A_292 : i32 to index
      %get3A_294 = arith.constant 0 : index
      %get3A_295 = tpu.vector_load %arg9[%get3A_293, %get3A_294] {strides = array<i32>} : memref<1x128xi32, #tpu.memory_space<vmem>>, vector<1x16xi32>,
      %get3A_296 = vector.shape_cast %get3A_295 : vector<1x16xi32> to vector<16xi32>
      %swap3A_297 = arith.constant 0 : index
      %swap3A_298 = tpu.vector_load %arg11[%swap3A_297] {strides = array<i32>} : memref<128xi32, #tpu.memory_space<vmem>>, vector<16xi32>,
      %swap3A_299 = vector.shape_cast %swap3A_298 : vector<16xi32> to vector<16xi32>
      %swap3A_300 = vector.shape_cast %get3A_296 : vector<16xi32> to vector<16xi32>
      tpu.vector_store %arg11[%swap3A_297], %swap3A_300 {strides = array<i32>} : memref<128xi32, #tpu.memory_space<vmem>>, vector<16xi32>,
      %get3A_301 = arith.constant 0 : i32
      %get3A_302 = arith.index_cast %get3A_301 : i32 to index
      %get3A_303 = arith.constant 16 : index
      %get3A_304 = tpu.vector_load %arg9[%get3A_302, %get3A_303] {strides = array<i32>} : memref<1x128xi32, #tpu.memory_space<vmem>>, vector<1x16xi32>,
      %get3A_305 = vector.shape_cast %get3A_304 : vector<1x16xi32> to vector<16xi32>
      %swap3A_306 = arith.constant 16 : index
      %swap3A_307 = tpu.vector_load %arg11[%swap3A_306] {strides = array<i32>} : memref<128xi32, #tpu.memory_space<vmem>>, vector<16xi32>,
      %swap3A_308 = vector.shape_cast %swap3A_307 : vector<16xi32> to vector<16xi32>
      %swap3A_309 = vector.shape_cast %get3A_305 : vector<16xi32> to vector<16xi32>
      tpu.vector_store %arg11[%swap3A_306], %swap3A_309 {strides = array<i32>} : memref<128xi32, #tpu.memory_space<vmem>>, vector<16xi32>,
      %get3A_310 = arith.constant 0 : i32
      %get3A_311 = arith.index_cast %get3A_310 : i32 to index
      %get3A_312 = arith.constant 32 : index
      %get3A_313 = tpu.vector_load %arg9[%get3A_311, %get3A_312] {strides = array<i32>} : memref<1x128xi32, #tpu.memory_space<vmem>>, vector<1x16xi32>,
      %get3A_314 = vector.shape_cast %get3A_313 : vector<1x16xi32> to vector<16xi32>
      %swap3A_315 = arith.constant 32 : index
      %swap3A_316 = tpu.vector_load %arg11[%swap3A_315] {strides = array<i32>} : memref<128xi32, #tpu.memory_space<vmem>>, vector<16xi32>,
      %swap3A_317 = vector.shape_cast %swap3A_316 : vector<16xi32> to vector<16xi32>
      %swap3A_318 = vector.shape_cast %get3A_314 : vector<16xi32> to vector<16xi32>
      tpu.vector_store %arg11[%swap3A_315], %swap3A_318 {strides = array<i32>} : memref<128xi32, #tpu.memory_space<vmem>>, vector<16xi32>,
      %get3A_319 = arith.constant 0 : i32
      %get3A_320 = arith.index_cast %get3A_319 : i32 to index
      %get3A_321 = arith.constant 48 : index
      %get3A_322 = tpu.vector_load %arg9[%get3A_320, %get3A_321] {strides = array<i32>} : memref<1x128xi32, #tpu.memory_space<vmem>>, vector<1x16xi32>,
      %get3A_323 = vector.shape_cast %get3A_322 : vector<1x16xi32> to vector<16xi32>
      %swap3A_324 = arith.constant 48 : index
      %swap3A_325 = tpu.vector_load %arg11[%swap3A_324] {strides = array<i32>} : memref<128xi32, #tpu.memory_space<vmem>>, vector<16xi32>,
      %swap3A_326 = vector.shape_cast %swap3A_325 : vector<16xi32> to vector<16xi32>
      %swap3A_327 = vector.shape_cast %get3A_323 : vector<16xi32> to vector<16xi32>
      tpu.vector_store %arg11[%swap3A_324], %swap3A_327 {strides = array<i32>} : memref<128xi32, #tpu.memory_space<vmem>>, vector<16xi32>,
      %get3A_328 = arith.constant 0 : i32
      %get3A_329 = arith.index_cast %get3A_328 : i32 to index
      %get3A_330 = arith.constant 64 : index
      %get3A_331 = tpu.vector_load %arg9[%get3A_329, %get3A_330] {strides = array<i32>} : memref<1x128xi32, #tpu.memory_space<vmem>>, vector<1x16xi32>,
      %get3A_332 = vector.shape_cast %get3A_331 : vector<1x16xi32> to vector<16xi32>
      %swap3A_333 = arith.constant 64 : index
      %swap3A_334 = tpu.vector_load %arg11[%swap3A_333] {strides = array<i32>} : memref<128xi32, #tpu.memory_space<vmem>>, vector<16xi32>,
      %swap3A_335 = vector.shape_cast %swap3A_334 : vector<16xi32> to vector<16xi32>
      %swap3A_336 = vector.shape_cast %get3A_332 : vector<16xi32> to vector<16xi32>
      tpu.vector_store %arg11[%swap3A_333], %swap3A_336 {strides = array<i32>} : memref<128xi32, #tpu.memory_space<vmem>>, vector<16xi32>,
      %get3A_337 = arith.constant 0 : i32
      %get3A_338 = arith.index_cast %get3A_337 : i32 to index
      %get3A_339 = arith.constant 80 : index
      %get3A_340 = tpu.vector_load %arg9[%get3A_338, %get3A_339] {strides = array<i32>} : memref<1x128xi32, #tpu.memory_space<vmem>>, vector<1x16xi32>,
      %get3A_341 = vector.shape_cast %get3A_340 : vector<1x16xi32> to vector<16xi32>
      %swap3A_342 = arith.constant 80 : index
      %swap3A_343 = tpu.vector_load %arg11[%swap3A_342] {strides = array<i32>} : memref<128xi32, #tpu.memory_space<vmem>>, vector<16xi32>,
      %swap3A_344 = vector.shape_cast %swap3A_343 : vector<16xi32> to vector<16xi32>
      %swap3A_345 = vector.shape_cast %get3A_341 : vector<16xi32> to vector<16xi32>
      tpu.vector_store %arg11[%swap3A_342], %swap3A_345 {strides = array<i32>} : memref<128xi32, #tpu.memory_space<vmem>>, vector<16xi32>,
      %get3A_346 = arith.constant 0 : i32
      %get3A_347 = arith.index_cast %get3A_346 : i32 to index
      %get3A_348 = arith.constant 96 : index
      %get3A_349 = tpu.vector_load %arg9[%get3A_347, %get3A_348] {strides = array<i32>} : memref<1x128xi32, #tpu.memory_space<vmem>>, vector<1x16xi32>,
      %get3A_350 = vector.shape_cast %get3A_349 : vector<1x16xi32> to vector<16xi32>
      %swap3A_351 = arith.constant 96 : index
      %swap3A_352 = tpu.vector_load %arg11[%swap3A_351] {strides = array<i32>} : memref<128xi32, #tpu.memory_space<vmem>>, vector<16xi32>,
      %swap3A_353 = vector.shape_cast %swap3A_352 : vector<16xi32> to vector<16xi32>
      %swap3A_354 = vector.shape_cast %get3A_350 : vector<16xi32> to vector<16xi32>
      tpu.vector_store %arg11[%swap3A_351], %swap3A_354 {strides = array<i32>} : memref<128xi32, #tpu.memory_space<vmem>>, vector<16xi32>,
      %get3A_355 = arith.constant 0 : i32
      %get3A_356 = arith.index_cast %get3A_355 : i32 to index
      %get3A_357 = arith.constant 112 : index
      %get3A_358 = tpu.vector_load %arg9[%get3A_356, %get3A_357] {strides = array<i32>} : memref<1x128xi32, #tpu.memory_space<vmem>>, vector<1x16xi32>,
      %get3A_359 = vector.shape_cast %get3A_358 : vector<1x16xi32> to vector<16xi32>
      %swap3A_360 = arith.constant 112 : index
      %swap3A_361 = tpu.vector_load %arg11[%swap3A_360] {strides = array<i32>} : memref<128xi32, #tpu.memory_space<vmem>>, vector<16xi32>,
      %swap3A_362 = vector.shape_cast %swap3A_361 : vector<16xi32> to vector<16xi32>
      %swap3A_363 = vector.shape_cast %get3A_359 : vector<16xi32> to vector<16xi32>
      tpu.vector_store %arg11[%swap3A_360], %swap3A_363 {strides = array<i32>} : memref<128xi32, #tpu.memory_space<vmem>>, vector<16xi32>,
      "tpu.region"() ({
        %run_scoped3A_468 = tpu.sem_alloc : memref<!tpu.dma_semaphore, #tpu.memory_space<semaphore_mem>>
        %dma_start3A_469 = arith.constant 0 : i32
        %dma_start3A_470 = arith.constant 0 : i32
        %dma_start3A_471 = tpu.memref_slice %arg13[%dma_start3A_469, %dma_start3A_470] : memref<10000x128xf32, #tpu.memory_space<vmem_shared>> -> memref<10000x128xf32, #tpu.memory_space<vmem_shared>>
        tpu.enqueue_indirect_dma source(%arg7 : memref<128x128xf32, #tpu.memory_space<vmem>>) target(%dma_start3A_471 : memref<10000x128xf32, #tpu.memory_space<vmem_shared>>) offsets(%arg11 : memref<128xi32, #tpu.memory_space<vmem>>) semaphore(%run_scoped3A_468 : memref<!tpu.dma_semaphore, #tpu.memory_space<semaphore_mem>>) {add = true}
        %dma_wait3A_472 = arith.constant 0 : i32
        %dma_wait3A_473 = arith.constant 0 : i32
        %dma_wait3A_474 = tpu.memref_slice %arg13[%dma_wait3A_472, %dma_wait3A_473] : memref<10000x128xf32, #tpu.memory_space<vmem_shared>> -> memref<10000x128xf32, #tpu.memory_space<vmem_shared>>
        tpu.wait_indirect_dma semaphore(%run_scoped3A_468 : memref<!tpu.dma_semaphore, #tpu.memory_space<semaphore_mem>>) src(%arg7 : memref<128x128xf32, #tpu.memory_space<vmem>>) dst(%dma_wait3A_474 : memref<10000x128xf32, #tpu.memory_space<vmem_shared>>)
        tpu.yield
      }) : () -> ()
      %add3A_364 = arith.constant 2 : i32
      %add3A_365 = arith.addi %mul3A_261, %add3A_364 : i32
      %dma_start3A_366 = arith.constant 0 : i32
      %dma_start3A_367 = tpu.memref_slice %arg6[%add3A_365, %dma_start3A_366] : memref<79x128xi32, #tpu.memory_space<vmem>> -> memref<1x128xi32, #tpu.memory_space<vmem>>
      %dma_start3A_368 = tpu.memref_squeeze %dma_start3A_367 : memref<1x128xi32, #tpu.memory_space<vmem>> -> memref<128xi32, #tpu.memory_space<vmem>>
      %dma_start3A_369 = arith.constant 0 : i32
      %dma_start3A_370 = arith.constant 0 : i32
      %dma_start3A_371 = tpu.memref_slice %arg2[%dma_start3A_369, %dma_start3A_370] : memref<10000x128xf32, #tpu.memory_space<hbm>> -> memref<10000x128xf32, #tpu.memory_space<hbm>>
      tpu.enqueue_indirect_dma source(%dma_start3A_371 : memref<10000x128xf32, #tpu.memory_space<hbm>>) target(%arg7 : memref<128x128xf32, #tpu.memory_space<vmem>>) offsets(%dma_start3A_368 : memref<128xi32, #tpu.memory_space<vmem>>) semaphore(%arg14 : memref<!tpu.dma_semaphore, #tpu.memory_space<semaphore_mem>>)
      %dma_start3A_372 = arith.constant 0 : i32
      %dma_start3A_373 = arith.constant 0 : i32
      %dma_start3A_374 = tpu.memref_slice %arg4[%add3A, %add3A_365, %dma_start3A_372, %dma_start3A_373] : memref<32x79x1x128xi32, #tpu.memory_space<hbm>> -> memref<1x1x1x128xi32, #tpu.memory_space<hbm>>
      %dma_start3A_375 = tpu.memref_squeeze %dma_start3A_374 : memref<1x1x1x128xi32, #tpu.memory_space<hbm>> -> memref<1x128xi32, #tpu.memory_space<hbm>>
      %dma_start3A_376 = arith.constant 0 : i32
      %dma_start3A_377 = arith.constant 0 : i32
      %dma_start3A_378 = tpu.memref_slice %arg4[%add3A, %add3A_365, %dma_start3A_376, %dma_start3A_377] : memref<32x79x1x128xi32, #tpu.memory_space<hbm>> -> memref<1x1x1x128xi32, #tpu.memory_space<hbm>>
      %dma_start3A_379 = tpu.memref_squeeze %dma_start3A_378 : memref<1x1x1x128xi32, #tpu.memory_space<hbm>> -> memref<1x128xi32, #tpu.memory_space<hbm>>
      tpu.enqueue_dma source(%dma_start3A_379 : memref<1x128xi32, #tpu.memory_space<hbm>>) target(%arg9 : memref<1x128xi32, #tpu.memory_space<vmem>>) target_semaphore(%arg16 : memref<!tpu.dma_semaphore, #tpu.memory_space<semaphore_mem>>)
      %add3A_380 = arith.constant 1 : i32
      %add3A_381 = arith.addi %mul3A_261, %add3A_380 : i32
      %dma_wait3A_382 = arith.constant 0 : i32
      %dma_wait3A_383 = tpu.memref_slice %arg6[%add3A_381, %dma_wait3A_382] : memref<79x128xi32, #tpu.memory_space<vmem>> -> memref<1x128xi32, #tpu.memory_space<vmem>>
      %dma_wait3A_384 = tpu.memref_squeeze %dma_wait3A_383 : memref<1x128xi32, #tpu.memory_space<vmem>> -> memref<128xi32, #tpu.memory_space<vmem>>
      %dma_wait3A_385 = arith.constant 0 : i32
      %dma_wait3A_386 = arith.constant 0 : i32
      %dma_wait3A_387 = tpu.memref_slice %arg2[%dma_wait3A_385, %dma_wait3A_386] : memref<10000x128xf32, #tpu.memory_space<hbm>> -> memref<10000x128xf32, #tpu.memory_space<hbm>>
      tpu.wait_indirect_dma semaphore(%arg15 : memref<!tpu.dma_semaphore, #tpu.memory_space<semaphore_mem>>) src(%dma_wait3A_387 : memref<10000x128xf32, #tpu.memory_space<hbm>>) dst(%arg8 : memref<128x128xf32, #tpu.memory_space<vmem>>)
      %dma_wait3A_388 = arith.constant 0 : i32
      %dma_wait3A_389 = arith.constant 0 : i32
      %dma_wait3A_390 = tpu.memref_slice %arg4[%add3A, %add3A_381, %dma_wait3A_388, %dma_wait3A_389] : memref<32x79x1x128xi32, #tpu.memory_space<hbm>> -> memref<1x1x1x128xi32, #tpu.memory_space<hbm>>
      %dma_wait3A_391 = tpu.memref_squeeze %dma_wait3A_390 : memref<1x1x1x128xi32, #tpu.memory_space<hbm>> -> memref<1x128xi32, #tpu.memory_space<hbm>>
      %dma_wait3A_392 = arith.constant 0 : i32
      %dma_wait3A_393 = arith.constant 0 : i32
      %dma_wait3A_394 = tpu.memref_slice %arg4[%add3A, %add3A_381, %dma_wait3A_392, %dma_wait3A_393] : memref<32x79x1x128xi32, #tpu.memory_space<hbm>> -> memref<1x1x1x128xi32, #tpu.memory_space<hbm>>
      %dma_wait3A_395 = tpu.memref_squeeze %dma_wait3A_394 : memref<1x1x1x128xi32, #tpu.memory_space<hbm>> -> memref<1x128xi32, #tpu.memory_space<hbm>>
      tpu.wait_dma2 semaphore(%arg17 : memref<!tpu.dma_semaphore, #tpu.memory_space<semaphore_mem>>) src(%dma_wait3A_395 : memref<1x128xi32, #tpu.memory_space<hbm>>) dst(%arg10 : memref<1x128xi32, #tpu.memory_space<vmem>>)
      %get3A_396 = arith.constant 0 : i32
      %get3A_397 = arith.index_cast %get3A_396 : i32 to index
      %get3A_398 = arith.constant 0 : index
      %get3A_399 = tpu.vector_load %arg10[%get3A_397, %get3A_398] {strides = array<i32>} : memref<1x128xi32, #tpu.memory_space<vmem>>, vector<1x16xi32>,
      %get3A_400 = vector.shape_cast %get3A_399 : vector<1x16xi32> to vector<16xi32>
      %swap3A_401 = arith.constant 0 : index
      %swap3A_402 = tpu.vector_load %arg12[%swap3A_401] {strides = array<i32>} : memref<128xi32, #tpu.memory_space<vmem>>, vector<16xi32>,
      %swap3A_403 = vector.shape_cast %swap3A_402 : vector<16xi32> to vector<16xi32>
      %swap3A_404 = vector.shape_cast %get3A_400 : vector<16xi32> to vector<16xi32>
      tpu.vector_store %arg12[%swap3A_401], %swap3A_404 {strides = array<i32>} : memref<128xi32, #tpu.memory_space<vmem>>, vector<16xi32>,
      %get3A_405 = arith.constant 0 : i32
      %get3A_406 = arith.index_cast %get3A_405 : i32 to index
      %get3A_407 = arith.constant 16 : index
      %get3A_408 = tpu.vector_load %arg10[%get3A_406, %get3A_407] {strides = array<i32>} : memref<1x128xi32, #tpu.memory_space<vmem>>, vector<1x16xi32>,
      %get3A_409 = vector.shape_cast %get3A_408 : vector<1x16xi32> to vector<16xi32>
      %swap3A_410 = arith.constant 16 : index
      %swap3A_411 = tpu.vector_load %arg12[%swap3A_410] {strides = array<i32>} : memref<128xi32, #tpu.memory_space<vmem>>, vector<16xi32>,
      %swap3A_412 = vector.shape_cast %swap3A_411 : vector<16xi32> to vector<16xi32>
      %swap3A_413 = vector.shape_cast %get3A_409 : vector<16xi32> to vector<16xi32>
      tpu.vector_store %arg12[%swap3A_410], %swap3A_413 {strides = array<i32>} : memref<128xi32, #tpu.memory_space<vmem>>, vector<16xi32>,
      %get3A_414 = arith.constant 0 : i32
      %get3A_415 = arith.index_cast %get3A_414 : i32 to index
      %get3A_416 = arith.constant 32 : index
      %get3A_417 = tpu.vector_load %arg10[%get3A_415, %get3A_416] {strides = array<i32>} : memref<1x128xi32, #tpu.memory_space<vmem>>, vector<1x16xi32>,
      %get3A_418 = vector.shape_cast %get3A_417 : vector<1x16xi32> to vector<16xi32>
      %swap3A_419 = arith.constant 32 : index
      %swap3A_420 = tpu.vector_load %arg12[%swap3A_419] {strides = array<i32>} : memref<128xi32, #tpu.memory_space<vmem>>, vector<16xi32>,
      %swap3A_421 = vector.shape_cast %swap3A_420 : vector<16xi32> to vector<16xi32>
      %swap3A_422 = vector.shape_cast %get3A_418 : vector<16xi32> to vector<16xi32>
      tpu.vector_store %arg12[%swap3A_419], %swap3A_422 {strides = array<i32>} : memref<128xi32, #tpu.memory_space<vmem>>, vector<16xi32>,
      %get3A_423 = arith.constant 0 : i32
      %get3A_424 = arith.index_cast %get3A_423 : i32 to index
      %get3A_425 = arith.constant 48 : index
      %get3A_426 = tpu.vector_load %arg10[%get3A_424, %get3A_425] {strides = array<i32>} : memref<1x128xi32, #tpu.memory_space<vmem>>, vector<1x16xi32>,
      %get3A_427 = vector.shape_cast %get3A_426 : vector<1x16xi32> to vector<16xi32>
      %swap3A_428 = arith.constant 48 : index
      %swap3A_429 = tpu.vector_load %arg12[%swap3A_428] {strides = array<i32>} : memref<128xi32, #tpu.memory_space<vmem>>, vector<16xi32>,
      %swap3A_430 = vector.shape_cast %swap3A_429 : vector<16xi32> to vector<16xi32>
      %swap3A_431 = vector.shape_cast %get3A_427 : vector<16xi32> to vector<16xi32>
      tpu.vector_store %arg12[%swap3A_428], %swap3A_431 {strides = array<i32>} : memref<128xi32, #tpu.memory_space<vmem>>, vector<16xi32>,
      %get3A_432 = arith.constant 0 : i32
      %get3A_433 = arith.index_cast %get3A_432 : i32 to index
      %get3A_434 = arith.constant 64 : index
      %get3A_435 = tpu.vector_load %arg10[%get3A_433, %get3A_434] {strides = array<i32>} : memref<1x128xi32, #tpu.memory_space<vmem>>, vector<1x16xi32>,
      %get3A_436 = vector.shape_cast %get3A_435 : vector<1x16xi32> to vector<16xi32>
      %swap3A_437 = arith.constant 64 : index
      %swap3A_438 = tpu.vector_load %arg12[%swap3A_437] {strides = array<i32>} : memref<128xi32, #tpu.memory_space<vmem>>, vector<16xi32>,
      %swap3A_439 = vector.shape_cast %swap3A_438 : vector<16xi32> to vector<16xi32>
      %swap3A_440 = vector.shape_cast %get3A_436 : vector<16xi32> to vector<16xi32>
      tpu.vector_store %arg12[%swap3A_437], %swap3A_440 {strides = array<i32>} : memref<128xi32, #tpu.memory_space<vmem>>, vector<16xi32>,
      %get3A_441 = arith.constant 0 : i32
      %get3A_442 = arith.index_cast %get3A_441 : i32 to index
      %get3A_443 = arith.constant 80 : index
      %get3A_444 = tpu.vector_load %arg10[%get3A_442, %get3A_443] {strides = array<i32>} : memref<1x128xi32, #tpu.memory_space<vmem>>, vector<1x16xi32>,
      %get3A_445 = vector.shape_cast %get3A_444 : vector<1x16xi32> to vector<16xi32>
      %swap3A_446 = arith.constant 80 : index
      %swap3A_447 = tpu.vector_load %arg12[%swap3A_446] {strides = array<i32>} : memref<128xi32, #tpu.memory_space<vmem>>, vector<16xi32>,
      %swap3A_448 = vector.shape_cast %swap3A_447 : vector<16xi32> to vector<16xi32>
      %swap3A_449 = vector.shape_cast %get3A_445 : vector<16xi32> to vector<16xi32>
      tpu.vector_store %arg12[%swap3A_446], %swap3A_449 {strides = array<i32>} : memref<128xi32, #tpu.memory_space<vmem>>, vector<16xi32>,
      %get3A_450 = arith.constant 0 : i32
      %get3A_451 = arith.index_cast %get3A_450 : i32 to index
      %get3A_452 = arith.constant 96 : index
      %get3A_453 = tpu.vector_load %arg10[%get3A_451, %get3A_452] {strides = array<i32>} : memref<1x128xi32, #tpu.memory_space<vmem>>, vector<1x16xi32>,
      %get3A_454 = vector.shape_cast %get3A_453 : vector<1x16xi32> to vector<16xi32>
      %swap3A_455 = arith.constant 96 : index
      %swap3A_456 = tpu.vector_load %arg12[%swap3A_455] {strides = array<i32>} : memref<128xi32, #tpu.memory_space<vmem>>, vector<16xi32>,
      %swap3A_457 = vector.shape_cast %swap3A_456 : vector<16xi32> to vector<16xi32>
      %swap3A_458 = vector.shape_cast %get3A_454 : vector<16xi32> to vector<16xi32>
      tpu.vector_store %arg12[%swap3A_455], %swap3A_458 {strides = array<i32>} : memref<128xi32, #tpu.memory_space<vmem>>, vector<16xi32>,
      %get3A_459 = arith.constant 0 : i32
      %get3A_460 = arith.index_cast %get3A_459 : i32 to index
      %get3A_461 = arith.constant 112 : index
      %get3A_462 = tpu.vector_load %arg10[%get3A_460, %get3A_461] {strides = array<i32>} : memref<1x128xi32, #tpu.memory_space<vmem>>, vector<1x16xi32>,
      %get3A_463 = vector.shape_cast %get3A_462 : vector<1x16xi32> to vector<16xi32>
      %swap3A_464 = arith.constant 112 : index
      %swap3A_465 = tpu.vector_load %arg12[%swap3A_464] {strides = array<i32>} : memref<128xi32, #tpu.memory_space<vmem>>, vector<16xi32>,
      %swap3A_466 = vector.shape_cast %swap3A_465 : vector<16xi32> to vector<16xi32>
      %swap3A_467 = vector.shape_cast %get3A_463 : vector<16xi32> to vector<16xi32>
      tpu.vector_store %arg12[%swap3A_464], %swap3A_467 {strides = array<i32>} : memref<128xi32, #tpu.memory_space<vmem>>, vector<16xi32>,
      "tpu.region"() ({
        %run_scoped3A_468 = tpu.sem_alloc : memref<!tpu.dma_semaphore, #tpu.memory_space<semaphore_mem>>
        %dma_start3A_469 = arith.constant 0 : i32
        %dma_start3A_470 = arith.constant 0 : i32
        %dma_start3A_471 = tpu.memref_slice %arg13[%dma_start3A_469, %dma_start3A_470] : memref<10000x128xf32, #tpu.memory_space<vmem_shared>> -> memref<10000x128xf32, #tpu.memory_space<vmem_shared>>
        tpu.enqueue_indirect_dma source(%arg8 : memref<128x128xf32, #tpu.memory_space<vmem>>) target(%dma_start3A_471 : memref<10000x128xf32, #tpu.memory_space<vmem_shared>>) offsets(%arg12 : memref<128xi32, #tpu.memory_space<vmem>>) semaphore(%run_scoped3A_468 : memref<!tpu.dma_semaphore, #tpu.memory_space<semaphore_mem>>) {add = true}
        %dma_wait3A_472 = arith.constant 0 : i32
        %dma_wait3A_473 = arith.constant 0 : i32
        %dma_wait3A_474 = tpu.memref_slice %arg13[%dma_wait3A_472, %dma_wait3A_473] : memref<10000x128xf32, #tpu.memory_space<vmem_shared>> -> memref<10000x128xf32, #tpu.memory_space<vmem_shared>>
        tpu.wait_indirect_dma semaphore(%run_scoped3A_468 : memref<!tpu.dma_semaphore, #tpu.memory_space<semaphore_mem>>) src(%arg8 : memref<128x128xf32, #tpu.memory_space<vmem>>) dst(%dma_wait3A_474 : memref<10000x128xf32, #tpu.memory_space<vmem_shared>>)
        tpu.yield
      }) : () -> ()
    }
    %scan3A_31 = arith.constant 38 : i32
    %dma_start3A_32 = arith.constant 77 : i32
    %dma_start3A_33 = arith.constant 0 : i32
    %dma_start3A_34 = tpu.memref_slice %arg6[%dma_start3A_32, %dma_start3A_33] : memref<79x128xi32, #tpu.memory_space<vmem>> -> memref<1x128xi32, #tpu.memory_space<vmem>>
    %dma_start3A_35 = tpu.memref_squeeze %dma_start3A_34 : memref<1x128xi32, #tpu.memory_space<vmem>> -> memref<128xi32, #tpu.memory_space<vmem>>
    %dma_start3A_36 = arith.constant 0 : i32
    %dma_start3A_37 = arith.constant 0 : i32
    %dma_start3A_38 = tpu.memref_slice %arg2[%dma_start3A_36, %dma_start3A_37] : memref<10000x128xf32, #tpu.memory_space<hbm>> -> memref<10000x128xf32, #tpu.memory_space<hbm>>
    tpu.enqueue_indirect_dma source(%dma_start3A_38 : memref<10000x128xf32, #tpu.memory_space<hbm>>) target(%arg8 : memref<128x128xf32, #tpu.memory_space<vmem>>) offsets(%dma_start3A_35 : memref<128xi32, #tpu.memory_space<vmem>>) semaphore(%arg15 : memref<!tpu.dma_semaphore, #tpu.memory_space<semaphore_mem>>)
    %dma_start3A_39 = arith.constant 77 : i32
    %dma_start3A_40 = arith.constant 0 : i32
    %dma_start3A_41 = arith.constant 0 : i32
    %dma_start3A_42 = tpu.memref_slice %arg4[%add3A, %dma_start3A_39, %dma_start3A_40, %dma_start3A_41] : memref<32x79x1x128xi32, #tpu.memory_space<hbm>> -> memref<1x1x1x128xi32, #tpu.memory_space<hbm>>
    %dma_start3A_43 = tpu.memref_squeeze %dma_start3A_42 : memref<1x1x1x128xi32, #tpu.memory_space<hbm>> -> memref<1x128xi32, #tpu.memory_space<hbm>>
    %dma_start3A_44 = arith.constant 0 : i32
    %dma_start3A_45 = arith.constant 0 : i32
    %dma_start3A_46 = tpu.memref_slice %arg4[%add3A, %dma_start3A_39, %dma_start3A_44, %dma_start3A_45] : memref<32x79x1x128xi32, #tpu.memory_space<hbm>> -> memref<1x1x1x128xi32, #tpu.memory_space<hbm>>
    %dma_start3A_47 = tpu.memref_squeeze %dma_start3A_46 : memref<1x1x1x128xi32, #tpu.memory_space<hbm>> -> memref<1x128xi32, #tpu.memory_space<hbm>>
    tpu.enqueue_dma source(%dma_start3A_47 : memref<1x128xi32, #tpu.memory_space<hbm>>) target(%arg10 : memref<1x128xi32, #tpu.memory_space<vmem>>) target_semaphore(%arg17 : memref<!tpu.dma_semaphore, #tpu.memory_space<semaphore_mem>>)
    %dma_wait3A = arith.constant 76 : i32
    %dma_wait3A_48 = arith.constant 0 : i32
    %dma_wait3A_49 = tpu.memref_slice %arg6[%dma_wait3A, %dma_wait3A_48] : memref<79x128xi32, #tpu.memory_space<vmem>> -> memref<1x128xi32, #tpu.memory_space<vmem>>
    %dma_wait3A_50 = tpu.memref_squeeze %dma_wait3A_49 : memref<1x128xi32, #tpu.memory_space<vmem>> -> memref<128xi32, #tpu.memory_space<vmem>>
    %dma_wait3A_51 = arith.constant 0 : i32
    %dma_wait3A_52 = arith.constant 0 : i32
    %dma_wait3A_53 = tpu.memref_slice %arg2[%dma_wait3A_51, %dma_wait3A_52] : memref<10000x128xf32, #tpu.memory_space<hbm>> -> memref<10000x128xf32, #tpu.memory_space<hbm>>
    tpu.wait_indirect_dma semaphore(%arg14 : memref<!tpu.dma_semaphore, #tpu.memory_space<semaphore_mem>>) src(%dma_wait3A_53 : memref<10000x128xf32, #tpu.memory_space<hbm>>) dst(%arg7 : memref<128x128xf32, #tpu.memory_space<vmem>>)
    %dma_wait3A_54 = arith.constant 76 : i32
    %dma_wait3A_55 = arith.constant 0 : i32
    %dma_wait3A_56 = arith.constant 0 : i32
    %dma_wait3A_57 = tpu.memref_slice %arg4[%add3A, %dma_wait3A_54, %dma_wait3A_55, %dma_wait3A_56] : memref<32x79x1x128xi32, #tpu.memory_space<hbm>> -> memref<1x1x1x128xi32, #tpu.memory_space<hbm>>
    %dma_wait3A_58 = tpu.memref_squeeze %dma_wait3A_57 : memref<1x1x1x128xi32, #tpu.memory_space<hbm>> -> memref<1x128xi32, #tpu.memory_space<hbm>>
    %dma_wait3A_59 = arith.constant 0 : i32
    %dma_wait3A_60 = arith.constant 0 : i32
    %dma_wait3A_61 = tpu.memref_slice %arg4[%add3A, %dma_wait3A_54, %dma_wait3A_59, %dma_wait3A_60] : memref<32x79x1x128xi32, #tpu.memory_space<hbm>> -> memref<1x1x1x128xi32, #tpu.memory_space<hbm>>
    %dma_wait3A_62 = tpu.memref_squeeze %dma_wait3A_61 : memref<1x1x1x128xi32, #tpu.memory_space<hbm>> -> memref<1x128xi32, #tpu.memory_space<hbm>>
    tpu.wait_dma2 semaphore(%arg16 : memref<!tpu.dma_semaphore, #tpu.memory_space<semaphore_mem>>) src(%dma_wait3A_62 : memref<1x128xi32, #tpu.memory_space<hbm>>) dst(%arg9 : memref<1x128xi32, #tpu.memory_space<vmem>>)
    %get3A = arith.constant 0 : i32
    %get3A_63 = arith.index_cast %get3A : i32 to index
    %get3A_64 = arith.constant 0 : index
    %get3A_65 = tpu.vector_load %arg9[%get3A_63, %get3A_64] {strides = array<i32>} : memref<1x128xi32, #tpu.memory_space<vmem>>, vector<1x16xi32>,
    %get3A_66 = vector.shape_cast %get3A_65 : vector<1x16xi32> to vector<16xi32>
    %swap3A = arith.constant 0 : index
    %swap3A_67 = tpu.vector_load %arg11[%swap3A] {strides = array<i32>} : memref<128xi32, #tpu.memory_space<vmem>>, vector<16xi32>,
    %swap3A_68 = vector.shape_cast %swap3A_67 : vector<16xi32> to vector<16xi32>
    %swap3A_69 = vector.shape_cast %get3A_66 : vector<16xi32> to vector<16xi32>
    tpu.vector_store %arg11[%swap3A], %swap3A_69 {strides = array<i32>} : memref<128xi32, #tpu.memory_space<vmem>>, vector<16xi32>,
    %get3A_70 = arith.constant 0 : i32
    %get3A_71 = arith.index_cast %get3A_70 : i32 to index
    %get3A_72 = arith.constant 16 : index
    %get3A_73 = tpu.vector_load %arg9[%get3A_71, %get3A_72] {strides = array<i32>} : memref<1x128xi32, #tpu.memory_space<vmem>>, vector<1x16xi32>,
    %get3A_74 = vector.shape_cast %get3A_73 : vector<1x16xi32> to vector<16xi32>
    %swap3A_75 = arith.constant 16 : index
    %swap3A_76 = tpu.vector_load %arg11[%swap3A_75] {strides = array<i32>} : memref<128xi32, #tpu.memory_space<vmem>>, vector<16xi32>,
    %swap3A_77 = vector.shape_cast %swap3A_76 : vector<16xi32> to vector<16xi32>
    %swap3A_78 = vector.shape_cast %get3A_74 : vector<16xi32> to vector<16xi32>
    tpu.vector_store %arg11[%swap3A_75], %swap3A_78 {strides = array<i32>} : memref<128xi32, #tpu.memory_space<vmem>>, vector<16xi32>,
    %get3A_79 = arith.constant 0 : i32
    %get3A_80 = arith.index_cast %get3A_79 : i32 to index
    %get3A_81 = arith.constant 32 : index
    %get3A_82 = tpu.vector_load %arg9[%get3A_80, %get3A_81] {strides = array<i32>} : memref<1x128xi32, #tpu.memory_space<vmem>>, vector<1x16xi32>,
    %get3A_83 = vector.shape_cast %get3A_82 : vector<1x16xi32> to vector<16xi32>
    %swap3A_84 = arith.constant 32 : index
    %swap3A_85 = tpu.vector_load %arg11[%swap3A_84] {strides = array<i32>} : memref<128xi32, #tpu.memory_space<vmem>>, vector<16xi32>,
    %swap3A_86 = vector.shape_cast %swap3A_85 : vector<16xi32> to vector<16xi32>
    %swap3A_87 = vector.shape_cast %get3A_83 : vector<16xi32> to vector<16xi32>
    tpu.vector_store %arg11[%swap3A_84], %swap3A_87 {strides = array<i32>} : memref<128xi32, #tpu.memory_space<vmem>>, vector<16xi32>,
    %get3A_88 = arith.constant 0 : i32
    %get3A_89 = arith.index_cast %get3A_88 : i32 to index
    %get3A_90 = arith.constant 48 : index
    %get3A_91 = tpu.vector_load %arg9[%get3A_89, %get3A_90] {strides = array<i32>} : memref<1x128xi32, #tpu.memory_space<vmem>>, vector<1x16xi32>,
    %get3A_92 = vector.shape_cast %get3A_91 : vector<1x16xi32> to vector<16xi32>
    %swap3A_93 = arith.constant 48 : index
    %swap3A_94 = tpu.vector_load %arg11[%swap3A_93] {strides = array<i32>} : memref<128xi32, #tpu.memory_space<vmem>>, vector<16xi32>,
    %swap3A_95 = vector.shape_cast %swap3A_94 : vector<16xi32> to vector<16xi32>
    %swap3A_96 = vector.shape_cast %get3A_92 : vector<16xi32> to vector<16xi32>
    tpu.vector_store %arg11[%swap3A_93], %swap3A_96 {strides = array<i32>} : memref<128xi32, #tpu.memory_space<vmem>>, vector<16xi32>,
    %get3A_97 = arith.constant 0 : i32
    %get3A_98 = arith.index_cast %get3A_97 : i32 to index
    %get3A_99 = arith.constant 64 : index
    %get3A_100 = tpu.vector_load %arg9[%get3A_98, %get3A_99] {strides = array<i32>} : memref<1x128xi32, #tpu.memory_space<vmem>>, vector<1x16xi32>,
    %get3A_101 = vector.shape_cast %get3A_100 : vector<1x16xi32> to vector<16xi32>
    %swap3A_102 = arith.constant 64 : index
    %swap3A_103 = tpu.vector_load %arg11[%swap3A_102] {strides = array<i32>} : memref<128xi32, #tpu.memory_space<vmem>>, vector<16xi32>,
    %swap3A_104 = vector.shape_cast %swap3A_103 : vector<16xi32> to vector<16xi32>
    %swap3A_105 = vector.shape_cast %get3A_101 : vector<16xi32> to vector<16xi32>
    tpu.vector_store %arg11[%swap3A_102], %swap3A_105 {strides = array<i32>} : memref<128xi32, #tpu.memory_space<vmem>>, vector<16xi32>,
    %get3A_106 = arith.constant 0 : i32
    %get3A_107 = arith.index_cast %get3A_106 : i32 to index
    %get3A_108 = arith.constant 80 : index
    %get3A_109 = tpu.vector_load %arg9[%get3A_107, %get3A_108] {strides = array<i32>} : memref<1x128xi32, #tpu.memory_space<vmem>>, vector<1x16xi32>,
    %get3A_110 = vector.shape_cast %get3A_109 : vector<1x16xi32> to vector<16xi32>
    %swap3A_111 = arith.constant 80 : index
    %swap3A_112 = tpu.vector_load %arg11[%swap3A_111] {strides = array<i32>} : memref<128xi32, #tpu.memory_space<vmem>>, vector<16xi32>,
    %swap3A_113 = vector.shape_cast %swap3A_112 : vector<16xi32> to vector<16xi32>
    %swap3A_114 = vector.shape_cast %get3A_110 : vector<16xi32> to vector<16xi32>
    tpu.vector_store %arg11[%swap3A_111], %swap3A_114 {strides = array<i32>} : memref<128xi32, #tpu.memory_space<vmem>>, vector<16xi32>,
    %get3A_115 = arith.constant 0 : i32
    %get3A_116 = arith.index_cast %get3A_115 : i32 to index
    %get3A_117 = arith.constant 96 : index
    %get3A_118 = tpu.vector_load %arg9[%get3A_116, %get3A_117] {strides = array<i32>} : memref<1x128xi32, #tpu.memory_space<vmem>>, vector<1x16xi32>,
    %get3A_119 = vector.shape_cast %get3A_118 : vector<1x16xi32> to vector<16xi32>
    %swap3A_120 = arith.constant 96 : index
    %swap3A_121 = tpu.vector_load %arg11[%swap3A_120] {strides = array<i32>} : memref<128xi32, #tpu.memory_space<vmem>>, vector<16xi32>,
    %swap3A_122 = vector.shape_cast %swap3A_121 : vector<16xi32> to vector<16xi32>
    %swap3A_123 = vector.shape_cast %get3A_119 : vector<16xi32> to vector<16xi32>
    tpu.vector_store %arg11[%swap3A_120], %swap3A_123 {strides = array<i32>} : memref<128xi32, #tpu.memory_space<vmem>>, vector<16xi32>,
    %get3A_124 = arith.constant 0 : i32
    %get3A_125 = arith.index_cast %get3A_124 : i32 to index
    %get3A_126 = arith.constant 112 : index
    %get3A_127 = tpu.vector_load %arg9[%get3A_125, %get3A_126] {strides = array<i32>} : memref<1x128xi32, #tpu.memory_space<vmem>>, vector<1x16xi32>,
    %get3A_128 = vector.shape_cast %get3A_127 : vector<1x16xi32> to vector<16xi32>
    %swap3A_129 = arith.constant 112 : index
    %swap3A_130 = tpu.vector_load %arg11[%swap3A_129] {strides = array<i32>} : memref<128xi32, #tpu.memory_space<vmem>>, vector<16xi32>,
    %swap3A_131 = vector.shape_cast %swap3A_130 : vector<16xi32> to vector<16xi32>
    %swap3A_132 = vector.shape_cast %get3A_128 : vector<16xi32> to vector<16xi32>
    tpu.vector_store %arg11[%swap3A_129], %swap3A_132 {strides = array<i32>} : memref<128xi32, #tpu.memory_space<vmem>>, vector<16xi32>,
    "tpu.region"() ({
      %run_scoped3A_255 = tpu.sem_alloc : memref<!tpu.dma_semaphore, #tpu.memory_space<semaphore_mem>>
      %dma_start3A_256 = arith.constant 0 : i32
      %dma_start3A_257 = arith.constant 0 : i32
      %dma_start3A_258 = tpu.memref_slice %arg13[%dma_start3A_256, %dma_start3A_257] : memref<10000x128xf32, #tpu.memory_space<vmem_shared>> -> memref<10000x128xf32, #tpu.memory_space<vmem_shared>>
      tpu.enqueue_indirect_dma source(%arg7 : memref<128x128xf32, #tpu.memory_space<vmem>>) target(%dma_start3A_258 : memref<10000x128xf32, #tpu.memory_space<vmem_shared>>) offsets(%arg11 : memref<128xi32, #tpu.memory_space<vmem>>) semaphore(%run_scoped3A_255 : memref<!tpu.dma_semaphore, #tpu.memory_space<semaphore_mem>>) {add = true}
      %dma_wait3A_259 = arith.constant 0 : i32
      %dma_wait3A_260 = arith.constant 0 : i32
      %dma_wait3A_261 = tpu.memref_slice %arg13[%dma_wait3A_259, %dma_wait3A_260] : memref<10000x128xf32, #tpu.memory_space<vmem_shared>> -> memref<10000x128xf32, #tpu.memory_space<vmem_shared>>
      tpu.wait_indirect_dma semaphore(%run_scoped3A_255 : memref<!tpu.dma_semaphore, #tpu.memory_space<semaphore_mem>>) src(%arg7 : memref<128x128xf32, #tpu.memory_space<vmem>>) dst(%dma_wait3A_261 : memref<10000x128xf32, #tpu.memory_space<vmem_shared>>)
      tpu.yield
    }) : () -> ()
    %dma_wait3A_133 = arith.constant 77 : i32
    %dma_wait3A_134 = arith.constant 0 : i32
    %dma_wait3A_135 = tpu.memref_slice %arg6[%dma_wait3A_133, %dma_wait3A_134] : memref<79x128xi32, #tpu.memory_space<vmem>> -> memref<1x128xi32, #tpu.memory_space<vmem>>
    %dma_wait3A_136 = tpu.memref_squeeze %dma_wait3A_135 : memref<1x128xi32, #tpu.memory_space<vmem>> -> memref<128xi32, #tpu.memory_space<vmem>>
    %dma_wait3A_137 = arith.constant 0 : i32
    %dma_wait3A_138 = arith.constant 0 : i32
    %dma_wait3A_139 = tpu.memref_slice %arg2[%dma_wait3A_137, %dma_wait3A_138] : memref<10000x128xf32, #tpu.memory_space<hbm>> -> memref<10000x128xf32, #tpu.memory_space<hbm>>
    tpu.wait_indirect_dma semaphore(%arg15 : memref<!tpu.dma_semaphore, #tpu.memory_space<semaphore_mem>>) src(%dma_wait3A_139 : memref<10000x128xf32, #tpu.memory_space<hbm>>) dst(%arg8 : memref<128x128xf32, #tpu.memory_space<vmem>>)
    %dma_wait3A_140 = arith.constant 77 : i32
    %dma_wait3A_141 = arith.constant 0 : i32
    %dma_wait3A_142 = arith.constant 0 : i32
    %dma_wait3A_143 = tpu.memref_slice %arg4[%add3A, %dma_wait3A_140, %dma_wait3A_141, %dma_wait3A_142] : memref<32x79x1x128xi32, #tpu.memory_space<hbm>> -> memref<1x1x1x128xi32, #tpu.memory_space<hbm>>
    %dma_wait3A_144 = tpu.memref_squeeze %dma_wait3A_143 : memref<1x1x1x128xi32, #tpu.memory_space<hbm>> -> memref<1x128xi32, #tpu.memory_space<hbm>>
    %dma_wait3A_145 = arith.constant 0 : i32
    %dma_wait3A_146 = arith.constant 0 : i32
    %dma_wait3A_147 = tpu.memref_slice %arg4[%add3A, %dma_wait3A_140, %dma_wait3A_145, %dma_wait3A_146] : memref<32x79x1x128xi32, #tpu.memory_space<hbm>> -> memref<1x1x1x128xi32, #tpu.memory_space<hbm>>
    %dma_wait3A_148 = tpu.memref_squeeze %dma_wait3A_147 : memref<1x1x1x128xi32, #tpu.memory_space<hbm>> -> memref<1x128xi32, #tpu.memory_space<hbm>>
    tpu.wait_dma2 semaphore(%arg17 : memref<!tpu.dma_semaphore, #tpu.memory_space<semaphore_mem>>) src(%dma_wait3A_148 : memref<1x128xi32, #tpu.memory_space<hbm>>) dst(%arg10 : memref<1x128xi32, #tpu.memory_space<vmem>>)
    %get3A_149 = arith.constant 0 : i32
    %get3A_150 = arith.index_cast %get3A_149 : i32 to index
    %get3A_151 = arith.constant 0 : index
    %get3A_152 = tpu.vector_load %arg10[%get3A_150, %get3A_151] {strides = array<i32>} : memref<1x128xi32, #tpu.memory_space<vmem>>, vector<1x16xi32>,
    %get3A_153 = vector.shape_cast %get3A_152 : vector<1x16xi32> to vector<16xi32>
    %swap3A_154 = arith.constant 0 : index
    %swap3A_155 = tpu.vector_load %arg12[%swap3A_154] {strides = array<i32>} : memref<128xi32, #tpu.memory_space<vmem>>, vector<16xi32>,
    %swap3A_156 = vector.shape_cast %swap3A_155 : vector<16xi32> to vector<16xi32>
    %swap3A_157 = vector.shape_cast %get3A_153 : vector<16xi32> to vector<16xi32>
    tpu.vector_store %arg12[%swap3A_154], %swap3A_157 {strides = array<i32>} : memref<128xi32, #tpu.memory_space<vmem>>, vector<16xi32>,
    %get3A_158 = arith.constant 0 : i32
    %get3A_159 = arith.index_cast %get3A_158 : i32 to index
    %get3A_160 = arith.constant 16 : index
    %get3A_161 = tpu.vector_load %arg10[%get3A_159, %get3A_160] {strides = array<i32>} : memref<1x128xi32, #tpu.memory_space<vmem>>, vector<1x16xi32>,
    %get3A_162 = vector.shape_cast %get3A_161 : vector<1x16xi32> to vector<16xi32>
    %swap3A_163 = arith.constant 16 : index
    %swap3A_164 = tpu.vector_load %arg12[%swap3A_163] {strides = array<i32>} : memref<128xi32, #tpu.memory_space<vmem>>, vector<16xi32>,
    %swap3A_165 = vector.shape_cast %swap3A_164 : vector<16xi32> to vector<16xi32>
    %swap3A_166 = vector.shape_cast %get3A_162 : vector<16xi32> to vector<16xi32>
    tpu.vector_store %arg12[%swap3A_163], %swap3A_166 {strides = array<i32>} : memref<128xi32, #tpu.memory_space<vmem>>, vector<16xi32>,
    %get3A_167 = arith.constant 0 : i32
    %get3A_168 = arith.index_cast %get3A_167 : i32 to index
    %get3A_169 = arith.constant 32 : index
    %get3A_170 = tpu.vector_load %arg10[%get3A_168, %get3A_169] {strides = array<i32>} : memref<1x128xi32, #tpu.memory_space<vmem>>, vector<1x16xi32>,
    %get3A_171 = vector.shape_cast %get3A_170 : vector<1x16xi32> to vector<16xi32>
    %swap3A_172 = arith.constant 32 : index
    %swap3A_173 = tpu.vector_load %arg12[%swap3A_172] {strides = array<i32>} : memref<128xi32, #tpu.memory_space<vmem>>, vector<16xi32>,
    %swap3A_174 = vector.shape_cast %swap3A_173 : vector<16xi32> to vector<16xi32>
    %swap3A_175 = vector.shape_cast %get3A_171 : vector<16xi32> to vector<16xi32>
    tpu.vector_store %arg12[%swap3A_172], %swap3A_175 {strides = array<i32>} : memref<128xi32, #tpu.memory_space<vmem>>, vector<16xi32>,
    %get3A_176 = arith.constant 0 : i32
    %get3A_177 = arith.index_cast %get3A_176 : i32 to index
    %get3A_178 = arith.constant 48 : index
    %get3A_179 = tpu.vector_load %arg10[%get3A_177, %get3A_178] {strides = array<i32>} : memref<1x128xi32, #tpu.memory_space<vmem>>, vector<1x16xi32>,
    %get3A_180 = vector.shape_cast %get3A_179 : vector<1x16xi32> to vector<16xi32>
    %swap3A_181 = arith.constant 48 : index
    %swap3A_182 = tpu.vector_load %arg12[%swap3A_181] {strides = array<i32>} : memref<128xi32, #tpu.memory_space<vmem>>, vector<16xi32>,
    %swap3A_183 = vector.shape_cast %swap3A_182 : vector<16xi32> to vector<16xi32>
    %swap3A_184 = vector.shape_cast %get3A_180 : vector<16xi32> to vector<16xi32>
    tpu.vector_store %arg12[%swap3A_181], %swap3A_184 {strides = array<i32>} : memref<128xi32, #tpu.memory_space<vmem>>, vector<16xi32>,
    %get3A_185 = arith.constant 0 : i32
    %get3A_186 = arith.index_cast %get3A_185 : i32 to index
    %get3A_187 = arith.constant 64 : index
    %get3A_188 = tpu.vector_load %arg10[%get3A_186, %get3A_187] {strides = array<i32>} : memref<1x128xi32, #tpu.memory_space<vmem>>, vector<1x16xi32>,
    %get3A_189 = vector.shape_cast %get3A_188 : vector<1x16xi32> to vector<16xi32>
    %swap3A_190 = arith.constant 64 : index
    %swap3A_191 = tpu.vector_load %arg12[%swap3A_190] {strides = array<i32>} : memref<128xi32, #tpu.memory_space<vmem>>, vector<16xi32>,
    %swap3A_192 = vector.shape_cast %swap3A_191 : vector<16xi32> to vector<16xi32>
    %swap3A_193 = vector.shape_cast %get3A_189 : vector<16xi32> to vector<16xi32>
    tpu.vector_store %arg12[%swap3A_190], %swap3A_193 {strides = array<i32>} : memref<128xi32, #tpu.memory_space<vmem>>, vector<16xi32>,
    %get3A_194 = arith.constant 0 : i32
    %get3A_195 = arith.index_cast %get3A_194 : i32 to index
    %get3A_196 = arith.constant 80 : index
    %get3A_197 = tpu.vector_load %arg10[%get3A_195, %get3A_196] {strides = array<i32>} : memref<1x128xi32, #tpu.memory_space<vmem>>, vector<1x16xi32>,
    %get3A_198 = vector.shape_cast %get3A_197 : vector<1x16xi32> to vector<16xi32>
    %swap3A_199 = arith.constant 80 : index
    %swap3A_200 = tpu.vector_load %arg12[%swap3A_199] {strides = array<i32>} : memref<128xi32, #tpu.memory_space<vmem>>, vector<16xi32>,
    %swap3A_201 = vector.shape_cast %swap3A_200 : vector<16xi32> to vector<16xi32>
    %swap3A_202 = vector.shape_cast %get3A_198 : vector<16xi32> to vector<16xi32>
    tpu.vector_store %arg12[%swap3A_199], %swap3A_202 {strides = array<i32>} : memref<128xi32, #tpu.memory_space<vmem>>, vector<16xi32>,
    %get3A_203 = arith.constant 0 : i32
    %get3A_204 = arith.index_cast %get3A_203 : i32 to index
    %get3A_205 = arith.constant 96 : index
    %get3A_206 = tpu.vector_load %arg10[%get3A_204, %get3A_205] {strides = array<i32>} : memref<1x128xi32, #tpu.memory_space<vmem>>, vector<1x16xi32>,
    %get3A_207 = vector.shape_cast %get3A_206 : vector<1x16xi32> to vector<16xi32>
    %swap3A_208 = arith.constant 96 : index
    %swap3A_209 = tpu.vector_load %arg12[%swap3A_208] {strides = array<i32>} : memref<128xi32, #tpu.memory_space<vmem>>, vector<16xi32>,
    %swap3A_210 = vector.shape_cast %swap3A_209 : vector<16xi32> to vector<16xi32>
    %swap3A_211 = vector.shape_cast %get3A_207 : vector<16xi32> to vector<16xi32>
    tpu.vector_store %arg12[%swap3A_208], %swap3A_211 {strides = array<i32>} : memref<128xi32, #tpu.memory_space<vmem>>, vector<16xi32>,
    %get3A_212 = arith.constant 0 : i32
    %get3A_213 = arith.index_cast %get3A_212 : i32 to index
    %get3A_214 = arith.constant 112 : index
    %get3A_215 = tpu.vector_load %arg10[%get3A_213, %get3A_214] {strides = array<i32>} : memref<1x128xi32, #tpu.memory_space<vmem>>, vector<1x16xi32>,
    %get3A_216 = vector.shape_cast %get3A_215 : vector<1x16xi32> to vector<16xi32>
    %swap3A_217 = arith.constant 112 : index
    %swap3A_218 = tpu.vector_load %arg12[%swap3A_217] {strides = array<i32>} : memref<128xi32, #tpu.memory_space<vmem>>, vector<16xi32>,
    %swap3A_219 = vector.shape_cast %swap3A_218 : vector<16xi32> to vector<16xi32>
    %swap3A_220 = vector.shape_cast %get3A_216 : vector<16xi32> to vector<16xi32>
    tpu.vector_store %arg12[%swap3A_217], %swap3A_220 {strides = array<i32>} : memref<128xi32, #tpu.memory_space<vmem>>, vector<16xi32>,
    "tpu.region"() ({
      %run_scoped3A_255 = tpu.sem_alloc : memref<!tpu.dma_semaphore, #tpu.memory_space<semaphore_mem>>
      %dma_start3A_256 = arith.constant 0 : i32
      %dma_start3A_257 = arith.constant 0 : i32
      %dma_start3A_258 = tpu.memref_slice %arg13[%dma_start3A_256, %dma_start3A_257] : memref<10000x128xf32, #tpu.memory_space<vmem_shared>> -> memref<10000x128xf32, #tpu.memory_space<vmem_shared>>
      tpu.enqueue_indirect_dma source(%arg8 : memref<128x128xf32, #tpu.memory_space<vmem>>) target(%dma_start3A_258 : memref<10000x128xf32, #tpu.memory_space<vmem_shared>>) offsets(%arg12 : memref<128xi32, #tpu.memory_space<vmem>>) semaphore(%run_scoped3A_255 : memref<!tpu.dma_semaphore, #tpu.memory_space<semaphore_mem>>) {add = true}
      %dma_wait3A_259 = arith.constant 0 : i32
      %dma_wait3A_260 = arith.constant 0 : i32
      %dma_wait3A_261 = tpu.memref_slice %arg13[%dma_wait3A_259, %dma_wait3A_260] : memref<10000x128xf32, #tpu.memory_space<vmem_shared>> -> memref<10000x128xf32, #tpu.memory_space<vmem_shared>>
      tpu.wait_indirect_dma semaphore(%run_scoped3A_255 : memref<!tpu.dma_semaphore, #tpu.memory_space<semaphore_mem>>) src(%arg8 : memref<128x128xf32, #tpu.memory_space<vmem>>) dst(%dma_wait3A_261 : memref<10000x128xf32, #tpu.memory_space<vmem_shared>>)
      tpu.yield
    }) : () -> ()
    %run_scoped3A = arith.constant 78 : i32
    "tpu.region"() ({
      %run_scoped3A_255 = tpu.sem_alloc : memref<!tpu.dma_semaphore, #tpu.memory_space<semaphore_mem>>
      %dma_start3A_256 = arith.constant 0 : i32
      %dma_start3A_257 = arith.constant 0 : i32
      %dma_start3A_258 = tpu.memref_slice %arg4[%add3A, %run_scoped3A, %dma_start3A_256, %dma_start3A_257] : memref<32x79x1x128xi32, #tpu.memory_space<hbm>> -> memref<1x1x1x128xi32, #tpu.memory_space<hbm>>
      %dma_start3A_259 = tpu.memref_squeeze %dma_start3A_258 : memref<1x1x1x128xi32, #tpu.memory_space<hbm>> -> memref<1x128xi32, #tpu.memory_space<hbm>>
      %dma_start3A_260 = arith.constant 0 : i32
      %dma_start3A_261 = arith.constant 0 : i32
      %dma_start3A_262 = tpu.memref_slice %arg4[%add3A, %run_scoped3A, %dma_start3A_260, %dma_start3A_261] : memref<32x79x1x128xi32, #tpu.memory_space<hbm>> -> memref<1x1x1x128xi32, #tpu.memory_space<hbm>>
      %dma_start3A_263 = tpu.memref_squeeze %dma_start3A_262 : memref<1x1x1x128xi32, #tpu.memory_space<hbm>> -> memref<1x128xi32, #tpu.memory_space<hbm>>
      tpu.enqueue_dma source(%dma_start3A_263 : memref<1x128xi32, #tpu.memory_space<hbm>>) target(%arg9 : memref<1x128xi32, #tpu.memory_space<vmem>>) target_semaphore(%run_scoped3A_255 : memref<!tpu.dma_semaphore, #tpu.memory_space<semaphore_mem>>)
      %dma_wait3A_264 = arith.constant 0 : i32
      %dma_wait3A_265 = arith.constant 0 : i32
      %dma_wait3A_266 = tpu.memref_slice %arg4[%add3A, %run_scoped3A, %dma_wait3A_264, %dma_wait3A_265] : memref<32x79x1x128xi32, #tpu.memory_space<hbm>> -> memref<1x1x1x128xi32, #tpu.memory_space<hbm>>
      %dma_wait3A_267 = tpu.memref_squeeze %dma_wait3A_266 : memref<1x1x1x128xi32, #tpu.memory_space<hbm>> -> memref<1x128xi32, #tpu.memory_space<hbm>>
      %dma_wait3A_268 = arith.constant 0 : i32
      %dma_wait3A_269 = arith.constant 0 : i32
      %dma_wait3A_270 = tpu.memref_slice %arg4[%add3A, %run_scoped3A, %dma_wait3A_268, %dma_wait3A_269] : memref<32x79x1x128xi32, #tpu.memory_space<hbm>> -> memref<1x1x1x128xi32, #tpu.memory_space<hbm>>
      %dma_wait3A_271 = tpu.memref_squeeze %dma_wait3A_270 : memref<1x1x1x128xi32, #tpu.memory_space<hbm>> -> memref<1x128xi32, #tpu.memory_space<hbm>>
      tpu.wait_dma2 semaphore(%run_scoped3A_255 : memref<!tpu.dma_semaphore, #tpu.memory_space<semaphore_mem>>) src(%dma_wait3A_271 : memref<1x128xi32, #tpu.memory_space<hbm>>) dst(%arg9 : memref<1x128xi32, #tpu.memory_space<vmem>>)
      tpu.yield
    }) : () -> ()
    %get3A_221 = arith.constant 78 : i32
    %get3A_222 = arith.index_cast %get3A_221 : i32 to index
    %get3A_223 = arith.constant 0 : index
    %get3A_224 = tpu.vector_load %arg6[%get3A_222, %get3A_223] {strides = array<i32>} : memref<79x128xi32, #tpu.memory_space<vmem>>, vector<1x16xi32>,
    %get3A_225 = vector.shape_cast %get3A_224 : vector<1x16xi32> to vector<16xi32>
    %swap3A_226 = arith.constant 0 : index
    %swap3A_227 = tpu.vector_load %arg18[%swap3A_226] {strides = array<i32>} : memref<16xi32, #tpu.memory_space<vmem>>, vector<16xi32>,
    %swap3A_228 = vector.shape_cast %swap3A_227 : vector<16xi32> to vector<16xi32>
    %swap3A_229 = vector.shape_cast %get3A_225 : vector<16xi32> to vector<16xi32>
    tpu.vector_store %arg18[%swap3A_226], %swap3A_229 {strides = array<i32>} : memref<16xi32, #tpu.memory_space<vmem>>, vector<16xi32>,
    %get3A_230 = arith.constant 0 : i32
    %get3A_231 = arith.index_cast %get3A_230 : i32 to index
    %get3A_232 = arith.constant 0 : index
    %get3A_233 = tpu.vector_load %arg9[%get3A_231, %get3A_232] {strides = array<i32>} : memref<1x128xi32, #tpu.memory_space<vmem>>, vector<1x16xi32>,
    %get3A_234 = vector.shape_cast %get3A_233 : vector<1x16xi32> to vector<16xi32>
    %swap3A_235 = arith.constant 0 : index
    %swap3A_236 = tpu.vector_load %arg19[%swap3A_235] {strides = array<i32>} : memref<16xi32, #tpu.memory_space<vmem>>, vector<16xi32>,
    %swap3A_237 = vector.shape_cast %swap3A_236 : vector<16xi32> to vector<16xi32>
    %swap3A_238 = vector.shape_cast %get3A_234 : vector<16xi32> to vector<16xi32>
    tpu.vector_store %arg19[%swap3A_235], %swap3A_238 {strides = array<i32>} : memref<16xi32, #tpu.memory_space<vmem>>, vector<16xi32>,
    %dma_start3A_239 = arith.constant 0 : i32
    %dma_start3A_240 = arith.constant 0 : i32
    %dma_start3A_241 = tpu.memref_slice %arg2[%dma_start3A_239, %dma_start3A_240] : memref<10000x128xf32, #tpu.memory_space<hbm>> -> memref<10000x128xf32, #tpu.memory_space<hbm>>
    tpu.enqueue_indirect_dma source(%dma_start3A_241 : memref<10000x128xf32, #tpu.memory_space<hbm>>) target(%arg20 : memref<16x128xf32, #tpu.memory_space<vmem>>) offsets(%arg18 : memref<16xi32, #tpu.memory_space<vmem>>) semaphore(%arg14 : memref<!tpu.dma_semaphore, #tpu.memory_space<semaphore_mem>>)
    %dma_wait3A_242 = arith.constant 0 : i32
    %dma_wait3A_243 = arith.constant 0 : i32
    %dma_wait3A_244 = tpu.memref_slice %arg2[%dma_wait3A_242, %dma_wait3A_243] : memref<10000x128xf32, #tpu.memory_space<hbm>> -> memref<10000x128xf32, #tpu.memory_space<hbm>>
    tpu.wait_indirect_dma semaphore(%arg14 : memref<!tpu.dma_semaphore, #tpu.memory_space<semaphore_mem>>) src(%dma_wait3A_244 : memref<10000x128xf32, #tpu.memory_space<hbm>>) dst(%arg20 : memref<16x128xf32, #tpu.memory_space<vmem>>)
    "tpu.region"() ({
      %run_scoped3A_255 = tpu.sem_alloc : memref<!tpu.dma_semaphore, #tpu.memory_space<semaphore_mem>>
      %dma_start3A_256 = arith.constant 0 : i32
      %dma_start3A_257 = arith.constant 0 : i32
      %dma_start3A_258 = tpu.memref_slice %arg13[%dma_start3A_256, %dma_start3A_257] : memref<10000x128xf32, #tpu.memory_space<vmem_shared>> -> memref<10000x128xf32, #tpu.memory_space<vmem_shared>>
      tpu.enqueue_indirect_dma source(%arg20 : memref<16x128xf32, #tpu.memory_space<vmem>>) target(%dma_start3A_258 : memref<10000x128xf32, #tpu.memory_space<vmem_shared>>) offsets(%arg19 : memref<16xi32, #tpu.memory_space<vmem>>) semaphore(%run_scoped3A_255 : memref<!tpu.dma_semaphore, #tpu.memory_space<semaphore_mem>>) {add = true}
      %dma_wait3A_259 = arith.constant 0 : i32
      %dma_wait3A_260 = arith.constant 0 : i32
      %dma_wait3A_261 = tpu.memref_slice %arg13[%dma_wait3A_259, %dma_wait3A_260] : memref<10000x128xf32, #tpu.memory_space<vmem_shared>> -> memref<10000x128xf32, #tpu.memory_space<vmem_shared>>
      tpu.wait_indirect_dma semaphore(%run_scoped3A_255 : memref<!tpu.dma_semaphore, #tpu.memory_space<semaphore_mem>>) src(%arg20 : memref<16x128xf32, #tpu.memory_space<vmem>>) dst(%dma_wait3A_261 : memref<10000x128xf32, #tpu.memory_space<vmem_shared>>)
      tpu.yield
    }) : () -> ()
    %barrier3A_245 = arith.constant 0 : index
    tpu.barrier barrier_id(%barrier3A_245)
    %mul3A_246 = arith.constant 624 : i32
    %mul3A_247 = arith.muli %arg1, %mul3A_246 : i32
    %mul3A_248 = arith.constant 624 : i32
    %mul3A_249 = arith.muli %arg1, %mul3A_248 : i32
    "tpu.region"() ({
      %run_scoped3A_255 = tpu.sem_alloc : memref<!tpu.dma_semaphore, #tpu.memory_space<semaphore_mem>>
      %dma_start3A_256 = arith.constant 0 : i32
      %dma_start3A_257 = tpu.memref_slice %arg5[%arg0, %mul3A_249, %dma_start3A_256] : memref<2x10000x128xf32, #tpu.memory_space<hbm>> -> memref<1x624x128xf32, #tpu.memory_space<hbm>>
      %dma_start3A_258 = tpu.memref_squeeze %dma_start3A_257 : memref<1x624x128xf32, #tpu.memory_space<hbm>> -> memref<624x128xf32, #tpu.memory_space<hbm>>
      %dma_start3A_259 = arith.constant 0 : i32
      %dma_start3A_260 = tpu.memref_slice %arg13[%mul3A_247, %dma_start3A_259] : memref<10000x128xf32, #tpu.memory_space<vmem_shared>> -> memref<624x128xf32, #tpu.memory_space<vmem_shared>>
      tpu.enqueue_dma source(%dma_start3A_260 : memref<624x128xf32, #tpu.memory_space<vmem_shared>>) target(%dma_start3A_258 : memref<624x128xf32, #tpu.memory_space<hbm>>) target_semaphore(%run_scoped3A_255 : memref<!tpu.dma_semaphore, #tpu.memory_space<semaphore_mem>>)
      %dma_wait3A_261 = arith.constant 0 : i32
      %dma_wait3A_262 = tpu.memref_slice %arg5[%arg0, %mul3A_249, %dma_wait3A_261] : memref<2x10000x128xf32, #tpu.memory_space<hbm>> -> memref<1x624x128xf32, #tpu.memory_space<hbm>>
      %dma_wait3A_263 = tpu.memref_squeeze %dma_wait3A_262 : memref<1x624x128xf32, #tpu.memory_space<hbm>> -> memref<624x128xf32, #tpu.memory_space<hbm>>
      %dma_wait3A_264 = arith.constant 0 : i32
      %dma_wait3A_265 = tpu.memref_slice %arg13[%mul3A_247, %dma_wait3A_264] : memref<10000x128xf32, #tpu.memory_space<vmem_shared>> -> memref<624x128xf32, #tpu.memory_space<vmem_shared>>
      tpu.wait_dma2 semaphore(%run_scoped3A_255 : memref<!tpu.dma_semaphore, #tpu.memory_space<semaphore_mem>>) src(%dma_wait3A_265 : memref<624x128xf32, #tpu.memory_space<vmem_shared>>) dst(%dma_wait3A_263 : memref<624x128xf32, #tpu.memory_space<hbm>>)
      tpu.yield
    }) : () -> ()
    %eq3A_250 = arith.constant 15 : i32
    %eq3A_251 = arith.cmpi eq, %arg1, %eq3A_250 : i32
    %convert_element_type3A_252 = arith.extui %eq3A_251 : i1 to i32
    %cond3A_253 = arith.constant 0 : i32
    %cond3A_254 = arith.cmpi ne, %convert_element_type3A_252, %cond3A_253 : i32
    scf.if %cond3A_254 {
      "tpu.region"() ({
        %run_scoped3A_255 = tpu.sem_alloc : memref<!tpu.dma_semaphore, #tpu.memory_space<semaphore_mem>>
        %dma_start3A_256 = arith.constant 9984 : i32
        %dma_start3A_257 = arith.constant 0 : i32
        %dma_start3A_258 = tpu.memref_slice %arg5[%arg0, %dma_start3A_256, %dma_start3A_257] : memref<2x10000x128xf32, #tpu.memory_space<hbm>> -> memref<1x16x128xf32, #tpu.memory_space<hbm>>
        %dma_start3A_259 = tpu.memref_squeeze %dma_start3A_258 : memref<1x16x128xf32, #tpu.memory_space<hbm>> -> memref<16x128xf32, #tpu.memory_space<hbm>>
        %dma_start3A_260 = arith.constant 9984 : i32
        %dma_start3A_261 = arith.constant 0 : i32
        %dma_start3A_262 = tpu.memref_slice %arg13[%dma_start3A_260, %dma_start3A_261] : memref<10000x128xf32, #tpu.memory_space<vmem_shared>> -> memref<16x128xf32, #tpu.memory_space<vmem_shared>>
        tpu.enqueue_dma source(%dma_start3A_262 : memref<16x128xf32, #tpu.memory_space<vmem_shared>>) target(%dma_start3A_259 : memref<16x128xf32, #tpu.memory_space<hbm>>) target_semaphore(%run_scoped3A_255 : memref<!tpu.dma_semaphore, #tpu.memory_space<semaphore_mem>>)
        %dma_wait3A_263 = arith.constant 9984 : i32
        %dma_wait3A_264 = arith.constant 0 : i32
        %dma_wait3A_265 = tpu.memref_slice %arg5[%arg0, %dma_wait3A_263, %dma_wait3A_264] : memref<2x10000x128xf32, #tpu.memory_space<hbm>> -> memref<1x16x128xf32, #tpu.memory_space<hbm>>
        %dma_wait3A_266 = tpu.memref_squeeze %dma_wait3A_265 : memref<1x16x128xf32, #tpu.memory_space<hbm>> -> memref<16x128xf32, #tpu.memory_space<hbm>>
        %dma_wait3A_267 = arith.constant 9984 : i32
        %dma_wait3A_268 = arith.constant 0 : i32
        %dma_wait3A_269 = tpu.memref_slice %arg13[%dma_wait3A_267, %dma_wait3A_268] : memref<10000x128xf32, #tpu.memory_space<vmem_shared>> -> memref<16x128xf32, #tpu.memory_space<vmem_shared>>
        tpu.wait_dma2 semaphore(%run_scoped3A_255 : memref<!tpu.dma_semaphore, #tpu.memory_space<semaphore_mem>>) src(%dma_wait3A_269 : memref<16x128xf32, #tpu.memory_space<vmem_shared>>) dst(%dma_wait3A_266 : memref<16x128xf32, #tpu.memory_space<hbm>>)
        tpu.yield
      }) : () -> ()
    } else {
    }
    return
  }
}

module attributes {stable_mosaic.version = 14 : i64} {
  func.func @body(%arg0: i32, %arg1: memref<1000x128xf32, #tpu.memory_space<vmem>>, %arg2: memref<128x128xf32, #tpu.memory_space<vmem>>, %arg3: memref<1x128xf32, #tpu.memory_space<vmem>>, %arg4: memref<1000x128xf32, #tpu.memory_space<vmem>>) attributes {dimension_semantics = [#tpu.dimension_semantics<arbitrary>], iteration_bounds = array<i64: 10>, scalar_prefetch = 0 : i64, scratch_operands = 0 : i64, tpu.core_type = #tpu.core_type<tc>, window_params = [{transform_indices = @transform_0, window_bounds = array<i64: 1000, 128>}, {pipeline_mode = #tpu.pipeline_mode<synchronous>, transform_indices = @transform_1, window_bounds = array<i64: 128, 128>}, {pipeline_mode = #tpu.pipeline_mode<synchronous>, transform_indices = @transform_2, window_bounds = array<i64: 1, 128>}, {transform_indices = @transform_3, window_bounds = array<i64: 1000, 128>}]} {
    %get3A = arith.constant 0 : index
    %get3A_0 = arith.constant 0 : index
    %get3A_1 = vector.load %arg1[%get3A, %get3A_0] : memref<1000x128xf32, #tpu.memory_space<vmem>>, vector<1000x128xf32>
    %get3A_2 = arith.constant 0 : index
    %get3A_3 = arith.constant 0 : index
    %get3A_4 = vector.load %arg2[%get3A_2, %get3A_3] : memref<128x128xf32, #tpu.memory_space<vmem>>, vector<128x128xf32>
    %dot_general3A = arith.constant dense<0.000000e+00> : vector<1000x128xf32>
    %dot_general3A_5 = tpu.matmul %get3A_1, %get3A_4, %dot_general3A {dimension_numbers = #tpu.dot_dimension_numbers<[1], [1], [0], [0], [0, 0, 1, 0], [], []>, transpose_lhs_hint = false} : vector<1000x128xf32>, vector<128x128xf32>, vector<1000x128xf32> -> vector<1000x128xf32>
    %get3A_6 = arith.constant 0 : index
    %get3A_7 = arith.constant 0 : index
    %get3A_8 = vector.load %arg3[%get3A_6, %get3A_7] : memref<1x128xf32, #tpu.memory_space<vmem>>, vector<1x128xf32>
    %add3A = vector.broadcast %get3A_8 : vector<1x128xf32> to vector<1000x128xf32>
    %add3A_9 = arith.addf %dot_general3A_5, %add3A : vector<1000x128xf32>
    %max3A = arith.constant 0.000000e+00 : f32
    %max3A_10 = vector.broadcast %max3A : f32 to vector<1000x128xf32>
    %max3A_11 = arith.maximumf %add3A_9, %max3A_10 : vector<1000x128xf32>
    %swap3A = arith.constant 0 : index
    %swap3A_12 = arith.constant 0 : index
    %swap3A_13 = vector.load %arg4[%swap3A, %swap3A_12] : memref<1000x128xf32, #tpu.memory_space<vmem>>, vector<1000x128xf32>
    tpu.vector_store %arg4[%swap3A, %swap3A_12], %max3A_11 {strides = array<i32>} : memref<1000x128xf32, #tpu.memory_space<vmem>>, vector<1000x128xf32>,
    return
  }
  func.func @transform_0(%arg0: i32) -> (i32, i32) {
    %c0_i32 = arith.constant 0 : i32
    %c0_i32_0 = arith.constant 0 : i32
    return %arg0, %c0_i32 : i32, i32
  }
  func.func @transform_1(%arg0: i32) -> (i32, i32) {
    %c0_i32 = arith.constant 0 : i32
    %c0_i32_0 = arith.constant 0 : i32
    %c0_i32_1 = arith.constant 0 : i32
    return %c0_i32, %c0_i32_0 : i32, i32
  }
  func.func @transform_2(%arg0: i32) -> (i32, i32) {
    %c0_i32 = arith.constant 0 : i32
    %c0_i32_0 = arith.constant 0 : i32
    %c0_i32_1 = arith.constant 0 : i32
    return %c0_i32, %c0_i32_0 : i32, i32
  }
  func.func @transform_3(%arg0: i32) -> (i32, i32) {
    %c0_i32 = arith.constant 0 : i32
    %c0_i32_0 = arith.constant 0 : i32
    return %arg0, %c0_i32 : i32, i32
  }
}

module attributes {stable_mosaic.version = 14 : i64} {
  func.func @body(%arg0: i32, %arg1: memref<1x1000x128xf32, #tpu.memory_space<vmem>>, %arg2: memref<1x1000x128xf32, #tpu.memory_space<vmem>>, %arg3: memref<1000x32xf32, #tpu.memory_space<vmem>>, %arg4: memref<1000x128xf32, #tpu.memory_space<vmem>>, %arg5: memref<128x128xf32, #tpu.memory_space<vmem>>, %arg6: memref<128x128xf32, #tpu.memory_space<vmem>>, %arg7: memref<1x128xf32, #tpu.memory_space<vmem>>, %arg8: memref<1000x128xf32, #tpu.memory_space<vmem>>) attributes {dimension_semantics = [#tpu.dimension_semantics<arbitrary>], iteration_bounds = array<i64: 10>, scalar_prefetch = 0 : i64, scratch_operands = 0 : i64, tpu.core_type = #tpu.core_type<tc>, window_params = [{transform_indices = @transform_0, window_bounds = array<i64: 1, 1000, 128>}, {transform_indices = @transform_1, window_bounds = array<i64: 1, 1000, 128>}, {transform_indices = @transform_2, window_bounds = array<i64: 1000, 32>}, {transform_indices = @transform_3, window_bounds = array<i64: 1000, 128>}, {pipeline_mode = #tpu.pipeline_mode<synchronous>, transform_indices = @transform_4, window_bounds = array<i64: 128, 128>}, {pipeline_mode = #tpu.pipeline_mode<synchronous>, transform_indices = @transform_5, window_bounds = array<i64: 128, 128>}, {pipeline_mode = #tpu.pipeline_mode<synchronous>, transform_indices = @transform_6, window_bounds = array<i64: 1, 128>}, {transform_indices = @transform_7, window_bounds = array<i64: 1000, 128>}]} {
    %get3A = arith.constant 0 : index
    %get3A_0 = arith.constant 0 : index
    %get3A_1 = vector.load %arg3[%get3A, %get3A_0] : memref<1000x32xf32, #tpu.memory_space<vmem>>, vector<1000x32xf32>
    %reduce_sum3A = arith.constant dense<0.000000e+00> : vector<1000xf32>
    %reduce_sum3A_2 = vector.multi_reduction <add>, %get3A_1, %reduce_sum3A [1] : vector<1000x32xf32> to vector<1000xf32>
    %broadcast_in_dim3A = vector.shape_cast %reduce_sum3A_2 : vector<1000xf32> to vector<1000x1xf32>
    %max3A = arith.constant 1.000000e+00 : f32
    %max3A_3 = vector.broadcast %max3A : f32 to vector<1000x1xf32>
    %max3A_4 = arith.maximumf %broadcast_in_dim3A, %max3A_3 : vector<1000x1xf32>
    %div3A = arith.constant 1.000000e+00 : f32
    %div3A_5 = vector.broadcast %div3A : f32 to vector<1000x1xf32>
    %div3A_6 = arith.divf %div3A_5, %max3A_4 : vector<1000x1xf32>
    %get3A_7 = arith.constant 0 : index
    %get3A_8 = arith.constant 0 : index
    %get3A_9 = arith.constant 0 : index
    %get3A_10 = vector.load %arg1[%get3A_7, %get3A_8, %get3A_9] : memref<1x1000x128xf32, #tpu.memory_space<vmem>>, vector<1x1000x128xf32>
    %squeeze3A = vector.shape_cast %get3A_10 : vector<1x1000x128xf32> to vector<1000x128xf32>
    %get3A_11 = arith.constant 0 : index
    %get3A_12 = arith.constant 0 : index
    %get3A_13 = arith.constant 0 : index
    %get3A_14 = vector.load %arg2[%get3A_11, %get3A_12, %get3A_13] : memref<1x1000x128xf32, #tpu.memory_space<vmem>>, vector<1x1000x128xf32>
    %squeeze3A_15 = vector.shape_cast %get3A_14 : vector<1x1000x128xf32> to vector<1000x128xf32>
    %add3A = arith.addf %squeeze3A, %squeeze3A_15 : vector<1000x128xf32>
    %mul3A = vector.broadcast %div3A_6 : vector<1000x1xf32> to vector<1000x128xf32>
    %mul3A_16 = arith.mulf %add3A, %mul3A : vector<1000x128xf32>
    %get3A_17 = arith.constant 0 : index
    %get3A_18 = arith.constant 0 : index
    %get3A_19 = vector.load %arg5[%get3A_17, %get3A_18] : memref<128x128xf32, #tpu.memory_space<vmem>>, vector<128x128xf32>
    %dot_general3A = arith.constant dense<0.000000e+00> : vector<1000x128xf32>
    %dot_general3A_20 = tpu.matmul %mul3A_16, %get3A_19, %dot_general3A {dimension_numbers = #tpu.dot_dimension_numbers<[1], [1], [0], [0], [0, 0, 1, 0], [], []>, transpose_lhs_hint = false} : vector<1000x128xf32>, vector<128x128xf32>, vector<1000x128xf32> -> vector<1000x128xf32>
    %get3A_21 = arith.constant 0 : index
    %get3A_22 = arith.constant 0 : index
    %get3A_23 = vector.load %arg4[%get3A_21, %get3A_22] : memref<1000x128xf32, #tpu.memory_space<vmem>>, vector<1000x128xf32>
    %get3A_24 = arith.constant 0 : index
    %get3A_25 = arith.constant 0 : index
    %get3A_26 = vector.load %arg6[%get3A_24, %get3A_25] : memref<128x128xf32, #tpu.memory_space<vmem>>, vector<128x128xf32>
    %dot_general3A_27 = arith.constant dense<0.000000e+00> : vector<1000x128xf32>
    %dot_general3A_28 = tpu.matmul %get3A_23, %get3A_26, %dot_general3A_27 {dimension_numbers = #tpu.dot_dimension_numbers<[1], [1], [0], [0], [0, 0, 1, 0], [], []>, transpose_lhs_hint = false} : vector<1000x128xf32>, vector<128x128xf32>, vector<1000x128xf32> -> vector<1000x128xf32>
    %add3A_29 = arith.addf %dot_general3A_20, %dot_general3A_28 : vector<1000x128xf32>
    %get3A_30 = arith.constant 0 : index
    %get3A_31 = arith.constant 0 : index
    %get3A_32 = vector.load %arg7[%get3A_30, %get3A_31] : memref<1x128xf32, #tpu.memory_space<vmem>>, vector<1x128xf32>
    %add3A_33 = vector.broadcast %get3A_32 : vector<1x128xf32> to vector<1000x128xf32>
    %add3A_34 = arith.addf %add3A_29, %add3A_33 : vector<1000x128xf32>
    %max3A_35 = arith.constant 0.000000e+00 : f32
    %max3A_36 = vector.broadcast %max3A_35 : f32 to vector<1000x128xf32>
    %max3A_37 = arith.maximumf %add3A_34, %max3A_36 : vector<1000x128xf32>
    %swap3A = arith.constant 0 : index
    %swap3A_38 = arith.constant 0 : index
    %swap3A_39 = vector.load %arg8[%swap3A, %swap3A_38] : memref<1000x128xf32, #tpu.memory_space<vmem>>, vector<1000x128xf32>
    tpu.vector_store %arg8[%swap3A, %swap3A_38], %max3A_37 {strides = array<i32>} : memref<1000x128xf32, #tpu.memory_space<vmem>>, vector<1000x128xf32>,
    return
  }
  func.func @transform_0(%arg0: i32) -> (i32, i32, i32) {
    %c0_i32 = arith.constant 0 : i32
    %c0_i32_0 = arith.constant 0 : i32
    %c0_i32_1 = arith.constant 0 : i32
    return %c0_i32, %arg0, %c0_i32_0 : i32, i32, i32
  }
  func.func @transform_1(%arg0: i32) -> (i32, i32, i32) {
    %c1_i32 = arith.constant 1 : i32
    %c0_i32 = arith.constant 0 : i32
    %c0_i32_0 = arith.constant 0 : i32
    return %c1_i32, %arg0, %c0_i32 : i32, i32, i32
  }
  func.func @transform_2(%arg0: i32) -> (i32, i32) {
    %c0_i32 = arith.constant 0 : i32
    %c0_i32_0 = arith.constant 0 : i32
    return %arg0, %c0_i32 : i32, i32
  }
  func.func @transform_3(%arg0: i32) -> (i32, i32) {
    %c0_i32 = arith.constant 0 : i32
    %c0_i32_0 = arith.constant 0 : i32
    return %arg0, %c0_i32 : i32, i32
  }
  func.func @transform_4(%arg0: i32) -> (i32, i32) {
    %c0_i32 = arith.constant 0 : i32
    %c0_i32_0 = arith.constant 0 : i32
    %c0_i32_1 = arith.constant 0 : i32
    return %c0_i32, %c0_i32_0 : i32, i32
  }
  func.func @transform_5(%arg0: i32) -> (i32, i32) {
    %c0_i32 = arith.constant 0 : i32
    %c0_i32_0 = arith.constant 0 : i32
    %c0_i32_1 = arith.constant 0 : i32
    return %c0_i32, %c0_i32_0 : i32, i32
  }
  func.func @transform_6(%arg0: i32) -> (i32, i32) {
    %c0_i32 = arith.constant 0 : i32
    %c0_i32_0 = arith.constant 0 : i32
    %c0_i32_1 = arith.constant 0 : i32
    return %c0_i32, %c0_i32_0 : i32, i32
  }
  func.func @transform_7(%arg0: i32) -> (i32, i32) {
    %c0_i32 = arith.constant 0 : i32
    %c0_i32_0 = arith.constant 0 : i32
    return %arg0, %c0_i32 : i32, i32
  }
}

module attributes {stable_mosaic.version = 14 : i64} {
  func.func @body(%arg0: i32, %arg1: memref<1x1000x128xf32, #tpu.memory_space<vmem>>, %arg2: memref<1x1000x128xf32, #tpu.memory_space<vmem>>, %arg3: memref<1000x32xf32, #tpu.memory_space<vmem>>, %arg4: memref<1000x128xf32, #tpu.memory_space<vmem>>, %arg5: memref<128x128xf32, #tpu.memory_space<vmem>>, %arg6: memref<128x128xf32, #tpu.memory_space<vmem>>, %arg7: memref<1x128xf32, #tpu.memory_space<vmem>>, %arg8: memref<40x128xf32, #tpu.memory_space<vmem>>, %arg9: memref<1x40xf32, #tpu.memory_space<vmem>>, %arg10: memref<1000x40xf32, #tpu.memory_space<vmem>>) attributes {dimension_semantics = [#tpu.dimension_semantics<arbitrary>], iteration_bounds = array<i64: 10>, scalar_prefetch = 0 : i64, scratch_operands = 0 : i64, tpu.core_type = #tpu.core_type<tc>, window_params = [{transform_indices = @transform_0, window_bounds = array<i64: 1, 1000, 128>}, {transform_indices = @transform_1, window_bounds = array<i64: 1, 1000, 128>}, {transform_indices = @transform_2, window_bounds = array<i64: 1000, 32>}, {transform_indices = @transform_3, window_bounds = array<i64: 1000, 128>}, {pipeline_mode = #tpu.pipeline_mode<synchronous>, transform_indices = @transform_4, window_bounds = array<i64: 128, 128>}, {pipeline_mode = #tpu.pipeline_mode<synchronous>, transform_indices = @transform_5, window_bounds = array<i64: 128, 128>}, {pipeline_mode = #tpu.pipeline_mode<synchronous>, transform_indices = @transform_6, window_bounds = array<i64: 1, 128>}, {pipeline_mode = #tpu.pipeline_mode<synchronous>, transform_indices = @transform_7, window_bounds = array<i64: 40, 128>}, {pipeline_mode = #tpu.pipeline_mode<synchronous>, transform_indices = @transform_8, window_bounds = array<i64: 1, 40>}, {transform_indices = @transform_9, window_bounds = array<i64: 1000, 40>}]} {
    %get3A = arith.constant 0 : index
    %get3A_0 = arith.constant 0 : index
    %get3A_1 = vector.load %arg3[%get3A, %get3A_0] : memref<1000x32xf32, #tpu.memory_space<vmem>>, vector<1000x32xf32>
    %reduce_sum3A = arith.constant dense<0.000000e+00> : vector<1000xf32>
    %reduce_sum3A_2 = vector.multi_reduction <add>, %get3A_1, %reduce_sum3A [1] : vector<1000x32xf32> to vector<1000xf32>
    %broadcast_in_dim3A = vector.shape_cast %reduce_sum3A_2 : vector<1000xf32> to vector<1000x1xf32>
    %max3A = arith.constant 1.000000e+00 : f32
    %max3A_3 = vector.broadcast %max3A : f32 to vector<1000x1xf32>
    %max3A_4 = arith.maximumf %broadcast_in_dim3A, %max3A_3 : vector<1000x1xf32>
    %div3A = arith.constant 1.000000e+00 : f32
    %div3A_5 = vector.broadcast %div3A : f32 to vector<1000x1xf32>
    %div3A_6 = arith.divf %div3A_5, %max3A_4 : vector<1000x1xf32>
    %get3A_7 = arith.constant 0 : index
    %get3A_8 = arith.constant 0 : index
    %get3A_9 = arith.constant 0 : index
    %get3A_10 = vector.load %arg1[%get3A_7, %get3A_8, %get3A_9] : memref<1x1000x128xf32, #tpu.memory_space<vmem>>, vector<1x1000x128xf32>
    %squeeze3A = vector.shape_cast %get3A_10 : vector<1x1000x128xf32> to vector<1000x128xf32>
    %get3A_11 = arith.constant 0 : index
    %get3A_12 = arith.constant 0 : index
    %get3A_13 = arith.constant 0 : index
    %get3A_14 = vector.load %arg2[%get3A_11, %get3A_12, %get3A_13] : memref<1x1000x128xf32, #tpu.memory_space<vmem>>, vector<1x1000x128xf32>
    %squeeze3A_15 = vector.shape_cast %get3A_14 : vector<1x1000x128xf32> to vector<1000x128xf32>
    %add3A = arith.addf %squeeze3A, %squeeze3A_15 : vector<1000x128xf32>
    %mul3A = vector.broadcast %div3A_6 : vector<1000x1xf32> to vector<1000x128xf32>
    %mul3A_16 = arith.mulf %add3A, %mul3A : vector<1000x128xf32>
    %get3A_17 = arith.constant 0 : index
    %get3A_18 = arith.constant 0 : index
    %get3A_19 = vector.load %arg5[%get3A_17, %get3A_18] : memref<128x128xf32, #tpu.memory_space<vmem>>, vector<128x128xf32>
    %dot_general3A = arith.constant dense<0.000000e+00> : vector<1000x128xf32>
    %dot_general3A_20 = tpu.matmul %mul3A_16, %get3A_19, %dot_general3A {dimension_numbers = #tpu.dot_dimension_numbers<[1], [1], [0], [0], [0, 0, 1, 0], [], []>, transpose_lhs_hint = false} : vector<1000x128xf32>, vector<128x128xf32>, vector<1000x128xf32> -> vector<1000x128xf32>
    %get3A_21 = arith.constant 0 : index
    %get3A_22 = arith.constant 0 : index
    %get3A_23 = vector.load %arg4[%get3A_21, %get3A_22] : memref<1000x128xf32, #tpu.memory_space<vmem>>, vector<1000x128xf32>
    %get3A_24 = arith.constant 0 : index
    %get3A_25 = arith.constant 0 : index
    %get3A_26 = vector.load %arg6[%get3A_24, %get3A_25] : memref<128x128xf32, #tpu.memory_space<vmem>>, vector<128x128xf32>
    %dot_general3A_27 = arith.constant dense<0.000000e+00> : vector<1000x128xf32>
    %dot_general3A_28 = tpu.matmul %get3A_23, %get3A_26, %dot_general3A_27 {dimension_numbers = #tpu.dot_dimension_numbers<[1], [1], [0], [0], [0, 0, 1, 0], [], []>, transpose_lhs_hint = false} : vector<1000x128xf32>, vector<128x128xf32>, vector<1000x128xf32> -> vector<1000x128xf32>
    %add3A_29 = arith.addf %dot_general3A_20, %dot_general3A_28 : vector<1000x128xf32>
    %get3A_30 = arith.constant 0 : index
    %get3A_31 = arith.constant 0 : index
    %get3A_32 = vector.load %arg7[%get3A_30, %get3A_31] : memref<1x128xf32, #tpu.memory_space<vmem>>, vector<1x128xf32>
    %add3A_33 = vector.broadcast %get3A_32 : vector<1x128xf32> to vector<1000x128xf32>
    %add3A_34 = arith.addf %add3A_29, %add3A_33 : vector<1000x128xf32>
    %max3A_35 = arith.constant 0.000000e+00 : f32
    %max3A_36 = vector.broadcast %max3A_35 : f32 to vector<1000x128xf32>
    %max3A_37 = arith.maximumf %add3A_34, %max3A_36 : vector<1000x128xf32>
    %get3A_38 = arith.constant 0 : index
    %get3A_39 = arith.constant 0 : index
    %get3A_40 = vector.load %arg8[%get3A_38, %get3A_39] : memref<40x128xf32, #tpu.memory_space<vmem>>, vector<40x128xf32>
    %dot_general3A_41 = arith.constant dense<0.000000e+00> : vector<1000x40xf32>
    %dot_general3A_42 = tpu.matmul %max3A_37, %get3A_40, %dot_general3A_41 {dimension_numbers = #tpu.dot_dimension_numbers<[1], [1], [0], [0], [0, 0, 1, 0], [], []>, transpose_lhs_hint = false} : vector<1000x128xf32>, vector<40x128xf32>, vector<1000x40xf32> -> vector<1000x40xf32>
    %get3A_43 = arith.constant 0 : index
    %get3A_44 = arith.constant 0 : index
    %get3A_45 = vector.load %arg9[%get3A_43, %get3A_44] : memref<1x40xf32, #tpu.memory_space<vmem>>, vector<1x40xf32>
    %add3A_46 = vector.broadcast %get3A_45 : vector<1x40xf32> to vector<1000x40xf32>
    %add3A_47 = arith.addf %dot_general3A_42, %add3A_46 : vector<1000x40xf32>
    %swap3A = arith.constant 0 : index
    %swap3A_48 = arith.constant 0 : index
    %swap3A_49 = vector.load %arg10[%swap3A, %swap3A_48] : memref<1000x40xf32, #tpu.memory_space<vmem>>, vector<1000x40xf32>
    tpu.vector_store %arg10[%swap3A, %swap3A_48], %add3A_47 {strides = array<i32>} : memref<1000x40xf32, #tpu.memory_space<vmem>>, vector<1000x40xf32>,
    return
  }
  func.func @transform_0(%arg0: i32) -> (i32, i32, i32) {
    %c0_i32 = arith.constant 0 : i32
    %c0_i32_0 = arith.constant 0 : i32
    %c0_i32_1 = arith.constant 0 : i32
    return %c0_i32, %arg0, %c0_i32_0 : i32, i32, i32
  }
  func.func @transform_1(%arg0: i32) -> (i32, i32, i32) {
    %c1_i32 = arith.constant 1 : i32
    %c0_i32 = arith.constant 0 : i32
    %c0_i32_0 = arith.constant 0 : i32
    return %c1_i32, %arg0, %c0_i32 : i32, i32, i32
  }
  func.func @transform_2(%arg0: i32) -> (i32, i32) {
    %c0_i32 = arith.constant 0 : i32
    %c0_i32_0 = arith.constant 0 : i32
    return %arg0, %c0_i32 : i32, i32
  }
  func.func @transform_3(%arg0: i32) -> (i32, i32) {
    %c0_i32 = arith.constant 0 : i32
    %c0_i32_0 = arith.constant 0 : i32
    return %arg0, %c0_i32 : i32, i32
  }
  func.func @transform_4(%arg0: i32) -> (i32, i32) {
    %c0_i32 = arith.constant 0 : i32
    %c0_i32_0 = arith.constant 0 : i32
    %c0_i32_1 = arith.constant 0 : i32
    return %c0_i32, %c0_i32_0 : i32, i32
  }
  func.func @transform_5(%arg0: i32) -> (i32, i32) {
    %c0_i32 = arith.constant 0 : i32
    %c0_i32_0 = arith.constant 0 : i32
    %c0_i32_1 = arith.constant 0 : i32
    return %c0_i32, %c0_i32_0 : i32, i32
  }
  func.func @transform_6(%arg0: i32) -> (i32, i32) {
    %c0_i32 = arith.constant 0 : i32
    %c0_i32_0 = arith.constant 0 : i32
    %c0_i32_1 = arith.constant 0 : i32
    return %c0_i32, %c0_i32_0 : i32, i32
  }
  func.func @transform_7(%arg0: i32) -> (i32, i32) {
    %c0_i32 = arith.constant 0 : i32
    %c0_i32_0 = arith.constant 0 : i32
    %c0_i32_1 = arith.constant 0 : i32
    return %c0_i32, %c0_i32_0 : i32, i32
  }
  func.func @transform_8(%arg0: i32) -> (i32, i32) {
    %c0_i32 = arith.constant 0 : i32
    %c0_i32_0 = arith.constant 0 : i32
    %c0_i32_1 = arith.constant 0 : i32
    return %c0_i32, %c0_i32_0 : i32, i32
  }
  func.func @transform_9(%arg0: i32) -> (i32, i32) {
    %c0_i32 = arith.constant 0 : i32
    %c0_i32_0 = arith.constant 0 : i32
    return %arg0, %c0_i32 : i32, i32
  }
}

</mosaic_0001>

<sc_bundles>
// kernel: kernel.10.cloned.1.call-start
scs
__scs_entry_jumppad:
0x0: {  	(pc) =	sbr.rel $0x88, $3  }
0x1: {  	(tag) =	ssettag $0x0;
	lr =	simm.s32 $0x1  }
0x2: {  	[smem:$0x3F98] =	sst lr;
	_ =	strace $0xD0000000  }
0x3: {  	_ = 	snop  }
0x4: {  	_ = 	snop  }
0x5: {  	_ = 	snop  }
0x6: {  	_ = 	snop  }
0x7: {  	_ = 	snop  }
__scs_overlays_trampoline_lowered:
0x8: {  	[smem:$0x3FA7] =	sst s0  }
0x9: {  	[smem:$0x3FA8] =	sst s1  }
0xa: {  	[smem:$0x3FA9] =	sst s2  }
0xb: {  	[smem:$0x3FAA] =	sst s3  }
0xc: {  	[smem:$0x3FAB] =	sst s4  }
0xd: {  	[smem:$0x3FAC] =	sst s5  }
0xe: {  	[smem:$0x3FAD] =	sst s6  }
0xf: {  	[smem:$0x3FAE] =	sst s7  }
0x10: {  	[smem:$0x3FAF] =	sst s8  }
0x11: {  	[smem:$0x3FB0] =	sst s9;
	s0 =	simm.s32 @!p0 $0x0  }
0x12: {  	s1 =	sld [smem:$0x3F96];
	s0 =	simm.s32 @p0 $0x1  }
0x13: {  	[smem:$0x3FB1] =	sst s0;
	s0 =	simm.s32 @!p1 $0x0  }
0x14: {  	s2 =	sld [smem:$0x3F95];
	s0 =	simm.s32 @p1 $0x1  }
0x15: {  	[smem:$0x3FB2] =	sst s0;
	s0 =	simm.s32 @!p2 $0x0  }
0x16: {  	s3 =	sld [smem:$0x3FDB];
	s0 =	simm.s32 @p2 $0x1  }
0x17: {  	s4 =	simm.s32 $0x1BF5;
	[smem:$0x3FB4] =	sst s0  }
0x18: {  	s0 =	sld [smem:$0x3F97];
	_ =	swait.ge [sflag:s4], $0x0  }
0x19: {  	s7 =	sld [smem:$0x3F98]  }
0x1a: {  	s8 =	sadd.s32 $0xFFFFE003, lr  }
0x1b: {  	s9 =	sadd.s32 $0xFFFFFEF7, lr;
	s5 =	simm.s32 $0xFFFFFFFF;
	p2 =	slt.u32 s8, $0xFFFFF086  }
0x1c: {  	p1 =	slt.u32 s9, $0xF7A;
	s5 =	simm.s32 @!p2 $0x0  }
0x1d: {  	s5 =	simm.s32 @p1 $0x1;
	p0 =	seq.s32 s7, s2  }
0x1e: {  	s7 =	smul.u32 @!p0 $0xF7A, s2;
	p2 =	seq.s32 @!p0 s5, $0x0  }
0x1f: {  	s9 =	smul.u32 $0xF7A, s1;
	s8 =	simm.s32 @!p0 $0x1BF5;
	p2 =	por !p2, p0  }
0x20: {  	[sflag:s8] =	ssyncset.s32 @!p0 $0xFFFFF086;
	s6 =	sadd.s32 @!p0 s3, s7;
	s7 =	simm.s32 @!p0 $0x108  }
0x21: {  	s3 =	sadd.s32 s3, s9;
	s6 =	sadd.s32 @!p0 $0x88, s6;
	s7 =	simm.s32 @p2 $0x1082  }
0x22: {  	[simem:s7], [sflag:s8] =	dma.local @!p0 [hbm:s6], $0xF7A  }
0x23: {  	s9 =	sor.u32 $0xD0000000, s2;
	s6 =	simm.s32 $0x108;
	_ =	swait.ge @!p0 [sflag:s8], $0x0  }
0x24: {  	s3 =	sadd.s32 $0x88, s3;
	s6 =	simm.s32 @!p1 $0x1082;
	[sflag:s4] =	ssyncset.s32 $0xFFFFF086  }
0x25: {  	[simem:s6], [sflag:s4] =	dma.local [hbm:s3], $0xF7A  }
0x26: {  	[smem:$0x3F98] =	sst s1;
	(tag) =	ssettag s2;
	_ =	strace s9  }
0x27: {  	s1 =	sld [smem:$0x3FA8]  }
0x28: {  	s2 =	sld [smem:$0x3FA9]  }
0x29: {  	s4 =	sld [smem:$0x3FAB]  }
0x2a: {  	p0 =	seq.s32 s5, $0x0;
	s5 =	sld [smem:$0x3FAC]  }
0x2b: {  	s6 =	sld [smem:$0x3FAD]  }
0x2c: {  	s7 =	sld [smem:$0x3FAE]  }
0x2d: {  	s3 =	simm.s32 $0x108;
	s8 =	sld [smem:$0x3FAF]  }
0x2e: {  	s3 =	simm.s32 @!p0 $0x1082;
	s9 =	sld [smem:$0x3FB0]  }
0x2f: {  	lr =	sadd.s32 s0, s3;
	s0 =	sld [smem:$0x3FA7]  }
0x30: {  	s3 =	sld [smem:$0x3FAA]  }
0x31: {  	[smem:$0x3FB3] =	sst s10  }
0x32: {  	s10 =	sld [smem:$0x3FB1];
	_ =	sdelay $0x3  }
0x33: {  	p0 =	seq.s32 s10, $0x1;
	s10 =	sld [smem:$0x3FB3];
	_ =	sdelay $0x3  }
0x34: {  	[smem:$0x3FB3] =	sst s10  }
0x35: {  	s10 =	sld [smem:$0x3FB2];
	_ =	sdelay $0x3  }
0x36: {  	p1 =	seq.s32 s10, $0x1;
	s10 =	sld [smem:$0x3FB3];
	_ =	sdelay $0x3  }
0x37: {  	[smem:$0x3FB3] =	sst s10  }
0x38: {  	s10 =	sld [smem:$0x3FB4]  }
0x39: {  	_ = 	snop;
	(pc) =	sbr.ind lr, $3  }
0x3a: {  	_ = 	snop  }
0x3b: {  	_ = 	snop  }
0x3c: {  	p2 =	seq.s32 s10, $0x1;
	s10 =	sld [smem:$0x3FB3]  }
0x3d: {  	_ =	shalt  }
0x3e: {  	_ =	shalt  }
0x3f: {  	_ =	shalt  }
0x40: {  	_ =	shalt  }
0x41: {  	_ =	shalt  }
0x42: {  	_ =	shalt  }
0x43: {  	_ =	shalt  }
0x44: {  	_ =	shalt  }
0x45: {  	_ =	shalt  }
0x46: {  	_ =	shalt  }
0x47: {  	_ =	shalt  }
0x48: {  	_ =	shalt  }
0x49: {  	_ =	shalt  }
0x4a: {  	_ =	shalt  }
0x4b: {  	_ =	shalt  }
0x4c: {  	_ =	shalt  }
0x4d: {  	_ =	shalt  }
0x4e: {  	_ =	shalt  }
0x4f: {  	_ =	shalt  }
0x50: {  	_ =	shalt  }
0x51: {  	_ =	shalt  }
0x52: {  	_ =	shalt  }
0x53: {  	_ =	shalt  }
0x54: {  	_ =	shalt  }
0x55: {  	_ =	shalt  }
0x56: {  	_ =	shalt  }
0x57: {  	_ =	shalt  }
0x58: {  	_ =	shalt  }
0x59: {  	_ =	shalt  }
0x5a: {  	_ =	shalt  }
0x5b: {  	_ =	shalt  }
0x5c: {  	_ =	shalt  }
0x5d: {  	_ =	shalt  }
0x5e: {  	_ =	shalt  }
0x5f: {  	_ =	shalt  }
0x60: {  	_ =	shalt  }
0x61: {  	_ =	shalt  }
0x62: {  	_ =	shalt  }
0x63: {  	_ =	shalt  }
0x64: {  	_ =	shalt  }
0x65: {  	_ =	shalt  }
0x66: {  	_ =	shalt  }
0x67: {  	_ =	shalt  }
0x68: {  	_ =	shalt  }
0x69: {  	_ =	shalt  }
0x6a: {  	_ =	shalt  }
0x6b: {  	_ =	shalt  }
0x6c: {  	_ =	shalt  }
0x6d: {  	_ =	shalt  }
0x6e: {  	_ =	shalt  }
0x6f: {  	_ =	shalt  }
0x70: {  	_ =	shalt  }
0x71: {  	_ =	shalt  }
0x72: {  	_ =	shalt  }
0x73: {  	_ =	shalt  }
0x74: {  	_ =	shalt  }
0x75: {  	_ =	shalt  }
0x76: {  	_ =	shalt  }
0x77: {  	_ =	shalt  }
0x78: {  	_ =	shalt  }
0x79: {  	_ =	shalt  }
0x7a: {  	_ =	shalt  }
0x7b: {  	_ =	shalt  }
0x7c: {  	_ =	shalt  }
0x7d: {  	_ =	shalt  }
0x7e: {  	_ =	shalt  }
0x7f: {  	_ =	shalt  }
0x80: {  	_ =	shalt  }
0x81: {  	_ =	shalt  }
0x82: {  	_ =	shalt  }
0x83: {  	_ =	shalt  }
0x84: {  	_ =	shalt  }
0x85: {  	_ =	shalt  }
0x86: {  	_ =	shalt  }
0x87: {  	_ =	shalt  }
.Lfunc_end0:
.L_simem_size_0:
called_computation_lowered:
.L_overlay_start_0:
0x88: {  	s2 =	sld [smem:$0x3FD9]  }
0x89: {  	s3 =	sld [smem:$0x3FFE];
	_ =	sdelay $0x1  }
0x8a: {  	s1 =	srdreg.scid  }
0x8b: {  	s0 =	sand.u32 $0x1, s1  }
0x8c: {  	s16 =	sshll.u32 s0, $0xA;
	s2 =	sadd.s32 s3, s2  }
0x8d: {  	s2 =	sadd.s32 s2, s16  }
0x8e: {  	[smem:$0x3FBF] =	sst s2  }
0x8f: {  	_ = 	snop  }
0x90: {  	(tm) =	ssettm $0x1  }
0x91: {  	s17 =	sld [smem:$0x3FFB];
	_ =	sdelay $0x3  }
0x92: {  	_ =	strace s17  }
0x93: {  	s2 =	sld [smem:$0x3FFC];
	_ =	sdelay $0x3  }
0x94: {  	_ =	strace s2  }
0x95: {  	s2 =	sld [smem:$0x3FFD];
	_ =	sdelay $0x3  }
0x96: {  	_ =	strace s2  }
0x97: {  	_ =	strace $0x8FFFFFFF  }
0x98: {  	s18 =	sld [smem:$0x3FDB];
	_ =	sdelay $0x1  }
0x99: {  	s19 =	simm.s32 $_scs_section_size  }
0x9a: {  	s4 =	simm.s32 $_size__tile_overlayer_lowered;
	s5 =	simm.s32 $_tile_overlayer_lowered  }
0x9b: {  	s22 =	simm.s32 $0x1BFF;
	s21 =	sshll.u32 s5, $0x1;
	s2 =	sadd.s32 s19, s18  }
0x9c: {  	s6 =	simm.s32 $0x0;
	s20 =	sshll.u32 s4, $0x1;
	s4 =	sadd.s32 s21, s2  }
0x9d: {  	[timem:s6], [sflag:s22] =	dma.local [hbm:s4], s20  }
0x9e: {  	_ =	swait.ge [sflag:s22], s20  }
0x9f: {  	s3 =	ssub.s32 $0x0, s20;
	[sflag:s22] =	ssyncset.done $0x0  }
0xa0: {  	[sflag:s22] =	ssyncadd.s32 s3;
	_ =	sdelay $0x1  }
0xa1: {  	s23 =	simm.s32 $0x1B8B  }
0xa2: {  	_ =	swait.ge [sflag:s23], $0x1  }
0xa3: {  	[sflag:s23] =	ssyncset.done $0x0  }
0xa4: {  	s25 =	simm.s32 $0x1B8E;
	s24 =	sld [smem:$0x3FFE];
	[sflag:s23] =	ssyncadd.s32 $0xFFFFFFFF  }
0xa5: {  	s26 =	simm.s32 $execute0_lowered;
	[smem:$0x3FD2] =	sst s25  }
0xa6: {  	s4 =	sshll.u32 s26, $0x1;
	_ =	strace $0x80000046;
	[dreg:$0x1] =	wrdreg $0xFFFFFFFF  }
0xa7: {  	s28 =	simm.s32 $_size_execute0_lowered;
	s2 =	sadd.s32 s2, s4;
	[dreg:$0x0] =	wrdreg $0x0  }
0xa8: {  	s4 =	sshll.u32 s28, $0x1;
	[dreg:$0x2] =	wrdreg s2  }
0xa9: {  	[dreg:$0x3] =	wrdreg s4  }
0xaa: {  	[dreg:$0x4] =	wrdreg $0xC0  }
0xab: {  	_ =	task [dreg:s6], $0x5FFFF  }
0xac: {  	[dreg:$0x1] =	wrdreg $0xFFFFFFFF  }
0xad: {  	[dreg:$0x0] =	wrdreg $0x60  }
0xae: {  	[dreg:$0x2] =	wrdreg s24  }
0xaf: {  	[dreg:$0x3] =	wrdreg $0x9  }
0xb0: {  	_ =	task.clear_ibuf [dreg:s6], $0x4FFFF;
	_ =	strace $0x90000046  }
0xb1: {  	s29 =	simm.s32 $0x9;
	_ =	strace $0x80000048  }
0xb2: {  	_ =	swait.ge [sflag:s29], $0x1  }
0xb3: {  	[sflag:s29] =	ssyncadd.s32 $0xFFFFFFFF  }
0xb4: {  	_ =	strace $0x90000048  }
0xb5: {  	_ =	sfence  }
0xb6: {  	s30 =	sld [smem:$0x0];
	_ =	sdelay $0x2  }
0xb7: {  	s31 =	sshll.u32 s1, $0xD;
	s1 =	sshrl.u32 s1, $0x2  }
0xb8: {  	s3 =	sand.u32 $0x4000, s31;
	s1 =	sadd.s32 s1, s30  }
0xb9: {  	s0 =	sor.u32 s3, s0;
	s1 =	sshll.u32 s1, $0x11  }
0xba: {  	s0 =	sor.u32 s1, s0  }
0xbb: {  	s0 =	sadd.s32 $0x8F2B, s0  }
0xbc: {  	[sflag:s0] =	ssyncadd.remote.s32 $0x1  }
0xbd: {  	_ =	sfence.sel $0xFFFF  }
0xbe: {  	[dreg:$0x0] =	wrdreg $0xFFFFFFFF;
	(pc) =	sbr.abs _section_cstart, $3  }
0xbf: {  	[dreg:$0x1] =	wrdreg $0xFFFFFFFF  }
0xc0: {  	_ =	task.clear_ibuf [dreg:s6], $0x2FFFF;
	_ =	strace $0x9FFFFFFF  }
0xc1: {  	(tm) =	ssettm $0x7FFFFFFF  }
tec
execute0_lowered:
.L_overlay_start_1:
0x0: {  	(tag) =	ssettag $0x1  }
0x1: {  	s0 =	srdreg.scid  }
0x2: {  	s4 =	rddreg [dreg:$0x0];
	s1 =	stileid.u32  }
0x3: {  	s2 =	simm.s32 $0x0;
	s10 =	simm.s32 $0x0;
	s3 =	sand.u32 $0x1, s0  }
0x4: {  	s0 =	rddreg [dreg:$0x1];
	s7 =	smul.u32 $0x2710, s1;
	s5 =	sshll.u32 s3, $0x4  }
0x5: {  	[smem:$0x7FF] =	sst s2;
	s6 =	smul.u32 $0x27100, s3;
	s5 =	sor.u32 s1, s5  }
0x6: {  	s8 =	sadd.s32 $0x3400, s4;
	s3 =	ssub.s32 $0x2, s3;
	s5 =	smul.u32 $0x2710, s5  }
0x7: {  	_ =	strace $0x80000047;
	s9 =	sshrl.u32 s3, $0x1;
	s31 =	sadd.s32 s7, s6  }
0x8: {  	s9 =	ssub.s32 s3, s9;
	s6 =	sshrl.u32 s31, $0x3;
	s5 =	sshrl.u32 s5, $0x3  }
0x9: {  	s7 =	simm.s32 $0x1;
	s6 =	sadd.s32 s6, s8;
	s4 =	sadd.s32 s5, s4  }
0xa: {  	s30 =	sadd.s32 s8, s5;
	s5 =	smax.u32 s9, $0x1;
	s8 =	simm.s32 $0x80  }
0xb: {  	v0 =	vimm.f32 $0.0e+00;
	v1 =	vimm.f32 $1.000000000e+00;
	s9 =	simm.s32 $0x2800;
	s3 =	sadd.s32 $0x4E0, s30;
	s4 =	sadd.s32 $0xD200, s4  }
.LBB2_1:
0xc: {  	s11 =	simm.s32 $0x0  }
.LBB2_2:
0xd: {  	p0 =	sne.s32 s11, $0x9C00  }
.Ltmp0:
0xe: {  	_ = 	snop;
	(pc) =	sbr.rel @p0 .LBB2_2-.Ltmp0, $3  }
0xf: {  	_ =	sdelay $0x1  }
0x10: {  	s12 =	sshra.s32 s11, $0x2  }
0x11: {  	s11 =	sadd.s32 $0x40, s11;
	[tilespmem:s12+$0x80] =	vst v0  }
0x12: {  	s11 =	simm.s32 $0x0  }
.LBB2_4:
0x13: {  	s12 =	sadd.s32 s11, s6  }
0x14: {  	[tilespmem:s2], [sflag:$0x1] =	stream.linear.gather [hbm4b:s12+s2], $0x80, $0x38;
	[tilespmem:$0x2880] =	vst v63  }
0x15: {  	_ =	swait.ge [sflag:s7], $0x80  }
0x16: {  	[sflag:s7] =	ssyncset.done $0x0  }
0x17: {  	[sflag:s7] =	ssyncadd.s32 $0xFFFFFF80  }
0x18: {  	v2 =	vld [tilespmem:$0x0];
	_ =	sdelay $0x7  }
0x19: {  	[tilespmem:v2+s8+$0x0] =	vst.idx.add.f32.msk $0xffff, v1  }
0x1a: {  	v2 =	vld [tilespmem:$0x10];
	_ =	sdelay $0x7  }
0x1b: {  	[tilespmem:v2+s8+$0x0] =	vst.idx.add.f32.msk $0xffff, v1  }
0x1c: {  	v2 =	vld [tilespmem:$0x20];
	_ =	sdelay $0x7  }
0x1d: {  	[tilespmem:v2+s8+$0x0] =	vst.idx.add.f32.msk $0xffff, v1  }
0x1e: {  	v2 =	vld [tilespmem:$0x30];
	_ =	sdelay $0x7  }
0x1f: {  	[tilespmem:v2+s8+$0x0] =	vst.idx.add.f32.msk $0xffff, v1  }
0x20: {  	v2 =	vld [tilespmem:$0x40];
	_ =	sdelay $0x7  }
0x21: {  	[tilespmem:v2+s8+$0x0] =	vst.idx.add.f32.msk $0xffff, v1  }
0x22: {  	v2 =	vld [tilespmem:$0x50];
	_ =	sdelay $0x7  }
0x23: {  	[tilespmem:v2+s8+$0x0] =	vst.idx.add.f32.msk $0xffff, v1  }
0x24: {  	v2 =	vld [tilespmem:$0x60];
	_ =	sdelay $0x7  }
0x25: {  	[tilespmem:v2+s8+$0x0] =	vst.idx.add.f32.msk $0xffff, v1  }
0x26: {  	v2 =	vld [tilespmem:$0x70];
	_ =	sdelay $0x2  }
0x27: {  	p0 =	sne.s32 s11, $0x4D0  }
.Ltmp1:
0x28: {  	_ = 	snop;
	(pc) =	sbr.rel @p0 .LBB2_4-.Ltmp1, $2  }
0x29: {  	_ =	sdelay $0x2  }
0x2a: {  	s11 =	sadd.s32 $0x10, s11;
	[tilespmem:v2+s8+$0x0] =	vst.idx.add.f32.msk $0xffff, v1  }
0x2b: {  	[tilespmem:s9], [sflag:$0x1] =	stream.linear.gather [hbm4b:s3+s2], $0x10, $0x38;
	[tilespmem:$0x2880] =	vst v63  }
0x2c: {  	_ =	swait.ge [sflag:s7], $0x10  }
0x2d: {  	[sflag:s7] =	ssyncset.done $0x0  }
0x2e: {  	[sflag:s7] =	ssyncadd.s32 $0xFFFFFFF0  }
0x2f: {  	v2 =	vld [tilespmem:$0x2800];
	_ =	sdelay $0x5  }
0x30: {  	s10 =	sadd.s32 $0x1, s10  }
0x31: {  	p0 =	sne.s32 s10, s5  }
.Ltmp2:
0x32: {  	[tilespmem:v2+s8+$0x0] =	vst.idx.add.f32.msk $0xffff, v1;
	(pc) =	sbr.rel @p0 .LBB2_1-.Ltmp2, $4  }
0x33: {  	[hbm4b:s4+s2] =	stream.linear.scatter [tilespmem:s8], [sflag:$0x1], $0x2710, $0x38;
	[tilespmem:$0x2880] =	vst v63  }
0x34: {  	_ =	swait.ge [sflag:s7], $0x2710  }
0x35: {  	[sflag:s7] =	ssyncset.done $0x0  }
0x36: {  	[sflag:s7] =	ssyncadd.s32 $0xFFFFD8F0  }
0x37: {  	_ =	sfence.sel $0x180000  }
0x38: {  	[bflag:$0x0] =	sbarrier.arrive $0xFFFF  }
0x39: {  	p0 =	sne.s32 s1, $0x0;
	_ =	strace $0x90000047  }
0x3a: {  	s0 =	sadd.s32 @!p0 $0x100000, s0;
	[bflag:$0x2] =	sbarrier.arrive $0xFFFF  }
0x3b: {  	[sflag:s0] =	ssyncadd.tile.s32 @!p0 $0x1;
	_ =	shalt  }
.Lfunc_end2:
_tile_overlayer_lowered:
.L_overlay_start_2:
0x3c: {  	(tag) =	ssettag $0x2  }
0x3d: {  	s0 =	rddreg [dreg:$0x0];
	s2 =	stileid.u32  }
0x3e: {  	s1 =	rddreg [dreg:$0x1];
	p0 =	sne.s32 s2, $0x0  }
0x3f: {  	s3 =	rddreg [dreg:$0x2];
	[bflag:$0x3] =	sbarrier.arrive $0xFFFF;
	s2 =	simm.s32 @!p0 $0x1C01  }
0x40: {  	[timem:s3], [sflag:s2] =	dma.local @!p0 [hbm:s0], s1  }
0x41: {  	s0 =	simm.s32 @!p0 $0x1  }
0x42: {  	_ =	swait.ge @!p0 [sflag:s0], s1  }
0x43: {  	s1 =	ssub.s32 @!p0 $0x0, s1;
	[sflag:s0] =	ssyncset.done @!p0 $0x0  }
0x44: {  	[sflag:s0] =	ssyncadd.s32 @!p0 s1  }
0x45: {  	[bflag:$0x3] =	sbarrier.arrive $0xFFFF  }
0x46: {  	_ =	shalt  }

// kernel: kernel.13.cloned.1.call-start
scs
__scs_entry_jumppad:
0x0: {  	(pc) =	sbr.rel $0x88, $3  }
0x1: {  	(tag) =	ssettag $0x0;
	lr =	simm.s32 $0x1  }
0x2: {  	[smem:$0x3F98] =	sst lr;
	_ =	strace $0xD0000000  }
0x3: {  	_ = 	snop  }
0x4: {  	_ = 	snop  }
0x5: {  	_ = 	snop  }
0x6: {  	_ = 	snop  }
0x7: {  	_ = 	snop  }
__scs_overlays_trampoline_lowered:
0x8: {  	[smem:$0x3FA7] =	sst s0  }
0x9: {  	[smem:$0x3FA8] =	sst s1  }
0xa: {  	[smem:$0x3FA9] =	sst s2  }
0xb: {  	[smem:$0x3FAA] =	sst s3  }
0xc: {  	[smem:$0x3FAB] =	sst s4  }
0xd: {  	[smem:$0x3FAC] =	sst s5  }
0xe: {  	[smem:$0x3FAD] =	sst s6  }
0xf: {  	[smem:$0x3FAE] =	sst s7  }
0x10: {  	[smem:$0x3FAF] =	sst s8  }
0x11: {  	[smem:$0x3FB0] =	sst s9;
	s0 =	simm.s32 @!p0 $0x0  }
0x12: {  	s1 =	sld [smem:$0x3F96];
	s0 =	simm.s32 @p0 $0x1  }
0x13: {  	[smem:$0x3FB1] =	sst s0;
	s0 =	simm.s32 @!p1 $0x0  }
0x14: {  	s2 =	sld [smem:$0x3F95];
	s0 =	simm.s32 @p1 $0x1  }
0x15: {  	[smem:$0x3FB2] =	sst s0;
	s0 =	simm.s32 @!p2 $0x0  }
0x16: {  	s3 =	sld [smem:$0x3FDB];
	s0 =	simm.s32 @p2 $0x1  }
0x17: {  	s4 =	simm.s32 $0x1BF5;
	[smem:$0x3FB4] =	sst s0  }
0x18: {  	s0 =	sld [smem:$0x3F97];
	_ =	swait.ge [sflag:s4], $0x0  }
0x19: {  	s7 =	sld [smem:$0x3F98]  }
0x1a: {  	s8 =	sadd.s32 $0xFFFFE003, lr  }
0x1b: {  	s9 =	sadd.s32 $0xFFFFFEF7, lr;
	s5 =	simm.s32 $0xFFFFFFFF;
	p2 =	slt.u32 s8, $0xFFFFF086  }
0x1c: {  	p1 =	slt.u32 s9, $0xF7A;
	s5 =	simm.s32 @!p2 $0x0  }
0x1d: {  	s5 =	simm.s32 @p1 $0x1;
	p0 =	seq.s32 s7, s2  }
0x1e: {  	s7 =	smul.u32 @!p0 $0xF7A, s2;
	p2 =	seq.s32 @!p0 s5, $0x0  }
0x1f: {  	s9 =	smul.u32 $0xF7A, s1;
	s8 =	simm.s32 @!p0 $0x1BF5;
	p2 =	por !p2, p0  }
0x20: {  	[sflag:s8] =	ssyncset.s32 @!p0 $0xFFFFF086;
	s6 =	sadd.s32 @!p0 s3, s7;
	s7 =	simm.s32 @!p0 $0x108  }
0x21: {  	s3 =	sadd.s32 s3, s9;
	s6 =	sadd.s32 @!p0 $0x88, s6;
	s7 =	simm.s32 @p2 $0x1082  }
0x22: {  	[simem:s7], [sflag:s8] =	dma.local @!p0 [hbm:s6], $0xF7A  }
0x23: {  	s9 =	sor.u32 $0xD0000000, s2;
	s6 =	simm.s32 $0x108;
	_ =	swait.ge @!p0 [sflag:s8], $0x0  }
0x24: {  	s3 =	sadd.s32 $0x88, s3;
	s6 =	simm.s32 @!p1 $0x1082;
	[sflag:s4] =	ssyncset.s32 $0xFFFFF086  }
0x25: {  	[simem:s6], [sflag:s4] =	dma.local [hbm:s3], $0xF7A  }
0x26: {  	[smem:$0x3F98] =	sst s1;
	(tag) =	ssettag s2;
	_ =	strace s9  }
0x27: {  	s1 =	sld [smem:$0x3FA8]  }
0x28: {  	s2 =	sld [smem:$0x3FA9]  }
0x29: {  	s4 =	sld [smem:$0x3FAB]  }
0x2a: {  	p0 =	seq.s32 s5, $0x0;
	s5 =	sld [smem:$0x3FAC]  }
0x2b: {  	s6 =	sld [smem:$0x3FAD]  }
0x2c: {  	s7 =	sld [smem:$0x3FAE]  }
0x2d: {  	s3 =	simm.s32 $0x108;
	s8 =	sld [smem:$0x3FAF]  }
0x2e: {  	s3 =	simm.s32 @!p0 $0x1082;
	s9 =	sld [smem:$0x3FB0]  }
0x2f: {  	lr =	sadd.s32 s0, s3;
	s0 =	sld [smem:$0x3FA7]  }
0x30: {  	s3 =	sld [smem:$0x3FAA]  }
0x31: {  	[smem:$0x3FB3] =	sst s10  }
0x32: {  	s10 =	sld [smem:$0x3FB1];
	_ =	sdelay $0x3  }
0x33: {  	p0 =	seq.s32 s10, $0x1;
	s10 =	sld [smem:$0x3FB3];
	_ =	sdelay $0x3  }
0x34: {  	[smem:$0x3FB3] =	sst s10  }
0x35: {  	s10 =	sld [smem:$0x3FB2];
	_ =	sdelay $0x3  }
0x36: {  	p1 =	seq.s32 s10, $0x1;
	s10 =	sld [smem:$0x3FB3];
	_ =	sdelay $0x3  }
0x37: {  	[smem:$0x3FB3] =	sst s10  }
0x38: {  	s10 =	sld [smem:$0x3FB4]  }
0x39: {  	_ = 	snop;
	(pc) =	sbr.ind lr, $3  }
0x3a: {  	_ = 	snop  }
0x3b: {  	_ = 	snop  }
0x3c: {  	p2 =	seq.s32 s10, $0x1;
	s10 =	sld [smem:$0x3FB3]  }
0x3d: {  	_ =	shalt  }
0x3e: {  	_ =	shalt  }
0x3f: {  	_ =	shalt  }
0x40: {  	_ =	shalt  }
0x41: {  	_ =	shalt  }
0x42: {  	_ =	shalt  }
0x43: {  	_ =	shalt  }
0x44: {  	_ =	shalt  }
0x45: {  	_ =	shalt  }
0x46: {  	_ =	shalt  }
0x47: {  	_ =	shalt  }
0x48: {  	_ =	shalt  }
0x49: {  	_ =	shalt  }
0x4a: {  	_ =	shalt  }
0x4b: {  	_ =	shalt  }
0x4c: {  	_ =	shalt  }
0x4d: {  	_ =	shalt  }
0x4e: {  	_ =	shalt  }
0x4f: {  	_ =	shalt  }
0x50: {  	_ =	shalt  }
0x51: {  	_ =	shalt  }
0x52: {  	_ =	shalt  }
0x53: {  	_ =	shalt  }
0x54: {  	_ =	shalt  }
0x55: {  	_ =	shalt  }
0x56: {  	_ =	shalt  }
0x57: {  	_ =	shalt  }
0x58: {  	_ =	shalt  }
0x59: {  	_ =	shalt  }
0x5a: {  	_ =	shalt  }
0x5b: {  	_ =	shalt  }
0x5c: {  	_ =	shalt  }
0x5d: {  	_ =	shalt  }
0x5e: {  	_ =	shalt  }
0x5f: {  	_ =	shalt  }
0x60: {  	_ =	shalt  }
0x61: {  	_ =	shalt  }
0x62: {  	_ =	shalt  }
0x63: {  	_ =	shalt  }
0x64: {  	_ =	shalt  }
0x65: {  	_ =	shalt  }
0x66: {  	_ =	shalt  }
0x67: {  	_ =	shalt  }
0x68: {  	_ =	shalt  }
0x69: {  	_ =	shalt  }
0x6a: {  	_ =	shalt  }
0x6b: {  	_ =	shalt  }
0x6c: {  	_ =	shalt  }
0x6d: {  	_ =	shalt  }
0x6e: {  	_ =	shalt  }
0x6f: {  	_ =	shalt  }
0x70: {  	_ =	shalt  }
0x71: {  	_ =	shalt  }
0x72: {  	_ =	shalt  }
0x73: {  	_ =	shalt  }
0x74: {  	_ =	shalt  }
0x75: {  	_ =	shalt  }
0x76: {  	_ =	shalt  }
0x77: {  	_ =	shalt  }
0x78: {  	_ =	shalt  }
0x79: {  	_ =	shalt  }
0x7a: {  	_ =	shalt  }
0x7b: {  	_ =	shalt  }
0x7c: {  	_ =	shalt  }
0x7d: {  	_ =	shalt  }
0x7e: {  	_ =	shalt  }
0x7f: {  	_ =	shalt  }
0x80: {  	_ =	shalt  }
0x81: {  	_ =	shalt  }
0x82: {  	_ =	shalt  }
0x83: {  	_ =	shalt  }
0x84: {  	_ =	shalt  }
0x85: {  	_ =	shalt  }
0x86: {  	_ =	shalt  }
0x87: {  	_ =	shalt  }
.Lfunc_end0:
.L_simem_size_0:
called_computation.1_lowered:
.L_overlay_start_0:
0x88: {  	s2 =	sld [smem:$0x3FD9]  }
0x89: {  	s3 =	sld [smem:$0x3FFE];
	_ =	sdelay $0x1  }
0x8a: {  	s1 =	srdreg.scid  }
0x8b: {  	s0 =	sand.u32 $0x1, s1  }
0x8c: {  	s17 =	sshll.u32 s0, $0xA;
	s2 =	sadd.s32 s3, s2  }
0x8d: {  	s2 =	sadd.s32 s2, s17  }
0x8e: {  	[smem:$0x3FBF] =	sst s2  }
0x8f: {  	_ = 	snop  }
0x90: {  	s18 =	sld [smem:$0x3FD0];
	(tm) =	ssettm $0x1  }
0x91: {  	s19 =	sld [smem:$0x3FFB];
	_ =	sdelay $0x3  }
0x92: {  	_ =	strace s19  }
0x93: {  	s2 =	sld [smem:$0x3FFC];
	_ =	sdelay $0x3  }
0x94: {  	_ =	strace s2  }
0x95: {  	s2 =	sld [smem:$0x3FFD];
	_ =	sdelay $0x3  }
0x96: {  	_ =	strace s2  }
0x97: {  	_ =	strace $0x8FFFFFFF  }
0x98: {  	s20 =	sld [smem:$0x3FDB];
	_ =	sdelay $0x1  }
0x99: {  	s4 =	simm.s32 $_scs_section_size  }
0x9a: {  	s5 =	simm.s32 $_size__tile_overlayer_lowered;
	s6 =	simm.s32 $_tile_overlayer_lowered  }
0x9b: {  	s7 =	simm.s32 $0x1BFF;
	s21 =	sshll.u32 s6, $0x1;
	s4 =	sadd.s32 s4, s20  }
0x9c: {  	s22 =	simm.s32 $0x0;
	s5 =	sshll.u32 s5, $0x1;
	s6 =	sadd.s32 s21, s4  }
0x9d: {  	[timem:s22], [sflag:s7] =	dma.local [hbm:s6], s5  }
0x9e: {  	_ =	swait.ge [sflag:s7], s5  }
0x9f: {  	s5 =	ssub.s32 $0x0, s5;
	[sflag:s7] =	ssyncset.done $0x0  }
0xa0: {  	[sflag:s7] =	ssyncadd.s32 s5;
	_ =	sdelay $0x1  }
0xa1: {  	s23 =	simm.s32 $0x1B8B  }
0xa2: {  	_ =	swait.ge [sflag:s23], $0x1  }
0xa3: {  	[sflag:s23] =	ssyncset.done $0x0  }
0xa4: {  	[sflag:s23] =	ssyncadd.s32 $0xFFFFFFFF  }
0xa5: {  	s5 =	sld [smem:$0x0]  }
0xa6: {  	s6 =	sand.u32 $0xFFFFFFFE, s1  }
0xa7: {  	p0 =	sne.s32 s1, s6  }
0xa8: {  	s6 =	sshll.u32 @p0 s6, $0xE  }
0xa9: {  	s6 =	sadd.s32 @p0 $0x11B8D, s6;
	s7 =	sshll.u32 @p0 s5, $0x11  }
0xaa: {  	s6 =	sor.u32 @p0 s7, s6  }
0xab: {  	[sflag:s6] =	ssyncadd.remote.s32 @p0 $0x1;
	_ =	sdelay $0x1  }
0xac: {  	s6 =	simm.s32 @p0 $0x1B8D  }
0xad: {  	_ =	swait.eq @p0 [sflag:s6], $0x1  }
0xae: {  	[sflag:s6] =	ssyncadd.s32 @p0 $0xFFFFFFFF  }
0xaf: {  	s7 =	sshll.u32 @!p0 s1, $0xE  }
0xb0: {  	s7 =	sor.u32 @!p0 $0x4000, s7;
	s6 =	simm.s32 @!p0 $0x1B8D  }
0xb1: {  	s5 =	sshll.u32 @!p0 s5, $0x11;
	s7 =	sadd.s32 @!p0 $0x11B8D, s7;
	_ =	swait.eq @!p0 [sflag:s6], $0x1  }
0xb2: {  	s5 =	sor.u32 @!p0 s5, s7;
	[sflag:s6] =	ssyncadd.s32 @!p0 $0xFFFFFFFF  }
0xb3: {  	s25 =	simm.s32 $0x1B8E;
	s24 =	sld [smem:$0x3FFE];
	[sflag:s5] =	ssyncadd.remote.s32 @!p0 $0x1  }
0xb4: {  	s26 =	simm.s32 $execute0_lowered;
	[smem:$0x3FD2] =	sst s25  }
0xb5: {  	s6 =	sshll.u32 s26, $0x1;
	_ =	strace $0x80000049;
	[dreg:$0x1] =	wrdreg $0xFFFFFFFF  }
0xb6: {  	s28 =	simm.s32 $_size_execute0_lowered;
	s4 =	sadd.s32 s4, s6;
	[dreg:$0x0] =	wrdreg $0x0  }
0xb7: {  	s6 =	sshll.u32 s28, $0x1;
	[dreg:$0x2] =	wrdreg s4  }
0xb8: {  	[dreg:$0x3] =	wrdreg s6  }
0xb9: {  	[dreg:$0x4] =	wrdreg $0xC0  }
0xba: {  	_ =	task [dreg:s22], $0x5FFFF  }
0xbb: {  	[dreg:$0x1] =	wrdreg $0xFFFFFFFF  }
0xbc: {  	[dreg:$0x0] =	wrdreg $0x60  }
0xbd: {  	[dreg:$0x2] =	wrdreg s24  }
0xbe: {  	[dreg:$0x3] =	wrdreg s18  }
0xbf: {  	[dreg:$0x4] =	wrdreg $0xAA000  }
0xc0: {  	[dreg:$0x5] =	wrdreg $0xA  }
0xc1: {  	_ =	task.clear_ibuf [dreg:s22], $0x6FFFF;
	_ =	strace $0x90000049  }
0xc2: {  	s29 =	simm.s32 $0xA;
	_ =	strace $0x8000004B  }
0xc3: {  	_ =	swait.ge [sflag:s29], $0x1  }
0xc4: {  	[sflag:s29] =	ssyncadd.s32 $0xFFFFFFFF  }
0xc5: {  	_ =	strace $0x9000004B  }
0xc6: {  	_ =	sfence  }
0xc7: {  	s30 =	sld [smem:$0x0];
	_ =	sdelay $0x2  }
0xc8: {  	s31 =	sshll.u32 s1, $0xD;
	s1 =	sshrl.u32 s1, $0x2  }
0xc9: {  	s4 =	sand.u32 $0x4000, s31;
	s1 =	sadd.s32 s1, s30  }
0xca: {  	s0 =	sor.u32 s4, s0;
	s1 =	sshll.u32 s1, $0x11  }
0xcb: {  	s0 =	sor.u32 s1, s0  }
0xcc: {  	s0 =	sadd.s32 $0x8F2B, s0  }
0xcd: {  	[sflag:s0] =	ssyncadd.remote.s32 $0x1  }
0xce: {  	_ =	sfence.sel $0xFFFF  }
0xcf: {  	[dreg:$0x0] =	wrdreg $0xFFFFFFFF;
	(pc) =	sbr.abs _section_cstart, $3  }
0xd0: {  	[dreg:$0x1] =	wrdreg $0xFFFFFFFF  }
0xd1: {  	_ =	task.clear_ibuf [dreg:s22], $0x2FFFF;
	_ =	strace $0x9FFFFFFF  }
0xd2: {  	(tm) =	ssettm $0x7FFFFFFF  }
0xd3: {  	_ =	shalt  }
tec
execute0_lowered:
.L_overlay_start_1:
0x0: {  	(tag) =	ssettag $0x1  }
0x1: {  	s0 =	rddreg [dreg:$0x0]  }
0x2: {  	s2 =	rddreg [dreg:$0x1]  }
0x3: {  	s1 =	rddreg [dreg:$0x2];
	s4 =	srdreg.scid;
	s3 =	simm.s32 $0x0  }
0x4: {  	s14 =	stileid.u32;
	s28 =	simm.s32 $0xA880;
	s29 =	simm.s32 $0x1  }
0x5: {  	s30 =	simm.s32 $0x3;
	s31 =	simm.s32 $0xA900;
	s12 =	smul.u32 $0x13800, s14  }
0x6: {  	s7 =	sand.u32 $0x1, s4;
	[smem:$0x7FF] =	sst s3;
	s19 =	smul.u32 $0x4E000, s14  }
0x7: {  	s5 =	sadd.s32 $0x17000, s0;
	s13 =	smul.u32 $0x2780, s14;
	p0 =	sne.s32 s14, $0xF  }
0x8: {  	s4 =	sshll.u32 s7, $0x4;
	_ =	strace $0x8000004A;
	s11 =	smul.u32 $0x138800, s7  }
0x9: {  	s9 =	ssub.s32 $0x2, s7;
	s7 =	smul.u32 $0x27800, s7;
	s6 =	sor.u32 s14, s4  }
0xa: {  	s4 =	sadd.s32 $0x20E00, s0;
	s15 =	sshrl.u32 s9, $0x1;
	s8 =	smul.u32 $0x2780, s6  }
0xb: {  	s0 =	sadd.s32 $0x48000, s0;
	s10 =	smul.u32 $0x500, s6;
	s9 =	ssub.s32 s9, s15  }
0xc: {  	s18 =	sadd.s32 s12, s11;
	s11 =	sshrl.u32 s11, $0x3;
	s23 =	sadd.s32 s13, s7  }
0xd: {  	s7 =	simm.s32 $0xA980;
	s11 =	sadd.s32 s0, s11;
	s21 =	smax.u32 s9, $0x1  }
0xe: {  	s26 =	sadd.s32 $0x80, s23;
	s15 =	sadd.s32 $0x100, s23;
	s23 =	simm.s32 $0x2800  }
0xf: {  	s9 =	simm.s32 $0x10;
	s8 =	sshrl.u32 s8, $0x3;
	s2 =	sadd.s32 s2, s10  }
0x10: {  	s10 =	sshrl.u32 s19, $0x2;
	s20 =	sadd.s32 $0x27000, s11;
	[dreg:$0x9] =	wrdreg s21  }
0x11: {  	s11 =	simm.s32 $0x0;
	s6 =	sadd.s32 s5, s8;
	[dreg:$0x4] =	wrdreg s2  }
0x12: {  	s8 =	sadd.s32 $0x138000, s1;
	[dreg:$0x8] =	wrdreg s20;
	s16 =	sadd.s32 $0x4D0, s6  }
0x13: {  	s2 =	sshrl.u32 s18, $0x3;
	s17 =	sadd.s32 $0x4E0, s6;
	[dreg:$0x5] =	wrdreg s16  }
0x14: {  	s12 =	sadd.s32 s10, s1;
	s0 =	sadd.s32 s0, s2;
	[dreg:$0x6] =	wrdreg s17  }
0x15: {  	s10 =	simm.s32 $0x1E380;
	s22 =	sadd.s32 $0x3400, s12;
	[dreg:$0x7] =	wrdreg s0  }
0x16: {  	s24 =	sadd.s32 $0x6800, s12;
	s25 =	sadd.s32 $0x9C00, s12;
	[dreg:$0xa] =	wrdreg s22  }
0x17: {  	s18 =	sadd.s32 $0xD000, s12;
	s19 =	sadd.s32 $0x10400, s12;
	[dreg:$0xb] =	wrdreg s24  }
0x18: {  	s2 =	sshrl.u32 s26, $0x3;
	s26 =	simm.s32 $0x6800;
	[dreg:$0xc] =	wrdreg s25  }
0x19: {  	s21 =	sadd.s32 s2, s5;
	s22 =	simm.s32 $0x5;
	s24 =	simm.s32 $0x80  }
0x1a: {  	v0 =	vimm.f32 $0.0e+00;
	s25 =	simm.s32 $0xA800;
	s0 =	simm.s32 $0x2;
	s2 =	simm.s32 $0x4  }
.LBB2_1:
0x1b: {  	s13 =	rddreg [dreg:$0x4]  }
0x1c: {  	[tilespmem:s3], [sflag:$0x5] =	stream.linear.gather [hbm4b:s13+s3], $0x2780, $0x38;
	[tilespmem:$0x1EB80] =	vst v63  }
0x1d: {  	_ =	swait.ge [sflag:s22], $0x2780  }
0x1e: {  	[sflag:s22] =	ssyncset.done $0x0  }
0x1f: {  	s14 =	simm.s32 $0x3C0;
	s13 =	simm.s32 $0x70;
	[sflag:s22] =	ssyncadd.s32 $0xFFFFD880  }
.LBB2_2:
0x20: {  	p1 =	sne.s32 s14, $0xCFC0;
	[tilespmem:s13+$0x2800] =	vst v0  }
0x21: {  	[tilespmem:s13+$0x2790] =	vst v0  }
0x22: {  	[tilespmem:s13+$0x27A0] =	vst v0  }
.Ltmp0:
0x23: {  	[tilespmem:s13+$0x27B0] =	vst v0;
	(pc) =	sbr.rel @p1 .LBB2_2-.Ltmp0, $4  }
0x24: {  	[tilespmem:s13+$0x27C0] =	vst v0  }
0x25: {  	[tilespmem:s13+$0x27D0] =	vst v0  }
0x26: {  	[tilespmem:s13+$0x27E0] =	vst v0  }
0x27: {  	[tilespmem:s13+$0x27F0] =	vst v0;
	s13 =	sshra.s32 s14, $0x2;
	s14 =	sadd.s32 $0x200, s14  }
0x28: {  	[tilespmem:s13+$0x2800] =	vst v0  }
0x29: {  	[tilespmem:s13+$0x2790] =	vst v0  }
0x2a: {  	[tilespmem:s13+$0x27A0] =	vst v0  }
0x2b: {  	[tilespmem:s13+$0x27B0] =	vst v0  }
0x2c: {  	[tilespmem:s13+$0x27C0] =	vst v0  }
0x2d: {  	[tilespmem:s13+$0x27D0] =	vst v0  }
0x2e: {  	[tilespmem:s13+$0x27E0] =	vst v0  }
0x2f: {  	[tilespmem:s13+$0x27F0] =	vst v0  }
0x30: {  	[spmem:s12] =	stream.linear.scatter [tilespmem:s23], [sflag:$0x5], $0x3400, $0x38;
	[tilespmem:$0x1EB80] =	vst v63  }
0x31: {  	_ =	swait.ge [sflag:s22], $0x3400  }
0x32: {  	[sflag:s22] =	ssyncset.done $0x0  }
0x33: {  	s17 =	rddreg [dreg:$0xa];
	[sflag:s22] =	ssyncadd.s32 $0xFFFFCC00  }
0x34: {  	[spmem:s17] =	stream.linear.scatter [tilespmem:s23], [sflag:$0x5], $0x3400, $0x38;
	[tilespmem:$0x1EB80] =	vst v63  }
0x35: {  	_ =	swait.ge [sflag:s22], $0x3400  }
0x36: {  	[sflag:s22] =	ssyncset.done $0x0  }
0x37: {  	s20 =	rddreg [dreg:$0xb];
	[sflag:s22] =	ssyncadd.s32 $0xFFFFCC00  }
0x38: {  	[spmem:s20] =	stream.linear.scatter [tilespmem:s23], [sflag:$0x5], $0x3400, $0x38;
	[tilespmem:$0x1EB80] =	vst v63  }
0x39: {  	_ =	swait.ge [sflag:s22], $0x3400  }
0x3a: {  	[sflag:s22] =	ssyncset.done $0x0  }
0x3b: {  	s14 =	rddreg [dreg:$0xc];
	[sflag:s22] =	ssyncadd.s32 $0xFFFFCC00  }
0x3c: {  	[spmem:s14] =	stream.linear.scatter [tilespmem:s23], [sflag:$0x5], $0x3400, $0x38;
	[tilespmem:$0x1EB80] =	vst v63  }
0x3d: {  	_ =	swait.ge [sflag:s22], $0x3400  }
0x3e: {  	[sflag:s22] =	ssyncset.done $0x0  }
0x3f: {  	[sflag:s22] =	ssyncadd.s32 $0xFFFFCC00  }
0x40: {  	[spmem:s18] =	stream.linear.scatter [tilespmem:s23], [sflag:$0x5], $0x3400, $0x38;
	[tilespmem:$0x1EB80] =	vst v63  }
0x41: {  	_ =	swait.ge [sflag:s22], $0x3400  }
0x42: {  	[sflag:s22] =	ssyncset.done $0x0  }
0x43: {  	[sflag:s22] =	ssyncadd.s32 $0xFFFFCC00  }
0x44: {  	[spmem:s19] =	stream.linear.scatter [tilespmem:s23], [sflag:$0x5], $0x3400, $0x38;
	[tilespmem:$0x1EB80] =	vst v63  }
0x45: {  	_ =	swait.ge [sflag:s22], $0x3400  }
0x46: {  	[sflag:s22] =	ssyncset.done $0x0  }
0x47: {  	s13 =	simm.s32 @!p0 $0x2800;
	[sflag:s22] =	ssyncadd.s32 $0xFFFFCC00  }
0x48: {  	[spmem:s8] =	stream.linear.scatter @!p0 [tilespmem:s13], [sflag:$0x5], $0x800, $0x38;
	[tilespmem:$0x1EB80] =	vst v63  }
0x49: {  	s13 =	simm.s32 @!p0 $0x5  }
0x4a: {  	_ =	swait.ge @!p0 [sflag:s13], $0x800  }
0x4b: {  	[sflag:s13] =	ssyncset.done @!p0 $0x0  }
0x4c: {  	[sflag:s13] =	ssyncadd.s32 @!p0 $0xFFFFF800  }
0x4d: {  	s16 =	simm.s32 $0x0;
	[bflag:$0x0] =	sbarrier.arrive $0xFFFF  }
0x4e: {  	[tilespmem:s23], [sflag:$0x1] =	stream.indirect.gather [hbm4b:s4+s24], $0x80, s16, s24, $0xb8;
	[tilespmem:$0x1EB80] =	vst v63  }
0x4f: {  	_ = 	snop  }
0x50: {  	[tilespmem:s25], [sflag:$0x3] =	stream.linear.gather [hbm4b:s6+s16], $0x80, $0x38;
	[tilespmem:$0x1EB80] =	vst v63  }
0x51: {  	s17 =	simm.s32 $0x80  }
0x52: {  	[tilespmem:s26], [sflag:$0x2] =	stream.indirect.gather [hbm4b:s4+s24], $0x80, s17, s24, $0xb8;
	[tilespmem:$0x1EB80] =	vst v63  }
0x53: {  	s20 =	sadd.s32 $0x0, s21  }
0x54: {  	[tilespmem:s28], [sflag:$0x4] =	stream.linear.gather [hbm4b:s20+s3], $0x80, $0x38;
	[tilespmem:$0x1EB80] =	vst v63  }
0x55: {  	_ =	swait.ge [sflag:s29], $0x4000  }
0x56: {  	[sflag:s29] =	ssyncset.done $0x0  }
0x57: {  	[sflag:s29] =	ssyncadd.s32 $0xFFFFC000  }
0x58: {  	_ =	swait.ge [sflag:s30], $0x80  }
0x59: {  	[sflag:s30] =	ssyncset.done $0x0  }
0x5a: {  	[sflag:s30] =	ssyncadd.s32 $0xFFFFFF80  }
0x5b: {  	v1 =	vld [tilespmem:$0xA870]  }
0x5c: {  	v2 =	vld [tilespmem:$0xA850]  }
0x5d: {  	v3 =	vld [tilespmem:$0xA860]  }
0x5e: {  	v4 =	vld [tilespmem:$0xA830]  }
0x5f: {  	v5 =	vld [tilespmem:$0xA840]  }
0x60: {  	v6 =	vld [tilespmem:$0xA800];
	[tilespmem:$0xA970] =	vst v1  }
0x61: {  	v1 =	vld [tilespmem:$0xA820];
	[tilespmem:$0xA950] =	vst v2  }
0x62: {  	v2 =	vld [tilespmem:$0xA810];
	[tilespmem:$0xA960] =	vst v3  }
0x63: {  	[tilespmem:$0xA930] =	vst v4  }
0x64: {  	[tilespmem:$0xA940] =	vst v5  }
0x65: {  	[tilespmem:$0xA900] =	vst v6  }
0x66: {  	[tilespmem:$0xA920] =	vst v1  }
0x67: {  	[tilespmem:$0xA910] =	vst v2  }
0x68: {  	[spmem:s1] =	stream.indirect.scatter.add.f32 [tilespmem:s23], [sflag:$0x5], $0x80, s31, s24, $0xb8;
	[tilespmem:$0x1EB80] =	vst v63  }
0x69: {  	_ =	swait.ge [sflag:s22], $0x4000  }
0x6a: {  	[sflag:s22] =	ssyncset.done $0x0  }
0x6b: {  	s14 =	sshrl.u32 s15, $0x3;
	s13 =	simm.s32 $0x100;
	[sflag:s22] =	ssyncadd.s32 $0xFFFFC000  }
0x6c: {  	[tilespmem:s23], [sflag:$0x1] =	stream.indirect.gather [hbm4b:s4+s24], $0x80, s13, s24, $0xb8;
	[tilespmem:$0x1EB80] =	vst v63  }
0x6d: {  	s14 =	sadd.s32 s5, s14  }
0x6e: {  	[tilespmem:s25], [sflag:$0x3] =	stream.linear.gather [hbm4b:s14+s3], $0x80, $0x38;
	[tilespmem:$0x1EB80] =	vst v63  }
0x6f: {  	_ =	swait.ge [sflag:s0], $0x4000  }
0x70: {  	[sflag:s0] =	ssyncset.done $0x0  }
0x71: {  	[sflag:s0] =	ssyncadd.s32 $0xFFFFC000  }
0x72: {  	_ =	swait.ge [sflag:s2], $0x80  }
0x73: {  	[sflag:s2] =	ssyncset.done $0x0  }
0x74: {  	[sflag:s2] =	ssyncadd.s32 $0xFFFFFF80  }
0x75: {  	v2 =	vld [tilespmem:$0xA880]  }
0x76: {  	s20 =	smov.u32 s15;
	s14 =	simm.s32 $0x20;
	v1 =	vld [tilespmem:$0xA8D0]  }
.LBB2_4:
0x77: {  	p1 =	sne.s32 s14, $0x4A0;
	v3 =	vld [tilespmem:$0xA8F0];
	s20 =	sadd.s32 $0x100, s20;
	s13 =	sadd.s32 $0x100, s13  }
0x78: {  	s16 =	smov.u32 s14;
	s14 =	sadd.s32 $0x20, s14;
	v4 =	vld [tilespmem:$0xA8E0]  }
0x79: {  	v5 =	vld [tilespmem:$0xA8A0]  }
0x7a: {  	[tilespmem:$0xA980] =	vst v2;
	v2 =	vld [tilespmem:$0xA8B0]  }
0x7b: {  	v6 =	vld [tilespmem:$0xA890];
	[tilespmem:$0xA9D0] =	vst v1  }
0x7c: {  	v1 =	vld [tilespmem:$0xA8C0];
	[tilespmem:$0xA9F0] =	vst v3  }
0x7d: {  	[tilespmem:$0xA9E0] =	vst v4  }
0x7e: {  	[tilespmem:$0xA9A0] =	vst v5  }
0x7f: {  	[tilespmem:$0xA9B0] =	vst v2  }
0x80: {  	[tilespmem:$0xA990] =	vst v6  }
0x81: {  	[tilespmem:$0xA9C0] =	vst v1  }
0x82: {  	[spmem:s1] =	stream.indirect.scatter.add.f32 [tilespmem:s26], [sflag:$0x5], $0x80, s7, s24, $0xb8;
	[tilespmem:$0x1EB80] =	vst v63  }
0x83: {  	_ =	swait.ge [sflag:s22], $0x4000  }
0x84: {  	[sflag:s22] =	ssyncset.done $0x0  }
0x85: {  	s17 =	sadd.s32 $0xFFFFFF80, s13;
	[sflag:s22] =	ssyncadd.s32 $0xFFFFC000  }
0x86: {  	[tilespmem:s26], [sflag:$0x2] =	stream.indirect.gather [hbm4b:s4+s24], $0x80, s17, s24, $0xb8;
	[tilespmem:$0x1EB80] =	vst v63  }
0x87: {  	s16 =	sadd.s32 s16, s21  }
0x88: {  	[tilespmem:s28], [sflag:$0x4] =	stream.linear.gather [hbm4b:s16+s3], $0x80, $0x38;
	[tilespmem:$0x1EB80] =	vst v63  }
0x89: {  	_ =	swait.ge [sflag:s29], $0x4000  }
0x8a: {  	[sflag:s29] =	ssyncset.done $0x0  }
0x8b: {  	[sflag:s29] =	ssyncadd.s32 $0xFFFFC000  }
0x8c: {  	_ =	swait.ge [sflag:s30], $0x80  }
0x8d: {  	[sflag:s30] =	ssyncset.done $0x0  }
0x8e: {  	[sflag:s30] =	ssyncadd.s32 $0xFFFFFF80  }
0x8f: {  	v1 =	vld [tilespmem:$0xA870]  }
0x90: {  	v2 =	vld [tilespmem:$0xA850]  }
0x91: {  	v3 =	vld [tilespmem:$0xA860]  }
0x92: {  	v4 =	vld [tilespmem:$0xA830]  }
0x93: {  	v5 =	vld [tilespmem:$0xA840]  }
0x94: {  	v6 =	vld [tilespmem:$0xA800];
	[tilespmem:$0xA970] =	vst v1  }
0x95: {  	v1 =	vld [tilespmem:$0xA820];
	[tilespmem:$0xA950] =	vst v2  }
0x96: {  	v2 =	vld [tilespmem:$0xA810];
	[tilespmem:$0xA960] =	vst v3  }
0x97: {  	[tilespmem:$0xA930] =	vst v4  }
0x98: {  	[tilespmem:$0xA940] =	vst v5  }
0x99: {  	[tilespmem:$0xA900] =	vst v6  }
0x9a: {  	[tilespmem:$0xA920] =	vst v1  }
0x9b: {  	[tilespmem:$0xA910] =	vst v2  }
0x9c: {  	[spmem:s1] =	stream.indirect.scatter.add.f32 [tilespmem:s23], [sflag:$0x5], $0x80, s31, s24, $0xb8;
	[tilespmem:$0x1EB80] =	vst v63  }
0x9d: {  	_ =	swait.ge [sflag:s22], $0x4000  }
0x9e: {  	[sflag:s22] =	ssyncset.done $0x0  }
0x9f: {  	s16 =	sshrl.u32 s20, $0x3;
	[sflag:s22] =	ssyncadd.s32 $0xFFFFC000  }
0xa0: {  	[tilespmem:s23], [sflag:$0x1] =	stream.indirect.gather [hbm4b:s4+s24], $0x80, s13, s24, $0xb8;
	[tilespmem:$0x1EB80] =	vst v63  }
0xa1: {  	s16 =	sadd.s32 s5, s16  }
0xa2: {  	[tilespmem:s25], [sflag:$0x3] =	stream.linear.gather [hbm4b:s16+s3], $0x80, $0x38;
	[tilespmem:$0x1EB80] =	vst v63  }
0xa3: {  	_ =	swait.ge [sflag:s0], $0x4000  }
0xa4: {  	[sflag:s0] =	ssyncset.done $0x0  }
0xa5: {  	[sflag:s0] =	ssyncadd.s32 $0xFFFFC000  }
.Ltmp1:
0xa6: {  	_ =	swait.ge [sflag:s2], $0x80;
	(pc) =	sbr.rel @p1 .LBB2_4-.Ltmp1, $4  }
0xa7: {  	[sflag:s2] =	ssyncset.done $0x0  }
0xa8: {  	[sflag:s2] =	ssyncadd.s32 $0xFFFFFF80  }
0xa9: {  	v2 =	vld [tilespmem:$0xA880]  }
0xaa: {  	v1 =	vld [tilespmem:$0xA8D0]  }
0xab: {  	v3 =	vld [tilespmem:$0xA8F0]  }
0xac: {  	v4 =	vld [tilespmem:$0xA8E0]  }
0xad: {  	v5 =	vld [tilespmem:$0xA8A0]  }
0xae: {  	v6 =	vld [tilespmem:$0xA890];
	[tilespmem:$0xA980] =	vst v2  }
0xaf: {  	v2 =	vld [tilespmem:$0xA8B0];
	[tilespmem:$0xA9D0] =	vst v1  }
0xb0: {  	v1 =	vld [tilespmem:$0xA8C0];
	[tilespmem:$0xA9F0] =	vst v3  }
0xb1: {  	[tilespmem:$0xA9E0] =	vst v4  }
0xb2: {  	[tilespmem:$0xA9A0] =	vst v5  }
0xb3: {  	[tilespmem:$0xA990] =	vst v6  }
0xb4: {  	[tilespmem:$0xA9B0] =	vst v2  }
0xb5: {  	[tilespmem:$0xA9C0] =	vst v1  }
0xb6: {  	[spmem:s1] =	stream.indirect.scatter.add.f32 [tilespmem:s26], [sflag:$0x5], $0x80, s7, s24, $0xb8;
	[tilespmem:$0x1EB80] =	vst v63  }
0xb7: {  	_ =	swait.ge [sflag:s22], $0x4000  }
0xb8: {  	[sflag:s22] =	ssyncset.done $0x0  }
0xb9: {  	s13 =	simm.s32 $0x2680;
	[sflag:s22] =	ssyncadd.s32 $0xFFFFC000  }
0xba: {  	[tilespmem:s26], [sflag:$0x2] =	stream.indirect.gather [hbm4b:s4+s24], $0x80, s13, s24, $0xb8;
	[tilespmem:$0x1EB80] =	vst v63  }
0xbb: {  	s17 =	rddreg [dreg:$0x5]  }
0xbc: {  	[tilespmem:s28], [sflag:$0x4] =	stream.linear.gather [hbm4b:s17+s3], $0x80, $0x38;
	[tilespmem:$0x1EB80] =	vst v63  }
0xbd: {  	_ =	swait.ge [sflag:s29], $0x4000  }
0xbe: {  	[sflag:s29] =	ssyncset.done $0x0  }
0xbf: {  	[sflag:s29] =	ssyncadd.s32 $0xFFFFC000  }
0xc0: {  	_ =	swait.ge [sflag:s30], $0x80  }
0xc1: {  	[sflag:s30] =	ssyncset.done $0x0  }
0xc2: {  	[sflag:s30] =	ssyncadd.s32 $0xFFFFFF80  }
0xc3: {  	v1 =	vld [tilespmem:$0xA800]  }
0xc4: {  	v2 =	vld [tilespmem:$0xA810]  }
0xc5: {  	v3 =	vld [tilespmem:$0xA820]  }
0xc6: {  	v60 =	vld [tilespmem:$0xA830]  }
0xc7: {  	v61 =	vld [tilespmem:$0xA840]  }
0xc8: {  	[tilespmem:$0xA900] =	vst v1;
	v1 =	vld [tilespmem:$0xA850]  }
0xc9: {  	[tilespmem:$0xA910] =	vst v2;
	v2 =	vld [tilespmem:$0xA860]  }
0xca: {  	[tilespmem:$0xA920] =	vst v3;
	v3 =	vld [tilespmem:$0xA870]  }
0xcb: {  	[tilespmem:$0xA930] =	vst v60  }
0xcc: {  	[tilespmem:$0xA940] =	vst v61  }
0xcd: {  	[tilespmem:$0xA950] =	vst v1  }
0xce: {  	[tilespmem:$0xA960] =	vst v2  }
0xcf: {  	[tilespmem:$0xA970] =	vst v3  }
0xd0: {  	[spmem:s1] =	stream.indirect.scatter.add.f32 [tilespmem:s23], [sflag:$0x5], $0x80, s31, s24, $0xb8;
	[tilespmem:$0x1EB80] =	vst v63  }
0xd1: {  	_ =	swait.ge [sflag:s22], $0x4000  }
0xd2: {  	[sflag:s22] =	ssyncset.done $0x0  }
0xd3: {  	[sflag:s22] =	ssyncadd.s32 $0xFFFFC000  }
0xd4: {  	_ =	swait.ge [sflag:s0], $0x4000  }
0xd5: {  	[sflag:s0] =	ssyncset.done $0x0  }
0xd6: {  	[sflag:s0] =	ssyncadd.s32 $0xFFFFC000  }
0xd7: {  	_ =	swait.ge [sflag:s2], $0x80  }
0xd8: {  	[sflag:s2] =	ssyncset.done $0x0  }
0xd9: {  	[sflag:s2] =	ssyncadd.s32 $0xFFFFFF80  }
0xda: {  	v1 =	vld [tilespmem:$0xA880]  }
0xdb: {  	v2 =	vld [tilespmem:$0xA890]  }
0xdc: {  	v3 =	vld [tilespmem:$0xA8A0]  }
0xdd: {  	v62 =	vld [tilespmem:$0xA8B0]  }
0xde: {  	v63 =	vld [tilespmem:$0xA8C0]  }
0xdf: {  	[tilespmem:$0xA980] =	vst v1;
	v1 =	vld [tilespmem:$0xA8D0]  }
0xe0: {  	[tilespmem:$0xA990] =	vst v2;
	v2 =	vld [tilespmem:$0xA8E0]  }
0xe1: {  	[tilespmem:$0xA9A0] =	vst v3;
	v3 =	vld [tilespmem:$0xA8F0]  }
0xe2: {  	[tilespmem:$0xA9B0] =	vst v62  }
0xe3: {  	[tilespmem:$0xA9C0] =	vst v63  }
0xe4: {  	[tilespmem:$0xA9D0] =	vst v1  }
0xe5: {  	[tilespmem:$0xA9E0] =	vst v2  }
0xe6: {  	[tilespmem:$0xA9F0] =	vst v3  }
0xe7: {  	[spmem:s1] =	stream.indirect.scatter.add.f32 [tilespmem:s26], [sflag:$0x5], $0x80, s7, s24, $0xb8;
	[tilespmem:$0x1EB80] =	vst v63  }
0xe8: {  	_ =	swait.ge [sflag:s22], $0x4000  }
0xe9: {  	[sflag:s22] =	ssyncset.done $0x0  }
0xea: {  	s20 =	rddreg [dreg:$0x6];
	[sflag:s22] =	ssyncadd.s32 $0xFFFFC000  }
0xeb: {  	[tilespmem:s25], [sflag:$0x5] =	stream.linear.gather [hbm4b:s20+s3], $0x80, $0x38;
	[tilespmem:$0x1EB80] =	vst v63  }
0xec: {  	_ =	swait.ge [sflag:s22], $0x80  }
0xed: {  	[sflag:s22] =	ssyncset.done $0x0  }
0xee: {  	[sflag:s22] =	ssyncadd.s32 $0xFFFFFF80  }
0xef: {  	v1 =	vld [tilespmem:$0x2700]  }
0xf0: {  	v2 =	vld [tilespmem:$0xA800];
	_ =	sdelay $0x3  }
0xf1: {  	[tilespmem:$0x1E280] =	vst v1  }
0xf2: {  	s14 =	simm.s32 $0x1E280;
	[tilespmem:$0x1E300] =	vst v2  }
0xf3: {  	[tilespmem:s10], [sflag:$0x1] =	stream.indirect.gather [hbm4b:s4+s9], $0x80, s14, s9, $0xb8;
	[tilespmem:$0x1EB80] =	vst v63  }
0xf4: {  	_ =	swait.ge [sflag:s29], $0x800  }
0xf5: {  	[sflag:s29] =	ssyncset.done $0x0  }
0xf6: {  	s16 =	simm.s32 $0x1E300;
	[sflag:s29] =	ssyncadd.s32 $0xFFFFF800  }
0xf7: {  	[spmem:s1] =	stream.indirect.scatter.add.f32 [tilespmem:s10], [sflag:$0x5], $0x80, s16, s9, $0xb8;
	[tilespmem:$0x1EB80] =	vst v63  }
0xf8: {  	_ =	swait.ge [sflag:s22], $0x800  }
0xf9: {  	[sflag:s22] =	ssyncset.done $0x0  }
0xfa: {  	s17 =	stileid.u32;
	[sflag:s22] =	ssyncadd.s32 $0xFFFFF800  }
0xfb: {  	s13 =	sshll.u32 s17, $0x6;
	[bflag:$0x0] =	sbarrier.arrive $0xFFFF  }
0xfc: {  	s13 =	sor.u32 $0x1C05, s13;
	s14 =	sshrl.u32 s12, $0x3;
	s16 =	rddreg [dreg:$0x7]  }
0xfd: {  	[hbm:s16], [sflag:s13] =	dma.local [spmem:s14], $0x2700  }
0xfe: {  	_ =	swait.ge [sflag:s22], $0x2700  }
0xff: {  	[sflag:s22] =	ssyncset.done $0x0  }
0x100: {  	s14 =	sshrl.u32 @!p0 s8, $0x3;
	s16 =	rddreg [dreg:$0x8];
	[sflag:s22] =	ssyncadd.s32 $0xFFFFD900  }
0x101: {  	[hbm:s16], [sflag:s13] =	dma.local @!p0 [spmem:s14], $0x100  }
0x102: {  	s13 =	simm.s32 @!p0 $0x5  }
0x103: {  	_ =	swait.ge @!p0 [sflag:s13], $0x100  }
0x104: {  	s11 =	sadd.s32 $0x1, s11;
	s20 =	rddreg [dreg:$0x9]  }
0x105: {  	p1 =	sne.s32 s11, s20  }
.Ltmp2:
0x106: {  	_ = 	snop;
	(pc) =	sbr.rel @p1 .LBB2_1-.Ltmp2, $3  }
0x107: {  	_ =	sdelay $0x1  }
0x108: {  	[sflag:s13] =	ssyncset.done @!p0 $0x0  }
0x109: {  	[sflag:s13] =	ssyncadd.s32 @!p0 $0xFFFFFF00  }
0x10a: {  	_ =	sfence.sel $0x180000  }
0x10b: {  	[bflag:$0x0] =	sbarrier.arrive $0xFFFF  }
0x10c: {  	_ =	strace $0x9000004A  }
0x10d: {  	s0 =	stileid.u32;
	[bflag:$0x2] =	sbarrier.arrive $0xFFFF  }
0x10e: {  	p0 =	sne.s32 s0, $0x0;
	s0 =	rddreg [dreg:$0x3]  }
0x10f: {  	s0 =	sadd.s32 @!p0 $0x100000, s0  }
0x110: {  	[sflag:s0] =	ssyncadd.tile.s32 @!p0 $0x1;
	_ =	shalt  }
.Lfunc_end2:
_tile_overlayer_lowered:
.L_overlay_start_2:
0x111: {  	(tag) =	ssettag $0x2  }
0x112: {  	s0 =	rddreg [dreg:$0x0];
	s2 =	stileid.u32  }
0x113: {  	s1 =	rddreg [dreg:$0x1];
	p0 =	sne.s32 s2, $0x0  }
0x114: {  	s3 =	rddreg [dreg:$0x2];
	[bflag:$0x3] =	sbarrier.arrive $0xFFFF;
	s2 =	simm.s32 @!p0 $0x1C05  }
0x115: {  	[timem:s3], [sflag:s2] =	dma.local @!p0 [hbm:s0], s1  }
0x116: {  	s0 =	simm.s32 @!p0 $0x5  }
0x117: {  	_ =	swait.ge @!p0 [sflag:s0], s1  }
0x118: {  	s1 =	ssub.s32 @!p0 $0x0, s1;
	[sflag:s0] =	ssyncset.done @!p0 $0x0  }
0x119: {  	[sflag:s0] =	ssyncadd.s32 @!p0 s1  }
0x11a: {  	[bflag:$0x3] =	sbarrier.arrive $0xFFFF  }
0x11b: {  	_ =	shalt  }

// kernel: kernel.16.cloned.1.call-start
scs
__scs_entry_jumppad:
0x0: {  	(pc) =	sbr.rel $0x88, $3  }
0x1: {  	(tag) =	ssettag $0x0;
	lr =	simm.s32 $0x1  }
0x2: {  	[smem:$0x3F98] =	sst lr;
	_ =	strace $0xD0000000  }
0x3: {  	_ = 	snop  }
0x4: {  	_ = 	snop  }
0x5: {  	_ = 	snop  }
0x6: {  	_ = 	snop  }
0x7: {  	_ = 	snop  }
__scs_overlays_trampoline_lowered:
0x8: {  	[smem:$0x3FA7] =	sst s0  }
0x9: {  	[smem:$0x3FA8] =	sst s1  }
0xa: {  	[smem:$0x3FA9] =	sst s2  }
0xb: {  	[smem:$0x3FAA] =	sst s3  }
0xc: {  	[smem:$0x3FAB] =	sst s4  }
0xd: {  	[smem:$0x3FAC] =	sst s5  }
0xe: {  	[smem:$0x3FAD] =	sst s6  }
0xf: {  	[smem:$0x3FAE] =	sst s7  }
0x10: {  	[smem:$0x3FAF] =	sst s8  }
0x11: {  	[smem:$0x3FB0] =	sst s9;
	s0 =	simm.s32 @!p0 $0x0  }
0x12: {  	s1 =	sld [smem:$0x3F96];
	s0 =	simm.s32 @p0 $0x1  }
0x13: {  	[smem:$0x3FB1] =	sst s0;
	s0 =	simm.s32 @!p1 $0x0  }
0x14: {  	s2 =	sld [smem:$0x3F95];
	s0 =	simm.s32 @p1 $0x1  }
0x15: {  	[smem:$0x3FB2] =	sst s0;
	s0 =	simm.s32 @!p2 $0x0  }
0x16: {  	s3 =	sld [smem:$0x3FDB];
	s0 =	simm.s32 @p2 $0x1  }
0x17: {  	s4 =	simm.s32 $0x1BF5;
	[smem:$0x3FB4] =	sst s0  }
0x18: {  	s0 =	sld [smem:$0x3F97];
	_ =	swait.ge [sflag:s4], $0x0  }
0x19: {  	s7 =	sld [smem:$0x3F98]  }
0x1a: {  	s8 =	sadd.s32 $0xFFFFE003, lr  }
0x1b: {  	s9 =	sadd.s32 $0xFFFFFEF7, lr;
	s5 =	simm.s32 $0xFFFFFFFF;
	p2 =	slt.u32 s8, $0xFFFFF086  }
0x1c: {  	p1 =	slt.u32 s9, $0xF7A;
	s5 =	simm.s32 @!p2 $0x0  }
0x1d: {  	s5 =	simm.s32 @p1 $0x1;
	p0 =	seq.s32 s7, s2  }
0x1e: {  	s7 =	smul.u32 @!p0 $0xF7A, s2;
	p2 =	seq.s32 @!p0 s5, $0x0  }
0x1f: {  	s9 =	smul.u32 $0xF7A, s1;
	s8 =	simm.s32 @!p0 $0x1BF5;
	p2 =	por !p2, p0  }
0x20: {  	[sflag:s8] =	ssyncset.s32 @!p0 $0xFFFFF086;
	s6 =	sadd.s32 @!p0 s3, s7;
	s7 =	simm.s32 @!p0 $0x108  }
0x21: {  	s3 =	sadd.s32 s3, s9;
	s6 =	sadd.s32 @!p0 $0x88, s6;
	s7 =	simm.s32 @p2 $0x1082  }
0x22: {  	[simem:s7], [sflag:s8] =	dma.local @!p0 [hbm:s6], $0xF7A  }
0x23: {  	s9 =	sor.u32 $0xD0000000, s2;
	s6 =	simm.s32 $0x108;
	_ =	swait.ge @!p0 [sflag:s8], $0x0  }
0x24: {  	s3 =	sadd.s32 $0x88, s3;
	s6 =	simm.s32 @!p1 $0x1082;
	[sflag:s4] =	ssyncset.s32 $0xFFFFF086  }
0x25: {  	[simem:s6], [sflag:s4] =	dma.local [hbm:s3], $0xF7A  }
0x26: {  	[smem:$0x3F98] =	sst s1;
	(tag) =	ssettag s2;
	_ =	strace s9  }
0x27: {  	s1 =	sld [smem:$0x3FA8]  }
0x28: {  	s2 =	sld [smem:$0x3FA9]  }
0x29: {  	s4 =	sld [smem:$0x3FAB]  }
0x2a: {  	p0 =	seq.s32 s5, $0x0;
	s5 =	sld [smem:$0x3FAC]  }
0x2b: {  	s6 =	sld [smem:$0x3FAD]  }
0x2c: {  	s7 =	sld [smem:$0x3FAE]  }
0x2d: {  	s3 =	simm.s32 $0x108;
	s8 =	sld [smem:$0x3FAF]  }
0x2e: {  	s3 =	simm.s32 @!p0 $0x1082;
	s9 =	sld [smem:$0x3FB0]  }
0x2f: {  	lr =	sadd.s32 s0, s3;
	s0 =	sld [smem:$0x3FA7]  }
0x30: {  	s3 =	sld [smem:$0x3FAA]  }
0x31: {  	[smem:$0x3FB3] =	sst s10  }
0x32: {  	s10 =	sld [smem:$0x3FB1];
	_ =	sdelay $0x3  }
0x33: {  	p0 =	seq.s32 s10, $0x1;
	s10 =	sld [smem:$0x3FB3];
	_ =	sdelay $0x3  }
0x34: {  	[smem:$0x3FB3] =	sst s10  }
0x35: {  	s10 =	sld [smem:$0x3FB2];
	_ =	sdelay $0x3  }
0x36: {  	p1 =	seq.s32 s10, $0x1;
	s10 =	sld [smem:$0x3FB3];
	_ =	sdelay $0x3  }
0x37: {  	[smem:$0x3FB3] =	sst s10  }
0x38: {  	s10 =	sld [smem:$0x3FB4]  }
0x39: {  	_ = 	snop;
	(pc) =	sbr.ind lr, $3  }
0x3a: {  	_ = 	snop  }
0x3b: {  	_ = 	snop  }
0x3c: {  	p2 =	seq.s32 s10, $0x1;
	s10 =	sld [smem:$0x3FB3]  }
0x3d: {  	_ =	shalt  }
0x3e: {  	_ =	shalt  }
0x3f: {  	_ =	shalt  }
0x40: {  	_ =	shalt  }
0x41: {  	_ =	shalt  }
0x42: {  	_ =	shalt  }
0x43: {  	_ =	shalt  }
0x44: {  	_ =	shalt  }
0x45: {  	_ =	shalt  }
0x46: {  	_ =	shalt  }
0x47: {  	_ =	shalt  }
0x48: {  	_ =	shalt  }
0x49: {  	_ =	shalt  }
0x4a: {  	_ =	shalt  }
0x4b: {  	_ =	shalt  }
0x4c: {  	_ =	shalt  }
0x4d: {  	_ =	shalt  }
0x4e: {  	_ =	shalt  }
0x4f: {  	_ =	shalt  }
0x50: {  	_ =	shalt  }
0x51: {  	_ =	shalt  }
0x52: {  	_ =	shalt  }
0x53: {  	_ =	shalt  }
0x54: {  	_ =	shalt  }
0x55: {  	_ =	shalt  }
0x56: {  	_ =	shalt  }
0x57: {  	_ =	shalt  }
0x58: {  	_ =	shalt  }
0x59: {  	_ =	shalt  }
0x5a: {  	_ =	shalt  }
0x5b: {  	_ =	shalt  }
0x5c: {  	_ =	shalt  }
0x5d: {  	_ =	shalt  }
0x5e: {  	_ =	shalt  }
0x5f: {  	_ =	shalt  }
0x60: {  	_ =	shalt  }
0x61: {  	_ =	shalt  }
0x62: {  	_ =	shalt  }
0x63: {  	_ =	shalt  }
0x64: {  	_ =	shalt  }
0x65: {  	_ =	shalt  }
0x66: {  	_ =	shalt  }
0x67: {  	_ =	shalt  }
0x68: {  	_ =	shalt  }
0x69: {  	_ =	shalt  }
0x6a: {  	_ =	shalt  }
0x6b: {  	_ =	shalt  }
0x6c: {  	_ =	shalt  }
0x6d: {  	_ =	shalt  }
0x6e: {  	_ =	shalt  }
0x6f: {  	_ =	shalt  }
0x70: {  	_ =	shalt  }
0x71: {  	_ =	shalt  }
0x72: {  	_ =	shalt  }
0x73: {  	_ =	shalt  }
0x74: {  	_ =	shalt  }
0x75: {  	_ =	shalt  }
0x76: {  	_ =	shalt  }
0x77: {  	_ =	shalt  }
0x78: {  	_ =	shalt  }
0x79: {  	_ =	shalt  }
0x7a: {  	_ =	shalt  }
0x7b: {  	_ =	shalt  }
0x7c: {  	_ =	shalt  }
0x7d: {  	_ =	shalt  }
0x7e: {  	_ =	shalt  }
0x7f: {  	_ =	shalt  }
0x80: {  	_ =	shalt  }
0x81: {  	_ =	shalt  }
0x82: {  	_ =	shalt  }
0x83: {  	_ =	shalt  }
0x84: {  	_ =	shalt  }
0x85: {  	_ =	shalt  }
0x86: {  	_ =	shalt  }
0x87: {  	_ =	shalt  }
.Lfunc_end0:
.L_simem_size_0:
called_computation.2_lowered:
.L_overlay_start_0:
0x88: {  	s2 =	sld [smem:$0x3FD9]  }
0x89: {  	s3 =	sld [smem:$0x3FFE];
	_ =	sdelay $0x1  }
0x8a: {  	s1 =	srdreg.scid  }
0x8b: {  	s0 =	sand.u32 $0x1, s1  }
0x8c: {  	s17 =	sshll.u32 s0, $0xA;
	s2 =	sadd.s32 s3, s2  }
0x8d: {  	s2 =	sadd.s32 s2, s17  }
0x8e: {  	[smem:$0x3FBF] =	sst s2  }
0x8f: {  	_ = 	snop  }
0x90: {  	s2 =	sld [smem:$0x3FD0];
	(tm) =	ssettm $0x1  }
0x91: {  	s18 =	sld [smem:$0x3FFB];
	_ =	sdelay $0x3  }
0x92: {  	_ =	strace s18  }
0x93: {  	s3 =	sld [smem:$0x3FFC];
	_ =	sdelay $0x3  }
0x94: {  	_ =	strace s3  }
0x95: {  	s3 =	sld [smem:$0x3FFD];
	_ =	sdelay $0x3  }
0x96: {  	_ =	strace s3  }
0x97: {  	_ =	strace $0x8FFFFFFF  }
0x98: {  	s19 =	sld [smem:$0x3FDB];
	_ =	sdelay $0x1  }
0x99: {  	s4 =	simm.s32 $_scs_section_size  }
0x9a: {  	s5 =	simm.s32 $_size__tile_overlayer_lowered;
	s6 =	simm.s32 $_tile_overlayer_lowered  }
0x9b: {  	s22 =	simm.s32 $0x1BFF;
	s21 =	sshll.u32 s6, $0x1;
	s3 =	sadd.s32 s4, s19  }
0x9c: {  	s7 =	simm.s32 $0x0;
	s20 =	sshll.u32 s5, $0x1;
	s5 =	sadd.s32 s21, s3  }
0x9d: {  	[timem:s7], [sflag:s22] =	dma.local [hbm:s5], s20  }
0x9e: {  	_ =	swait.ge [sflag:s22], s20  }
0x9f: {  	s4 =	ssub.s32 $0x0, s20;
	[sflag:s22] =	ssyncset.done $0x0  }
0xa0: {  	[sflag:s22] =	ssyncadd.s32 s4;
	_ =	sdelay $0x1  }
0xa1: {  	s23 =	simm.s32 $0x1B8B  }
0xa2: {  	_ =	swait.ge [sflag:s23], $0x1  }
0xa3: {  	[sflag:s23] =	ssyncset.done $0x0  }
0xa4: {  	s25 =	simm.s32 $0x1B8E;
	s24 =	sld [smem:$0x3FFE];
	[sflag:s23] =	ssyncadd.s32 $0xFFFFFFFF  }
0xa5: {  	s26 =	simm.s32 $execute0_lowered;
	[smem:$0x3FD2] =	sst s25  }
0xa6: {  	s5 =	sshll.u32 s26, $0x1;
	_ =	strace $0x8000004C;
	[dreg:$0x1] =	wrdreg $0xFFFFFFFF  }
0xa7: {  	s28 =	simm.s32 $_size_execute0_lowered;
	s3 =	sadd.s32 s3, s5;
	[dreg:$0x0] =	wrdreg $0x0  }
0xa8: {  	s5 =	sshll.u32 s28, $0x1;
	[dreg:$0x2] =	wrdreg s3  }
0xa9: {  	[dreg:$0x3] =	wrdreg s5  }
0xaa: {  	[dreg:$0x4] =	wrdreg $0xC0  }
0xab: {  	_ =	task [dreg:s7], $0x5FFFF  }
0xac: {  	[dreg:$0x1] =	wrdreg $0xFFFFFFFF  }
0xad: {  	[dreg:$0x0] =	wrdreg $0x60  }
0xae: {  	[dreg:$0x2] =	wrdreg s24  }
0xaf: {  	[dreg:$0x3] =	wrdreg s2  }
0xb0: {  	[dreg:$0x4] =	wrdreg $0xAA000  }
0xb1: {  	[dreg:$0x5] =	wrdreg $0x9  }
0xb2: {  	_ =	task.clear_ibuf [dreg:s7], $0x6FFFF;
	_ =	strace $0x9000004C  }
0xb3: {  	s29 =	simm.s32 $0x9;
	_ =	strace $0x8000004E  }
0xb4: {  	_ =	swait.ge [sflag:s29], $0x1  }
0xb5: {  	[sflag:s29] =	ssyncadd.s32 $0xFFFFFFFF  }
0xb6: {  	_ =	strace $0x9000004E  }
0xb7: {  	_ =	sfence  }
0xb8: {  	s30 =	sld [smem:$0x0];
	_ =	sdelay $0x2  }
0xb9: {  	s31 =	sshll.u32 s1, $0xD;
	s1 =	sshrl.u32 s1, $0x2  }
0xba: {  	s3 =	sand.u32 $0x4000, s31;
	s1 =	sadd.s32 s1, s30  }
0xbb: {  	s0 =	sor.u32 s3, s0;
	s1 =	sshll.u32 s1, $0x11  }
0xbc: {  	s0 =	sor.u32 s1, s0  }
0xbd: {  	s0 =	sadd.s32 $0x8F2B, s0  }
0xbe: {  	[sflag:s0] =	ssyncadd.remote.s32 $0x1  }
0xbf: {  	_ =	sfence.sel $0xFFFF  }
0xc0: {  	[dreg:$0x0] =	wrdreg $0xFFFFFFFF;
	(pc) =	sbr.abs _section_cstart, $3  }
0xc1: {  	[dreg:$0x1] =	wrdreg $0xFFFFFFFF  }
0xc2: {  	_ =	task.clear_ibuf [dreg:s7], $0x2FFFF;
	_ =	strace $0x9FFFFFFF  }
0xc3: {  	(tm) =	ssettm $0x7FFFFFFF  }
tec
execute0_lowered:
.L_overlay_start_1:
0x0: {  	(tag) =	ssettag $0x1  }
0x1: {  	s0 =	rddreg [dreg:$0x0]  }
0x2: {  	s2 =	rddreg [dreg:$0x1]  }
0x3: {  	s1 =	rddreg [dreg:$0x2];
	s4 =	srdreg.scid;
	s3 =	simm.s32 $0x0  }
0x4: {  	s14 =	stileid.u32;
	s28 =	simm.s32 $0xA880;
	s29 =	simm.s32 $0x1  }
0x5: {  	s30 =	simm.s32 $0x3;
	s31 =	simm.s32 $0xA900;
	s12 =	smul.u32 $0x13800, s14  }
0x6: {  	s7 =	sand.u32 $0x1, s4;
	[smem:$0x7FF] =	sst s3;
	s19 =	smul.u32 $0x4E000, s14  }
0x7: {  	s5 =	sadd.s32 $0x17000, s0;
	s13 =	smul.u32 $0x2780, s14;
	p0 =	sne.s32 s14, $0xF  }
0x8: {  	s4 =	sshll.u32 s7, $0x4;
	_ =	strace $0x8000004D;
	s11 =	smul.u32 $0x138800, s7  }
0x9: {  	s9 =	ssub.s32 $0x2, s7;
	s7 =	smul.u32 $0x27800, s7;
	s6 =	sor.u32 s14, s4  }
0xa: {  	s4 =	sadd.s32 $0x20E00, s0;
	s15 =	sshrl.u32 s9, $0x1;
	s8 =	smul.u32 $0x2780, s6  }
0xb: {  	s0 =	sadd.s32 $0x48000, s0;
	s10 =	smul.u32 $0x500, s6;
	s9 =	ssub.s32 s9, s15  }
0xc: {  	s18 =	sadd.s32 s12, s11;
	s11 =	sshrl.u32 s11, $0x3;
	s23 =	sadd.s32 s13, s7  }
0xd: {  	s7 =	simm.s32 $0xA980;
	s11 =	sadd.s32 s0, s11;
	s21 =	smax.u32 s9, $0x1  }
0xe: {  	s26 =	sadd.s32 $0x80, s23;
	s15 =	sadd.s32 $0x100, s23;
	s23 =	simm.s32 $0x2800  }
0xf: {  	s9 =	simm.s32 $0x10;
	s8 =	sshrl.u32 s8, $0x3;
	s2 =	sadd.s32 s2, s10  }
0x10: {  	s10 =	sshrl.u32 s19, $0x2;
	s20 =	sadd.s32 $0x27000, s11;
	[dreg:$0x9] =	wrdreg s21  }
0x11: {  	s11 =	simm.s32 $0x0;
	s6 =	sadd.s32 s5, s8;
	[dreg:$0x4] =	wrdreg s2  }
0x12: {  	s8 =	sadd.s32 $0x138000, s1;
	[dreg:$0x8] =	wrdreg s20;
	s16 =	sadd.s32 $0x4D0, s6  }
0x13: {  	s2 =	sshrl.u32 s18, $0x3;
	s17 =	sadd.s32 $0x4E0, s6;
	[dreg:$0x5] =	wrdreg s16  }
0x14: {  	s12 =	sadd.s32 s10, s1;
	s0 =	sadd.s32 s0, s2;
	[dreg:$0x6] =	wrdreg s17  }
0x15: {  	s10 =	simm.s32 $0x1E380;
	s22 =	sadd.s32 $0x3400, s12;
	[dreg:$0x7] =	wrdreg s0  }
0x16: {  	s24 =	sadd.s32 $0x6800, s12;
	s25 =	sadd.s32 $0x9C00, s12;
	[dreg:$0xa] =	wrdreg s22  }
0x17: {  	s18 =	sadd.s32 $0xD000, s12;
	s19 =	sadd.s32 $0x10400, s12;
	[dreg:$0xb] =	wrdreg s24  }
0x18: {  	s2 =	sshrl.u32 s26, $0x3;
	s26 =	simm.s32 $0x6800;
	[dreg:$0xc] =	wrdreg s25  }
0x19: {  	s21 =	sadd.s32 s2, s5;
	s22 =	simm.s32 $0x5;
	s24 =	simm.s32 $0x80  }
0x1a: {  	v0 =	vimm.f32 $0.0e+00;
	s25 =	simm.s32 $0xA800;
	s0 =	simm.s32 $0x2;
	s2 =	simm.s32 $0x4  }
.LBB2_1:
0x1b: {  	s13 =	rddreg [dreg:$0x4]  }
0x1c: {  	[tilespmem:s3], [sflag:$0x5] =	stream.linear.gather [hbm4b:s13+s3], $0x2780, $0x38;
	[tilespmem:$0x1EB80] =	vst v63  }
0x1d: {  	_ =	swait.ge [sflag:s22], $0x2780  }
0x1e: {  	[sflag:s22] =	ssyncset.done $0x0  }
0x1f: {  	s14 =	simm.s32 $0x3C0;
	s13 =	simm.s32 $0x70;
	[sflag:s22] =	ssyncadd.s32 $0xFFFFD880  }
.LBB2_2:
0x20: {  	p1 =	sne.s32 s14, $0xCFC0;
	[tilespmem:s13+$0x2800] =	vst v0  }
0x21: {  	[tilespmem:s13+$0x2790] =	vst v0  }
0x22: {  	[tilespmem:s13+$0x27A0] =	vst v0  }
.Ltmp0:
0x23: {  	[tilespmem:s13+$0x27B0] =	vst v0;
	(pc) =	sbr.rel @p1 .LBB2_2-.Ltmp0, $4  }
0x24: {  	[tilespmem:s13+$0x27C0] =	vst v0  }
0x25: {  	[tilespmem:s13+$0x27D0] =	vst v0  }
0x26: {  	[tilespmem:s13+$0x27E0] =	vst v0  }
0x27: {  	[tilespmem:s13+$0x27F0] =	vst v0;
	s13 =	sshra.s32 s14, $0x2;
	s14 =	sadd.s32 $0x200, s14  }
0x28: {  	[tilespmem:s13+$0x2800] =	vst v0  }
0x29: {  	[tilespmem:s13+$0x2790] =	vst v0  }
0x2a: {  	[tilespmem:s13+$0x27A0] =	vst v0  }
0x2b: {  	[tilespmem:s13+$0x27B0] =	vst v0  }
0x2c: {  	[tilespmem:s13+$0x27C0] =	vst v0  }
0x2d: {  	[tilespmem:s13+$0x27D0] =	vst v0  }
0x2e: {  	[tilespmem:s13+$0x27E0] =	vst v0  }
0x2f: {  	[tilespmem:s13+$0x27F0] =	vst v0  }
0x30: {  	[spmem:s12] =	stream.linear.scatter [tilespmem:s23], [sflag:$0x5], $0x3400, $0x38;
	[tilespmem:$0x1EB80] =	vst v63  }
0x31: {  	_ =	swait.ge [sflag:s22], $0x3400  }
0x32: {  	[sflag:s22] =	ssyncset.done $0x0  }
0x33: {  	s17 =	rddreg [dreg:$0xa];
	[sflag:s22] =	ssyncadd.s32 $0xFFFFCC00  }
0x34: {  	[spmem:s17] =	stream.linear.scatter [tilespmem:s23], [sflag:$0x5], $0x3400, $0x38;
	[tilespmem:$0x1EB80] =	vst v63  }
0x35: {  	_ =	swait.ge [sflag:s22], $0x3400  }
0x36: {  	[sflag:s22] =	ssyncset.done $0x0  }
0x37: {  	s20 =	rddreg [dreg:$0xb];
	[sflag:s22] =	ssyncadd.s32 $0xFFFFCC00  }
0x38: {  	[spmem:s20] =	stream.linear.scatter [tilespmem:s23], [sflag:$0x5], $0x3400, $0x38;
	[tilespmem:$0x1EB80] =	vst v63  }
0x39: {  	_ =	swait.ge [sflag:s22], $0x3400  }
0x3a: {  	[sflag:s22] =	ssyncset.done $0x0  }
0x3b: {  	s14 =	rddreg [dreg:$0xc];
	[sflag:s22] =	ssyncadd.s32 $0xFFFFCC00  }
0x3c: {  	[spmem:s14] =	stream.linear.scatter [tilespmem:s23], [sflag:$0x5], $0x3400, $0x38;
	[tilespmem:$0x1EB80] =	vst v63  }
0x3d: {  	_ =	swait.ge [sflag:s22], $0x3400  }
0x3e: {  	[sflag:s22] =	ssyncset.done $0x0  }
0x3f: {  	[sflag:s22] =	ssyncadd.s32 $0xFFFFCC00  }
0x40: {  	[spmem:s18] =	stream.linear.scatter [tilespmem:s23], [sflag:$0x5], $0x3400, $0x38;
	[tilespmem:$0x1EB80] =	vst v63  }
0x41: {  	_ =	swait.ge [sflag:s22], $0x3400  }
0x42: {  	[sflag:s22] =	ssyncset.done $0x0  }
0x43: {  	[sflag:s22] =	ssyncadd.s32 $0xFFFFCC00  }
0x44: {  	[spmem:s19] =	stream.linear.scatter [tilespmem:s23], [sflag:$0x5], $0x3400, $0x38;
	[tilespmem:$0x1EB80] =	vst v63  }
0x45: {  	_ =	swait.ge [sflag:s22], $0x3400  }
0x46: {  	[sflag:s22] =	ssyncset.done $0x0  }
0x47: {  	s13 =	simm.s32 @!p0 $0x2800;
	[sflag:s22] =	ssyncadd.s32 $0xFFFFCC00  }
0x48: {  	[spmem:s8] =	stream.linear.scatter @!p0 [tilespmem:s13], [sflag:$0x5], $0x800, $0x38;
	[tilespmem:$0x1EB80] =	vst v63  }
0x49: {  	s13 =	simm.s32 @!p0 $0x5  }
0x4a: {  	_ =	swait.ge @!p0 [sflag:s13], $0x800  }
0x4b: {  	[sflag:s13] =	ssyncset.done @!p0 $0x0  }
0x4c: {  	[sflag:s13] =	ssyncadd.s32 @!p0 $0xFFFFF800  }
0x4d: {  	s16 =	simm.s32 $0x0;
	[bflag:$0x0] =	sbarrier.arrive $0xFFFF  }
0x4e: {  	[tilespmem:s23], [sflag:$0x1] =	stream.indirect.gather [hbm4b:s4+s24], $0x80, s16, s24, $0xb8;
	[tilespmem:$0x1EB80] =	vst v63  }
0x4f: {  	_ = 	snop  }
0x50: {  	[tilespmem:s25], [sflag:$0x3] =	stream.linear.gather [hbm4b:s6+s16], $0x80, $0x38;
	[tilespmem:$0x1EB80] =	vst v63  }
0x51: {  	s17 =	simm.s32 $0x80  }
0x52: {  	[tilespmem:s26], [sflag:$0x2] =	stream.indirect.gather [hbm4b:s4+s24], $0x80, s17, s24, $0xb8;
	[tilespmem:$0x1EB80] =	vst v63  }
0x53: {  	s20 =	sadd.s32 $0x0, s21  }
0x54: {  	[tilespmem:s28], [sflag:$0x4] =	stream.linear.gather [hbm4b:s20+s3], $0x80, $0x38;
	[tilespmem:$0x1EB80] =	vst v63  }
0x55: {  	_ =	swait.ge [sflag:s29], $0x4000  }
0x56: {  	[sflag:s29] =	ssyncset.done $0x0  }
0x57: {  	[sflag:s29] =	ssyncadd.s32 $0xFFFFC000  }
0x58: {  	_ =	swait.ge [sflag:s30], $0x80  }
0x59: {  	[sflag:s30] =	ssyncset.done $0x0  }
0x5a: {  	[sflag:s30] =	ssyncadd.s32 $0xFFFFFF80  }
0x5b: {  	v1 =	vld [tilespmem:$0xA870]  }
0x5c: {  	v2 =	vld [tilespmem:$0xA850]  }
0x5d: {  	v3 =	vld [tilespmem:$0xA860]  }
0x5e: {  	v4 =	vld [tilespmem:$0xA830]  }
0x5f: {  	v5 =	vld [tilespmem:$0xA840]  }
0x60: {  	v6 =	vld [tilespmem:$0xA800];
	[tilespmem:$0xA970] =	vst v1  }
0x61: {  	v1 =	vld [tilespmem:$0xA820];
	[tilespmem:$0xA950] =	vst v2  }
0x62: {  	v2 =	vld [tilespmem:$0xA810];
	[tilespmem:$0xA960] =	vst v3  }
0x63: {  	[tilespmem:$0xA930] =	vst v4  }
0x64: {  	[tilespmem:$0xA940] =	vst v5  }
0x65: {  	[tilespmem:$0xA900] =	vst v6  }
0x66: {  	[tilespmem:$0xA920] =	vst v1  }
0x67: {  	[tilespmem:$0xA910] =	vst v2  }
0x68: {  	[spmem:s1] =	stream.indirect.scatter.add.f32 [tilespmem:s23], [sflag:$0x5], $0x80, s31, s24, $0xb8;
	[tilespmem:$0x1EB80] =	vst v63  }
0x69: {  	_ =	swait.ge [sflag:s22], $0x4000  }
0x6a: {  	[sflag:s22] =	ssyncset.done $0x0  }
0x6b: {  	s14 =	sshrl.u32 s15, $0x3;
	s13 =	simm.s32 $0x100;
	[sflag:s22] =	ssyncadd.s32 $0xFFFFC000  }
0x6c: {  	[tilespmem:s23], [sflag:$0x1] =	stream.indirect.gather [hbm4b:s4+s24], $0x80, s13, s24, $0xb8;
	[tilespmem:$0x1EB80] =	vst v63  }
0x6d: {  	s14 =	sadd.s32 s5, s14  }
0x6e: {  	[tilespmem:s25], [sflag:$0x3] =	stream.linear.gather [hbm4b:s14+s3], $0x80, $0x38;
	[tilespmem:$0x1EB80] =	vst v63  }
0x6f: {  	_ =	swait.ge [sflag:s0], $0x4000  }
0x70: {  	[sflag:s0] =	ssyncset.done $0x0  }
0x71: {  	[sflag:s0] =	ssyncadd.s32 $0xFFFFC000  }
0x72: {  	_ =	swait.ge [sflag:s2], $0x80  }
0x73: {  	[sflag:s2] =	ssyncset.done $0x0  }
0x74: {  	[sflag:s2] =	ssyncadd.s32 $0xFFFFFF80  }
0x75: {  	v2 =	vld [tilespmem:$0xA880]  }
0x76: {  	s20 =	smov.u32 s15;
	s14 =	simm.s32 $0x20;
	v1 =	vld [tilespmem:$0xA8D0]  }
.LBB2_4:
0x77: {  	p1 =	sne.s32 s14, $0x4A0;
	v3 =	vld [tilespmem:$0xA8F0];
	s20 =	sadd.s32 $0x100, s20;
	s13 =	sadd.s32 $0x100, s13  }
0x78: {  	s16 =	smov.u32 s14;
	s14 =	sadd.s32 $0x20, s14;
	v4 =	vld [tilespmem:$0xA8E0]  }
0x79: {  	v5 =	vld [tilespmem:$0xA8A0]  }
0x7a: {  	[tilespmem:$0xA980] =	vst v2;
	v2 =	vld [tilespmem:$0xA8B0]  }
0x7b: {  	v6 =	vld [tilespmem:$0xA890];
	[tilespmem:$0xA9D0] =	vst v1  }
0x7c: {  	v1 =	vld [tilespmem:$0xA8C0];
	[tilespmem:$0xA9F0] =	vst v3  }
0x7d: {  	[tilespmem:$0xA9E0] =	vst v4  }
0x7e: {  	[tilespmem:$0xA9A0] =	vst v5  }
0x7f: {  	[tilespmem:$0xA9B0] =	vst v2  }
0x80: {  	[tilespmem:$0xA990] =	vst v6  }
0x81: {  	[tilespmem:$0xA9C0] =	vst v1  }
0x82: {  	[spmem:s1] =	stream.indirect.scatter.add.f32 [tilespmem:s26], [sflag:$0x5], $0x80, s7, s24, $0xb8;
	[tilespmem:$0x1EB80] =	vst v63  }
0x83: {  	_ =	swait.ge [sflag:s22], $0x4000  }
0x84: {  	[sflag:s22] =	ssyncset.done $0x0  }
0x85: {  	s17 =	sadd.s32 $0xFFFFFF80, s13;
	[sflag:s22] =	ssyncadd.s32 $0xFFFFC000  }
0x86: {  	[tilespmem:s26], [sflag:$0x2] =	stream.indirect.gather [hbm4b:s4+s24], $0x80, s17, s24, $0xb8;
	[tilespmem:$0x1EB80] =	vst v63  }
0x87: {  	s16 =	sadd.s32 s16, s21  }
0x88: {  	[tilespmem:s28], [sflag:$0x4] =	stream.linear.gather [hbm4b:s16+s3], $0x80, $0x38;
	[tilespmem:$0x1EB80] =	vst v63  }
0x89: {  	_ =	swait.ge [sflag:s29], $0x4000  }
0x8a: {  	[sflag:s29] =	ssyncset.done $0x0  }
0x8b: {  	[sflag:s29] =	ssyncadd.s32 $0xFFFFC000  }
0x8c: {  	_ =	swait.ge [sflag:s30], $0x80  }
0x8d: {  	[sflag:s30] =	ssyncset.done $0x0  }
0x8e: {  	[sflag:s30] =	ssyncadd.s32 $0xFFFFFF80  }
0x8f: {  	v1 =	vld [tilespmem:$0xA870]  }
0x90: {  	v2 =	vld [tilespmem:$0xA850]  }
0x91: {  	v3 =	vld [tilespmem:$0xA860]  }
0x92: {  	v4 =	vld [tilespmem:$0xA830]  }
0x93: {  	v5 =	vld [tilespmem:$0xA840]  }
0x94: {  	v6 =	vld [tilespmem:$0xA800];
	[tilespmem:$0xA970] =	vst v1  }
0x95: {  	v1 =	vld [tilespmem:$0xA820];
	[tilespmem:$0xA950] =	vst v2  }
0x96: {  	v2 =	vld [tilespmem:$0xA810];
	[tilespmem:$0xA960] =	vst v3  }
0x97: {  	[tilespmem:$0xA930] =	vst v4  }
0x98: {  	[tilespmem:$0xA940] =	vst v5  }
0x99: {  	[tilespmem:$0xA900] =	vst v6  }
0x9a: {  	[tilespmem:$0xA920] =	vst v1  }
0x9b: {  	[tilespmem:$0xA910] =	vst v2  }
0x9c: {  	[spmem:s1] =	stream.indirect.scatter.add.f32 [tilespmem:s23], [sflag:$0x5], $0x80, s31, s24, $0xb8;
	[tilespmem:$0x1EB80] =	vst v63  }
0x9d: {  	_ =	swait.ge [sflag:s22], $0x4000  }
0x9e: {  	[sflag:s22] =	ssyncset.done $0x0  }
0x9f: {  	s16 =	sshrl.u32 s20, $0x3;
	[sflag:s22] =	ssyncadd.s32 $0xFFFFC000  }
0xa0: {  	[tilespmem:s23], [sflag:$0x1] =	stream.indirect.gather [hbm4b:s4+s24], $0x80, s13, s24, $0xb8;
	[tilespmem:$0x1EB80] =	vst v63  }
0xa1: {  	s16 =	sadd.s32 s5, s16  }
0xa2: {  	[tilespmem:s25], [sflag:$0x3] =	stream.linear.gather [hbm4b:s16+s3], $0x80, $0x38;
	[tilespmem:$0x1EB80] =	vst v63  }
0xa3: {  	_ =	swait.ge [sflag:s0], $0x4000  }
0xa4: {  	[sflag:s0] =	ssyncset.done $0x0  }
0xa5: {  	[sflag:s0] =	ssyncadd.s32 $0xFFFFC000  }
.Ltmp1:
0xa6: {  	_ =	swait.ge [sflag:s2], $0x80;
	(pc) =	sbr.rel @p1 .LBB2_4-.Ltmp1, $4  }
0xa7: {  	[sflag:s2] =	ssyncset.done $0x0  }
0xa8: {  	[sflag:s2] =	ssyncadd.s32 $0xFFFFFF80  }
0xa9: {  	v2 =	vld [tilespmem:$0xA880]  }
0xaa: {  	v1 =	vld [tilespmem:$0xA8D0]  }
0xab: {  	v3 =	vld [tilespmem:$0xA8F0]  }
0xac: {  	v4 =	vld [tilespmem:$0xA8E0]  }
0xad: {  	v5 =	vld [tilespmem:$0xA8A0]  }
0xae: {  	v6 =	vld [tilespmem:$0xA890];
	[tilespmem:$0xA980] =	vst v2  }
0xaf: {  	v2 =	vld [tilespmem:$0xA8B0];
	[tilespmem:$0xA9D0] =	vst v1  }
0xb0: {  	v1 =	vld [tilespmem:$0xA8C0];
	[tilespmem:$0xA9F0] =	vst v3  }
0xb1: {  	[tilespmem:$0xA9E0] =	vst v4  }
0xb2: {  	[tilespmem:$0xA9A0] =	vst v5  }
0xb3: {  	[tilespmem:$0xA990] =	vst v6  }
0xb4: {  	[tilespmem:$0xA9B0] =	vst v2  }
0xb5: {  	[tilespmem:$0xA9C0] =	vst v1  }
0xb6: {  	[spmem:s1] =	stream.indirect.scatter.add.f32 [tilespmem:s26], [sflag:$0x5], $0x80, s7, s24, $0xb8;
	[tilespmem:$0x1EB80] =	vst v63  }
0xb7: {  	_ =	swait.ge [sflag:s22], $0x4000  }
0xb8: {  	[sflag:s22] =	ssyncset.done $0x0  }
0xb9: {  	s13 =	simm.s32 $0x2680;
	[sflag:s22] =	ssyncadd.s32 $0xFFFFC000  }
0xba: {  	[tilespmem:s26], [sflag:$0x2] =	stream.indirect.gather [hbm4b:s4+s24], $0x80, s13, s24, $0xb8;
	[tilespmem:$0x1EB80] =	vst v63  }
0xbb: {  	s17 =	rddreg [dreg:$0x5]  }
0xbc: {  	[tilespmem:s28], [sflag:$0x4] =	stream.linear.gather [hbm4b:s17+s3], $0x80, $0x38;
	[tilespmem:$0x1EB80] =	vst v63  }
0xbd: {  	_ =	swait.ge [sflag:s29], $0x4000  }
0xbe: {  	[sflag:s29] =	ssyncset.done $0x0  }
0xbf: {  	[sflag:s29] =	ssyncadd.s32 $0xFFFFC000  }
0xc0: {  	_ =	swait.ge [sflag:s30], $0x80  }
0xc1: {  	[sflag:s30] =	ssyncset.done $0x0  }
0xc2: {  	[sflag:s30] =	ssyncadd.s32 $0xFFFFFF80  }
0xc3: {  	v1 =	vld [tilespmem:$0xA800]  }
0xc4: {  	v2 =	vld [tilespmem:$0xA810]  }
0xc5: {  	v3 =	vld [tilespmem:$0xA820]  }
0xc6: {  	v60 =	vld [tilespmem:$0xA830]  }
0xc7: {  	v61 =	vld [tilespmem:$0xA840]  }
0xc8: {  	[tilespmem:$0xA900] =	vst v1;
	v1 =	vld [tilespmem:$0xA850]  }
0xc9: {  	[tilespmem:$0xA910] =	vst v2;
	v2 =	vld [tilespmem:$0xA860]  }
0xca: {  	[tilespmem:$0xA920] =	vst v3;
	v3 =	vld [tilespmem:$0xA870]  }
0xcb: {  	[tilespmem:$0xA930] =	vst v60  }
0xcc: {  	[tilespmem:$0xA940] =	vst v61  }
0xcd: {  	[tilespmem:$0xA950] =	vst v1  }
0xce: {  	[tilespmem:$0xA960] =	vst v2  }
0xcf: {  	[tilespmem:$0xA970] =	vst v3  }
0xd0: {  	[spmem:s1] =	stream.indirect.scatter.add.f32 [tilespmem:s23], [sflag:$0x5], $0x80, s31, s24, $0xb8;
	[tilespmem:$0x1EB80] =	vst v63  }
0xd1: {  	_ =	swait.ge [sflag:s22], $0x4000  }
0xd2: {  	[sflag:s22] =	ssyncset.done $0x0  }
0xd3: {  	[sflag:s22] =	ssyncadd.s32 $0xFFFFC000  }
0xd4: {  	_ =	swait.ge [sflag:s0], $0x4000  }
0xd5: {  	[sflag:s0] =	ssyncset.done $0x0  }
0xd6: {  	[sflag:s0] =	ssyncadd.s32 $0xFFFFC000  }
0xd7: {  	_ =	swait.ge [sflag:s2], $0x80  }
0xd8: {  	[sflag:s2] =	ssyncset.done $0x0  }
0xd9: {  	[sflag:s2] =	ssyncadd.s32 $0xFFFFFF80  }
0xda: {  	v1 =	vld [tilespmem:$0xA880]  }
0xdb: {  	v2 =	vld [tilespmem:$0xA890]  }
0xdc: {  	v3 =	vld [tilespmem:$0xA8A0]  }
0xdd: {  	v62 =	vld [tilespmem:$0xA8B0]  }
0xde: {  	v63 =	vld [tilespmem:$0xA8C0]  }
0xdf: {  	[tilespmem:$0xA980] =	vst v1;
	v1 =	vld [tilespmem:$0xA8D0]  }
0xe0: {  	[tilespmem:$0xA990] =	vst v2;
	v2 =	vld [tilespmem:$0xA8E0]  }
0xe1: {  	[tilespmem:$0xA9A0] =	vst v3;
	v3 =	vld [tilespmem:$0xA8F0]  }
0xe2: {  	[tilespmem:$0xA9B0] =	vst v62  }
0xe3: {  	[tilespmem:$0xA9C0] =	vst v63  }
0xe4: {  	[tilespmem:$0xA9D0] =	vst v1  }
0xe5: {  	[tilespmem:$0xA9E0] =	vst v2  }
0xe6: {  	[tilespmem:$0xA9F0] =	vst v3  }
0xe7: {  	[spmem:s1] =	stream.indirect.scatter.add.f32 [tilespmem:s26], [sflag:$0x5], $0x80, s7, s24, $0xb8;
	[tilespmem:$0x1EB80] =	vst v63  }
0xe8: {  	_ =	swait.ge [sflag:s22], $0x4000  }
0xe9: {  	[sflag:s22] =	ssyncset.done $0x0  }
0xea: {  	s20 =	rddreg [dreg:$0x6];
	[sflag:s22] =	ssyncadd.s32 $0xFFFFC000  }
0xeb: {  	[tilespmem:s25], [sflag:$0x5] =	stream.linear.gather [hbm4b:s20+s3], $0x80, $0x38;
	[tilespmem:$0x1EB80] =	vst v63  }
0xec: {  	_ =	swait.ge [sflag:s22], $0x80  }
0xed: {  	[sflag:s22] =	ssyncset.done $0x0  }
0xee: {  	[sflag:s22] =	ssyncadd.s32 $0xFFFFFF80  }
0xef: {  	v1 =	vld [tilespmem:$0x2700]  }
0xf0: {  	v2 =	vld [tilespmem:$0xA800];
	_ =	sdelay $0x3  }
0xf1: {  	[tilespmem:$0x1E280] =	vst v1  }
0xf2: {  	s14 =	simm.s32 $0x1E280;
	[tilespmem:$0x1E300] =	vst v2  }
0xf3: {  	[tilespmem:s10], [sflag:$0x1] =	stream.indirect.gather [hbm4b:s4+s9], $0x80, s14, s9, $0xb8;
	[tilespmem:$0x1EB80] =	vst v63  }
0xf4: {  	_ =	swait.ge [sflag:s29], $0x800  }
0xf5: {  	[sflag:s29] =	ssyncset.done $0x0  }
0xf6: {  	s16 =	simm.s32 $0x1E300;
	[sflag:s29] =	ssyncadd.s32 $0xFFFFF800  }
0xf7: {  	[spmem:s1] =	stream.indirect.scatter.add.f32 [tilespmem:s10], [sflag:$0x5], $0x80, s16, s9, $0xb8;
	[tilespmem:$0x1EB80] =	vst v63  }
0xf8: {  	_ =	swait.ge [sflag:s22], $0x800  }
0xf9: {  	[sflag:s22] =	ssyncset.done $0x0  }
0xfa: {  	s17 =	stileid.u32;
	[sflag:s22] =	ssyncadd.s32 $0xFFFFF800  }
0xfb: {  	s13 =	sshll.u32 s17, $0x6;
	[bflag:$0x0] =	sbarrier.arrive $0xFFFF  }
0xfc: {  	s13 =	sor.u32 $0x1C05, s13;
	s14 =	sshrl.u32 s12, $0x3;
	s16 =	rddreg [dreg:$0x7]  }
0xfd: {  	[hbm:s16], [sflag:s13] =	dma.local [spmem:s14], $0x2700  }
0xfe: {  	_ =	swait.ge [sflag:s22], $0x2700  }
0xff: {  	[sflag:s22] =	ssyncset.done $0x0  }
0x100: {  	s14 =	sshrl.u32 @!p0 s8, $0x3;
	s16 =	rddreg [dreg:$0x8];
	[sflag:s22] =	ssyncadd.s32 $0xFFFFD900  }
0x101: {  	[hbm:s16], [sflag:s13] =	dma.local @!p0 [spmem:s14], $0x100  }
0x102: {  	s13 =	simm.s32 @!p0 $0x5  }
0x103: {  	_ =	swait.ge @!p0 [sflag:s13], $0x100  }
0x104: {  	s11 =	sadd.s32 $0x1, s11;
	s20 =	rddreg [dreg:$0x9]  }
0x105: {  	p1 =	sne.s32 s11, s20  }
.Ltmp2:
0x106: {  	_ = 	snop;
	(pc) =	sbr.rel @p1 .LBB2_1-.Ltmp2, $3  }
0x107: {  	_ =	sdelay $0x1  }
0x108: {  	[sflag:s13] =	ssyncset.done @!p0 $0x0  }
0x109: {  	[sflag:s13] =	ssyncadd.s32 @!p0 $0xFFFFFF00  }
0x10a: {  	_ =	sfence.sel $0x180000  }
0x10b: {  	[bflag:$0x0] =	sbarrier.arrive $0xFFFF  }
0x10c: {  	_ =	strace $0x9000004D  }
0x10d: {  	s0 =	stileid.u32;
	[bflag:$0x2] =	sbarrier.arrive $0xFFFF  }
0x10e: {  	p0 =	sne.s32 s0, $0x0;
	s0 =	rddreg [dreg:$0x3]  }
0x10f: {  	s0 =	sadd.s32 @!p0 $0x100000, s0  }
0x110: {  	[sflag:s0] =	ssyncadd.tile.s32 @!p0 $0x1;
	_ =	shalt  }
.Lfunc_end2:
_tile_overlayer_lowered:
.L_overlay_start_2:
0x111: {  	(tag) =	ssettag $0x2  }
0x112: {  	s0 =	rddreg [dreg:$0x0];
	s2 =	stileid.u32  }
0x113: {  	s1 =	rddreg [dreg:$0x1];
	p0 =	sne.s32 s2, $0x0  }
0x114: {  	s3 =	rddreg [dreg:$0x2];
	[bflag:$0x3] =	sbarrier.arrive $0xFFFF;
	s2 =	simm.s32 @!p0 $0x1C05  }
0x115: {  	[timem:s3], [sflag:s2] =	dma.local @!p0 [hbm:s0], s1  }
0x116: {  	s0 =	simm.s32 @!p0 $0x5  }
0x117: {  	_ =	swait.ge @!p0 [sflag:s0], s1  }
0x118: {  	s1 =	ssub.s32 @!p0 $0x0, s1;
	[sflag:s0] =	ssyncset.done @!p0 $0x0  }
0x119: {  	[sflag:s0] =	ssyncadd.s32 @!p0 s1  }
0x11a: {  	[bflag:$0x3] =	sbarrier.arrive $0xFFFF  }
0x11b: {  	_ =	shalt  }

// kernel: kernel.19.cloned.1.call-start
scs
__scs_entry_jumppad:
0x0: {  	(pc) =	sbr.rel $0x88, $3  }
0x1: {  	(tag) =	ssettag $0x0;
	lr =	simm.s32 $0x1  }
0x2: {  	[smem:$0x3F98] =	sst lr;
	_ =	strace $0xD0000000  }
0x3: {  	_ = 	snop  }
0x4: {  	_ = 	snop  }
0x5: {  	_ = 	snop  }
0x6: {  	_ = 	snop  }
0x7: {  	_ = 	snop  }
__scs_overlays_trampoline_lowered:
0x8: {  	[smem:$0x3FA7] =	sst s0  }
0x9: {  	[smem:$0x3FA8] =	sst s1  }
0xa: {  	[smem:$0x3FA9] =	sst s2  }
0xb: {  	[smem:$0x3FAA] =	sst s3  }
0xc: {  	[smem:$0x3FAB] =	sst s4  }
0xd: {  	[smem:$0x3FAC] =	sst s5  }
0xe: {  	[smem:$0x3FAD] =	sst s6  }
0xf: {  	[smem:$0x3FAE] =	sst s7  }
0x10: {  	[smem:$0x3FAF] =	sst s8  }
0x11: {  	[smem:$0x3FB0] =	sst s9;
	s0 =	simm.s32 @!p0 $0x0  }
0x12: {  	s1 =	sld [smem:$0x3F96];
	s0 =	simm.s32 @p0 $0x1  }
0x13: {  	[smem:$0x3FB1] =	sst s0;
	s0 =	simm.s32 @!p1 $0x0  }
0x14: {  	s2 =	sld [smem:$0x3F95];
	s0 =	simm.s32 @p1 $0x1  }
0x15: {  	[smem:$0x3FB2] =	sst s0;
	s0 =	simm.s32 @!p2 $0x0  }
0x16: {  	s3 =	sld [smem:$0x3FDB];
	s0 =	simm.s32 @p2 $0x1  }
0x17: {  	s4 =	simm.s32 $0x1BF5;
	[smem:$0x3FB4] =	sst s0  }
0x18: {  	s0 =	sld [smem:$0x3F97];
	_ =	swait.ge [sflag:s4], $0x0  }
0x19: {  	s7 =	sld [smem:$0x3F98]  }
0x1a: {  	s8 =	sadd.s32 $0xFFFFE003, lr  }
0x1b: {  	s9 =	sadd.s32 $0xFFFFFEF7, lr;
	s5 =	simm.s32 $0xFFFFFFFF;
	p2 =	slt.u32 s8, $0xFFFFF086  }
0x1c: {  	p1 =	slt.u32 s9, $0xF7A;
	s5 =	simm.s32 @!p2 $0x0  }
0x1d: {  	s5 =	simm.s32 @p1 $0x1;
	p0 =	seq.s32 s7, s2  }
0x1e: {  	s7 =	smul.u32 @!p0 $0xF7A, s2;
	p2 =	seq.s32 @!p0 s5, $0x0  }
0x1f: {  	s9 =	smul.u32 $0xF7A, s1;
	s8 =	simm.s32 @!p0 $0x1BF5;
	p2 =	por !p2, p0  }
0x20: {  	[sflag:s8] =	ssyncset.s32 @!p0 $0xFFFFF086;
	s6 =	sadd.s32 @!p0 s3, s7;
	s7 =	simm.s32 @!p0 $0x108  }
0x21: {  	s3 =	sadd.s32 s3, s9;
	s6 =	sadd.s32 @!p0 $0x88, s6;
	s7 =	simm.s32 @p2 $0x1082  }
0x22: {  	[simem:s7], [sflag:s8] =	dma.local @!p0 [hbm:s6], $0xF7A  }
0x23: {  	s9 =	sor.u32 $0xD0000000, s2;
	s6 =	simm.s32 $0x108;
	_ =	swait.ge @!p0 [sflag:s8], $0x0  }
0x24: {  	s3 =	sadd.s32 $0x88, s3;
	s6 =	simm.s32 @!p1 $0x1082;
	[sflag:s4] =	ssyncset.s32 $0xFFFFF086  }
0x25: {  	[simem:s6], [sflag:s4] =	dma.local [hbm:s3], $0xF7A  }
0x26: {  	[smem:$0x3F98] =	sst s1;
	(tag) =	ssettag s2;
	_ =	strace s9  }
0x27: {  	s1 =	sld [smem:$0x3FA8]  }
0x28: {  	s2 =	sld [smem:$0x3FA9]  }
0x29: {  	s4 =	sld [smem:$0x3FAB]  }
0x2a: {  	p0 =	seq.s32 s5, $0x0;
	s5 =	sld [smem:$0x3FAC]  }
0x2b: {  	s6 =	sld [smem:$0x3FAD]  }
0x2c: {  	s7 =	sld [smem:$0x3FAE]  }
0x2d: {  	s3 =	simm.s32 $0x108;
	s8 =	sld [smem:$0x3FAF]  }
0x2e: {  	s3 =	simm.s32 @!p0 $0x1082;
	s9 =	sld [smem:$0x3FB0]  }
0x2f: {  	lr =	sadd.s32 s0, s3;
	s0 =	sld [smem:$0x3FA7]  }
0x30: {  	s3 =	sld [smem:$0x3FAA]  }
0x31: {  	[smem:$0x3FB3] =	sst s10  }
0x32: {  	s10 =	sld [smem:$0x3FB1];
	_ =	sdelay $0x3  }
0x33: {  	p0 =	seq.s32 s10, $0x1;
	s10 =	sld [smem:$0x3FB3];
	_ =	sdelay $0x3  }
0x34: {  	[smem:$0x3FB3] =	sst s10  }
0x35: {  	s10 =	sld [smem:$0x3FB2];
	_ =	sdelay $0x3  }
0x36: {  	p1 =	seq.s32 s10, $0x1;
	s10 =	sld [smem:$0x3FB3];
	_ =	sdelay $0x3  }
0x37: {  	[smem:$0x3FB3] =	sst s10  }
0x38: {  	s10 =	sld [smem:$0x3FB4]  }
0x39: {  	_ = 	snop;
	(pc) =	sbr.ind lr, $3  }
0x3a: {  	_ = 	snop  }
0x3b: {  	_ = 	snop  }
0x3c: {  	p2 =	seq.s32 s10, $0x1;
	s10 =	sld [smem:$0x3FB3]  }
0x3d: {  	_ =	shalt  }
0x3e: {  	_ =	shalt  }
0x3f: {  	_ =	shalt  }
0x40: {  	_ =	shalt  }
0x41: {  	_ =	shalt  }
0x42: {  	_ =	shalt  }
0x43: {  	_ =	shalt  }
0x44: {  	_ =	shalt  }
0x45: {  	_ =	shalt  }
0x46: {  	_ =	shalt  }
0x47: {  	_ =	shalt  }
0x48: {  	_ =	shalt  }
0x49: {  	_ =	shalt  }
0x4a: {  	_ =	shalt  }
0x4b: {  	_ =	shalt  }
0x4c: {  	_ =	shalt  }
0x4d: {  	_ =	shalt  }
0x4e: {  	_ =	shalt  }
0x4f: {  	_ =	shalt  }
0x50: {  	_ =	shalt  }
0x51: {  	_ =	shalt  }
0x52: {  	_ =	shalt  }
0x53: {  	_ =	shalt  }
0x54: {  	_ =	shalt  }
0x55: {  	_ =	shalt  }
0x56: {  	_ =	shalt  }
0x57: {  	_ =	shalt  }
0x58: {  	_ =	shalt  }
0x59: {  	_ =	shalt  }
0x5a: {  	_ =	shalt  }
0x5b: {  	_ =	shalt  }
0x5c: {  	_ =	shalt  }
0x5d: {  	_ =	shalt  }
0x5e: {  	_ =	shalt  }
0x5f: {  	_ =	shalt  }
0x60: {  	_ =	shalt  }
0x61: {  	_ =	shalt  }
0x62: {  	_ =	shalt  }
0x63: {  	_ =	shalt  }
0x64: {  	_ =	shalt  }
0x65: {  	_ =	shalt  }
0x66: {  	_ =	shalt  }
0x67: {  	_ =	shalt  }
0x68: {  	_ =	shalt  }
0x69: {  	_ =	shalt  }
0x6a: {  	_ =	shalt  }
0x6b: {  	_ =	shalt  }
0x6c: {  	_ =	shalt  }
0x6d: {  	_ =	shalt  }
0x6e: {  	_ =	shalt  }
0x6f: {  	_ =	shalt  }
0x70: {  	_ =	shalt  }
0x71: {  	_ =	shalt  }
0x72: {  	_ =	shalt  }
0x73: {  	_ =	shalt  }
0x74: {  	_ =	shalt  }
0x75: {  	_ =	shalt  }
0x76: {  	_ =	shalt  }
0x77: {  	_ =	shalt  }
0x78: {  	_ =	shalt  }
0x79: {  	_ =	shalt  }
0x7a: {  	_ =	shalt  }
0x7b: {  	_ =	shalt  }
0x7c: {  	_ =	shalt  }
0x7d: {  	_ =	shalt  }
0x7e: {  	_ =	shalt  }
0x7f: {  	_ =	shalt  }
0x80: {  	_ =	shalt  }
0x81: {  	_ =	shalt  }
0x82: {  	_ =	shalt  }
0x83: {  	_ =	shalt  }
0x84: {  	_ =	shalt  }
0x85: {  	_ =	shalt  }
0x86: {  	_ =	shalt  }
0x87: {  	_ =	shalt  }
.Lfunc_end0:
.L_simem_size_0:
called_computation.3_lowered:
.L_overlay_start_0:
0x88: {  	s2 =	sld [smem:$0x3FD9]  }
0x89: {  	s3 =	sld [smem:$0x3FFE];
	_ =	sdelay $0x1  }
0x8a: {  	s1 =	srdreg.scid  }
0x8b: {  	s0 =	sand.u32 $0x1, s1  }
0x8c: {  	s17 =	sshll.u32 s0, $0xA;
	s2 =	sadd.s32 s3, s2  }
0x8d: {  	s2 =	sadd.s32 s2, s17  }
0x8e: {  	[smem:$0x3FBF] =	sst s2  }
0x8f: {  	_ = 	snop  }
0x90: {  	s2 =	sld [smem:$0x3FD0];
	(tm) =	ssettm $0x1  }
0x91: {  	s18 =	sld [smem:$0x3FFB];
	_ =	sdelay $0x3  }
0x92: {  	_ =	strace s18  }
0x93: {  	s3 =	sld [smem:$0x3FFC];
	_ =	sdelay $0x3  }
0x94: {  	_ =	strace s3  }
0x95: {  	s3 =	sld [smem:$0x3FFD];
	_ =	sdelay $0x3  }
0x96: {  	_ =	strace s3  }
0x97: {  	_ =	strace $0x8FFFFFFF  }
0x98: {  	s19 =	sld [smem:$0x3FDB];
	_ =	sdelay $0x1  }
0x99: {  	s4 =	simm.s32 $_scs_section_size  }
0x9a: {  	s5 =	simm.s32 $_size__tile_overlayer_lowered;
	s6 =	simm.s32 $_tile_overlayer_lowered  }
0x9b: {  	s22 =	simm.s32 $0x1BFF;
	s21 =	sshll.u32 s6, $0x1;
	s3 =	sadd.s32 s4, s19  }
0x9c: {  	s7 =	simm.s32 $0x0;
	s20 =	sshll.u32 s5, $0x1;
	s5 =	sadd.s32 s21, s3  }
0x9d: {  	[timem:s7], [sflag:s22] =	dma.local [hbm:s5], s20  }
0x9e: {  	_ =	swait.ge [sflag:s22], s20  }
0x9f: {  	s4 =	ssub.s32 $0x0, s20;
	[sflag:s22] =	ssyncset.done $0x0  }
0xa0: {  	[sflag:s22] =	ssyncadd.s32 s4;
	_ =	sdelay $0x1  }
0xa1: {  	s23 =	simm.s32 $0x1B8B  }
0xa2: {  	_ =	swait.ge [sflag:s23], $0x1  }
0xa3: {  	[sflag:s23] =	ssyncset.done $0x0  }
0xa4: {  	s25 =	simm.s32 $0x1B8E;
	s24 =	sld [smem:$0x3FFE];
	[sflag:s23] =	ssyncadd.s32 $0xFFFFFFFF  }
0xa5: {  	s26 =	simm.s32 $execute0_lowered;
	[smem:$0x3FD2] =	sst s25  }
0xa6: {  	s5 =	sshll.u32 s26, $0x1;
	_ =	strace $0x8000004F;
	[dreg:$0x1] =	wrdreg $0xFFFFFFFF  }
0xa7: {  	s28 =	simm.s32 $_size_execute0_lowered;
	s3 =	sadd.s32 s3, s5;
	[dreg:$0x0] =	wrdreg $0x0  }
0xa8: {  	s5 =	sshll.u32 s28, $0x1;
	[dreg:$0x2] =	wrdreg s3  }
0xa9: {  	[dreg:$0x3] =	wrdreg s5  }
0xaa: {  	[dreg:$0x4] =	wrdreg $0xC0  }
0xab: {  	_ =	task [dreg:s7], $0x5FFFF  }
0xac: {  	[dreg:$0x1] =	wrdreg $0xFFFFFFFF  }
0xad: {  	[dreg:$0x0] =	wrdreg $0x60  }
0xae: {  	[dreg:$0x2] =	wrdreg s24  }
0xaf: {  	[dreg:$0x3] =	wrdreg s2  }
0xb0: {  	[dreg:$0x4] =	wrdreg $0xAA000  }
0xb1: {  	[dreg:$0x5] =	wrdreg $0x9  }
0xb2: {  	_ =	task.clear_ibuf [dreg:s7], $0x6FFFF;
	_ =	strace $0x9000004F  }
0xb3: {  	s29 =	simm.s32 $0x9;
	_ =	strace $0x80000051  }
0xb4: {  	_ =	swait.ge [sflag:s29], $0x1  }
0xb5: {  	[sflag:s29] =	ssyncadd.s32 $0xFFFFFFFF  }
0xb6: {  	_ =	strace $0x90000051  }
0xb7: {  	_ =	sfence  }
0xb8: {  	s30 =	sld [smem:$0x0];
	_ =	sdelay $0x2  }
0xb9: {  	s31 =	sshll.u32 s1, $0xD;
	s1 =	sshrl.u32 s1, $0x2  }
0xba: {  	s3 =	sand.u32 $0x4000, s31;
	s1 =	sadd.s32 s1, s30  }
0xbb: {  	s0 =	sor.u32 s3, s0;
	s1 =	sshll.u32 s1, $0x11  }
0xbc: {  	s0 =	sor.u32 s1, s0  }
0xbd: {  	s0 =	sadd.s32 $0x8F2B, s0  }
0xbe: {  	[sflag:s0] =	ssyncadd.remote.s32 $0x1  }
0xbf: {  	_ =	sfence.sel $0xFFFF  }
0xc0: {  	[dreg:$0x0] =	wrdreg $0xFFFFFFFF;
	(pc) =	sbr.abs _section_cstart, $3  }
0xc1: {  	[dreg:$0x1] =	wrdreg $0xFFFFFFFF  }
0xc2: {  	_ =	task.clear_ibuf [dreg:s7], $0x2FFFF;
	_ =	strace $0x9FFFFFFF  }
0xc3: {  	(tm) =	ssettm $0x7FFFFFFF  }
tec
execute0_lowered:
.L_overlay_start_1:
0x0: {  	(tag) =	ssettag $0x1  }
0x1: {  	s0 =	rddreg [dreg:$0x0]  }
0x2: {  	s2 =	rddreg [dreg:$0x1]  }
0x3: {  	s1 =	rddreg [dreg:$0x2];
	s4 =	srdreg.scid;
	s3 =	simm.s32 $0x0  }
0x4: {  	s14 =	stileid.u32;
	s28 =	simm.s32 $0xA880;
	s29 =	simm.s32 $0x1  }
0x5: {  	s30 =	simm.s32 $0x3;
	s31 =	simm.s32 $0xA900;
	s12 =	smul.u32 $0x13800, s14  }
0x6: {  	s7 =	sand.u32 $0x1, s4;
	[smem:$0x7FF] =	sst s3;
	s19 =	smul.u32 $0x4E000, s14  }
0x7: {  	s5 =	sadd.s32 $0x17000, s0;
	s13 =	smul.u32 $0x2780, s14;
	p0 =	sne.s32 s14, $0xF  }
0x8: {  	s4 =	sshll.u32 s7, $0x4;
	_ =	strace $0x80000050;
	s11 =	smul.u32 $0x138800, s7  }
0x9: {  	s9 =	ssub.s32 $0x2, s7;
	s7 =	smul.u32 $0x27800, s7;
	s6 =	sor.u32 s14, s4  }
0xa: {  	s4 =	sadd.s32 $0x20E00, s0;
	s15 =	sshrl.u32 s9, $0x1;
	s8 =	smul.u32 $0x2780, s6  }
0xb: {  	s0 =	sadd.s32 $0x48000, s0;
	s10 =	smul.u32 $0x500, s6;
	s9 =	ssub.s32 s9, s15  }
0xc: {  	s18 =	sadd.s32 s12, s11;
	s11 =	sshrl.u32 s11, $0x3;
	s23 =	sadd.s32 s13, s7  }
0xd: {  	s7 =	simm.s32 $0xA980;
	s11 =	sadd.s32 s0, s11;
	s21 =	smax.u32 s9, $0x1  }
0xe: {  	s26 =	sadd.s32 $0x80, s23;
	s15 =	sadd.s32 $0x100, s23;
	s23 =	simm.s32 $0x2800  }
0xf: {  	s9 =	simm.s32 $0x10;
	s8 =	sshrl.u32 s8, $0x3;
	s2 =	sadd.s32 s2, s10  }
0x10: {  	s10 =	sshrl.u32 s19, $0x2;
	s20 =	sadd.s32 $0x27000, s11;
	[dreg:$0x9] =	wrdreg s21  }
0x11: {  	s11 =	simm.s32 $0x0;
	s6 =	sadd.s32 s5, s8;
	[dreg:$0x4] =	wrdreg s2  }
0x12: {  	s8 =	sadd.s32 $0x138000, s1;
	[dreg:$0x8] =	wrdreg s20;
	s16 =	sadd.s32 $0x4D0, s6  }
0x13: {  	s2 =	sshrl.u32 s18, $0x3;
	s17 =	sadd.s32 $0x4E0, s6;
	[dreg:$0x5] =	wrdreg s16  }
0x14: {  	s12 =	sadd.s32 s10, s1;
	s0 =	sadd.s32 s0, s2;
	[dreg:$0x6] =	wrdreg s17  }
0x15: {  	s10 =	simm.s32 $0x1E380;
	s22 =	sadd.s32 $0x3400, s12;
	[dreg:$0x7] =	wrdreg s0  }
0x16: {  	s24 =	sadd.s32 $0x6800, s12;
	s25 =	sadd.s32 $0x9C00, s12;
	[dreg:$0xa] =	wrdreg s22  }
0x17: {  	s18 =	sadd.s32 $0xD000, s12;
	s19 =	sadd.s32 $0x10400, s12;
	[dreg:$0xb] =	wrdreg s24  }
0x18: {  	s2 =	sshrl.u32 s26, $0x3;
	s26 =	simm.s32 $0x6800;
	[dreg:$0xc] =	wrdreg s25  }
0x19: {  	s21 =	sadd.s32 s2, s5;
	s22 =	simm.s32 $0x5;
	s24 =	simm.s32 $0x80  }
0x1a: {  	v0 =	vimm.f32 $0.0e+00;
	s25 =	simm.s32 $0xA800;
	s0 =	simm.s32 $0x2;
	s2 =	simm.s32 $0x4  }
.LBB2_1:
0x1b: {  	s13 =	rddreg [dreg:$0x4]  }
0x1c: {  	[tilespmem:s3], [sflag:$0x5] =	stream.linear.gather [hbm4b:s13+s3], $0x2780, $0x38;
	[tilespmem:$0x1EB80] =	vst v63  }
0x1d: {  	_ =	swait.ge [sflag:s22], $0x2780  }
0x1e: {  	[sflag:s22] =	ssyncset.done $0x0  }
0x1f: {  	s14 =	simm.s32 $0x3C0;
	s13 =	simm.s32 $0x70;
	[sflag:s22] =	ssyncadd.s32 $0xFFFFD880  }
.LBB2_2:
0x20: {  	p1 =	sne.s32 s14, $0xCFC0;
	[tilespmem:s13+$0x2800] =	vst v0  }
0x21: {  	[tilespmem:s13+$0x2790] =	vst v0  }
0x22: {  	[tilespmem:s13+$0x27A0] =	vst v0  }
.Ltmp0:
0x23: {  	[tilespmem:s13+$0x27B0] =	vst v0;
	(pc) =	sbr.rel @p1 .LBB2_2-.Ltmp0, $4  }
0x24: {  	[tilespmem:s13+$0x27C0] =	vst v0  }
0x25: {  	[tilespmem:s13+$0x27D0] =	vst v0  }
0x26: {  	[tilespmem:s13+$0x27E0] =	vst v0  }
0x27: {  	[tilespmem:s13+$0x27F0] =	vst v0;
	s13 =	sshra.s32 s14, $0x2;
	s14 =	sadd.s32 $0x200, s14  }
0x28: {  	[tilespmem:s13+$0x2800] =	vst v0  }
0x29: {  	[tilespmem:s13+$0x2790] =	vst v0  }
0x2a: {  	[tilespmem:s13+$0x27A0] =	vst v0  }
0x2b: {  	[tilespmem:s13+$0x27B0] =	vst v0  }
0x2c: {  	[tilespmem:s13+$0x27C0] =	vst v0  }
0x2d: {  	[tilespmem:s13+$0x27D0] =	vst v0  }
0x2e: {  	[tilespmem:s13+$0x27E0] =	vst v0  }
0x2f: {  	[tilespmem:s13+$0x27F0] =	vst v0  }
0x30: {  	[spmem:s12] =	stream.linear.scatter [tilespmem:s23], [sflag:$0x5], $0x3400, $0x38;
	[tilespmem:$0x1EB80] =	vst v63  }
0x31: {  	_ =	swait.ge [sflag:s22], $0x3400  }
0x32: {  	[sflag:s22] =	ssyncset.done $0x0  }
0x33: {  	s17 =	rddreg [dreg:$0xa];
	[sflag:s22] =	ssyncadd.s32 $0xFFFFCC00  }
0x34: {  	[spmem:s17] =	stream.linear.scatter [tilespmem:s23], [sflag:$0x5], $0x3400, $0x38;
	[tilespmem:$0x1EB80] =	vst v63  }
0x35: {  	_ =	swait.ge [sflag:s22], $0x3400  }
0x36: {  	[sflag:s22] =	ssyncset.done $0x0  }
0x37: {  	s20 =	rddreg [dreg:$0xb];
	[sflag:s22] =	ssyncadd.s32 $0xFFFFCC00  }
0x38: {  	[spmem:s20] =	stream.linear.scatter [tilespmem:s23], [sflag:$0x5], $0x3400, $0x38;
	[tilespmem:$0x1EB80] =	vst v63  }
0x39: {  	_ =	swait.ge [sflag:s22], $0x3400  }
0x3a: {  	[sflag:s22] =	ssyncset.done $0x0  }
0x3b: {  	s14 =	rddreg [dreg:$0xc];
	[sflag:s22] =	ssyncadd.s32 $0xFFFFCC00  }
0x3c: {  	[spmem:s14] =	stream.linear.scatter [tilespmem:s23], [sflag:$0x5], $0x3400, $0x38;
	[tilespmem:$0x1EB80] =	vst v63  }
0x3d: {  	_ =	swait.ge [sflag:s22], $0x3400  }
0x3e: {  	[sflag:s22] =	ssyncset.done $0x0  }
0x3f: {  	[sflag:s22] =	ssyncadd.s32 $0xFFFFCC00  }
0x40: {  	[spmem:s18] =	stream.linear.scatter [tilespmem:s23], [sflag:$0x5], $0x3400, $0x38;
	[tilespmem:$0x1EB80] =	vst v63  }
0x41: {  	_ =	swait.ge [sflag:s22], $0x3400  }
0x42: {  	[sflag:s22] =	ssyncset.done $0x0  }
0x43: {  	[sflag:s22] =	ssyncadd.s32 $0xFFFFCC00  }
0x44: {  	[spmem:s19] =	stream.linear.scatter [tilespmem:s23], [sflag:$0x5], $0x3400, $0x38;
	[tilespmem:$0x1EB80] =	vst v63  }
0x45: {  	_ =	swait.ge [sflag:s22], $0x3400  }
0x46: {  	[sflag:s22] =	ssyncset.done $0x0  }
0x47: {  	s13 =	simm.s32 @!p0 $0x2800;
	[sflag:s22] =	ssyncadd.s32 $0xFFFFCC00  }
0x48: {  	[spmem:s8] =	stream.linear.scatter @!p0 [tilespmem:s13], [sflag:$0x5], $0x800, $0x38;
	[tilespmem:$0x1EB80] =	vst v63  }
0x49: {  	s13 =	simm.s32 @!p0 $0x5  }
0x4a: {  	_ =	swait.ge @!p0 [sflag:s13], $0x800  }
0x4b: {  	[sflag:s13] =	ssyncset.done @!p0 $0x0  }
0x4c: {  	[sflag:s13] =	ssyncadd.s32 @!p0 $0xFFFFF800  }
0x4d: {  	s16 =	simm.s32 $0x0;
	[bflag:$0x0] =	sbarrier.arrive $0xFFFF  }
0x4e: {  	[tilespmem:s23], [sflag:$0x1] =	stream.indirect.gather [hbm4b:s4+s24], $0x80, s16, s24, $0xb8;
	[tilespmem:$0x1EB80] =	vst v63  }
0x4f: {  	_ = 	snop  }
0x50: {  	[tilespmem:s25], [sflag:$0x3] =	stream.linear.gather [hbm4b:s6+s16], $0x80, $0x38;
	[tilespmem:$0x1EB80] =	vst v63  }
0x51: {  	s17 =	simm.s32 $0x80  }
0x52: {  	[tilespmem:s26], [sflag:$0x2] =	stream.indirect.gather [hbm4b:s4+s24], $0x80, s17, s24, $0xb8;
	[tilespmem:$0x1EB80] =	vst v63  }
0x53: {  	s20 =	sadd.s32 $0x0, s21  }
0x54: {  	[tilespmem:s28], [sflag:$0x4] =	stream.linear.gather [hbm4b:s20+s3], $0x80, $0x38;
	[tilespmem:$0x1EB80] =	vst v63  }
0x55: {  	_ =	swait.ge [sflag:s29], $0x4000  }
0x56: {  	[sflag:s29] =	ssyncset.done $0x0  }
0x57: {  	[sflag:s29] =	ssyncadd.s32 $0xFFFFC000  }
0x58: {  	_ =	swait.ge [sflag:s30], $0x80  }
0x59: {  	[sflag:s30] =	ssyncset.done $0x0  }
0x5a: {  	[sflag:s30] =	ssyncadd.s32 $0xFFFFFF80  }
0x5b: {  	v1 =	vld [tilespmem:$0xA870]  }
0x5c: {  	v2 =	vld [tilespmem:$0xA850]  }
0x5d: {  	v3 =	vld [tilespmem:$0xA860]  }
0x5e: {  	v4 =	vld [tilespmem:$0xA830]  }
0x5f: {  	v5 =	vld [tilespmem:$0xA840]  }
0x60: {  	v6 =	vld [tilespmem:$0xA800];
	[tilespmem:$0xA970] =	vst v1  }
0x61: {  	v1 =	vld [tilespmem:$0xA820];
	[tilespmem:$0xA950] =	vst v2  }
0x62: {  	v2 =	vld [tilespmem:$0xA810];
	[tilespmem:$0xA960] =	vst v3  }
0x63: {  	[tilespmem:$0xA930] =	vst v4  }
0x64: {  	[tilespmem:$0xA940] =	vst v5  }
0x65: {  	[tilespmem:$0xA900] =	vst v6  }
0x66: {  	[tilespmem:$0xA920] =	vst v1  }
0x67: {  	[tilespmem:$0xA910] =	vst v2  }
0x68: {  	[spmem:s1] =	stream.indirect.scatter.add.f32 [tilespmem:s23], [sflag:$0x5], $0x80, s31, s24, $0xb8;
	[tilespmem:$0x1EB80] =	vst v63  }
0x69: {  	_ =	swait.ge [sflag:s22], $0x4000  }
0x6a: {  	[sflag:s22] =	ssyncset.done $0x0  }
0x6b: {  	s14 =	sshrl.u32 s15, $0x3;
	s13 =	simm.s32 $0x100;
	[sflag:s22] =	ssyncadd.s32 $0xFFFFC000  }
0x6c: {  	[tilespmem:s23], [sflag:$0x1] =	stream.indirect.gather [hbm4b:s4+s24], $0x80, s13, s24, $0xb8;
	[tilespmem:$0x1EB80] =	vst v63  }
0x6d: {  	s14 =	sadd.s32 s5, s14  }
0x6e: {  	[tilespmem:s25], [sflag:$0x3] =	stream.linear.gather [hbm4b:s14+s3], $0x80, $0x38;
	[tilespmem:$0x1EB80] =	vst v63  }
0x6f: {  	_ =	swait.ge [sflag:s0], $0x4000  }
0x70: {  	[sflag:s0] =	ssyncset.done $0x0  }
0x71: {  	[sflag:s0] =	ssyncadd.s32 $0xFFFFC000  }
0x72: {  	_ =	swait.ge [sflag:s2], $0x80  }
0x73: {  	[sflag:s2] =	ssyncset.done $0x0  }
0x74: {  	[sflag:s2] =	ssyncadd.s32 $0xFFFFFF80  }
0x75: {  	v2 =	vld [tilespmem:$0xA880]  }
0x76: {  	s20 =	smov.u32 s15;
	s14 =	simm.s32 $0x20;
	v1 =	vld [tilespmem:$0xA8D0]  }
.LBB2_4:
0x77: {  	p1 =	sne.s32 s14, $0x4A0;
	v3 =	vld [tilespmem:$0xA8F0];
	s20 =	sadd.s32 $0x100, s20;
	s13 =	sadd.s32 $0x100, s13  }
0x78: {  	s16 =	smov.u32 s14;
	s14 =	sadd.s32 $0x20, s14;
	v4 =	vld [tilespmem:$0xA8E0]  }
0x79: {  	v5 =	vld [tilespmem:$0xA8A0]  }
0x7a: {  	[tilespmem:$0xA980] =	vst v2;
	v2 =	vld [tilespmem:$0xA8B0]  }
0x7b: {  	v6 =	vld [tilespmem:$0xA890];
	[tilespmem:$0xA9D0] =	vst v1  }
0x7c: {  	v1 =	vld [tilespmem:$0xA8C0];
	[tilespmem:$0xA9F0] =	vst v3  }
0x7d: {  	[tilespmem:$0xA9E0] =	vst v4  }
0x7e: {  	[tilespmem:$0xA9A0] =	vst v5  }
0x7f: {  	[tilespmem:$0xA9B0] =	vst v2  }
0x80: {  	[tilespmem:$0xA990] =	vst v6  }
0x81: {  	[tilespmem:$0xA9C0] =	vst v1  }
0x82: {  	[spmem:s1] =	stream.indirect.scatter.add.f32 [tilespmem:s26], [sflag:$0x5], $0x80, s7, s24, $0xb8;
	[tilespmem:$0x1EB80] =	vst v63  }
0x83: {  	_ =	swait.ge [sflag:s22], $0x4000  }
0x84: {  	[sflag:s22] =	ssyncset.done $0x0  }
0x85: {  	s17 =	sadd.s32 $0xFFFFFF80, s13;
	[sflag:s22] =	ssyncadd.s32 $0xFFFFC000  }
0x86: {  	[tilespmem:s26], [sflag:$0x2] =	stream.indirect.gather [hbm4b:s4+s24], $0x80, s17, s24, $0xb8;
	[tilespmem:$0x1EB80] =	vst v63  }
0x87: {  	s16 =	sadd.s32 s16, s21  }
0x88: {  	[tilespmem:s28], [sflag:$0x4] =	stream.linear.gather [hbm4b:s16+s3], $0x80, $0x38;
	[tilespmem:$0x1EB80] =	vst v63  }
0x89: {  	_ =	swait.ge [sflag:s29], $0x4000  }
0x8a: {  	[sflag:s29] =	ssyncset.done $0x0  }
0x8b: {  	[sflag:s29] =	ssyncadd.s32 $0xFFFFC000  }
0x8c: {  	_ =	swait.ge [sflag:s30], $0x80  }
0x8d: {  	[sflag:s30] =	ssyncset.done $0x0  }
0x8e: {  	[sflag:s30] =	ssyncadd.s32 $0xFFFFFF80  }
0x8f: {  	v1 =	vld [tilespmem:$0xA870]  }
0x90: {  	v2 =	vld [tilespmem:$0xA850]  }
0x91: {  	v3 =	vld [tilespmem:$0xA860]  }
0x92: {  	v4 =	vld [tilespmem:$0xA830]  }
0x93: {  	v5 =	vld [tilespmem:$0xA840]  }
0x94: {  	v6 =	vld [tilespmem:$0xA800];
	[tilespmem:$0xA970] =	vst v1  }
0x95: {  	v1 =	vld [tilespmem:$0xA820];
	[tilespmem:$0xA950] =	vst v2  }
0x96: {  	v2 =	vld [tilespmem:$0xA810];
	[tilespmem:$0xA960] =	vst v3  }
0x97: {  	[tilespmem:$0xA930] =	vst v4  }
0x98: {  	[tilespmem:$0xA940] =	vst v5  }
0x99: {  	[tilespmem:$0xA900] =	vst v6  }
0x9a: {  	[tilespmem:$0xA920] =	vst v1  }
0x9b: {  	[tilespmem:$0xA910] =	vst v2  }
0x9c: {  	[spmem:s1] =	stream.indirect.scatter.add.f32 [tilespmem:s23], [sflag:$0x5], $0x80, s31, s24, $0xb8;
	[tilespmem:$0x1EB80] =	vst v63  }
0x9d: {  	_ =	swait.ge [sflag:s22], $0x4000  }
0x9e: {  	[sflag:s22] =	ssyncset.done $0x0  }
0x9f: {  	s16 =	sshrl.u32 s20, $0x3;
	[sflag:s22] =	ssyncadd.s32 $0xFFFFC000  }
0xa0: {  	[tilespmem:s23], [sflag:$0x1] =	stream.indirect.gather [hbm4b:s4+s24], $0x80, s13, s24, $0xb8;
	[tilespmem:$0x1EB80] =	vst v63  }
0xa1: {  	s16 =	sadd.s32 s5, s16  }
0xa2: {  	[tilespmem:s25], [sflag:$0x3] =	stream.linear.gather [hbm4b:s16+s3], $0x80, $0x38;
	[tilespmem:$0x1EB80] =	vst v63  }
0xa3: {  	_ =	swait.ge [sflag:s0], $0x4000  }
0xa4: {  	[sflag:s0] =	ssyncset.done $0x0  }
0xa5: {  	[sflag:s0] =	ssyncadd.s32 $0xFFFFC000  }
.Ltmp1:
0xa6: {  	_ =	swait.ge [sflag:s2], $0x80;
	(pc) =	sbr.rel @p1 .LBB2_4-.Ltmp1, $4  }
0xa7: {  	[sflag:s2] =	ssyncset.done $0x0  }
0xa8: {  	[sflag:s2] =	ssyncadd.s32 $0xFFFFFF80  }
0xa9: {  	v2 =	vld [tilespmem:$0xA880]  }
0xaa: {  	v1 =	vld [tilespmem:$0xA8D0]  }
0xab: {  	v3 =	vld [tilespmem:$0xA8F0]  }
0xac: {  	v4 =	vld [tilespmem:$0xA8E0]  }
0xad: {  	v5 =	vld [tilespmem:$0xA8A0]  }
0xae: {  	v6 =	vld [tilespmem:$0xA890];
	[tilespmem:$0xA980] =	vst v2  }
0xaf: {  	v2 =	vld [tilespmem:$0xA8B0];
	[tilespmem:$0xA9D0] =	vst v1  }
0xb0: {  	v1 =	vld [tilespmem:$0xA8C0];
	[tilespmem:$0xA9F0] =	vst v3  }
0xb1: {  	[tilespmem:$0xA9E0] =	vst v4  }
0xb2: {  	[tilespmem:$0xA9A0] =	vst v5  }
0xb3: {  	[tilespmem:$0xA990] =	vst v6  }
0xb4: {  	[tilespmem:$0xA9B0] =	vst v2  }
0xb5: {  	[tilespmem:$0xA9C0] =	vst v1  }
0xb6: {  	[spmem:s1] =	stream.indirect.scatter.add.f32 [tilespmem:s26], [sflag:$0x5], $0x80, s7, s24, $0xb8;
	[tilespmem:$0x1EB80] =	vst v63  }
0xb7: {  	_ =	swait.ge [sflag:s22], $0x4000  }
0xb8: {  	[sflag:s22] =	ssyncset.done $0x0  }
0xb9: {  	s13 =	simm.s32 $0x2680;
	[sflag:s22] =	ssyncadd.s32 $0xFFFFC000  }
0xba: {  	[tilespmem:s26], [sflag:$0x2] =	stream.indirect.gather [hbm4b:s4+s24], $0x80, s13, s24, $0xb8;
	[tilespmem:$0x1EB80] =	vst v63  }
0xbb: {  	s17 =	rddreg [dreg:$0x5]  }
0xbc: {  	[tilespmem:s28], [sflag:$0x4] =	stream.linear.gather [hbm4b:s17+s3], $0x80, $0x38;
	[tilespmem:$0x1EB80] =	vst v63  }
0xbd: {  	_ =	swait.ge [sflag:s29], $0x4000  }
0xbe: {  	[sflag:s29] =	ssyncset.done $0x0  }
0xbf: {  	[sflag:s29] =	ssyncadd.s32 $0xFFFFC000  }
0xc0: {  	_ =	swait.ge [sflag:s30], $0x80  }
0xc1: {  	[sflag:s30] =	ssyncset.done $0x0  }
0xc2: {  	[sflag:s30] =	ssyncadd.s32 $0xFFFFFF80  }
0xc3: {  	v1 =	vld [tilespmem:$0xA800]  }
0xc4: {  	v2 =	vld [tilespmem:$0xA810]  }
0xc5: {  	v3 =	vld [tilespmem:$0xA820]  }
0xc6: {  	v60 =	vld [tilespmem:$0xA830]  }
0xc7: {  	v61 =	vld [tilespmem:$0xA840]  }
0xc8: {  	[tilespmem:$0xA900] =	vst v1;
	v1 =	vld [tilespmem:$0xA850]  }
0xc9: {  	[tilespmem:$0xA910] =	vst v2;
	v2 =	vld [tilespmem:$0xA860]  }
0xca: {  	[tilespmem:$0xA920] =	vst v3;
	v3 =	vld [tilespmem:$0xA870]  }
0xcb: {  	[tilespmem:$0xA930] =	vst v60  }
0xcc: {  	[tilespmem:$0xA940] =	vst v61  }
0xcd: {  	[tilespmem:$0xA950] =	vst v1  }
0xce: {  	[tilespmem:$0xA960] =	vst v2  }
0xcf: {  	[tilespmem:$0xA970] =	vst v3  }
0xd0: {  	[spmem:s1] =	stream.indirect.scatter.add.f32 [tilespmem:s23], [sflag:$0x5], $0x80, s31, s24, $0xb8;
	[tilespmem:$0x1EB80] =	vst v63  }
0xd1: {  	_ =	swait.ge [sflag:s22], $0x4000  }
0xd2: {  	[sflag:s22] =	ssyncset.done $0x0  }
0xd3: {  	[sflag:s22] =	ssyncadd.s32 $0xFFFFC000  }
0xd4: {  	_ =	swait.ge [sflag:s0], $0x4000  }
0xd5: {  	[sflag:s0] =	ssyncset.done $0x0  }
0xd6: {  	[sflag:s0] =	ssyncadd.s32 $0xFFFFC000  }
0xd7: {  	_ =	swait.ge [sflag:s2], $0x80  }
0xd8: {  	[sflag:s2] =	ssyncset.done $0x0  }
0xd9: {  	[sflag:s2] =	ssyncadd.s32 $0xFFFFFF80  }
0xda: {  	v1 =	vld [tilespmem:$0xA880]  }
0xdb: {  	v2 =	vld [tilespmem:$0xA890]  }
0xdc: {  	v3 =	vld [tilespmem:$0xA8A0]  }
0xdd: {  	v62 =	vld [tilespmem:$0xA8B0]  }
0xde: {  	v63 =	vld [tilespmem:$0xA8C0]  }
0xdf: {  	[tilespmem:$0xA980] =	vst v1;
	v1 =	vld [tilespmem:$0xA8D0]  }
0xe0: {  	[tilespmem:$0xA990] =	vst v2;
	v2 =	vld [tilespmem:$0xA8E0]  }
0xe1: {  	[tilespmem:$0xA9A0] =	vst v3;
	v3 =	vld [tilespmem:$0xA8F0]  }
0xe2: {  	[tilespmem:$0xA9B0] =	vst v62  }
0xe3: {  	[tilespmem:$0xA9C0] =	vst v63  }
0xe4: {  	[tilespmem:$0xA9D0] =	vst v1  }
0xe5: {  	[tilespmem:$0xA9E0] =	vst v2  }
0xe6: {  	[tilespmem:$0xA9F0] =	vst v3  }
0xe7: {  	[spmem:s1] =	stream.indirect.scatter.add.f32 [tilespmem:s26], [sflag:$0x5], $0x80, s7, s24, $0xb8;
	[tilespmem:$0x1EB80] =	vst v63  }
0xe8: {  	_ =	swait.ge [sflag:s22], $0x4000  }
0xe9: {  	[sflag:s22] =	ssyncset.done $0x0  }
0xea: {  	s20 =	rddreg [dreg:$0x6];
	[sflag:s22] =	ssyncadd.s32 $0xFFFFC000  }
0xeb: {  	[tilespmem:s25], [sflag:$0x5] =	stream.linear.gather [hbm4b:s20+s3], $0x80, $0x38;
	[tilespmem:$0x1EB80] =	vst v63  }
0xec: {  	_ =	swait.ge [sflag:s22], $0x80  }
0xed: {  	[sflag:s22] =	ssyncset.done $0x0  }
0xee: {  	[sflag:s22] =	ssyncadd.s32 $0xFFFFFF80  }
0xef: {  	v1 =	vld [tilespmem:$0x2700]  }
0xf0: {  	v2 =	vld [tilespmem:$0xA800];
	_ =	sdelay $0x3  }
0xf1: {  	[tilespmem:$0x1E280] =	vst v1  }
0xf2: {  	s14 =	simm.s32 $0x1E280;
	[tilespmem:$0x1E300] =	vst v2  }
0xf3: {  	[tilespmem:s10], [sflag:$0x1] =	stream.indirect.gather [hbm4b:s4+s9], $0x80, s14, s9, $0xb8;
	[tilespmem:$0x1EB80] =	vst v63  }
0xf4: {  	_ =	swait.ge [sflag:s29], $0x800  }
0xf5: {  	[sflag:s29] =	ssyncset.done $0x0  }
0xf6: {  	s16 =	simm.s32 $0x1E300;
	[sflag:s29] =	ssyncadd.s32 $0xFFFFF800  }
0xf7: {  	[spmem:s1] =	stream.indirect.scatter.add.f32 [tilespmem:s10], [sflag:$0x5], $0x80, s16, s9, $0xb8;
	[tilespmem:$0x1EB80] =	vst v63  }
0xf8: {  	_ =	swait.ge [sflag:s22], $0x800  }
0xf9: {  	[sflag:s22] =	ssyncset.done $0x0  }
0xfa: {  	s17 =	stileid.u32;
	[sflag:s22] =	ssyncadd.s32 $0xFFFFF800  }
0xfb: {  	s13 =	sshll.u32 s17, $0x6;
	[bflag:$0x0] =	sbarrier.arrive $0xFFFF  }
0xfc: {  	s13 =	sor.u32 $0x1C05, s13;
	s14 =	sshrl.u32 s12, $0x3;
	s16 =	rddreg [dreg:$0x7]  }
0xfd: {  	[hbm:s16], [sflag:s13] =	dma.local [spmem:s14], $0x2700  }
0xfe: {  	_ =	swait.ge [sflag:s22], $0x2700  }
0xff: {  	[sflag:s22] =	ssyncset.done $0x0  }
0x100: {  	s14 =	sshrl.u32 @!p0 s8, $0x3;
	s16 =	rddreg [dreg:$0x8];
	[sflag:s22] =	ssyncadd.s32 $0xFFFFD900  }
0x101: {  	[hbm:s16], [sflag:s13] =	dma.local @!p0 [spmem:s14], $0x100  }
0x102: {  	s13 =	simm.s32 @!p0 $0x5  }
0x103: {  	_ =	swait.ge @!p0 [sflag:s13], $0x100  }
0x104: {  	s11 =	sadd.s32 $0x1, s11;
	s20 =	rddreg [dreg:$0x9]  }
0x105: {  	p1 =	sne.s32 s11, s20  }
.Ltmp2:
0x106: {  	_ = 	snop;
	(pc) =	sbr.rel @p1 .LBB2_1-.Ltmp2, $3  }
0x107: {  	_ =	sdelay $0x1  }
0x108: {  	[sflag:s13] =	ssyncset.done @!p0 $0x0  }
0x109: {  	[sflag:s13] =	ssyncadd.s32 @!p0 $0xFFFFFF00  }
0x10a: {  	_ =	sfence.sel $0x180000  }
0x10b: {  	[bflag:$0x0] =	sbarrier.arrive $0xFFFF  }
0x10c: {  	_ =	strace $0x90000050  }
0x10d: {  	s0 =	stileid.u32;
	[bflag:$0x2] =	sbarrier.arrive $0xFFFF  }
0x10e: {  	p0 =	sne.s32 s0, $0x0;
	s0 =	rddreg [dreg:$0x3]  }
0x10f: {  	s0 =	sadd.s32 @!p0 $0x100000, s0  }
0x110: {  	[sflag:s0] =	ssyncadd.tile.s32 @!p0 $0x1;
	_ =	shalt  }
.Lfunc_end2:
_tile_overlayer_lowered:
.L_overlay_start_2:
0x111: {  	(tag) =	ssettag $0x2  }
0x112: {  	s0 =	rddreg [dreg:$0x0];
	s2 =	stileid.u32  }
0x113: {  	s1 =	rddreg [dreg:$0x1];
	p0 =	sne.s32 s2, $0x0  }
0x114: {  	s3 =	rddreg [dreg:$0x2];
	[bflag:$0x3] =	sbarrier.arrive $0xFFFF;
	s2 =	simm.s32 @!p0 $0x1C05  }
0x115: {  	[timem:s3], [sflag:s2] =	dma.local @!p0 [hbm:s0], s1  }
0x116: {  	s0 =	simm.s32 @!p0 $0x5  }
0x117: {  	_ =	swait.ge @!p0 [sflag:s0], s1  }
0x118: {  	s1 =	ssub.s32 @!p0 $0x0, s1;
	[sflag:s0] =	ssyncset.done @!p0 $0x0  }
0x119: {  	[sflag:s0] =	ssyncadd.s32 @!p0 s1  }
0x11a: {  	[bflag:$0x3] =	sbarrier.arrive $0xFFFF  }
0x11b: {  	_ =	shalt  }

</sc_bundles>
